<compile_context>
chip_gen: v7x
topology: tpu7x:2x2x1
jax: 0.10.2.dev20260603
libtpu: 0.0.44.dev20260713+nightly
codegen_flags: <defaults>
</compile_context>

<pallas_src>
import functools

import jax
import jax.numpy as jnp
from jax import lax
from jax.experimental import pallas as pl
from jax.experimental.pallas import tpu as pltpu
from jax.experimental.pallas import tpu_sc as plsc

_info = plsc.get_sparse_core_info()
_NC, _NS = _info.num_cores, _info.num_subcores
_NW = _NC * _NS

_L = 16
_SUB = 4


def _fire(Wt_hbm, v, lane0, buf, sem):
    for j in range(_SUB):
        n = v[lane0 + j]
        o = pl.multiple_of((n >> 7) << 7, 128)
        pltpu.async_copy(
            Wt_hbm.at[:, pl.ds(o, 128)], buf.at[:, pl.ds(j * 128, 128)], sem
        )


def _drain(Wt_hbm, buf, sem):
    for j in range(_SUB):
        pltpu.make_async_copy(
            Wt_hbm.at[:, pl.ds(0, 128)], buf.at[:, pl.ds(j * 128, 128)], sem
        ).wait()


def _process(v, lane0, out_col0, buf, T):
    rows = lax.iota(jnp.int32, _L)
    for j in range(_SUB):
        r = v[lane0 + j] & 127
        col = jnp.full((_L,), j * 128, jnp.int32) + r
        out_col = jnp.full((_L,), out_col0 + j, jnp.int32)
        for t in range(4):
            vals = plsc.load_gather(buf, [rows + t * _L, col])
            plsc.store_scatter(T, [rows + t * _L, out_col], vals)


@functools.partial(jax.jit, static_argnames=("b_sc", "dim"))
def _gather(node_id, Wt, *, b_sc, dim):
    chunks_total = b_sc // 128
    base_chunks = chunks_total // _NW
    k_extra = chunks_total - base_chunks * _NW
    max_chunks = base_chunks + (1 if k_extra else 0)
    max_b = max_chunks * 128
    mesh = plsc.VectorSubcoreMesh(core_axis_name="c", subcore_axis_name="s")

    @functools.partial(
        pl.kernel,
        out_type=jax.ShapeDtypeStruct((dim, b_sc), jnp.float32),
        mesh=mesh,
        scratch_types=[
            pltpu.VMEM((max_b + _L,), jnp.int32),
            pltpu.VMEM((dim, _SUB * 128), jnp.float32),
            pltpu.VMEM((dim, _SUB * 128), jnp.float32),
            pltpu.VMEM((dim, max_b), jnp.float32),
            pltpu.SemaphoreType.DMA,
            pltpu.SemaphoreType.DMA,
        ],
        compiler_params=pltpu.CompilerParams(
            disable_bounds_checks=True, needs_layout_passes=False
        ),
    )
    def k(idx_hbm, Wt_hbm, out_hbm, idx_v, buf0, buf1, T, semA, semB):
        wid = lax.axis_index("s") * _NC + lax.axis_index("c")
        my_chunks = jnp.where(wid < k_extra, base_chunks + 1, base_chunks)
        n_blocks = my_chunks * (128 // _L)
        base = 128 * (base_chunks * wid + jnp.minimum(wid, k_extra))
        pltpu.sync_copy(
            idx_hbm.at[pl.ds(base, max_b)], idx_v.at[pl.ds(0, max_b)]
        )
        idx_v[pl.ds(max_b, _L)] = jnp.zeros((_L,), jnp.int32)

        v0 = idx_v[pl.ds(0, _L)]
        _fire(Wt_hbm, v0, 0, buf0, semA)

        def body(blk, v):
            c0 = blk * _L
            _fire(Wt_hbm, v, _SUB, buf1, semB)
            _drain(Wt_hbm, buf0, semA)
            _process(v, 0, c0, buf0, T)

            _fire(Wt_hbm, v, 2 * _SUB, buf0, semA)
            _drain(Wt_hbm, buf1, semB)
            _process(v, _SUB, c0 + _SUB, buf1, T)

            _fire(Wt_hbm, v, 3 * _SUB, buf1, semB)
            _drain(Wt_hbm, buf0, semA)
            _process(v, 2 * _SUB, c0 + 2 * _SUB, buf0, T)

            v_next = idx_v[pl.ds((blk + 1) * _L, _L)]

            @pl.when(blk + 1 < n_blocks)
            def _():
                _fire(Wt_hbm, v_next, 0, buf0, semA)

            _drain(Wt_hbm, buf1, semB)
            _process(v, 3 * _SUB, c0 + 3 * _SUB, buf1, T)
            return v_next

        lax.fori_loop(0, n_blocks, body, v0, unroll=False)
        for c in range(max_chunks):
            @pl.when(c < my_chunks)
            def _():
                col = pl.multiple_of(base + c * 128, 128)
                pltpu.sync_copy(
                    T.at[:, pl.ds(c * 128, 128)],
                    out_hbm.at[:, pl.ds(col, 128)],
                )

    return k(node_id, Wt)


_GRP = 64


def _tc_body(idx_sref, idx3_ref, Wt_ref, out_ref, bufs, sems):
    grid = pl.num_programs(0)
    g = pl.program_id(0)
    slot = lax.rem(g, 2)
    nslot = lax.rem(g + 1, 2)

    def fire(step, s):
        for j in range(_GRP):
            n = idx_sref[step * _GRP + j]
            o = pl.multiple_of((n >> 7) << 7, 128)
            pltpu.make_async_copy(
                Wt_ref.at[:, pl.ds(o, 128)], bufs.at[s, j], sems.at[s, j % 4]
            ).start()

    @pl.when(g == 0)
    def _():
        fire(0, 0)

    @pl.when(g + 1 < grid)
    def _():
        fire(g + 1, nslot)

    for j in range(_GRP):
        pltpu.make_async_copy(
            Wt_ref.at[:, pl.ds(0, 128)], bufs.at[slot, j], sems.at[slot, j % 4]
        ).wait()

    dim = out_ref.shape[2]
    r = idx3_ref[0, 0, :] & 127
    sub = 16
    eye = (
        lax.broadcasted_iota(jnp.int32, (sub, 1, sub), 0)
        == lax.broadcasted_iota(jnp.int32, (sub, 1, sub), 2)
    ).astype(jnp.float32)
    for s in range(_GRP // sub):
        r_s = r[s * sub : (s + 1) * sub]
        Et = (
            lax.broadcasted_iota(jnp.int32, (128, sub), 0) == r_s[None, :]
        ).astype(jnp.float32)
        big = bufs[slot, pl.ds(s * sub, sub)].reshape(sub * dim, 128)
        C = lax.dot_general(
            big, Et, (((1,), (0,)), ((), ())), preferred_element_type=jnp.float32
        )
        D = C.reshape(sub, dim, sub)
        out_ref[0, pl.ds(s * sub, sub)] = jnp.sum(D * eye, axis=2)


@functools.partial(jax.jit, static_argnames=("batch", "dim"))
def _tc_gather(idx, Wt, *, batch, dim):
    grid = batch // _GRP
    idx3 = idx.reshape(grid, 1, _GRP)
    grid_spec = pltpu.PrefetchScalarGridSpec(
        num_scalar_prefetch=1,
        grid=(grid,),
        in_specs=[
            pl.BlockSpec((1, 1, _GRP), lambda g, sref: (g, 0, 0)),
            pl.BlockSpec(memory_space=pltpu.HBM),
        ],
        out_specs=pl.BlockSpec((1, _GRP, dim), lambda g, sref: (g, 0, 0)),
        scratch_shapes=[
            pltpu.VMEM((2, _GRP, dim, 128), jnp.float32),
            pltpu.SemaphoreType.DMA((2, 4)),
        ],
    )
    out = pl.pallas_call(
        _tc_body,
        grid_spec=grid_spec,
        out_shape=jax.ShapeDtypeStruct((grid, _GRP, dim), jnp.float32),
        compiler_params=pltpu.CompilerParams(disable_bounds_checks=True),
    )(idx, idx3, Wt)
    return out.reshape(batch, dim)


_B_SC = 9984


def kernel(g, node_id_copy, W):
    batch = node_id_copy.shape[0]
    dim = W.shape[1]
    b_sc = min(_B_SC // 128 * 128, batch - batch % 128)
    if (batch - b_sc) % _GRP or batch - b_sc < _GRP or b_sc > batch - 384:
        b_sc = batch // 2 // (128 * _NW) * (128 * _NW)
    Wt = W.T
    out_sc_t = _gather(node_id_copy, Wt, b_sc=b_sc, dim=dim)
    out_tc = _tc_gather(node_id_copy[b_sc:], Wt, batch=batch - b_sc, dim=dim)
    return jnp.concatenate([out_sc_t.T, out_tc], axis=0)

# --- scband reference (transcript-rebuilt; emitter-appended) ---
"""Pipeline reference for scband-identity-emb-48189533061654 (READ-ONLY COPY).

The authoritative reference and input builder live on the scoring server;
editing this copy changes nothing except your own understanding.
"""

import jax, jax.numpy as jnp
import numpy as np

NUM_NODES = 1000000
DIM = 64
BATCH = 16384


def setup_inputs(seed: int = 0) -> dict:
    key = jax.random.key(seed)
    k1, k2 = jax.random.split(key)
    # xavier_uniform init of the embedding table, matching init.xavier_uniform_
    limit = float(np.sqrt(6.0 / (NUM_NODES + DIM)))
    W = jax.random.uniform(k1, (NUM_NODES, DIM), minval=-limit, maxval=limit, dtype=jnp.float32)
    # padding_idx=0 zeros out row 0 (nn.Embedding semantics)
    W = W.at[0].set(0.0)
    node_id_copy = jax.random.randint(k2, (BATCH,), 0, NUM_NODES, dtype=jnp.int32)
    g = jnp.zeros((1,), dtype=jnp.int32)  # graph arg is unused in forward
    return {"g": g, "node_id_copy": node_id_copy, "W": W}


def reference(g, node_id_copy, W):
    # h = self.entity_embedding.weight[node_id_copy]
    h = jnp.take(W, node_id_copy, axis=0)
    return h

if __name__ == "__main__":
    import jax
    _d = setup_inputs()
    print(jax.jit(kernel)(*tuple(_d.values())))

</pallas_src>

<mosaic_0001>
#map = affine_map<(d0, d1) -> (0)>
#map1 = affine_map<(d0, d1) -> (0, 0)>
module attributes {stable_mosaic.version = 14 : i64} {
  func.func @k(%arg0: i32, %arg1: i32, %arg2: memref<16384xi32, #tpu.memory_space<hbm>>, %arg3: memref<64x1000000xf32, #tpu.memory_space<hbm>>, %arg4: memref<64x9984xf32, #tpu.memory_space<hbm>>, %arg5: memref<400xi32, #tpu.memory_space<vmem>>, %arg6: memref<64x512xf32, #tpu.memory_space<vmem>>, %arg7: memref<64x512xf32, #tpu.memory_space<vmem>>, %arg8: memref<64x384xf32, #tpu.memory_space<vmem>>, %arg9: memref<!tpu.dma_semaphore, #tpu.memory_space<semaphore_mem>>, %arg10: memref<!tpu.dma_semaphore, #tpu.memory_space<semaphore_mem>>) attributes {dimension_semantics = [#tpu.dimension_semantics<core_parallel>, #tpu.dimension_semantics<subcore_parallel>], iteration_bounds = array<i64: 2, 16>, scalar_prefetch = 0 : i64, scratch_operands = 6 : i64, tpu.core_type = #tpu.core_type<sc_vector_subcore>, window_params = [{transform_indices = #map}, {transform_indices = #map1}, {transform_indices = #map1}]} {
    %mul3A = arith.constant 2 : i32
    %mul3A_0 = arith.muli %arg1, %mul3A : i32
    %add3A = arith.addi %mul3A_0, %arg0 : i32
    %lt3A = arith.constant 14 : i32
    %lt3A_1 = arith.cmpi slt, %add3A, %lt3A : i32
    %jit3A = arith.constant 3 : i32
    %jit3A_2 = arith.constant 2 : i32
    %select_n3A = arith.select %lt3A_1, %jit3A, %jit3A_2 : i32
    %mul3A_3 = arith.constant 8 : i32
    %mul3A_4 = arith.muli %select_n3A, %mul3A_3 : i32
    %mul3A_5 = arith.constant 2 : i32
    %mul3A_6 = arith.muli %mul3A_5, %add3A : i32
    %min3A = arith.constant 14 : i32
    %min3A_7 = arith.minsi %add3A, %min3A : i32
    %add3A_8 = arith.addi %mul3A_6, %min3A_7 : i32
    %mul3A_9 = arith.constant 128 : i32
    %mul3A_10 = arith.muli %mul3A_9, %add3A_8 : i32
    "tpu.region"() ({
      %run_scoped3A = tpu.sem_alloc : memref<!tpu.dma_semaphore, #tpu.memory_space<semaphore_mem>>
      %dma_start3A_98 = arith.constant 0 : i32
      %dma_start3A_99 = tpu.memref_slice %arg5[%dma_start3A_98] : memref<400xi32, #tpu.memory_space<vmem>> -> memref<384xi32, #tpu.memory_space<vmem>>
      %dma_start3A_100 = tpu.memref_slice %arg2[%mul3A_10] : memref<16384xi32, #tpu.memory_space<hbm>> -> memref<384xi32, #tpu.memory_space<hbm>>
      %dma_start3A_101 = arith.constant 0 : i32
      %dma_start3A_102 = tpu.memref_slice %arg5[%dma_start3A_101] : memref<400xi32, #tpu.memory_space<vmem>> -> memref<384xi32, #tpu.memory_space<vmem>>
      %dma_start3A_103 = tpu.memref_slice %arg2[%mul3A_10] : memref<16384xi32, #tpu.memory_space<hbm>> -> memref<384xi32, #tpu.memory_space<hbm>>
      tpu.enqueue_dma source(%dma_start3A_103 : memref<384xi32, #tpu.memory_space<hbm>>) target(%dma_start3A_102 : memref<384xi32, #tpu.memory_space<vmem>>) target_semaphore(%run_scoped3A : memref<!tpu.dma_semaphore, #tpu.memory_space<semaphore_mem>>)
      %dma_wait3A = arith.constant 0 : i32
      %dma_wait3A_104 = tpu.memref_slice %arg5[%dma_wait3A] : memref<400xi32, #tpu.memory_space<vmem>> -> memref<384xi32, #tpu.memory_space<vmem>>
      %dma_wait3A_105 = tpu.memref_slice %arg2[%mul3A_10] : memref<16384xi32, #tpu.memory_space<hbm>> -> memref<384xi32, #tpu.memory_space<hbm>>
      %dma_wait3A_106 = arith.constant 0 : i32
      %dma_wait3A_107 = tpu.memref_slice %arg5[%dma_wait3A_106] : memref<400xi32, #tpu.memory_space<vmem>> -> memref<384xi32, #tpu.memory_space<vmem>>
      %dma_wait3A_108 = tpu.memref_slice %arg2[%mul3A_10] : memref<16384xi32, #tpu.memory_space<hbm>> -> memref<384xi32, #tpu.memory_space<hbm>>
      tpu.wait_dma2 semaphore(%run_scoped3A : memref<!tpu.dma_semaphore, #tpu.memory_space<semaphore_mem>>) src(%dma_wait3A_108 : memref<384xi32, #tpu.memory_space<hbm>>) dst(%dma_wait3A_107 : memref<384xi32, #tpu.memory_space<vmem>>)
      tpu.yield
    }) : () -> ()
    %broadcast_in_dim3A = arith.constant 0 : i32
    %broadcast_in_dim3A_11 = vector.broadcast %broadcast_in_dim3A : i32 to vector<16xi32>
    %swap3A = arith.constant 384 : index
    %swap3A_12 = tpu.vector_load %arg5[%swap3A] {strides = array<i32>} : memref<400xi32, #tpu.memory_space<vmem>>, vector<16xi32>,
    tpu.vector_store %arg5[%swap3A], %broadcast_in_dim3A_11 {strides = array<i32>} : memref<400xi32, #tpu.memory_space<vmem>>, vector<16xi32>,
    %get3A = arith.constant 0 : index
    %get3A_13 = tpu.vector_load %arg5[%get3A] {strides = array<i32>} : memref<400xi32, #tpu.memory_space<vmem>>, vector<16xi32>,
    %slice3A = vector.extract_strided_slice %get3A_13 {offsets = [0], sizes = [1], strides = [1]} : vector<16xi32> to vector<1xi32>
    %squeeze3A = vector.extract %slice3A[0] : i32 from vector<1xi32>
    %shift_right_arithmetic3A = arith.constant 7 : i32
    %shift_right_arithmetic3A_14 = arith.shrsi %squeeze3A, %shift_right_arithmetic3A : i32
    %shift_left3A = arith.constant 7 : i32
    %shift_left3A_15 = arith.shli %shift_right_arithmetic3A_14, %shift_left3A : i32
    %multiple_of3A = tpu.assume_multiple %shift_left3A_15, 128 : i32
    %dma_start3A = arith.constant 0 : i32
    %dma_start3A_16 = arith.constant 0 : i32
    %dma_start3A_17 = tpu.memref_slice %arg6[%dma_start3A, %dma_start3A_16] : memref<64x512xf32, #tpu.memory_space<vmem>> -> memref<64x128xf32, #tpu.memory_space<vmem>>
    %dma_start3A_18 = arith.constant 0 : i32
    %dma_start3A_19 = tpu.memref_slice %arg3[%dma_start3A_18, %multiple_of3A] : memref<64x1000000xf32, #tpu.memory_space<hbm>> -> memref<64x128xf32, #tpu.memory_space<hbm>>
    %dma_start3A_20 = arith.constant 0 : i32
    %dma_start3A_21 = arith.constant 0 : i32
    %dma_start3A_22 = tpu.memref_slice %arg6[%dma_start3A_20, %dma_start3A_21] : memref<64x512xf32, #tpu.memory_space<vmem>> -> memref<64x128xf32, #tpu.memory_space<vmem>>
    %dma_start3A_23 = arith.constant 0 : i32
    %dma_start3A_24 = tpu.memref_slice %arg3[%dma_start3A_23, %multiple_of3A] : memref<64x1000000xf32, #tpu.memory_space<hbm>> -> memref<64x128xf32, #tpu.memory_space<hbm>>
    tpu.enqueue_dma source(%dma_start3A_24 : memref<64x128xf32, #tpu.memory_space<hbm>>) target(%dma_start3A_22 : memref<64x128xf32, #tpu.memory_space<vmem>>) target_semaphore(%arg9 : memref<!tpu.dma_semaphore, #tpu.memory_space<semaphore_mem>>)
    %slice3A_25 = vector.extract_strided_slice %get3A_13 {offsets = [1], sizes = [1], strides = [1]} : vector<16xi32> to vector<1xi32>
    %squeeze3A_26 = vector.extract %slice3A_25[0] : i32 from vector<1xi32>
    %shift_right_arithmetic3A_27 = arith.constant 7 : i32
    %shift_right_arithmetic3A_28 = arith.shrsi %squeeze3A_26, %shift_right_arithmetic3A_27 : i32
    %shift_left3A_29 = arith.constant 7 : i32
    %shift_left3A_30 = arith.shli %shift_right_arithmetic3A_28, %shift_left3A_29 : i32
    %multiple_of3A_31 = tpu.assume_multiple %shift_left3A_30, 128 : i32
    %dma_start3A_32 = arith.constant 0 : i32
    %dma_start3A_33 = arith.constant 128 : i32
    %dma_start3A_34 = tpu.memref_slice %arg6[%dma_start3A_32, %dma_start3A_33] : memref<64x512xf32, #tpu.memory_space<vmem>> -> memref<64x128xf32, #tpu.memory_space<vmem>>
    %dma_start3A_35 = arith.constant 0 : i32
    %dma_start3A_36 = tpu.memref_slice %arg3[%dma_start3A_35, %multiple_of3A_31] : memref<64x1000000xf32, #tpu.memory_space<hbm>> -> memref<64x128xf32, #tpu.memory_space<hbm>>
    %dma_start3A_37 = arith.constant 0 : i32
    %dma_start3A_38 = arith.constant 128 : i32
    %dma_start3A_39 = tpu.memref_slice %arg6[%dma_start3A_37, %dma_start3A_38] : memref<64x512xf32, #tpu.memory_space<vmem>> -> memref<64x128xf32, #tpu.memory_space<vmem>>
    %dma_start3A_40 = arith.constant 0 : i32
    %dma_start3A_41 = tpu.memref_slice %arg3[%dma_start3A_40, %multiple_of3A_31] : memref<64x1000000xf32, #tpu.memory_space<hbm>> -> memref<64x128xf32, #tpu.memory_space<hbm>>
    tpu.enqueue_dma source(%dma_start3A_41 : memref<64x128xf32, #tpu.memory_space<hbm>>) target(%dma_start3A_39 : memref<64x128xf32, #tpu.memory_space<vmem>>) target_semaphore(%arg9 : memref<!tpu.dma_semaphore, #tpu.memory_space<semaphore_mem>>)
    %slice3A_42 = vector.extract_strided_slice %get3A_13 {offsets = [2], sizes = [1], strides = [1]} : vector<16xi32> to vector<1xi32>
    %squeeze3A_43 = vector.extract %slice3A_42[0] : i32 from vector<1xi32>
    %shift_right_arithmetic3A_44 = arith.constant 7 : i32
    %shift_right_arithmetic3A_45 = arith.shrsi %squeeze3A_43, %shift_right_arithmetic3A_44 : i32
    %shift_left3A_46 = arith.constant 7 : i32
    %shift_left3A_47 = arith.shli %shift_right_arithmetic3A_45, %shift_left3A_46 : i32
    %multiple_of3A_48 = tpu.assume_multiple %shift_left3A_47, 128 : i32
    %dma_start3A_49 = arith.constant 0 : i32
    %dma_start3A_50 = arith.constant 256 : i32
    %dma_start3A_51 = tpu.memref_slice %arg6[%dma_start3A_49, %dma_start3A_50] : memref<64x512xf32, #tpu.memory_space<vmem>> -> memref<64x128xf32, #tpu.memory_space<vmem>>
    %dma_start3A_52 = arith.constant 0 : i32
    %dma_start3A_53 = tpu.memref_slice %arg3[%dma_start3A_52, %multiple_of3A_48] : memref<64x1000000xf32, #tpu.memory_space<hbm>> -> memref<64x128xf32, #tpu.memory_space<hbm>>
    %dma_start3A_54 = arith.constant 0 : i32
    %dma_start3A_55 = arith.constant 256 : i32
    %dma_start3A_56 = tpu.memref_slice %arg6[%dma_start3A_54, %dma_start3A_55] : memref<64x512xf32, #tpu.memory_space<vmem>> -> memref<64x128xf32, #tpu.memory_space<vmem>>
    %dma_start3A_57 = arith.constant 0 : i32
    %dma_start3A_58 = tpu.memref_slice %arg3[%dma_start3A_57, %multiple_of3A_48] : memref<64x1000000xf32, #tpu.memory_space<hbm>> -> memref<64x128xf32, #tpu.memory_space<hbm>>
    tpu.enqueue_dma source(%dma_start3A_58 : memref<64x128xf32, #tpu.memory_space<hbm>>) target(%dma_start3A_56 : memref<64x128xf32, #tpu.memory_space<vmem>>) target_semaphore(%arg9 : memref<!tpu.dma_semaphore, #tpu.memory_space<semaphore_mem>>)
    %slice3A_59 = vector.extract_strided_slice %get3A_13 {offsets = [3], sizes = [1], strides = [1]} : vector<16xi32> to vector<1xi32>
    %squeeze3A_60 = vector.extract %slice3A_59[0] : i32 from vector<1xi32>
    %shift_right_arithmetic3A_61 = arith.constant 7 : i32
    %shift_right_arithmetic3A_62 = arith.shrsi %squeeze3A_60, %shift_right_arithmetic3A_61 : i32
    %shift_left3A_63 = arith.constant 7 : i32
    %shift_left3A_64 = arith.shli %shift_right_arithmetic3A_62, %shift_left3A_63 : i32
    %multiple_of3A_65 = tpu.assume_multiple %shift_left3A_64, 128 : i32
    %dma_start3A_66 = arith.constant 0 : i32
    %dma_start3A_67 = arith.constant 384 : i32
    %dma_start3A_68 = tpu.memref_slice %arg6[%dma_start3A_66, %dma_start3A_67] : memref<64x512xf32, #tpu.memory_space<vmem>> -> memref<64x128xf32, #tpu.memory_space<vmem>>
    %dma_start3A_69 = arith.constant 0 : i32
    %dma_start3A_70 = tpu.memref_slice %arg3[%dma_start3A_69, %multiple_of3A_65] : memref<64x1000000xf32, #tpu.memory_space<hbm>> -> memref<64x128xf32, #tpu.memory_space<hbm>>
    %dma_start3A_71 = arith.constant 0 : i32
    %dma_start3A_72 = arith.constant 384 : i32
    %dma_start3A_73 = tpu.memref_slice %arg6[%dma_start3A_71, %dma_start3A_72] : memref<64x512xf32, #tpu.memory_space<vmem>> -> memref<64x128xf32, #tpu.memory_space<vmem>>
    %dma_start3A_74 = arith.constant 0 : i32
    %dma_start3A_75 = tpu.memref_slice %arg3[%dma_start3A_74, %multiple_of3A_65] : memref<64x1000000xf32, #tpu.memory_space<hbm>> -> memref<64x128xf32, #tpu.memory_space<hbm>>
    tpu.enqueue_dma source(%dma_start3A_75 : memref<64x128xf32, #tpu.memory_space<hbm>>) target(%dma_start3A_73 : memref<64x128xf32, #tpu.memory_space<vmem>>) target_semaphore(%arg9 : memref<!tpu.dma_semaphore, #tpu.memory_space<semaphore_mem>>)
    %while3A = arith.constant 0 : i32
    %while3A_76 = arith.subi %mul3A_4, %while3A : i32
    %while3A_77 = arith.addi %while3A, %while3A_76 : i32
    %while3A_78 = arith.constant 1 : i32
    %while3A_79 = arith.divsi %while3A_76, %while3A_78 : i32
    %while3A_80 = arith.muli %while3A_79, %while3A_78 : i32
    %while3A_81 = arith.addi %while3A, %while3A_80 : i32
    %while3A_82 = arith.constant 1 : i32
    %while3A_83 = scf.for %while3A_98 = %while3A to %while3A_81 step %while3A_82 iter_args(%while3A_99 = %get3A_13) -> (vector<16xi32>)  : i32 {
      %mul3A_100 = arith.constant 16 : i32
      %mul3A_101 = arith.muli %while3A_98, %mul3A_100 : i32
      %slice3A_102 = vector.extract_strided_slice %while3A_99 {offsets = [4], sizes = [1], strides = [1]} : vector<16xi32> to vector<1xi32>
      %squeeze3A_103 = vector.extract %slice3A_102[0] : i32 from vector<1xi32>
      %shift_right_arithmetic3A_104 = arith.constant 7 : i32
      %shift_right_arithmetic3A_105 = arith.shrsi %squeeze3A_103, %shift_right_arithmetic3A_104 : i32
      %shift_left3A_106 = arith.constant 7 : i32
      %shift_left3A_107 = arith.shli %shift_right_arithmetic3A_105, %shift_left3A_106 : i32
      %multiple_of3A_108 = tpu.assume_multiple %shift_left3A_107, 128 : i32
      %dma_start3A_109 = arith.constant 0 : i32
      %dma_start3A_110 = arith.constant 0 : i32
      %dma_start3A_111 = tpu.memref_slice %arg7[%dma_start3A_109, %dma_start3A_110] : memref<64x512xf32, #tpu.memory_space<vmem>> -> memref<64x128xf32, #tpu.memory_space<vmem>>
      %dma_start3A_112 = arith.constant 0 : i32
      %dma_start3A_113 = tpu.memref_slice %arg3[%dma_start3A_112, %multiple_of3A_108] : memref<64x1000000xf32, #tpu.memory_space<hbm>> -> memref<64x128xf32, #tpu.memory_space<hbm>>
      %dma_start3A_114 = arith.constant 0 : i32
      %dma_start3A_115 = arith.constant 0 : i32
      %dma_start3A_116 = tpu.memref_slice %arg7[%dma_start3A_114, %dma_start3A_115] : memref<64x512xf32, #tpu.memory_space<vmem>> -> memref<64x128xf32, #tpu.memory_space<vmem>>
      %dma_start3A_117 = arith.constant 0 : i32
      %dma_start3A_118 = tpu.memref_slice %arg3[%dma_start3A_117, %multiple_of3A_108] : memref<64x1000000xf32, #tpu.memory_space<hbm>> -> memref<64x128xf32, #tpu.memory_space<hbm>>
      tpu.enqueue_dma source(%dma_start3A_118 : memref<64x128xf32, #tpu.memory_space<hbm>>) target(%dma_start3A_116 : memref<64x128xf32, #tpu.memory_space<vmem>>) target_semaphore(%arg10 : memref<!tpu.dma_semaphore, #tpu.memory_space<semaphore_mem>>)
      %slice3A_119 = vector.extract_strided_slice %while3A_99 {offsets = [5], sizes = [1], strides = [1]} : vector<16xi32> to vector<1xi32>
      %squeeze3A_120 = vector.extract %slice3A_119[0] : i32 from vector<1xi32>
      %shift_right_arithmetic3A_121 = arith.constant 7 : i32
      %shift_right_arithmetic3A_122 = arith.shrsi %squeeze3A_120, %shift_right_arithmetic3A_121 : i32
      %shift_left3A_123 = arith.constant 7 : i32
      %shift_left3A_124 = arith.shli %shift_right_arithmetic3A_122, %shift_left3A_123 : i32
      %multiple_of3A_125 = tpu.assume_multiple %shift_left3A_124, 128 : i32
      %dma_start3A_126 = arith.constant 0 : i32
      %dma_start3A_127 = arith.constant 128 : i32
      %dma_start3A_128 = tpu.memref_slice %arg7[%dma_start3A_126, %dma_start3A_127] : memref<64x512xf32, #tpu.memory_space<vmem>> -> memref<64x128xf32, #tpu.memory_space<vmem>>
      %dma_start3A_129 = arith.constant 0 : i32
      %dma_start3A_130 = tpu.memref_slice %arg3[%dma_start3A_129, %multiple_of3A_125] : memref<64x1000000xf32, #tpu.memory_space<hbm>> -> memref<64x128xf32, #tpu.memory_space<hbm>>
      %dma_start3A_131 = arith.constant 0 : i32
      %dma_start3A_132 = arith.constant 128 : i32
      %dma_start3A_133 = tpu.memref_slice %arg7[%dma_start3A_131, %dma_start3A_132] : memref<64x512xf32, #tpu.memory_space<vmem>> -> memref<64x128xf32, #tpu.memory_space<vmem>>
      %dma_start3A_134 = arith.constant 0 : i32
      %dma_start3A_135 = tpu.memref_slice %arg3[%dma_start3A_134, %multiple_of3A_125] : memref<64x1000000xf32, #tpu.memory_space<hbm>> -> memref<64x128xf32, #tpu.memory_space<hbm>>
      tpu.enqueue_dma source(%dma_start3A_135 : memref<64x128xf32, #tpu.memory_space<hbm>>) target(%dma_start3A_133 : memref<64x128xf32, #tpu.memory_space<vmem>>) target_semaphore(%arg10 : memref<!tpu.dma_semaphore, #tpu.memory_space<semaphore_mem>>)
      %slice3A_136 = vector.extract_strided_slice %while3A_99 {offsets = [6], sizes = [1], strides = [1]} : vector<16xi32> to vector<1xi32>
      %squeeze3A_137 = vector.extract %slice3A_136[0] : i32 from vector<1xi32>
      %shift_right_arithmetic3A_138 = arith.constant 7 : i32
      %shift_right_arithmetic3A_139 = arith.shrsi %squeeze3A_137, %shift_right_arithmetic3A_138 : i32
      %shift_left3A_140 = arith.constant 7 : i32
      %shift_left3A_141 = arith.shli %shift_right_arithmetic3A_139, %shift_left3A_140 : i32
      %multiple_of3A_142 = tpu.assume_multiple %shift_left3A_141, 128 : i32
      %dma_start3A_143 = arith.constant 0 : i32
      %dma_start3A_144 = arith.constant 256 : i32
      %dma_start3A_145 = tpu.memref_slice %arg7[%dma_start3A_143, %dma_start3A_144] : memref<64x512xf32, #tpu.memory_space<vmem>> -> memref<64x128xf32, #tpu.memory_space<vmem>>
      %dma_start3A_146 = arith.constant 0 : i32
      %dma_start3A_147 = tpu.memref_slice %arg3[%dma_start3A_146, %multiple_of3A_142] : memref<64x1000000xf32, #tpu.memory_space<hbm>> -> memref<64x128xf32, #tpu.memory_space<hbm>>
      %dma_start3A_148 = arith.constant 0 : i32
      %dma_start3A_149 = arith.constant 256 : i32
      %dma_start3A_150 = tpu.memref_slice %arg7[%dma_start3A_148, %dma_start3A_149] : memref<64x512xf32, #tpu.memory_space<vmem>> -> memref<64x128xf32, #tpu.memory_space<vmem>>
      %dma_start3A_151 = arith.constant 0 : i32
      %dma_start3A_152 = tpu.memref_slice %arg3[%dma_start3A_151, %multiple_of3A_142] : memref<64x1000000xf32, #tpu.memory_space<hbm>> -> memref<64x128xf32, #tpu.memory_space<hbm>>
      tpu.enqueue_dma source(%dma_start3A_152 : memref<64x128xf32, #tpu.memory_space<hbm>>) target(%dma_start3A_150 : memref<64x128xf32, #tpu.memory_space<vmem>>) target_semaphore(%arg10 : memref<!tpu.dma_semaphore, #tpu.memory_space<semaphore_mem>>)
      %slice3A_153 = vector.extract_strided_slice %while3A_99 {offsets = [7], sizes = [1], strides = [1]} : vector<16xi32> to vector<1xi32>
      %squeeze3A_154 = vector.extract %slice3A_153[0] : i32 from vector<1xi32>
      %shift_right_arithmetic3A_155 = arith.constant 7 : i32
      %shift_right_arithmetic3A_156 = arith.shrsi %squeeze3A_154, %shift_right_arithmetic3A_155 : i32
      %shift_left3A_157 = arith.constant 7 : i32
      %shift_left3A_158 = arith.shli %shift_right_arithmetic3A_156, %shift_left3A_157 : i32
      %multiple_of3A_159 = tpu.assume_multiple %shift_left3A_158, 128 : i32
      %dma_start3A_160 = arith.constant 0 : i32
      %dma_start3A_161 = arith.constant 384 : i32
      %dma_start3A_162 = tpu.memref_slice %arg7[%dma_start3A_160, %dma_start3A_161] : memref<64x512xf32, #tpu.memory_space<vmem>> -> memref<64x128xf32, #tpu.memory_space<vmem>>
      %dma_start3A_163 = arith.constant 0 : i32
      %dma_start3A_164 = tpu.memref_slice %arg3[%dma_start3A_163, %multiple_of3A_159] : memref<64x1000000xf32, #tpu.memory_space<hbm>> -> memref<64x128xf32, #tpu.memory_space<hbm>>
      %dma_start3A_165 = arith.constant 0 : i32
      %dma_start3A_166 = arith.constant 384 : i32
      %dma_start3A_167 = tpu.memref_slice %arg7[%dma_start3A_165, %dma_start3A_166] : memref<64x512xf32, #tpu.memory_space<vmem>> -> memref<64x128xf32, #tpu.memory_space<vmem>>
      %dma_start3A_168 = arith.constant 0 : i32
      %dma_start3A_169 = tpu.memref_slice %arg3[%dma_start3A_168, %multiple_of3A_159] : memref<64x1000000xf32, #tpu.memory_space<hbm>> -> memref<64x128xf32, #tpu.memory_space<hbm>>
      tpu.enqueue_dma source(%dma_start3A_169 : memref<64x128xf32, #tpu.memory_space<hbm>>) target(%dma_start3A_167 : memref<64x128xf32, #tpu.memory_space<vmem>>) target_semaphore(%arg10 : memref<!tpu.dma_semaphore, #tpu.memory_space<semaphore_mem>>)
      %dma_wait3A = arith.constant 0 : i32
      %dma_wait3A_170 = arith.constant 0 : i32
      %dma_wait3A_171 = tpu.memref_slice %arg6[%dma_wait3A, %dma_wait3A_170] : memref<64x512xf32, #tpu.memory_space<vmem>> -> memref<64x128xf32, #tpu.memory_space<vmem>>
      %dma_wait3A_172 = arith.constant 0 : i32
      %dma_wait3A_173 = arith.constant 0 : i32
      %dma_wait3A_174 = tpu.memref_slice %arg3[%dma_wait3A_172, %dma_wait3A_173] : memref<64x1000000xf32, #tpu.memory_space<hbm>> -> memref<64x128xf32, #tpu.memory_space<hbm>>
      %dma_wait3A_175 = arith.constant 0 : i32
      %dma_wait3A_176 = arith.constant 0 : i32
      %dma_wait3A_177 = tpu.memref_slice %arg6[%dma_wait3A_175, %dma_wait3A_176] : memref<64x512xf32, #tpu.memory_space<vmem>> -> memref<64x128xf32, #tpu.memory_space<vmem>>
      %dma_wait3A_178 = arith.constant 0 : i32
      %dma_wait3A_179 = arith.constant 0 : i32
      %dma_wait3A_180 = tpu.memref_slice %arg3[%dma_wait3A_178, %dma_wait3A_179] : memref<64x1000000xf32, #tpu.memory_space<hbm>> -> memref<64x128xf32, #tpu.memory_space<hbm>>
      tpu.wait_dma2 semaphore(%arg9 : memref<!tpu.dma_semaphore, #tpu.memory_space<semaphore_mem>>) src(%dma_wait3A_180 : memref<64x128xf32, #tpu.memory_space<hbm>>) dst(%dma_wait3A_177 : memref<64x128xf32, #tpu.memory_space<vmem>>)
      %dma_wait3A_181 = arith.constant 0 : i32
      %dma_wait3A_182 = arith.constant 128 : i32
      %dma_wait3A_183 = tpu.memref_slice %arg6[%dma_wait3A_181, %dma_wait3A_182] : memref<64x512xf32, #tpu.memory_space<vmem>> -> memref<64x128xf32, #tpu.memory_space<vmem>>
      %dma_wait3A_184 = arith.constant 0 : i32
      %dma_wait3A_185 = arith.constant 0 : i32
      %dma_wait3A_186 = tpu.memref_slice %arg3[%dma_wait3A_184, %dma_wait3A_185] : memref<64x1000000xf32, #tpu.memory_space<hbm>> -> memref<64x128xf32, #tpu.memory_space<hbm>>
      %dma_wait3A_187 = arith.constant 0 : i32
      %dma_wait3A_188 = arith.constant 128 : i32
      %dma_wait3A_189 = tpu.memref_slice %arg6[%dma_wait3A_187, %dma_wait3A_188] : memref<64x512xf32, #tpu.memory_space<vmem>> -> memref<64x128xf32, #tpu.memory_space<vmem>>
      %dma_wait3A_190 = arith.constant 0 : i32
      %dma_wait3A_191 = arith.constant 0 : i32
      %dma_wait3A_192 = tpu.memref_slice %arg3[%dma_wait3A_190, %dma_wait3A_191] : memref<64x1000000xf32, #tpu.memory_space<hbm>> -> memref<64x128xf32, #tpu.memory_space<hbm>>
      tpu.wait_dma2 semaphore(%arg9 : memref<!tpu.dma_semaphore, #tpu.memory_space<semaphore_mem>>) src(%dma_wait3A_192 : memref<64x128xf32, #tpu.memory_space<hbm>>) dst(%dma_wait3A_189 : memref<64x128xf32, #tpu.memory_space<vmem>>)
      %dma_wait3A_193 = arith.constant 0 : i32
      %dma_wait3A_194 = arith.constant 256 : i32
      %dma_wait3A_195 = tpu.memref_slice %arg6[%dma_wait3A_193, %dma_wait3A_194] : memref<64x512xf32, #tpu.memory_space<vmem>> -> memref<64x128xf32, #tpu.memory_space<vmem>>
      %dma_wait3A_196 = arith.constant 0 : i32
      %dma_wait3A_197 = arith.constant 0 : i32
      %dma_wait3A_198 = tpu.memref_slice %arg3[%dma_wait3A_196, %dma_wait3A_197] : memref<64x1000000xf32, #tpu.memory_space<hbm>> -> memref<64x128xf32, #tpu.memory_space<hbm>>
      %dma_wait3A_199 = arith.constant 0 : i32
      %dma_wait3A_200 = arith.constant 256 : i32
      %dma_wait3A_201 = tpu.memref_slice %arg6[%dma_wait3A_199, %dma_wait3A_200] : memref<64x512xf32, #tpu.memory_space<vmem>> -> memref<64x128xf32, #tpu.memory_space<vmem>>
      %dma_wait3A_202 = arith.constant 0 : i32
      %dma_wait3A_203 = arith.constant 0 : i32
      %dma_wait3A_204 = tpu.memref_slice %arg3[%dma_wait3A_202, %dma_wait3A_203] : memref<64x1000000xf32, #tpu.memory_space<hbm>> -> memref<64x128xf32, #tpu.memory_space<hbm>>
      tpu.wait_dma2 semaphore(%arg9 : memref<!tpu.dma_semaphore, #tpu.memory_space<semaphore_mem>>) src(%dma_wait3A_204 : memref<64x128xf32, #tpu.memory_space<hbm>>) dst(%dma_wait3A_201 : memref<64x128xf32, #tpu.memory_space<vmem>>)
      %dma_wait3A_205 = arith.constant 0 : i32
      %dma_wait3A_206 = arith.constant 384 : i32
      %dma_wait3A_207 = tpu.memref_slice %arg6[%dma_wait3A_205, %dma_wait3A_206] : memref<64x512xf32, #tpu.memory_space<vmem>> -> memref<64x128xf32, #tpu.memory_space<vmem>>
      %dma_wait3A_208 = arith.constant 0 : i32
      %dma_wait3A_209 = arith.constant 0 : i32
      %dma_wait3A_210 = tpu.memref_slice %arg3[%dma_wait3A_208, %dma_wait3A_209] : memref<64x1000000xf32, #tpu.memory_space<hbm>> -> memref<64x128xf32, #tpu.memory_space<hbm>>
      %dma_wait3A_211 = arith.constant 0 : i32
      %dma_wait3A_212 = arith.constant 384 : i32
      %dma_wait3A_213 = tpu.memref_slice %arg6[%dma_wait3A_211, %dma_wait3A_212] : memref<64x512xf32, #tpu.memory_space<vmem>> -> memref<64x128xf32, #tpu.memory_space<vmem>>
      %dma_wait3A_214 = arith.constant 0 : i32
      %dma_wait3A_215 = arith.constant 0 : i32
      %dma_wait3A_216 = tpu.memref_slice %arg3[%dma_wait3A_214, %dma_wait3A_215] : memref<64x1000000xf32, #tpu.memory_space<hbm>> -> memref<64x128xf32, #tpu.memory_space<hbm>>
      tpu.wait_dma2 semaphore(%arg9 : memref<!tpu.dma_semaphore, #tpu.memory_space<semaphore_mem>>) src(%dma_wait3A_216 : memref<64x128xf32, #tpu.memory_space<hbm>>) dst(%dma_wait3A_213 : memref<64x128xf32, #tpu.memory_space<vmem>>)
      %iota3A = tpu.iota {dimensions = array<i32: 0>} : vector<16xi32>
      %slice3A_217 = vector.extract_strided_slice %while3A_99 {offsets = [0], sizes = [1], strides = [1]} : vector<16xi32> to vector<1xi32>
      %squeeze3A_218 = vector.extract %slice3A_217[0] : i32 from vector<1xi32>
      %and3A = arith.constant 127 : i32
      %and3A_219 = arith.andi %squeeze3A_218, %and3A : i32
      %broadcast_in_dim3A_220 = arith.constant 0 : i32
      %broadcast_in_dim3A_221 = vector.broadcast %broadcast_in_dim3A_220 : i32 to vector<16xi32>
      %add3A_222 = vector.broadcast %and3A_219 : i32 to vector<16xi32>
      %add3A_223 = arith.addi %broadcast_in_dim3A_221, %add3A_222 : vector<16xi32>
      %add3A_224 = arith.constant 0 : i32
      %add3A_225 = arith.addi %mul3A_101, %add3A_224 : i32
      %broadcast_in_dim3A_226 = vector.broadcast %add3A_225 : i32 to vector<16xi32>
      %add3A_227 = arith.constant 0 : i32
      %add3A_228 = vector.broadcast %add3A_227 : i32 to vector<16xi32>
      %add3A_229 = arith.addi %iota3A, %add3A_228 : vector<16xi32>
      %gather3A = tpu.vector_load_idx %arg6[%add3A_229, %add3A_223] : memref<64x512xf32, #tpu.memory_space<vmem>>[vector<16xi32>, vector<16xi32>], vector<16xf32>,
      %add3A_230 = arith.constant 0 : i32
      %add3A_231 = vector.broadcast %add3A_230 : i32 to vector<16xi32>
      %add3A_232 = arith.addi %iota3A, %add3A_231 : vector<16xi32>
      tpu.vector_store_idx %arg8[%add3A_232, %broadcast_in_dim3A_226], %gather3A : memref<64x384xf32, #tpu.memory_space<vmem>>[vector<16xi32>, vector<16xi32>], vector<16xf32>,
      %add3A_233 = arith.constant 16 : i32
      %add3A_234 = vector.broadcast %add3A_233 : i32 to vector<16xi32>
      %add3A_235 = arith.addi %iota3A, %add3A_234 : vector<16xi32>
      %gather3A_236 = tpu.vector_load_idx %arg6[%add3A_235, %add3A_223] : memref<64x512xf32, #tpu.memory_space<vmem>>[vector<16xi32>, vector<16xi32>], vector<16xf32>,
      %add3A_237 = arith.constant 16 : i32
      %add3A_238 = vector.broadcast %add3A_237 : i32 to vector<16xi32>
      %add3A_239 = arith.addi %iota3A, %add3A_238 : vector<16xi32>
      tpu.vector_store_idx %arg8[%add3A_239, %broadcast_in_dim3A_226], %gather3A_236 : memref<64x384xf32, #tpu.memory_space<vmem>>[vector<16xi32>, vector<16xi32>], vector<16xf32>,
      %add3A_240 = arith.constant 32 : i32
      %add3A_241 = vector.broadcast %add3A_240 : i32 to vector<16xi32>
      %add3A_242 = arith.addi %iota3A, %add3A_241 : vector<16xi32>
      %gather3A_243 = tpu.vector_load_idx %arg6[%add3A_242, %add3A_223] : memref<64x512xf32, #tpu.memory_space<vmem>>[vector<16xi32>, vector<16xi32>], vector<16xf32>,
      %add3A_244 = arith.constant 32 : i32
      %add3A_245 = vector.broadcast %add3A_244 : i32 to vector<16xi32>
      %add3A_246 = arith.addi %iota3A, %add3A_245 : vector<16xi32>
      tpu.vector_store_idx %arg8[%add3A_246, %broadcast_in_dim3A_226], %gather3A_243 : memref<64x384xf32, #tpu.memory_space<vmem>>[vector<16xi32>, vector<16xi32>], vector<16xf32>,
      %add3A_247 = arith.constant 48 : i32
      %add3A_248 = vector.broadcast %add3A_247 : i32 to vector<16xi32>
      %add3A_249 = arith.addi %iota3A, %add3A_248 : vector<16xi32>
      %gather3A_250 = tpu.vector_load_idx %arg6[%add3A_249, %add3A_223] : memref<64x512xf32, #tpu.memory_space<vmem>>[vector<16xi32>, vector<16xi32>], vector<16xf32>,
      %add3A_251 = arith.constant 48 : i32
      %add3A_252 = vector.broadcast %add3A_251 : i32 to vector<16xi32>
      %add3A_253 = arith.addi %iota3A, %add3A_252 : vector<16xi32>
      tpu.vector_store_idx %arg8[%add3A_253, %broadcast_in_dim3A_226], %gather3A_250 : memref<64x384xf32, #tpu.memory_space<vmem>>[vector<16xi32>, vector<16xi32>], vector<16xf32>,
      %slice3A_254 = vector.extract_strided_slice %while3A_99 {offsets = [1], sizes = [1], strides = [1]} : vector<16xi32> to vector<1xi32>
      %squeeze3A_255 = vector.extract %slice3A_254[0] : i32 from vector<1xi32>
      %and3A_256 = arith.constant 127 : i32
      %and3A_257 = arith.andi %squeeze3A_255, %and3A_256 : i32
      %broadcast_in_dim3A_258 = arith.constant 128 : i32
      %broadcast_in_dim3A_259 = vector.broadcast %broadcast_in_dim3A_258 : i32 to vector<16xi32>
      %add3A_260 = vector.broadcast %and3A_257 : i32 to vector<16xi32>
      %add3A_261 = arith.addi %broadcast_in_dim3A_259, %add3A_260 : vector<16xi32>
      %add3A_262 = arith.constant 1 : i32
      %add3A_263 = arith.addi %mul3A_101, %add3A_262 : i32
      %broadcast_in_dim3A_264 = vector.broadcast %add3A_263 : i32 to vector<16xi32>
      %add3A_265 = arith.constant 0 : i32
      %add3A_266 = vector.broadcast %add3A_265 : i32 to vector<16xi32>
      %add3A_267 = arith.addi %iota3A, %add3A_266 : vector<16xi32>
      %gather3A_268 = tpu.vector_load_idx %arg6[%add3A_267, %add3A_261] : memref<64x512xf32, #tpu.memory_space<vmem>>[vector<16xi32>, vector<16xi32>], vector<16xf32>,
      %add3A_269 = arith.constant 0 : i32
      %add3A_270 = vector.broadcast %add3A_269 : i32 to vector<16xi32>
      %add3A_271 = arith.addi %iota3A, %add3A_270 : vector<16xi32>
      tpu.vector_store_idx %arg8[%add3A_271, %broadcast_in_dim3A_264], %gather3A_268 : memref<64x384xf32, #tpu.memory_space<vmem>>[vector<16xi32>, vector<16xi32>], vector<16xf32>,
      %add3A_272 = arith.constant 16 : i32
      %add3A_273 = vector.broadcast %add3A_272 : i32 to vector<16xi32>
      %add3A_274 = arith.addi %iota3A, %add3A_273 : vector<16xi32>
      %gather3A_275 = tpu.vector_load_idx %arg6[%add3A_274, %add3A_261] : memref<64x512xf32, #tpu.memory_space<vmem>>[vector<16xi32>, vector<16xi32>], vector<16xf32>,
      %add3A_276 = arith.constant 16 : i32
      %add3A_277 = vector.broadcast %add3A_276 : i32 to vector<16xi32>
      %add3A_278 = arith.addi %iota3A, %add3A_277 : vector<16xi32>
      tpu.vector_store_idx %arg8[%add3A_278, %broadcast_in_dim3A_264], %gather3A_275 : memref<64x384xf32, #tpu.memory_space<vmem>>[vector<16xi32>, vector<16xi32>], vector<16xf32>,
      %add3A_279 = arith.constant 32 : i32
      %add3A_280 = vector.broadcast %add3A_279 : i32 to vector<16xi32>
      %add3A_281 = arith.addi %iota3A, %add3A_280 : vector<16xi32>
      %gather3A_282 = tpu.vector_load_idx %arg6[%add3A_281, %add3A_261] : memref<64x512xf32, #tpu.memory_space<vmem>>[vector<16xi32>, vector<16xi32>], vector<16xf32>,
      %add3A_283 = arith.constant 32 : i32
      %add3A_284 = vector.broadcast %add3A_283 : i32 to vector<16xi32>
      %add3A_285 = arith.addi %iota3A, %add3A_284 : vector<16xi32>
      tpu.vector_store_idx %arg8[%add3A_285, %broadcast_in_dim3A_264], %gather3A_282 : memref<64x384xf32, #tpu.memory_space<vmem>>[vector<16xi32>, vector<16xi32>], vector<16xf32>,
      %add3A_286 = arith.constant 48 : i32
      %add3A_287 = vector.broadcast %add3A_286 : i32 to vector<16xi32>
      %add3A_288 = arith.addi %iota3A, %add3A_287 : vector<16xi32>
      %gather3A_289 = tpu.vector_load_idx %arg6[%add3A_288, %add3A_261] : memref<64x512xf32, #tpu.memory_space<vmem>>[vector<16xi32>, vector<16xi32>], vector<16xf32>,
      %add3A_290 = arith.constant 48 : i32
      %add3A_291 = vector.broadcast %add3A_290 : i32 to vector<16xi32>
      %add3A_292 = arith.addi %iota3A, %add3A_291 : vector<16xi32>
      tpu.vector_store_idx %arg8[%add3A_292, %broadcast_in_dim3A_264], %gather3A_289 : memref<64x384xf32, #tpu.memory_space<vmem>>[vector<16xi32>, vector<16xi32>], vector<16xf32>,
      %slice3A_293 = vector.extract_strided_slice %while3A_99 {offsets = [2], sizes = [1], strides = [1]} : vector<16xi32> to vector<1xi32>
      %squeeze3A_294 = vector.extract %slice3A_293[0] : i32 from vector<1xi32>
      %and3A_295 = arith.constant 127 : i32
      %and3A_296 = arith.andi %squeeze3A_294, %and3A_295 : i32
      %broadcast_in_dim3A_297 = arith.constant 256 : i32
      %broadcast_in_dim3A_298 = vector.broadcast %broadcast_in_dim3A_297 : i32 to vector<16xi32>
      %add3A_299 = vector.broadcast %and3A_296 : i32 to vector<16xi32>
      %add3A_300 = arith.addi %broadcast_in_dim3A_298, %add3A_299 : vector<16xi32>
      %add3A_301 = arith.constant 2 : i32
      %add3A_302 = arith.addi %mul3A_101, %add3A_301 : i32
      %broadcast_in_dim3A_303 = vector.broadcast %add3A_302 : i32 to vector<16xi32>
      %add3A_304 = arith.constant 0 : i32
      %add3A_305 = vector.broadcast %add3A_304 : i32 to vector<16xi32>
      %add3A_306 = arith.addi %iota3A, %add3A_305 : vector<16xi32>
      %gather3A_307 = tpu.vector_load_idx %arg6[%add3A_306, %add3A_300] : memref<64x512xf32, #tpu.memory_space<vmem>>[vector<16xi32>, vector<16xi32>], vector<16xf32>,
      %add3A_308 = arith.constant 0 : i32
      %add3A_309 = vector.broadcast %add3A_308 : i32 to vector<16xi32>
      %add3A_310 = arith.addi %iota3A, %add3A_309 : vector<16xi32>
      tpu.vector_store_idx %arg8[%add3A_310, %broadcast_in_dim3A_303], %gather3A_307 : memref<64x384xf32, #tpu.memory_space<vmem>>[vector<16xi32>, vector<16xi32>], vector<16xf32>,
      %add3A_311 = arith.constant 16 : i32
      %add3A_312 = vector.broadcast %add3A_311 : i32 to vector<16xi32>
      %add3A_313 = arith.addi %iota3A, %add3A_312 : vector<16xi32>
      %gather3A_314 = tpu.vector_load_idx %arg6[%add3A_313, %add3A_300] : memref<64x512xf32, #tpu.memory_space<vmem>>[vector<16xi32>, vector<16xi32>], vector<16xf32>,
      %add3A_315 = arith.constant 16 : i32
      %add3A_316 = vector.broadcast %add3A_315 : i32 to vector<16xi32>
      %add3A_317 = arith.addi %iota3A, %add3A_316 : vector<16xi32>
      tpu.vector_store_idx %arg8[%add3A_317, %broadcast_in_dim3A_303], %gather3A_314 : memref<64x384xf32, #tpu.memory_space<vmem>>[vector<16xi32>, vector<16xi32>], vector<16xf32>,
      %add3A_318 = arith.constant 32 : i32
      %add3A_319 = vector.broadcast %add3A_318 : i32 to vector<16xi32>
      %add3A_320 = arith.addi %iota3A, %add3A_319 : vector<16xi32>
      %gather3A_321 = tpu.vector_load_idx %arg6[%add3A_320, %add3A_300] : memref<64x512xf32, #tpu.memory_space<vmem>>[vector<16xi32>, vector<16xi32>], vector<16xf32>,
      %add3A_322 = arith.constant 32 : i32
      %add3A_323 = vector.broadcast %add3A_322 : i32 to vector<16xi32>
      %add3A_324 = arith.addi %iota3A, %add3A_323 : vector<16xi32>
      tpu.vector_store_idx %arg8[%add3A_324, %broadcast_in_dim3A_303], %gather3A_321 : memref<64x384xf32, #tpu.memory_space<vmem>>[vector<16xi32>, vector<16xi32>], vector<16xf32>,
      %add3A_325 = arith.constant 48 : i32
      %add3A_326 = vector.broadcast %add3A_325 : i32 to vector<16xi32>
      %add3A_327 = arith.addi %iota3A, %add3A_326 : vector<16xi32>
      %gather3A_328 = tpu.vector_load_idx %arg6[%add3A_327, %add3A_300] : memref<64x512xf32, #tpu.memory_space<vmem>>[vector<16xi32>, vector<16xi32>], vector<16xf32>,
      %add3A_329 = arith.constant 48 : i32
      %add3A_330 = vector.broadcast %add3A_329 : i32 to vector<16xi32>
      %add3A_331 = arith.addi %iota3A, %add3A_330 : vector<16xi32>
      tpu.vector_store_idx %arg8[%add3A_331, %broadcast_in_dim3A_303], %gather3A_328 : memref<64x384xf32, #tpu.memory_space<vmem>>[vector<16xi32>, vector<16xi32>], vector<16xf32>,
      %slice3A_332 = vector.extract_strided_slice %while3A_99 {offsets = [3], sizes = [1], strides = [1]} : vector<16xi32> to vector<1xi32>
      %squeeze3A_333 = vector.extract %slice3A_332[0] : i32 from vector<1xi32>
      %and3A_334 = arith.constant 127 : i32
      %and3A_335 = arith.andi %squeeze3A_333, %and3A_334 : i32
      %broadcast_in_dim3A_336 = arith.constant 384 : i32
      %broadcast_in_dim3A_337 = vector.broadcast %broadcast_in_dim3A_336 : i32 to vector<16xi32>
      %add3A_338 = vector.broadcast %and3A_335 : i32 to vector<16xi32>
      %add3A_339 = arith.addi %broadcast_in_dim3A_337, %add3A_338 : vector<16xi32>
      %add3A_340 = arith.constant 3 : i32
      %add3A_341 = arith.addi %mul3A_101, %add3A_340 : i32
      %broadcast_in_dim3A_342 = vector.broadcast %add3A_341 : i32 to vector<16xi32>
      %add3A_343 = arith.constant 0 : i32
      %add3A_344 = vector.broadcast %add3A_343 : i32 to vector<16xi32>
      %add3A_345 = arith.addi %iota3A, %add3A_344 : vector<16xi32>
      %gather3A_346 = tpu.vector_load_idx %arg6[%add3A_345, %add3A_339] : memref<64x512xf32, #tpu.memory_space<vmem>>[vector<16xi32>, vector<16xi32>], vector<16xf32>,
      %add3A_347 = arith.constant 0 : i32
      %add3A_348 = vector.broadcast %add3A_347 : i32 to vector<16xi32>
      %add3A_349 = arith.addi %iota3A, %add3A_348 : vector<16xi32>
      tpu.vector_store_idx %arg8[%add3A_349, %broadcast_in_dim3A_342], %gather3A_346 : memref<64x384xf32, #tpu.memory_space<vmem>>[vector<16xi32>, vector<16xi32>], vector<16xf32>,
      %add3A_350 = arith.constant 16 : i32
      %add3A_351 = vector.broadcast %add3A_350 : i32 to vector<16xi32>
      %add3A_352 = arith.addi %iota3A, %add3A_351 : vector<16xi32>
      %gather3A_353 = tpu.vector_load_idx %arg6[%add3A_352, %add3A_339] : memref<64x512xf32, #tpu.memory_space<vmem>>[vector<16xi32>, vector<16xi32>], vector<16xf32>,
      %add3A_354 = arith.constant 16 : i32
      %add3A_355 = vector.broadcast %add3A_354 : i32 to vector<16xi32>
      %add3A_356 = arith.addi %iota3A, %add3A_355 : vector<16xi32>
      tpu.vector_store_idx %arg8[%add3A_356, %broadcast_in_dim3A_342], %gather3A_353 : memref<64x384xf32, #tpu.memory_space<vmem>>[vector<16xi32>, vector<16xi32>], vector<16xf32>,
      %add3A_357 = arith.constant 32 : i32
      %add3A_358 = vector.broadcast %add3A_357 : i32 to vector<16xi32>
      %add3A_359 = arith.addi %iota3A, %add3A_358 : vector<16xi32>
      %gather3A_360 = tpu.vector_load_idx %arg6[%add3A_359, %add3A_339] : memref<64x512xf32, #tpu.memory_space<vmem>>[vector<16xi32>, vector<16xi32>], vector<16xf32>,
      %add3A_361 = arith.constant 32 : i32
      %add3A_362 = vector.broadcast %add3A_361 : i32 to vector<16xi32>
      %add3A_363 = arith.addi %iota3A, %add3A_362 : vector<16xi32>
      tpu.vector_store_idx %arg8[%add3A_363, %broadcast_in_dim3A_342], %gather3A_360 : memref<64x384xf32, #tpu.memory_space<vmem>>[vector<16xi32>, vector<16xi32>], vector<16xf32>,
      %add3A_364 = arith.constant 48 : i32
      %add3A_365 = vector.broadcast %add3A_364 : i32 to vector<16xi32>
      %add3A_366 = arith.addi %iota3A, %add3A_365 : vector<16xi32>
      %gather3A_367 = tpu.vector_load_idx %arg6[%add3A_366, %add3A_339] : memref<64x512xf32, #tpu.memory_space<vmem>>[vector<16xi32>, vector<16xi32>], vector<16xf32>,
      %add3A_368 = arith.constant 48 : i32
      %add3A_369 = vector.broadcast %add3A_368 : i32 to vector<16xi32>
      %add3A_370 = arith.addi %iota3A, %add3A_369 : vector<16xi32>
      tpu.vector_store_idx %arg8[%add3A_370, %broadcast_in_dim3A_342], %gather3A_367 : memref<64x384xf32, #tpu.memory_space<vmem>>[vector<16xi32>, vector<16xi32>], vector<16xf32>,
      %slice3A_371 = vector.extract_strided_slice %while3A_99 {offsets = [8], sizes = [1], strides = [1]} : vector<16xi32> to vector<1xi32>
      %squeeze3A_372 = vector.extract %slice3A_371[0] : i32 from vector<1xi32>
      %shift_right_arithmetic3A_373 = arith.constant 7 : i32
      %shift_right_arithmetic3A_374 = arith.shrsi %squeeze3A_372, %shift_right_arithmetic3A_373 : i32
      %shift_left3A_375 = arith.constant 7 : i32
      %shift_left3A_376 = arith.shli %shift_right_arithmetic3A_374, %shift_left3A_375 : i32
      %multiple_of3A_377 = tpu.assume_multiple %shift_left3A_376, 128 : i32
      %dma_start3A_378 = arith.constant 0 : i32
      %dma_start3A_379 = arith.constant 0 : i32
      %dma_start3A_380 = tpu.memref_slice %arg6[%dma_start3A_378, %dma_start3A_379] : memref<64x512xf32, #tpu.memory_space<vmem>> -> memref<64x128xf32, #tpu.memory_space<vmem>>
      %dma_start3A_381 = arith.constant 0 : i32
      %dma_start3A_382 = tpu.memref_slice %arg3[%dma_start3A_381, %multiple_of3A_377] : memref<64x1000000xf32, #tpu.memory_space<hbm>> -> memref<64x128xf32, #tpu.memory_space<hbm>>
      %dma_start3A_383 = arith.constant 0 : i32
      %dma_start3A_384 = arith.constant 0 : i32
      %dma_start3A_385 = tpu.memref_slice %arg6[%dma_start3A_383, %dma_start3A_384] : memref<64x512xf32, #tpu.memory_space<vmem>> -> memref<64x128xf32, #tpu.memory_space<vmem>>
      %dma_start3A_386 = arith.constant 0 : i32
      %dma_start3A_387 = tpu.memref_slice %arg3[%dma_start3A_386, %multiple_of3A_377] : memref<64x1000000xf32, #tpu.memory_space<hbm>> -> memref<64x128xf32, #tpu.memory_space<hbm>>
      tpu.enqueue_dma source(%dma_start3A_387 : memref<64x128xf32, #tpu.memory_space<hbm>>) target(%dma_start3A_385 : memref<64x128xf32, #tpu.memory_space<vmem>>) target_semaphore(%arg9 : memref<!tpu.dma_semaphore, #tpu.memory_space<semaphore_mem>>)
      %slice3A_388 = vector.extract_strided_slice %while3A_99 {offsets = [9], sizes = [1], strides = [1]} : vector<16xi32> to vector<1xi32>
      %squeeze3A_389 = vector.extract %slice3A_388[0] : i32 from vector<1xi32>
      %shift_right_arithmetic3A_390 = arith.constant 7 : i32
      %shift_right_arithmetic3A_391 = arith.shrsi %squeeze3A_389, %shift_right_arithmetic3A_390 : i32
      %shift_left3A_392 = arith.constant 7 : i32
      %shift_left3A_393 = arith.shli %shift_right_arithmetic3A_391, %shift_left3A_392 : i32
      %multiple_of3A_394 = tpu.assume_multiple %shift_left3A_393, 128 : i32
      %dma_start3A_395 = arith.constant 0 : i32
      %dma_start3A_396 = arith.constant 128 : i32
      %dma_start3A_397 = tpu.memref_slice %arg6[%dma_start3A_395, %dma_start3A_396] : memref<64x512xf32, #tpu.memory_space<vmem>> -> memref<64x128xf32, #tpu.memory_space<vmem>>
      %dma_start3A_398 = arith.constant 0 : i32
      %dma_start3A_399 = tpu.memref_slice %arg3[%dma_start3A_398, %multiple_of3A_394] : memref<64x1000000xf32, #tpu.memory_space<hbm>> -> memref<64x128xf32, #tpu.memory_space<hbm>>
      %dma_start3A_400 = arith.constant 0 : i32
      %dma_start3A_401 = arith.constant 128 : i32
      %dma_start3A_402 = tpu.memref_slice %arg6[%dma_start3A_400, %dma_start3A_401] : memref<64x512xf32, #tpu.memory_space<vmem>> -> memref<64x128xf32, #tpu.memory_space<vmem>>
      %dma_start3A_403 = arith.constant 0 : i32
      %dma_start3A_404 = tpu.memref_slice %arg3[%dma_start3A_403, %multiple_of3A_394] : memref<64x1000000xf32, #tpu.memory_space<hbm>> -> memref<64x128xf32, #tpu.memory_space<hbm>>
      tpu.enqueue_dma source(%dma_start3A_404 : memref<64x128xf32, #tpu.memory_space<hbm>>) target(%dma_start3A_402 : memref<64x128xf32, #tpu.memory_space<vmem>>) target_semaphore(%arg9 : memref<!tpu.dma_semaphore, #tpu.memory_space<semaphore_mem>>)
      %slice3A_405 = vector.extract_strided_slice %while3A_99 {offsets = [10], sizes = [1], strides = [1]} : vector<16xi32> to vector<1xi32>
      %squeeze3A_406 = vector.extract %slice3A_405[0] : i32 from vector<1xi32>
      %shift_right_arithmetic3A_407 = arith.constant 7 : i32
      %shift_right_arithmetic3A_408 = arith.shrsi %squeeze3A_406, %shift_right_arithmetic3A_407 : i32
      %shift_left3A_409 = arith.constant 7 : i32
      %shift_left3A_410 = arith.shli %shift_right_arithmetic3A_408, %shift_left3A_409 : i32
      %multiple_of3A_411 = tpu.assume_multiple %shift_left3A_410, 128 : i32
      %dma_start3A_412 = arith.constant 0 : i32
      %dma_start3A_413 = arith.constant 256 : i32
      %dma_start3A_414 = tpu.memref_slice %arg6[%dma_start3A_412, %dma_start3A_413] : memref<64x512xf32, #tpu.memory_space<vmem>> -> memref<64x128xf32, #tpu.memory_space<vmem>>
      %dma_start3A_415 = arith.constant 0 : i32
      %dma_start3A_416 = tpu.memref_slice %arg3[%dma_start3A_415, %multiple_of3A_411] : memref<64x1000000xf32, #tpu.memory_space<hbm>> -> memref<64x128xf32, #tpu.memory_space<hbm>>
      %dma_start3A_417 = arith.constant 0 : i32
      %dma_start3A_418 = arith.constant 256 : i32
      %dma_start3A_419 = tpu.memref_slice %arg6[%dma_start3A_417, %dma_start3A_418] : memref<64x512xf32, #tpu.memory_space<vmem>> -> memref<64x128xf32, #tpu.memory_space<vmem>>
      %dma_start3A_420 = arith.constant 0 : i32
      %dma_start3A_421 = tpu.memref_slice %arg3[%dma_start3A_420, %multiple_of3A_411] : memref<64x1000000xf32, #tpu.memory_space<hbm>> -> memref<64x128xf32, #tpu.memory_space<hbm>>
      tpu.enqueue_dma source(%dma_start3A_421 : memref<64x128xf32, #tpu.memory_space<hbm>>) target(%dma_start3A_419 : memref<64x128xf32, #tpu.memory_space<vmem>>) target_semaphore(%arg9 : memref<!tpu.dma_semaphore, #tpu.memory_space<semaphore_mem>>)
      %slice3A_422 = vector.extract_strided_slice %while3A_99 {offsets = [11], sizes = [1], strides = [1]} : vector<16xi32> to vector<1xi32>
      %squeeze3A_423 = vector.extract %slice3A_422[0] : i32 from vector<1xi32>
      %shift_right_arithmetic3A_424 = arith.constant 7 : i32
      %shift_right_arithmetic3A_425 = arith.shrsi %squeeze3A_423, %shift_right_arithmetic3A_424 : i32
      %shift_left3A_426 = arith.constant 7 : i32
      %shift_left3A_427 = arith.shli %shift_right_arithmetic3A_425, %shift_left3A_426 : i32
      %multiple_of3A_428 = tpu.assume_multiple %shift_left3A_427, 128 : i32
      %dma_start3A_429 = arith.constant 0 : i32
      %dma_start3A_430 = arith.constant 384 : i32
      %dma_start3A_431 = tpu.memref_slice %arg6[%dma_start3A_429, %dma_start3A_430] : memref<64x512xf32, #tpu.memory_space<vmem>> -> memref<64x128xf32, #tpu.memory_space<vmem>>
      %dma_start3A_432 = arith.constant 0 : i32
      %dma_start3A_433 = tpu.memref_slice %arg3[%dma_start3A_432, %multiple_of3A_428] : memref<64x1000000xf32, #tpu.memory_space<hbm>> -> memref<64x128xf32, #tpu.memory_space<hbm>>
      %dma_start3A_434 = arith.constant 0 : i32
      %dma_start3A_435 = arith.constant 384 : i32
      %dma_start3A_436 = tpu.memref_slice %arg6[%dma_start3A_434, %dma_start3A_435] : memref<64x512xf32, #tpu.memory_space<vmem>> -> memref<64x128xf32, #tpu.memory_space<vmem>>
      %dma_start3A_437 = arith.constant 0 : i32
      %dma_start3A_438 = tpu.memref_slice %arg3[%dma_start3A_437, %multiple_of3A_428] : memref<64x1000000xf32, #tpu.memory_space<hbm>> -> memref<64x128xf32, #tpu.memory_space<hbm>>
      tpu.enqueue_dma source(%dma_start3A_438 : memref<64x128xf32, #tpu.memory_space<hbm>>) target(%dma_start3A_436 : memref<64x128xf32, #tpu.memory_space<vmem>>) target_semaphore(%arg9 : memref<!tpu.dma_semaphore, #tpu.memory_space<semaphore_mem>>)
      %dma_wait3A_439 = arith.constant 0 : i32
      %dma_wait3A_440 = arith.constant 0 : i32
      %dma_wait3A_441 = tpu.memref_slice %arg7[%dma_wait3A_439, %dma_wait3A_440] : memref<64x512xf32, #tpu.memory_space<vmem>> -> memref<64x128xf32, #tpu.memory_space<vmem>>
      %dma_wait3A_442 = arith.constant 0 : i32
      %dma_wait3A_443 = arith.constant 0 : i32
      %dma_wait3A_444 = tpu.memref_slice %arg3[%dma_wait3A_442, %dma_wait3A_443] : memref<64x1000000xf32, #tpu.memory_space<hbm>> -> memref<64x128xf32, #tpu.memory_space<hbm>>
      %dma_wait3A_445 = arith.constant 0 : i32
      %dma_wait3A_446 = arith.constant 0 : i32
      %dma_wait3A_447 = tpu.memref_slice %arg7[%dma_wait3A_445, %dma_wait3A_446] : memref<64x512xf32, #tpu.memory_space<vmem>> -> memref<64x128xf32, #tpu.memory_space<vmem>>
      %dma_wait3A_448 = arith.constant 0 : i32
      %dma_wait3A_449 = arith.constant 0 : i32
      %dma_wait3A_450 = tpu.memref_slice %arg3[%dma_wait3A_448, %dma_wait3A_449] : memref<64x1000000xf32, #tpu.memory_space<hbm>> -> memref<64x128xf32, #tpu.memory_space<hbm>>
      tpu.wait_dma2 semaphore(%arg10 : memref<!tpu.dma_semaphore, #tpu.memory_space<semaphore_mem>>) src(%dma_wait3A_450 : memref<64x128xf32, #tpu.memory_space<hbm>>) dst(%dma_wait3A_447 : memref<64x128xf32, #tpu.memory_space<vmem>>)
      %dma_wait3A_451 = arith.constant 0 : i32
      %dma_wait3A_452 = arith.constant 128 : i32
      %dma_wait3A_453 = tpu.memref_slice %arg7[%dma_wait3A_451, %dma_wait3A_452] : memref<64x512xf32, #tpu.memory_space<vmem>> -> memref<64x128xf32, #tpu.memory_space<vmem>>
      %dma_wait3A_454 = arith.constant 0 : i32
      %dma_wait3A_455 = arith.constant 0 : i32
      %dma_wait3A_456 = tpu.memref_slice %arg3[%dma_wait3A_454, %dma_wait3A_455] : memref<64x1000000xf32, #tpu.memory_space<hbm>> -> memref<64x128xf32, #tpu.memory_space<hbm>>
      %dma_wait3A_457 = arith.constant 0 : i32
      %dma_wait3A_458 = arith.constant 128 : i32
      %dma_wait3A_459 = tpu.memref_slice %arg7[%dma_wait3A_457, %dma_wait3A_458] : memref<64x512xf32, #tpu.memory_space<vmem>> -> memref<64x128xf32, #tpu.memory_space<vmem>>
      %dma_wait3A_460 = arith.constant 0 : i32
      %dma_wait3A_461 = arith.constant 0 : i32
      %dma_wait3A_462 = tpu.memref_slice %arg3[%dma_wait3A_460, %dma_wait3A_461] : memref<64x1000000xf32, #tpu.memory_space<hbm>> -> memref<64x128xf32, #tpu.memory_space<hbm>>
      tpu.wait_dma2 semaphore(%arg10 : memref<!tpu.dma_semaphore, #tpu.memory_space<semaphore_mem>>) src(%dma_wait3A_462 : memref<64x128xf32, #tpu.memory_space<hbm>>) dst(%dma_wait3A_459 : memref<64x128xf32, #tpu.memory_space<vmem>>)
      %dma_wait3A_463 = arith.constant 0 : i32
      %dma_wait3A_464 = arith.constant 256 : i32
      %dma_wait3A_465 = tpu.memref_slice %arg7[%dma_wait3A_463, %dma_wait3A_464] : memref<64x512xf32, #tpu.memory_space<vmem>> -> memref<64x128xf32, #tpu.memory_space<vmem>>
      %dma_wait3A_466 = arith.constant 0 : i32
      %dma_wait3A_467 = arith.constant 0 : i32
      %dma_wait3A_468 = tpu.memref_slice %arg3[%dma_wait3A_466, %dma_wait3A_467] : memref<64x1000000xf32, #tpu.memory_space<hbm>> -> memref<64x128xf32, #tpu.memory_space<hbm>>
      %dma_wait3A_469 = arith.constant 0 : i32
      %dma_wait3A_470 = arith.constant 256 : i32
      %dma_wait3A_471 = tpu.memref_slice %arg7[%dma_wait3A_469, %dma_wait3A_470] : memref<64x512xf32, #tpu.memory_space<vmem>> -> memref<64x128xf32, #tpu.memory_space<vmem>>
      %dma_wait3A_472 = arith.constant 0 : i32
      %dma_wait3A_473 = arith.constant 0 : i32
      %dma_wait3A_474 = tpu.memref_slice %arg3[%dma_wait3A_472, %dma_wait3A_473] : memref<64x1000000xf32, #tpu.memory_space<hbm>> -> memref<64x128xf32, #tpu.memory_space<hbm>>
      tpu.wait_dma2 semaphore(%arg10 : memref<!tpu.dma_semaphore, #tpu.memory_space<semaphore_mem>>) src(%dma_wait3A_474 : memref<64x128xf32, #tpu.memory_space<hbm>>) dst(%dma_wait3A_471 : memref<64x128xf32, #tpu.memory_space<vmem>>)
      %dma_wait3A_475 = arith.constant 0 : i32
      %dma_wait3A_476 = arith.constant 384 : i32
      %dma_wait3A_477 = tpu.memref_slice %arg7[%dma_wait3A_475, %dma_wait3A_476] : memref<64x512xf32, #tpu.memory_space<vmem>> -> memref<64x128xf32, #tpu.memory_space<vmem>>
      %dma_wait3A_478 = arith.constant 0 : i32
      %dma_wait3A_479 = arith.constant 0 : i32
      %dma_wait3A_480 = tpu.memref_slice %arg3[%dma_wait3A_478, %dma_wait3A_479] : memref<64x1000000xf32, #tpu.memory_space<hbm>> -> memref<64x128xf32, #tpu.memory_space<hbm>>
      %dma_wait3A_481 = arith.constant 0 : i32
      %dma_wait3A_482 = arith.constant 384 : i32
      %dma_wait3A_483 = tpu.memref_slice %arg7[%dma_wait3A_481, %dma_wait3A_482] : memref<64x512xf32, #tpu.memory_space<vmem>> -> memref<64x128xf32, #tpu.memory_space<vmem>>
      %dma_wait3A_484 = arith.constant 0 : i32
      %dma_wait3A_485 = arith.constant 0 : i32
      %dma_wait3A_486 = tpu.memref_slice %arg3[%dma_wait3A_484, %dma_wait3A_485] : memref<64x1000000xf32, #tpu.memory_space<hbm>> -> memref<64x128xf32, #tpu.memory_space<hbm>>
      tpu.wait_dma2 semaphore(%arg10 : memref<!tpu.dma_semaphore, #tpu.memory_space<semaphore_mem>>) src(%dma_wait3A_486 : memref<64x128xf32, #tpu.memory_space<hbm>>) dst(%dma_wait3A_483 : memref<64x128xf32, #tpu.memory_space<vmem>>)
      %add3A_487 = arith.constant 4 : i32
      %add3A_488 = arith.addi %mul3A_101, %add3A_487 : i32
      %iota3A_489 = tpu.iota {dimensions = array<i32: 0>} : vector<16xi32>
      %slice3A_490 = vector.extract_strided_slice %while3A_99 {offsets = [4], sizes = [1], strides = [1]} : vector<16xi32> to vector<1xi32>
      %squeeze3A_491 = vector.extract %slice3A_490[0] : i32 from vector<1xi32>
      %and3A_492 = arith.constant 127 : i32
      %and3A_493 = arith.andi %squeeze3A_491, %and3A_492 : i32
      %broadcast_in_dim3A_494 = arith.constant 0 : i32
      %broadcast_in_dim3A_495 = vector.broadcast %broadcast_in_dim3A_494 : i32 to vector<16xi32>
      %add3A_496 = vector.broadcast %and3A_493 : i32 to vector<16xi32>
      %add3A_497 = arith.addi %broadcast_in_dim3A_495, %add3A_496 : vector<16xi32>
      %add3A_498 = arith.constant 0 : i32
      %add3A_499 = arith.addi %add3A_488, %add3A_498 : i32
      %broadcast_in_dim3A_500 = vector.broadcast %add3A_499 : i32 to vector<16xi32>
      %add3A_501 = arith.constant 0 : i32
      %add3A_502 = vector.broadcast %add3A_501 : i32 to vector<16xi32>
      %add3A_503 = arith.addi %iota3A_489, %add3A_502 : vector<16xi32>
      %gather3A_504 = tpu.vector_load_idx %arg7[%add3A_503, %add3A_497] : memref<64x512xf32, #tpu.memory_space<vmem>>[vector<16xi32>, vector<16xi32>], vector<16xf32>,
      %add3A_505 = arith.constant 0 : i32
      %add3A_506 = vector.broadcast %add3A_505 : i32 to vector<16xi32>
      %add3A_507 = arith.addi %iota3A_489, %add3A_506 : vector<16xi32>
      tpu.vector_store_idx %arg8[%add3A_507, %broadcast_in_dim3A_500], %gather3A_504 : memref<64x384xf32, #tpu.memory_space<vmem>>[vector<16xi32>, vector<16xi32>], vector<16xf32>,
      %add3A_508 = arith.constant 16 : i32
      %add3A_509 = vector.broadcast %add3A_508 : i32 to vector<16xi32>
      %add3A_510 = arith.addi %iota3A_489, %add3A_509 : vector<16xi32>
      %gather3A_511 = tpu.vector_load_idx %arg7[%add3A_510, %add3A_497] : memref<64x512xf32, #tpu.memory_space<vmem>>[vector<16xi32>, vector<16xi32>], vector<16xf32>,
      %add3A_512 = arith.constant 16 : i32
      %add3A_513 = vector.broadcast %add3A_512 : i32 to vector<16xi32>
      %add3A_514 = arith.addi %iota3A_489, %add3A_513 : vector<16xi32>
      tpu.vector_store_idx %arg8[%add3A_514, %broadcast_in_dim3A_500], %gather3A_511 : memref<64x384xf32, #tpu.memory_space<vmem>>[vector<16xi32>, vector<16xi32>], vector<16xf32>,
      %add3A_515 = arith.constant 32 : i32
      %add3A_516 = vector.broadcast %add3A_515 : i32 to vector<16xi32>
      %add3A_517 = arith.addi %iota3A_489, %add3A_516 : vector<16xi32>
      %gather3A_518 = tpu.vector_load_idx %arg7[%add3A_517, %add3A_497] : memref<64x512xf32, #tpu.memory_space<vmem>>[vector<16xi32>, vector<16xi32>], vector<16xf32>,
      %add3A_519 = arith.constant 32 : i32
      %add3A_520 = vector.broadcast %add3A_519 : i32 to vector<16xi32>
      %add3A_521 = arith.addi %iota3A_489, %add3A_520 : vector<16xi32>
      tpu.vector_store_idx %arg8[%add3A_521, %broadcast_in_dim3A_500], %gather3A_518 : memref<64x384xf32, #tpu.memory_space<vmem>>[vector<16xi32>, vector<16xi32>], vector<16xf32>,
      %add3A_522 = arith.constant 48 : i32
      %add3A_523 = vector.broadcast %add3A_522 : i32 to vector<16xi32>
      %add3A_524 = arith.addi %iota3A_489, %add3A_523 : vector<16xi32>
      %gather3A_525 = tpu.vector_load_idx %arg7[%add3A_524, %add3A_497] : memref<64x512xf32, #tpu.memory_space<vmem>>[vector<16xi32>, vector<16xi32>], vector<16xf32>,
      %add3A_526 = arith.constant 48 : i32
      %add3A_527 = vector.broadcast %add3A_526 : i32 to vector<16xi32>
      %add3A_528 = arith.addi %iota3A_489, %add3A_527 : vector<16xi32>
      tpu.vector_store_idx %arg8[%add3A_528, %broadcast_in_dim3A_500], %gather3A_525 : memref<64x384xf32, #tpu.memory_space<vmem>>[vector<16xi32>, vector<16xi32>], vector<16xf32>,
      %slice3A_529 = vector.extract_strided_slice %while3A_99 {offsets = [5], sizes = [1], strides = [1]} : vector<16xi32> to vector<1xi32>
      %squeeze3A_530 = vector.extract %slice3A_529[0] : i32 from vector<1xi32>
      %and3A_531 = arith.constant 127 : i32
      %and3A_532 = arith.andi %squeeze3A_530, %and3A_531 : i32
      %broadcast_in_dim3A_533 = arith.constant 128 : i32
      %broadcast_in_dim3A_534 = vector.broadcast %broadcast_in_dim3A_533 : i32 to vector<16xi32>
      %add3A_535 = vector.broadcast %and3A_532 : i32 to vector<16xi32>
      %add3A_536 = arith.addi %broadcast_in_dim3A_534, %add3A_535 : vector<16xi32>
      %add3A_537 = arith.constant 1 : i32
      %add3A_538 = arith.addi %add3A_488, %add3A_537 : i32
      %broadcast_in_dim3A_539 = vector.broadcast %add3A_538 : i32 to vector<16xi32>
      %add3A_540 = arith.constant 0 : i32
      %add3A_541 = vector.broadcast %add3A_540 : i32 to vector<16xi32>
      %add3A_542 = arith.addi %iota3A_489, %add3A_541 : vector<16xi32>
      %gather3A_543 = tpu.vector_load_idx %arg7[%add3A_542, %add3A_536] : memref<64x512xf32, #tpu.memory_space<vmem>>[vector<16xi32>, vector<16xi32>], vector<16xf32>,
      %add3A_544 = arith.constant 0 : i32
      %add3A_545 = vector.broadcast %add3A_544 : i32 to vector<16xi32>
      %add3A_546 = arith.addi %iota3A_489, %add3A_545 : vector<16xi32>
      tpu.vector_store_idx %arg8[%add3A_546, %broadcast_in_dim3A_539], %gather3A_543 : memref<64x384xf32, #tpu.memory_space<vmem>>[vector<16xi32>, vector<16xi32>], vector<16xf32>,
      %add3A_547 = arith.constant 16 : i32
      %add3A_548 = vector.broadcast %add3A_547 : i32 to vector<16xi32>
      %add3A_549 = arith.addi %iota3A_489, %add3A_548 : vector<16xi32>
      %gather3A_550 = tpu.vector_load_idx %arg7[%add3A_549, %add3A_536] : memref<64x512xf32, #tpu.memory_space<vmem>>[vector<16xi32>, vector<16xi32>], vector<16xf32>,
      %add3A_551 = arith.constant 16 : i32
      %add3A_552 = vector.broadcast %add3A_551 : i32 to vector<16xi32>
      %add3A_553 = arith.addi %iota3A_489, %add3A_552 : vector<16xi32>
      tpu.vector_store_idx %arg8[%add3A_553, %broadcast_in_dim3A_539], %gather3A_550 : memref<64x384xf32, #tpu.memory_space<vmem>>[vector<16xi32>, vector<16xi32>], vector<16xf32>,
      %add3A_554 = arith.constant 32 : i32
      %add3A_555 = vector.broadcast %add3A_554 : i32 to vector<16xi32>
      %add3A_556 = arith.addi %iota3A_489, %add3A_555 : vector<16xi32>
      %gather3A_557 = tpu.vector_load_idx %arg7[%add3A_556, %add3A_536] : memref<64x512xf32, #tpu.memory_space<vmem>>[vector<16xi32>, vector<16xi32>], vector<16xf32>,
      %add3A_558 = arith.constant 32 : i32
      %add3A_559 = vector.broadcast %add3A_558 : i32 to vector<16xi32>
      %add3A_560 = arith.addi %iota3A_489, %add3A_559 : vector<16xi32>
      tpu.vector_store_idx %arg8[%add3A_560, %broadcast_in_dim3A_539], %gather3A_557 : memref<64x384xf32, #tpu.memory_space<vmem>>[vector<16xi32>, vector<16xi32>], vector<16xf32>,
      %add3A_561 = arith.constant 48 : i32
      %add3A_562 = vector.broadcast %add3A_561 : i32 to vector<16xi32>
      %add3A_563 = arith.addi %iota3A_489, %add3A_562 : vector<16xi32>
      %gather3A_564 = tpu.vector_load_idx %arg7[%add3A_563, %add3A_536] : memref<64x512xf32, #tpu.memory_space<vmem>>[vector<16xi32>, vector<16xi32>], vector<16xf32>,
      %add3A_565 = arith.constant 48 : i32
      %add3A_566 = vector.broadcast %add3A_565 : i32 to vector<16xi32>
      %add3A_567 = arith.addi %iota3A_489, %add3A_566 : vector<16xi32>
      tpu.vector_store_idx %arg8[%add3A_567, %broadcast_in_dim3A_539], %gather3A_564 : memref<64x384xf32, #tpu.memory_space<vmem>>[vector<16xi32>, vector<16xi32>], vector<16xf32>,
      %slice3A_568 = vector.extract_strided_slice %while3A_99 {offsets = [6], sizes = [1], strides = [1]} : vector<16xi32> to vector<1xi32>
      %squeeze3A_569 = vector.extract %slice3A_568[0] : i32 from vector<1xi32>
      %and3A_570 = arith.constant 127 : i32
      %and3A_571 = arith.andi %squeeze3A_569, %and3A_570 : i32
      %broadcast_in_dim3A_572 = arith.constant 256 : i32
      %broadcast_in_dim3A_573 = vector.broadcast %broadcast_in_dim3A_572 : i32 to vector<16xi32>
      %add3A_574 = vector.broadcast %and3A_571 : i32 to vector<16xi32>
      %add3A_575 = arith.addi %broadcast_in_dim3A_573, %add3A_574 : vector<16xi32>
      %add3A_576 = arith.constant 2 : i32
      %add3A_577 = arith.addi %add3A_488, %add3A_576 : i32
      %broadcast_in_dim3A_578 = vector.broadcast %add3A_577 : i32 to vector<16xi32>
      %add3A_579 = arith.constant 0 : i32
      %add3A_580 = vector.broadcast %add3A_579 : i32 to vector<16xi32>
      %add3A_581 = arith.addi %iota3A_489, %add3A_580 : vector<16xi32>
      %gather3A_582 = tpu.vector_load_idx %arg7[%add3A_581, %add3A_575] : memref<64x512xf32, #tpu.memory_space<vmem>>[vector<16xi32>, vector<16xi32>], vector<16xf32>,
      %add3A_583 = arith.constant 0 : i32
      %add3A_584 = vector.broadcast %add3A_583 : i32 to vector<16xi32>
      %add3A_585 = arith.addi %iota3A_489, %add3A_584 : vector<16xi32>
      tpu.vector_store_idx %arg8[%add3A_585, %broadcast_in_dim3A_578], %gather3A_582 : memref<64x384xf32, #tpu.memory_space<vmem>>[vector<16xi32>, vector<16xi32>], vector<16xf32>,
      %add3A_586 = arith.constant 16 : i32
      %add3A_587 = vector.broadcast %add3A_586 : i32 to vector<16xi32>
      %add3A_588 = arith.addi %iota3A_489, %add3A_587 : vector<16xi32>
      %gather3A_589 = tpu.vector_load_idx %arg7[%add3A_588, %add3A_575] : memref<64x512xf32, #tpu.memory_space<vmem>>[vector<16xi32>, vector<16xi32>], vector<16xf32>,
      %add3A_590 = arith.constant 16 : i32
      %add3A_591 = vector.broadcast %add3A_590 : i32 to vector<16xi32>
      %add3A_592 = arith.addi %iota3A_489, %add3A_591 : vector<16xi32>
      tpu.vector_store_idx %arg8[%add3A_592, %broadcast_in_dim3A_578], %gather3A_589 : memref<64x384xf32, #tpu.memory_space<vmem>>[vector<16xi32>, vector<16xi32>], vector<16xf32>,
      %add3A_593 = arith.constant 32 : i32
      %add3A_594 = vector.broadcast %add3A_593 : i32 to vector<16xi32>
      %add3A_595 = arith.addi %iota3A_489, %add3A_594 : vector<16xi32>
      %gather3A_596 = tpu.vector_load_idx %arg7[%add3A_595, %add3A_575] : memref<64x512xf32, #tpu.memory_space<vmem>>[vector<16xi32>, vector<16xi32>], vector<16xf32>,
      %add3A_597 = arith.constant 32 : i32
      %add3A_598 = vector.broadcast %add3A_597 : i32 to vector<16xi32>
      %add3A_599 = arith.addi %iota3A_489, %add3A_598 : vector<16xi32>
      tpu.vector_store_idx %arg8[%add3A_599, %broadcast_in_dim3A_578], %gather3A_596 : memref<64x384xf32, #tpu.memory_space<vmem>>[vector<16xi32>, vector<16xi32>], vector<16xf32>,
      %add3A_600 = arith.constant 48 : i32
      %add3A_601 = vector.broadcast %add3A_600 : i32 to vector<16xi32>
      %add3A_602 = arith.addi %iota3A_489, %add3A_601 : vector<16xi32>
      %gather3A_603 = tpu.vector_load_idx %arg7[%add3A_602, %add3A_575] : memref<64x512xf32, #tpu.memory_space<vmem>>[vector<16xi32>, vector<16xi32>], vector<16xf32>,
      %add3A_604 = arith.constant 48 : i32
      %add3A_605 = vector.broadcast %add3A_604 : i32 to vector<16xi32>
      %add3A_606 = arith.addi %iota3A_489, %add3A_605 : vector<16xi32>
      tpu.vector_store_idx %arg8[%add3A_606, %broadcast_in_dim3A_578], %gather3A_603 : memref<64x384xf32, #tpu.memory_space<vmem>>[vector<16xi32>, vector<16xi32>], vector<16xf32>,
      %slice3A_607 = vector.extract_strided_slice %while3A_99 {offsets = [7], sizes = [1], strides = [1]} : vector<16xi32> to vector<1xi32>
      %squeeze3A_608 = vector.extract %slice3A_607[0] : i32 from vector<1xi32>
      %and3A_609 = arith.constant 127 : i32
      %and3A_610 = arith.andi %squeeze3A_608, %and3A_609 : i32
      %broadcast_in_dim3A_611 = arith.constant 384 : i32
      %broadcast_in_dim3A_612 = vector.broadcast %broadcast_in_dim3A_611 : i32 to vector<16xi32>
      %add3A_613 = vector.broadcast %and3A_610 : i32 to vector<16xi32>
      %add3A_614 = arith.addi %broadcast_in_dim3A_612, %add3A_613 : vector<16xi32>
      %add3A_615 = arith.constant 3 : i32
      %add3A_616 = arith.addi %add3A_488, %add3A_615 : i32
      %broadcast_in_dim3A_617 = vector.broadcast %add3A_616 : i32 to vector<16xi32>
      %add3A_618 = arith.constant 0 : i32
      %add3A_619 = vector.broadcast %add3A_618 : i32 to vector<16xi32>
      %add3A_620 = arith.addi %iota3A_489, %add3A_619 : vector<16xi32>
      %gather3A_621 = tpu.vector_load_idx %arg7[%add3A_620, %add3A_614] : memref<64x512xf32, #tpu.memory_space<vmem>>[vector<16xi32>, vector<16xi32>], vector<16xf32>,
      %add3A_622 = arith.constant 0 : i32
      %add3A_623 = vector.broadcast %add3A_622 : i32 to vector<16xi32>
      %add3A_624 = arith.addi %iota3A_489, %add3A_623 : vector<16xi32>
      tpu.vector_store_idx %arg8[%add3A_624, %broadcast_in_dim3A_617], %gather3A_621 : memref<64x384xf32, #tpu.memory_space<vmem>>[vector<16xi32>, vector<16xi32>], vector<16xf32>,
      %add3A_625 = arith.constant 16 : i32
      %add3A_626 = vector.broadcast %add3A_625 : i32 to vector<16xi32>
      %add3A_627 = arith.addi %iota3A_489, %add3A_626 : vector<16xi32>
      %gather3A_628 = tpu.vector_load_idx %arg7[%add3A_627, %add3A_614] : memref<64x512xf32, #tpu.memory_space<vmem>>[vector<16xi32>, vector<16xi32>], vector<16xf32>,
      %add3A_629 = arith.constant 16 : i32
      %add3A_630 = vector.broadcast %add3A_629 : i32 to vector<16xi32>
      %add3A_631 = arith.addi %iota3A_489, %add3A_630 : vector<16xi32>
      tpu.vector_store_idx %arg8[%add3A_631, %broadcast_in_dim3A_617], %gather3A_628 : memref<64x384xf32, #tpu.memory_space<vmem>>[vector<16xi32>, vector<16xi32>], vector<16xf32>,
      %add3A_632 = arith.constant 32 : i32
      %add3A_633 = vector.broadcast %add3A_632 : i32 to vector<16xi32>
      %add3A_634 = arith.addi %iota3A_489, %add3A_633 : vector<16xi32>
      %gather3A_635 = tpu.vector_load_idx %arg7[%add3A_634, %add3A_614] : memref<64x512xf32, #tpu.memory_space<vmem>>[vector<16xi32>, vector<16xi32>], vector<16xf32>,
      %add3A_636 = arith.constant 32 : i32
      %add3A_637 = vector.broadcast %add3A_636 : i32 to vector<16xi32>
      %add3A_638 = arith.addi %iota3A_489, %add3A_637 : vector<16xi32>
      tpu.vector_store_idx %arg8[%add3A_638, %broadcast_in_dim3A_617], %gather3A_635 : memref<64x384xf32, #tpu.memory_space<vmem>>[vector<16xi32>, vector<16xi32>], vector<16xf32>,
      %add3A_639 = arith.constant 48 : i32
      %add3A_640 = vector.broadcast %add3A_639 : i32 to vector<16xi32>
      %add3A_641 = arith.addi %iota3A_489, %add3A_640 : vector<16xi32>
      %gather3A_642 = tpu.vector_load_idx %arg7[%add3A_641, %add3A_614] : memref<64x512xf32, #tpu.memory_space<vmem>>[vector<16xi32>, vector<16xi32>], vector<16xf32>,
      %add3A_643 = arith.constant 48 : i32
      %add3A_644 = vector.broadcast %add3A_643 : i32 to vector<16xi32>
      %add3A_645 = arith.addi %iota3A_489, %add3A_644 : vector<16xi32>
      tpu.vector_store_idx %arg8[%add3A_645, %broadcast_in_dim3A_617], %gather3A_642 : memref<64x384xf32, #tpu.memory_space<vmem>>[vector<16xi32>, vector<16xi32>], vector<16xf32>,
      %slice3A_646 = vector.extract_strided_slice %while3A_99 {offsets = [12], sizes = [1], strides = [1]} : vector<16xi32> to vector<1xi32>
      %squeeze3A_647 = vector.extract %slice3A_646[0] : i32 from vector<1xi32>
      %shift_right_arithmetic3A_648 = arith.constant 7 : i32
      %shift_right_arithmetic3A_649 = arith.shrsi %squeeze3A_647, %shift_right_arithmetic3A_648 : i32
      %shift_left3A_650 = arith.constant 7 : i32
      %shift_left3A_651 = arith.shli %shift_right_arithmetic3A_649, %shift_left3A_650 : i32
      %multiple_of3A_652 = tpu.assume_multiple %shift_left3A_651, 128 : i32
      %dma_start3A_653 = arith.constant 0 : i32
      %dma_start3A_654 = arith.constant 0 : i32
      %dma_start3A_655 = tpu.memref_slice %arg7[%dma_start3A_653, %dma_start3A_654] : memref<64x512xf32, #tpu.memory_space<vmem>> -> memref<64x128xf32, #tpu.memory_space<vmem>>
      %dma_start3A_656 = arith.constant 0 : i32
      %dma_start3A_657 = tpu.memref_slice %arg3[%dma_start3A_656, %multiple_of3A_652] : memref<64x1000000xf32, #tpu.memory_space<hbm>> -> memref<64x128xf32, #tpu.memory_space<hbm>>
      %dma_start3A_658 = arith.constant 0 : i32
      %dma_start3A_659 = arith.constant 0 : i32
      %dma_start3A_660 = tpu.memref_slice %arg7[%dma_start3A_658, %dma_start3A_659] : memref<64x512xf32, #tpu.memory_space<vmem>> -> memref<64x128xf32, #tpu.memory_space<vmem>>
      %dma_start3A_661 = arith.constant 0 : i32
      %dma_start3A_662 = tpu.memref_slice %arg3[%dma_start3A_661, %multiple_of3A_652] : memref<64x1000000xf32, #tpu.memory_space<hbm>> -> memref<64x128xf32, #tpu.memory_space<hbm>>
      tpu.enqueue_dma source(%dma_start3A_662 : memref<64x128xf32, #tpu.memory_space<hbm>>) target(%dma_start3A_660 : memref<64x128xf32, #tpu.memory_space<vmem>>) target_semaphore(%arg10 : memref<!tpu.dma_semaphore, #tpu.memory_space<semaphore_mem>>)
      %slice3A_663 = vector.extract_strided_slice %while3A_99 {offsets = [13], sizes = [1], strides = [1]} : vector<16xi32> to vector<1xi32>
      %squeeze3A_664 = vector.extract %slice3A_663[0] : i32 from vector<1xi32>
      %shift_right_arithmetic3A_665 = arith.constant 7 : i32
      %shift_right_arithmetic3A_666 = arith.shrsi %squeeze3A_664, %shift_right_arithmetic3A_665 : i32
      %shift_left3A_667 = arith.constant 7 : i32
      %shift_left3A_668 = arith.shli %shift_right_arithmetic3A_666, %shift_left3A_667 : i32
      %multiple_of3A_669 = tpu.assume_multiple %shift_left3A_668, 128 : i32
      %dma_start3A_670 = arith.constant 0 : i32
      %dma_start3A_671 = arith.constant 128 : i32
      %dma_start3A_672 = tpu.memref_slice %arg7[%dma_start3A_670, %dma_start3A_671] : memref<64x512xf32, #tpu.memory_space<vmem>> -> memref<64x128xf32, #tpu.memory_space<vmem>>
      %dma_start3A_673 = arith.constant 0 : i32
      %dma_start3A_674 = tpu.memref_slice %arg3[%dma_start3A_673, %multiple_of3A_669] : memref<64x1000000xf32, #tpu.memory_space<hbm>> -> memref<64x128xf32, #tpu.memory_space<hbm>>
      %dma_start3A_675 = arith.constant 0 : i32
      %dma_start3A_676 = arith.constant 128 : i32
      %dma_start3A_677 = tpu.memref_slice %arg7[%dma_start3A_675, %dma_start3A_676] : memref<64x512xf32, #tpu.memory_space<vmem>> -> memref<64x128xf32, #tpu.memory_space<vmem>>
      %dma_start3A_678 = arith.constant 0 : i32
      %dma_start3A_679 = tpu.memref_slice %arg3[%dma_start3A_678, %multiple_of3A_669] : memref<64x1000000xf32, #tpu.memory_space<hbm>> -> memref<64x128xf32, #tpu.memory_space<hbm>>
      tpu.enqueue_dma source(%dma_start3A_679 : memref<64x128xf32, #tpu.memory_space<hbm>>) target(%dma_start3A_677 : memref<64x128xf32, #tpu.memory_space<vmem>>) target_semaphore(%arg10 : memref<!tpu.dma_semaphore, #tpu.memory_space<semaphore_mem>>)
      %slice3A_680 = vector.extract_strided_slice %while3A_99 {offsets = [14], sizes = [1], strides = [1]} : vector<16xi32> to vector<1xi32>
      %squeeze3A_681 = vector.extract %slice3A_680[0] : i32 from vector<1xi32>
      %shift_right_arithmetic3A_682 = arith.constant 7 : i32
      %shift_right_arithmetic3A_683 = arith.shrsi %squeeze3A_681, %shift_right_arithmetic3A_682 : i32
      %shift_left3A_684 = arith.constant 7 : i32
      %shift_left3A_685 = arith.shli %shift_right_arithmetic3A_683, %shift_left3A_684 : i32
      %multiple_of3A_686 = tpu.assume_multiple %shift_left3A_685, 128 : i32
      %dma_start3A_687 = arith.constant 0 : i32
      %dma_start3A_688 = arith.constant 256 : i32
      %dma_start3A_689 = tpu.memref_slice %arg7[%dma_start3A_687, %dma_start3A_688] : memref<64x512xf32, #tpu.memory_space<vmem>> -> memref<64x128xf32, #tpu.memory_space<vmem>>
      %dma_start3A_690 = arith.constant 0 : i32
      %dma_start3A_691 = tpu.memref_slice %arg3[%dma_start3A_690, %multiple_of3A_686] : memref<64x1000000xf32, #tpu.memory_space<hbm>> -> memref<64x128xf32, #tpu.memory_space<hbm>>
      %dma_start3A_692 = arith.constant 0 : i32
      %dma_start3A_693 = arith.constant 256 : i32
      %dma_start3A_694 = tpu.memref_slice %arg7[%dma_start3A_692, %dma_start3A_693] : memref<64x512xf32, #tpu.memory_space<vmem>> -> memref<64x128xf32, #tpu.memory_space<vmem>>
      %dma_start3A_695 = arith.constant 0 : i32
      %dma_start3A_696 = tpu.memref_slice %arg3[%dma_start3A_695, %multiple_of3A_686] : memref<64x1000000xf32, #tpu.memory_space<hbm>> -> memref<64x128xf32, #tpu.memory_space<hbm>>
      tpu.enqueue_dma source(%dma_start3A_696 : memref<64x128xf32, #tpu.memory_space<hbm>>) target(%dma_start3A_694 : memref<64x128xf32, #tpu.memory_space<vmem>>) target_semaphore(%arg10 : memref<!tpu.dma_semaphore, #tpu.memory_space<semaphore_mem>>)
      %slice3A_697 = vector.extract_strided_slice %while3A_99 {offsets = [15], sizes = [1], strides = [1]} : vector<16xi32> to vector<1xi32>
      %squeeze3A_698 = vector.extract %slice3A_697[0] : i32 from vector<1xi32>
      %shift_right_arithmetic3A_699 = arith.constant 7 : i32
      %shift_right_arithmetic3A_700 = arith.shrsi %squeeze3A_698, %shift_right_arithmetic3A_699 : i32
      %shift_left3A_701 = arith.constant 7 : i32
      %shift_left3A_702 = arith.shli %shift_right_arithmetic3A_700, %shift_left3A_701 : i32
      %multiple_of3A_703 = tpu.assume_multiple %shift_left3A_702, 128 : i32
      %dma_start3A_704 = arith.constant 0 : i32
      %dma_start3A_705 = arith.constant 384 : i32
      %dma_start3A_706 = tpu.memref_slice %arg7[%dma_start3A_704, %dma_start3A_705] : memref<64x512xf32, #tpu.memory_space<vmem>> -> memref<64x128xf32, #tpu.memory_space<vmem>>
      %dma_start3A_707 = arith.constant 0 : i32
      %dma_start3A_708 = tpu.memref_slice %arg3[%dma_start3A_707, %multiple_of3A_703] : memref<64x1000000xf32, #tpu.memory_space<hbm>> -> memref<64x128xf32, #tpu.memory_space<hbm>>
      %dma_start3A_709 = arith.constant 0 : i32
      %dma_start3A_710 = arith.constant 384 : i32
      %dma_start3A_711 = tpu.memref_slice %arg7[%dma_start3A_709, %dma_start3A_710] : memref<64x512xf32, #tpu.memory_space<vmem>> -> memref<64x128xf32, #tpu.memory_space<vmem>>
      %dma_start3A_712 = arith.constant 0 : i32
      %dma_start3A_713 = tpu.memref_slice %arg3[%dma_start3A_712, %multiple_of3A_703] : memref<64x1000000xf32, #tpu.memory_space<hbm>> -> memref<64x128xf32, #tpu.memory_space<hbm>>
      tpu.enqueue_dma source(%dma_start3A_713 : memref<64x128xf32, #tpu.memory_space<hbm>>) target(%dma_start3A_711 : memref<64x128xf32, #tpu.memory_space<vmem>>) target_semaphore(%arg10 : memref<!tpu.dma_semaphore, #tpu.memory_space<semaphore_mem>>)
      %dma_wait3A_714 = arith.constant 0 : i32
      %dma_wait3A_715 = arith.constant 0 : i32
      %dma_wait3A_716 = tpu.memref_slice %arg6[%dma_wait3A_714, %dma_wait3A_715] : memref<64x512xf32, #tpu.memory_space<vmem>> -> memref<64x128xf32, #tpu.memory_space<vmem>>
      %dma_wait3A_717 = arith.constant 0 : i32
      %dma_wait3A_718 = arith.constant 0 : i32
      %dma_wait3A_719 = tpu.memref_slice %arg3[%dma_wait3A_717, %dma_wait3A_718] : memref<64x1000000xf32, #tpu.memory_space<hbm>> -> memref<64x128xf32, #tpu.memory_space<hbm>>
      %dma_wait3A_720 = arith.constant 0 : i32
      %dma_wait3A_721 = arith.constant 0 : i32
      %dma_wait3A_722 = tpu.memref_slice %arg6[%dma_wait3A_720, %dma_wait3A_721] : memref<64x512xf32, #tpu.memory_space<vmem>> -> memref<64x128xf32, #tpu.memory_space<vmem>>
      %dma_wait3A_723 = arith.constant 0 : i32
      %dma_wait3A_724 = arith.constant 0 : i32
      %dma_wait3A_725 = tpu.memref_slice %arg3[%dma_wait3A_723, %dma_wait3A_724] : memref<64x1000000xf32, #tpu.memory_space<hbm>> -> memref<64x128xf32, #tpu.memory_space<hbm>>
      tpu.wait_dma2 semaphore(%arg9 : memref<!tpu.dma_semaphore, #tpu.memory_space<semaphore_mem>>) src(%dma_wait3A_725 : memref<64x128xf32, #tpu.memory_space<hbm>>) dst(%dma_wait3A_722 : memref<64x128xf32, #tpu.memory_space<vmem>>)
      %dma_wait3A_726 = arith.constant 0 : i32
      %dma_wait3A_727 = arith.constant 128 : i32
      %dma_wait3A_728 = tpu.memref_slice %arg6[%dma_wait3A_726, %dma_wait3A_727] : memref<64x512xf32, #tpu.memory_space<vmem>> -> memref<64x128xf32, #tpu.memory_space<vmem>>
      %dma_wait3A_729 = arith.constant 0 : i32
      %dma_wait3A_730 = arith.constant 0 : i32
      %dma_wait3A_731 = tpu.memref_slice %arg3[%dma_wait3A_729, %dma_wait3A_730] : memref<64x1000000xf32, #tpu.memory_space<hbm>> -> memref<64x128xf32, #tpu.memory_space<hbm>>
      %dma_wait3A_732 = arith.constant 0 : i32
      %dma_wait3A_733 = arith.constant 128 : i32
      %dma_wait3A_734 = tpu.memref_slice %arg6[%dma_wait3A_732, %dma_wait3A_733] : memref<64x512xf32, #tpu.memory_space<vmem>> -> memref<64x128xf32, #tpu.memory_space<vmem>>
      %dma_wait3A_735 = arith.constant 0 : i32
      %dma_wait3A_736 = arith.constant 0 : i32
      %dma_wait3A_737 = tpu.memref_slice %arg3[%dma_wait3A_735, %dma_wait3A_736] : memref<64x1000000xf32, #tpu.memory_space<hbm>> -> memref<64x128xf32, #tpu.memory_space<hbm>>
      tpu.wait_dma2 semaphore(%arg9 : memref<!tpu.dma_semaphore, #tpu.memory_space<semaphore_mem>>) src(%dma_wait3A_737 : memref<64x128xf32, #tpu.memory_space<hbm>>) dst(%dma_wait3A_734 : memref<64x128xf32, #tpu.memory_space<vmem>>)
      %dma_wait3A_738 = arith.constant 0 : i32
      %dma_wait3A_739 = arith.constant 256 : i32
      %dma_wait3A_740 = tpu.memref_slice %arg6[%dma_wait3A_738, %dma_wait3A_739] : memref<64x512xf32, #tpu.memory_space<vmem>> -> memref<64x128xf32, #tpu.memory_space<vmem>>
      %dma_wait3A_741 = arith.constant 0 : i32
      %dma_wait3A_742 = arith.constant 0 : i32
      %dma_wait3A_743 = tpu.memref_slice %arg3[%dma_wait3A_741, %dma_wait3A_742] : memref<64x1000000xf32, #tpu.memory_space<hbm>> -> memref<64x128xf32, #tpu.memory_space<hbm>>
      %dma_wait3A_744 = arith.constant 0 : i32
      %dma_wait3A_745 = arith.constant 256 : i32
      %dma_wait3A_746 = tpu.memref_slice %arg6[%dma_wait3A_744, %dma_wait3A_745] : memref<64x512xf32, #tpu.memory_space<vmem>> -> memref<64x128xf32, #tpu.memory_space<vmem>>
      %dma_wait3A_747 = arith.constant 0 : i32
      %dma_wait3A_748 = arith.constant 0 : i32
      %dma_wait3A_749 = tpu.memref_slice %arg3[%dma_wait3A_747, %dma_wait3A_748] : memref<64x1000000xf32, #tpu.memory_space<hbm>> -> memref<64x128xf32, #tpu.memory_space<hbm>>
      tpu.wait_dma2 semaphore(%arg9 : memref<!tpu.dma_semaphore, #tpu.memory_space<semaphore_mem>>) src(%dma_wait3A_749 : memref<64x128xf32, #tpu.memory_space<hbm>>) dst(%dma_wait3A_746 : memref<64x128xf32, #tpu.memory_space<vmem>>)
      %dma_wait3A_750 = arith.constant 0 : i32
      %dma_wait3A_751 = arith.constant 384 : i32
      %dma_wait3A_752 = tpu.memref_slice %arg6[%dma_wait3A_750, %dma_wait3A_751] : memref<64x512xf32, #tpu.memory_space<vmem>> -> memref<64x128xf32, #tpu.memory_space<vmem>>
      %dma_wait3A_753 = arith.constant 0 : i32
      %dma_wait3A_754 = arith.constant 0 : i32
      %dma_wait3A_755 = tpu.memref_slice %arg3[%dma_wait3A_753, %dma_wait3A_754] : memref<64x1000000xf32, #tpu.memory_space<hbm>> -> memref<64x128xf32, #tpu.memory_space<hbm>>
      %dma_wait3A_756 = arith.constant 0 : i32
      %dma_wait3A_757 = arith.constant 384 : i32
      %dma_wait3A_758 = tpu.memref_slice %arg6[%dma_wait3A_756, %dma_wait3A_757] : memref<64x512xf32, #tpu.memory_space<vmem>> -> memref<64x128xf32, #tpu.memory_space<vmem>>
      %dma_wait3A_759 = arith.constant 0 : i32
      %dma_wait3A_760 = arith.constant 0 : i32
      %dma_wait3A_761 = tpu.memref_slice %arg3[%dma_wait3A_759, %dma_wait3A_760] : memref<64x1000000xf32, #tpu.memory_space<hbm>> -> memref<64x128xf32, #tpu.memory_space<hbm>>
      tpu.wait_dma2 semaphore(%arg9 : memref<!tpu.dma_semaphore, #tpu.memory_space<semaphore_mem>>) src(%dma_wait3A_761 : memref<64x128xf32, #tpu.memory_space<hbm>>) dst(%dma_wait3A_758 : memref<64x128xf32, #tpu.memory_space<vmem>>)
      %add3A_762 = arith.constant 8 : i32
      %add3A_763 = arith.addi %mul3A_101, %add3A_762 : i32
      %iota3A_764 = tpu.iota {dimensions = array<i32: 0>} : vector<16xi32>
      %slice3A_765 = vector.extract_strided_slice %while3A_99 {offsets = [8], sizes = [1], strides = [1]} : vector<16xi32> to vector<1xi32>
      %squeeze3A_766 = vector.extract %slice3A_765[0] : i32 from vector<1xi32>
      %and3A_767 = arith.constant 127 : i32
      %and3A_768 = arith.andi %squeeze3A_766, %and3A_767 : i32
      %broadcast_in_dim3A_769 = arith.constant 0 : i32
      %broadcast_in_dim3A_770 = vector.broadcast %broadcast_in_dim3A_769 : i32 to vector<16xi32>
      %add3A_771 = vector.broadcast %and3A_768 : i32 to vector<16xi32>
      %add3A_772 = arith.addi %broadcast_in_dim3A_770, %add3A_771 : vector<16xi32>
      %add3A_773 = arith.constant 0 : i32
      %add3A_774 = arith.addi %add3A_763, %add3A_773 : i32
      %broadcast_in_dim3A_775 = vector.broadcast %add3A_774 : i32 to vector<16xi32>
      %add3A_776 = arith.constant 0 : i32
      %add3A_777 = vector.broadcast %add3A_776 : i32 to vector<16xi32>
      %add3A_778 = arith.addi %iota3A_764, %add3A_777 : vector<16xi32>
      %gather3A_779 = tpu.vector_load_idx %arg6[%add3A_778, %add3A_772] : memref<64x512xf32, #tpu.memory_space<vmem>>[vector<16xi32>, vector<16xi32>], vector<16xf32>,
      %add3A_780 = arith.constant 0 : i32
      %add3A_781 = vector.broadcast %add3A_780 : i32 to vector<16xi32>
      %add3A_782 = arith.addi %iota3A_764, %add3A_781 : vector<16xi32>
      tpu.vector_store_idx %arg8[%add3A_782, %broadcast_in_dim3A_775], %gather3A_779 : memref<64x384xf32, #tpu.memory_space<vmem>>[vector<16xi32>, vector<16xi32>], vector<16xf32>,
      %add3A_783 = arith.constant 16 : i32
      %add3A_784 = vector.broadcast %add3A_783 : i32 to vector<16xi32>
      %add3A_785 = arith.addi %iota3A_764, %add3A_784 : vector<16xi32>
      %gather3A_786 = tpu.vector_load_idx %arg6[%add3A_785, %add3A_772] : memref<64x512xf32, #tpu.memory_space<vmem>>[vector<16xi32>, vector<16xi32>], vector<16xf32>,
      %add3A_787 = arith.constant 16 : i32
      %add3A_788 = vector.broadcast %add3A_787 : i32 to vector<16xi32>
      %add3A_789 = arith.addi %iota3A_764, %add3A_788 : vector<16xi32>
      tpu.vector_store_idx %arg8[%add3A_789, %broadcast_in_dim3A_775], %gather3A_786 : memref<64x384xf32, #tpu.memory_space<vmem>>[vector<16xi32>, vector<16xi32>], vector<16xf32>,
      %add3A_790 = arith.constant 32 : i32
      %add3A_791 = vector.broadcast %add3A_790 : i32 to vector<16xi32>
      %add3A_792 = arith.addi %iota3A_764, %add3A_791 : vector<16xi32>
      %gather3A_793 = tpu.vector_load_idx %arg6[%add3A_792, %add3A_772] : memref<64x512xf32, #tpu.memory_space<vmem>>[vector<16xi32>, vector<16xi32>], vector<16xf32>,
      %add3A_794 = arith.constant 32 : i32
      %add3A_795 = vector.broadcast %add3A_794 : i32 to vector<16xi32>
      %add3A_796 = arith.addi %iota3A_764, %add3A_795 : vector<16xi32>
      tpu.vector_store_idx %arg8[%add3A_796, %broadcast_in_dim3A_775], %gather3A_793 : memref<64x384xf32, #tpu.memory_space<vmem>>[vector<16xi32>, vector<16xi32>], vector<16xf32>,
      %add3A_797 = arith.constant 48 : i32
      %add3A_798 = vector.broadcast %add3A_797 : i32 to vector<16xi32>
      %add3A_799 = arith.addi %iota3A_764, %add3A_798 : vector<16xi32>
      %gather3A_800 = tpu.vector_load_idx %arg6[%add3A_799, %add3A_772] : memref<64x512xf32, #tpu.memory_space<vmem>>[vector<16xi32>, vector<16xi32>], vector<16xf32>,
      %add3A_801 = arith.constant 48 : i32
      %add3A_802 = vector.broadcast %add3A_801 : i32 to vector<16xi32>
      %add3A_803 = arith.addi %iota3A_764, %add3A_802 : vector<16xi32>
      tpu.vector_store_idx %arg8[%add3A_803, %broadcast_in_dim3A_775], %gather3A_800 : memref<64x384xf32, #tpu.memory_space<vmem>>[vector<16xi32>, vector<16xi32>], vector<16xf32>,
      %slice3A_804 = vector.extract_strided_slice %while3A_99 {offsets = [9], sizes = [1], strides = [1]} : vector<16xi32> to vector<1xi32>
      %squeeze3A_805 = vector.extract %slice3A_804[0] : i32 from vector<1xi32>
      %and3A_806 = arith.constant 127 : i32
      %and3A_807 = arith.andi %squeeze3A_805, %and3A_806 : i32
      %broadcast_in_dim3A_808 = arith.constant 128 : i32
      %broadcast_in_dim3A_809 = vector.broadcast %broadcast_in_dim3A_808 : i32 to vector<16xi32>
      %add3A_810 = vector.broadcast %and3A_807 : i32 to vector<16xi32>
      %add3A_811 = arith.addi %broadcast_in_dim3A_809, %add3A_810 : vector<16xi32>
      %add3A_812 = arith.constant 1 : i32
      %add3A_813 = arith.addi %add3A_763, %add3A_812 : i32
      %broadcast_in_dim3A_814 = vector.broadcast %add3A_813 : i32 to vector<16xi32>
      %add3A_815 = arith.constant 0 : i32
      %add3A_816 = vector.broadcast %add3A_815 : i32 to vector<16xi32>
      %add3A_817 = arith.addi %iota3A_764, %add3A_816 : vector<16xi32>
      %gather3A_818 = tpu.vector_load_idx %arg6[%add3A_817, %add3A_811] : memref<64x512xf32, #tpu.memory_space<vmem>>[vector<16xi32>, vector<16xi32>], vector<16xf32>,
      %add3A_819 = arith.constant 0 : i32
      %add3A_820 = vector.broadcast %add3A_819 : i32 to vector<16xi32>
      %add3A_821 = arith.addi %iota3A_764, %add3A_820 : vector<16xi32>
      tpu.vector_store_idx %arg8[%add3A_821, %broadcast_in_dim3A_814], %gather3A_818 : memref<64x384xf32, #tpu.memory_space<vmem>>[vector<16xi32>, vector<16xi32>], vector<16xf32>,
      %add3A_822 = arith.constant 16 : i32
      %add3A_823 = vector.broadcast %add3A_822 : i32 to vector<16xi32>
      %add3A_824 = arith.addi %iota3A_764, %add3A_823 : vector<16xi32>
      %gather3A_825 = tpu.vector_load_idx %arg6[%add3A_824, %add3A_811] : memref<64x512xf32, #tpu.memory_space<vmem>>[vector<16xi32>, vector<16xi32>], vector<16xf32>,
      %add3A_826 = arith.constant 16 : i32
      %add3A_827 = vector.broadcast %add3A_826 : i32 to vector<16xi32>
      %add3A_828 = arith.addi %iota3A_764, %add3A_827 : vector<16xi32>
      tpu.vector_store_idx %arg8[%add3A_828, %broadcast_in_dim3A_814], %gather3A_825 : memref<64x384xf32, #tpu.memory_space<vmem>>[vector<16xi32>, vector<16xi32>], vector<16xf32>,
      %add3A_829 = arith.constant 32 : i32
      %add3A_830 = vector.broadcast %add3A_829 : i32 to vector<16xi32>
      %add3A_831 = arith.addi %iota3A_764, %add3A_830 : vector<16xi32>
      %gather3A_832 = tpu.vector_load_idx %arg6[%add3A_831, %add3A_811] : memref<64x512xf32, #tpu.memory_space<vmem>>[vector<16xi32>, vector<16xi32>], vector<16xf32>,
      %add3A_833 = arith.constant 32 : i32
      %add3A_834 = vector.broadcast %add3A_833 : i32 to vector<16xi32>
      %add3A_835 = arith.addi %iota3A_764, %add3A_834 : vector<16xi32>
      tpu.vector_store_idx %arg8[%add3A_835, %broadcast_in_dim3A_814], %gather3A_832 : memref<64x384xf32, #tpu.memory_space<vmem>>[vector<16xi32>, vector<16xi32>], vector<16xf32>,
      %add3A_836 = arith.constant 48 : i32
      %add3A_837 = vector.broadcast %add3A_836 : i32 to vector<16xi32>
      %add3A_838 = arith.addi %iota3A_764, %add3A_837 : vector<16xi32>
      %gather3A_839 = tpu.vector_load_idx %arg6[%add3A_838, %add3A_811] : memref<64x512xf32, #tpu.memory_space<vmem>>[vector<16xi32>, vector<16xi32>], vector<16xf32>,
      %add3A_840 = arith.constant 48 : i32
      %add3A_841 = vector.broadcast %add3A_840 : i32 to vector<16xi32>
      %add3A_842 = arith.addi %iota3A_764, %add3A_841 : vector<16xi32>
      tpu.vector_store_idx %arg8[%add3A_842, %broadcast_in_dim3A_814], %gather3A_839 : memref<64x384xf32, #tpu.memory_space<vmem>>[vector<16xi32>, vector<16xi32>], vector<16xf32>,
      %slice3A_843 = vector.extract_strided_slice %while3A_99 {offsets = [10], sizes = [1], strides = [1]} : vector<16xi32> to vector<1xi32>
      %squeeze3A_844 = vector.extract %slice3A_843[0] : i32 from vector<1xi32>
      %and3A_845 = arith.constant 127 : i32
      %and3A_846 = arith.andi %squeeze3A_844, %and3A_845 : i32
      %broadcast_in_dim3A_847 = arith.constant 256 : i32
      %broadcast_in_dim3A_848 = vector.broadcast %broadcast_in_dim3A_847 : i32 to vector<16xi32>
      %add3A_849 = vector.broadcast %and3A_846 : i32 to vector<16xi32>
      %add3A_850 = arith.addi %broadcast_in_dim3A_848, %add3A_849 : vector<16xi32>
      %add3A_851 = arith.constant 2 : i32
      %add3A_852 = arith.addi %add3A_763, %add3A_851 : i32
      %broadcast_in_dim3A_853 = vector.broadcast %add3A_852 : i32 to vector<16xi32>
      %add3A_854 = arith.constant 0 : i32
      %add3A_855 = vector.broadcast %add3A_854 : i32 to vector<16xi32>
      %add3A_856 = arith.addi %iota3A_764, %add3A_855 : vector<16xi32>
      %gather3A_857 = tpu.vector_load_idx %arg6[%add3A_856, %add3A_850] : memref<64x512xf32, #tpu.memory_space<vmem>>[vector<16xi32>, vector<16xi32>], vector<16xf32>,
      %add3A_858 = arith.constant 0 : i32
      %add3A_859 = vector.broadcast %add3A_858 : i32 to vector<16xi32>
      %add3A_860 = arith.addi %iota3A_764, %add3A_859 : vector<16xi32>
      tpu.vector_store_idx %arg8[%add3A_860, %broadcast_in_dim3A_853], %gather3A_857 : memref<64x384xf32, #tpu.memory_space<vmem>>[vector<16xi32>, vector<16xi32>], vector<16xf32>,
      %add3A_861 = arith.constant 16 : i32
      %add3A_862 = vector.broadcast %add3A_861 : i32 to vector<16xi32>
      %add3A_863 = arith.addi %iota3A_764, %add3A_862 : vector<16xi32>
      %gather3A_864 = tpu.vector_load_idx %arg6[%add3A_863, %add3A_850] : memref<64x512xf32, #tpu.memory_space<vmem>>[vector<16xi32>, vector<16xi32>], vector<16xf32>,
      %add3A_865 = arith.constant 16 : i32
      %add3A_866 = vector.broadcast %add3A_865 : i32 to vector<16xi32>
      %add3A_867 = arith.addi %iota3A_764, %add3A_866 : vector<16xi32>
      tpu.vector_store_idx %arg8[%add3A_867, %broadcast_in_dim3A_853], %gather3A_864 : memref<64x384xf32, #tpu.memory_space<vmem>>[vector<16xi32>, vector<16xi32>], vector<16xf32>,
      %add3A_868 = arith.constant 32 : i32
      %add3A_869 = vector.broadcast %add3A_868 : i32 to vector<16xi32>
      %add3A_870 = arith.addi %iota3A_764, %add3A_869 : vector<16xi32>
      %gather3A_871 = tpu.vector_load_idx %arg6[%add3A_870, %add3A_850] : memref<64x512xf32, #tpu.memory_space<vmem>>[vector<16xi32>, vector<16xi32>], vector<16xf32>,
      %add3A_872 = arith.constant 32 : i32
      %add3A_873 = vector.broadcast %add3A_872 : i32 to vector<16xi32>
      %add3A_874 = arith.addi %iota3A_764, %add3A_873 : vector<16xi32>
      tpu.vector_store_idx %arg8[%add3A_874, %broadcast_in_dim3A_853], %gather3A_871 : memref<64x384xf32, #tpu.memory_space<vmem>>[vector<16xi32>, vector<16xi32>], vector<16xf32>,
      %add3A_875 = arith.constant 48 : i32
      %add3A_876 = vector.broadcast %add3A_875 : i32 to vector<16xi32>
      %add3A_877 = arith.addi %iota3A_764, %add3A_876 : vector<16xi32>
      %gather3A_878 = tpu.vector_load_idx %arg6[%add3A_877, %add3A_850] : memref<64x512xf32, #tpu.memory_space<vmem>>[vector<16xi32>, vector<16xi32>], vector<16xf32>,
      %add3A_879 = arith.constant 48 : i32
      %add3A_880 = vector.broadcast %add3A_879 : i32 to vector<16xi32>
      %add3A_881 = arith.addi %iota3A_764, %add3A_880 : vector<16xi32>
      tpu.vector_store_idx %arg8[%add3A_881, %broadcast_in_dim3A_853], %gather3A_878 : memref<64x384xf32, #tpu.memory_space<vmem>>[vector<16xi32>, vector<16xi32>], vector<16xf32>,
      %slice3A_882 = vector.extract_strided_slice %while3A_99 {offsets = [11], sizes = [1], strides = [1]} : vector<16xi32> to vector<1xi32>
      %squeeze3A_883 = vector.extract %slice3A_882[0] : i32 from vector<1xi32>
      %and3A_884 = arith.constant 127 : i32
      %and3A_885 = arith.andi %squeeze3A_883, %and3A_884 : i32
      %broadcast_in_dim3A_886 = arith.constant 384 : i32
      %broadcast_in_dim3A_887 = vector.broadcast %broadcast_in_dim3A_886 : i32 to vector<16xi32>
      %add3A_888 = vector.broadcast %and3A_885 : i32 to vector<16xi32>
      %add3A_889 = arith.addi %broadcast_in_dim3A_887, %add3A_888 : vector<16xi32>
      %add3A_890 = arith.constant 3 : i32
      %add3A_891 = arith.addi %add3A_763, %add3A_890 : i32
      %broadcast_in_dim3A_892 = vector.broadcast %add3A_891 : i32 to vector<16xi32>
      %add3A_893 = arith.constant 0 : i32
      %add3A_894 = vector.broadcast %add3A_893 : i32 to vector<16xi32>
      %add3A_895 = arith.addi %iota3A_764, %add3A_894 : vector<16xi32>
      %gather3A_896 = tpu.vector_load_idx %arg6[%add3A_895, %add3A_889] : memref<64x512xf32, #tpu.memory_space<vmem>>[vector<16xi32>, vector<16xi32>], vector<16xf32>,
      %add3A_897 = arith.constant 0 : i32
      %add3A_898 = vector.broadcast %add3A_897 : i32 to vector<16xi32>
      %add3A_899 = arith.addi %iota3A_764, %add3A_898 : vector<16xi32>
      tpu.vector_store_idx %arg8[%add3A_899, %broadcast_in_dim3A_892], %gather3A_896 : memref<64x384xf32, #tpu.memory_space<vmem>>[vector<16xi32>, vector<16xi32>], vector<16xf32>,
      %add3A_900 = arith.constant 16 : i32
      %add3A_901 = vector.broadcast %add3A_900 : i32 to vector<16xi32>
      %add3A_902 = arith.addi %iota3A_764, %add3A_901 : vector<16xi32>
      %gather3A_903 = tpu.vector_load_idx %arg6[%add3A_902, %add3A_889] : memref<64x512xf32, #tpu.memory_space<vmem>>[vector<16xi32>, vector<16xi32>], vector<16xf32>,
      %add3A_904 = arith.constant 16 : i32
      %add3A_905 = vector.broadcast %add3A_904 : i32 to vector<16xi32>
      %add3A_906 = arith.addi %iota3A_764, %add3A_905 : vector<16xi32>
      tpu.vector_store_idx %arg8[%add3A_906, %broadcast_in_dim3A_892], %gather3A_903 : memref<64x384xf32, #tpu.memory_space<vmem>>[vector<16xi32>, vector<16xi32>], vector<16xf32>,
      %add3A_907 = arith.constant 32 : i32
      %add3A_908 = vector.broadcast %add3A_907 : i32 to vector<16xi32>
      %add3A_909 = arith.addi %iota3A_764, %add3A_908 : vector<16xi32>
      %gather3A_910 = tpu.vector_load_idx %arg6[%add3A_909, %add3A_889] : memref<64x512xf32, #tpu.memory_space<vmem>>[vector<16xi32>, vector<16xi32>], vector<16xf32>,
      %add3A_911 = arith.constant 32 : i32
      %add3A_912 = vector.broadcast %add3A_911 : i32 to vector<16xi32>
      %add3A_913 = arith.addi %iota3A_764, %add3A_912 : vector<16xi32>
      tpu.vector_store_idx %arg8[%add3A_913, %broadcast_in_dim3A_892], %gather3A_910 : memref<64x384xf32, #tpu.memory_space<vmem>>[vector<16xi32>, vector<16xi32>], vector<16xf32>,
      %add3A_914 = arith.constant 48 : i32
      %add3A_915 = vector.broadcast %add3A_914 : i32 to vector<16xi32>
      %add3A_916 = arith.addi %iota3A_764, %add3A_915 : vector<16xi32>
      %gather3A_917 = tpu.vector_load_idx %arg6[%add3A_916, %add3A_889] : memref<64x512xf32, #tpu.memory_space<vmem>>[vector<16xi32>, vector<16xi32>], vector<16xf32>,
      %add3A_918 = arith.constant 48 : i32
      %add3A_919 = vector.broadcast %add3A_918 : i32 to vector<16xi32>
      %add3A_920 = arith.addi %iota3A_764, %add3A_919 : vector<16xi32>
      tpu.vector_store_idx %arg8[%add3A_920, %broadcast_in_dim3A_892], %gather3A_917 : memref<64x384xf32, #tpu.memory_space<vmem>>[vector<16xi32>, vector<16xi32>], vector<16xf32>,
      %add3A_921 = arith.constant 1 : i32
      %add3A_922 = arith.addi %while3A_98, %add3A_921 : i32
      %mul3A_923 = arith.constant 16 : i32
      %mul3A_924 = arith.muli %add3A_922, %mul3A_923 : i32
      %get3A_925 = arith.index_cast %mul3A_924 : i32 to index
      %get3A_926 = tpu.vector_load %arg5[%get3A_925] {strides = array<i32>} : memref<400xi32, #tpu.memory_space<vmem>>, vector<16xi32>,
      %add3A_927 = arith.constant 1 : i32
      %add3A_928 = arith.addi %while3A_98, %add3A_927 : i32
      %lt3A_929 = arith.cmpi slt, %add3A_928, %mul3A_4 : i32
      %convert_element_type3A_930 = arith.extui %lt3A_929 : i1 to i32
      %cond3A_931 = arith.constant 0 : i32
      %cond3A_932 = arith.cmpi ne, %convert_element_type3A_930, %cond3A_931 : i32
      scf.if %cond3A_932 {
        %slice3A_1140 = vector.extract_strided_slice %get3A_926 {offsets = [0], sizes = [1], strides = [1]} : vector<16xi32> to vector<1xi32>
        %squeeze3A_1141 = vector.extract %slice3A_1140[0] : i32 from vector<1xi32>
        %shift_right_arithmetic3A_1142 = arith.constant 7 : i32
        %shift_right_arithmetic3A_1143 = arith.shrsi %squeeze3A_1141, %shift_right_arithmetic3A_1142 : i32
        %shift_left3A_1144 = arith.constant 7 : i32
        %shift_left3A_1145 = arith.shli %shift_right_arithmetic3A_1143, %shift_left3A_1144 : i32
        %multiple_of3A_1146 = tpu.assume_multiple %shift_left3A_1145, 128 : i32
        %dma_start3A_1147 = arith.constant 0 : i32
        %dma_start3A_1148 = arith.constant 0 : i32
        %dma_start3A_1149 = tpu.memref_slice %arg6[%dma_start3A_1147, %dma_start3A_1148] : memref<64x512xf32, #tpu.memory_space<vmem>> -> memref<64x128xf32, #tpu.memory_space<vmem>>
        %dma_start3A_1150 = arith.constant 0 : i32
        %dma_start3A_1151 = tpu.memref_slice %arg3[%dma_start3A_1150, %multiple_of3A_1146] : memref<64x1000000xf32, #tpu.memory_space<hbm>> -> memref<64x128xf32, #tpu.memory_space<hbm>>
        %dma_start3A_1152 = arith.constant 0 : i32
        %dma_start3A_1153 = arith.constant 0 : i32
        %dma_start3A_1154 = tpu.memref_slice %arg6[%dma_start3A_1152, %dma_start3A_1153] : memref<64x512xf32, #tpu.memory_space<vmem>> -> memref<64x128xf32, #tpu.memory_space<vmem>>
        %dma_start3A_1155 = arith.constant 0 : i32
        %dma_start3A_1156 = tpu.memref_slice %arg3[%dma_start3A_1155, %multiple_of3A_1146] : memref<64x1000000xf32, #tpu.memory_space<hbm>> -> memref<64x128xf32, #tpu.memory_space<hbm>>
        tpu.enqueue_dma source(%dma_start3A_1156 : memref<64x128xf32, #tpu.memory_space<hbm>>) target(%dma_start3A_1154 : memref<64x128xf32, #tpu.memory_space<vmem>>) target_semaphore(%arg9 : memref<!tpu.dma_semaphore, #tpu.memory_space<semaphore_mem>>)
        %slice3A_1157 = vector.extract_strided_slice %get3A_926 {offsets = [1], sizes = [1], strides = [1]} : vector<16xi32> to vector<1xi32>
        %squeeze3A_1158 = vector.extract %slice3A_1157[0] : i32 from vector<1xi32>
        %shift_right_arithmetic3A_1159 = arith.constant 7 : i32
        %shift_right_arithmetic3A_1160 = arith.shrsi %squeeze3A_1158, %shift_right_arithmetic3A_1159 : i32
        %shift_left3A_1161 = arith.constant 7 : i32
        %shift_left3A_1162 = arith.shli %shift_right_arithmetic3A_1160, %shift_left3A_1161 : i32
        %multiple_of3A_1163 = tpu.assume_multiple %shift_left3A_1162, 128 : i32
        %dma_start3A_1164 = arith.constant 0 : i32
        %dma_start3A_1165 = arith.constant 128 : i32
        %dma_start3A_1166 = tpu.memref_slice %arg6[%dma_start3A_1164, %dma_start3A_1165] : memref<64x512xf32, #tpu.memory_space<vmem>> -> memref<64x128xf32, #tpu.memory_space<vmem>>
        %dma_start3A_1167 = arith.constant 0 : i32
        %dma_start3A_1168 = tpu.memref_slice %arg3[%dma_start3A_1167, %multiple_of3A_1163] : memref<64x1000000xf32, #tpu.memory_space<hbm>> -> memref<64x128xf32, #tpu.memory_space<hbm>>
        %dma_start3A_1169 = arith.constant 0 : i32
        %dma_start3A_1170 = arith.constant 128 : i32
        %dma_start3A_1171 = tpu.memref_slice %arg6[%dma_start3A_1169, %dma_start3A_1170] : memref<64x512xf32, #tpu.memory_space<vmem>> -> memref<64x128xf32, #tpu.memory_space<vmem>>
        %dma_start3A_1172 = arith.constant 0 : i32
        %dma_start3A_1173 = tpu.memref_slice %arg3[%dma_start3A_1172, %multiple_of3A_1163] : memref<64x1000000xf32, #tpu.memory_space<hbm>> -> memref<64x128xf32, #tpu.memory_space<hbm>>
        tpu.enqueue_dma source(%dma_start3A_1173 : memref<64x128xf32, #tpu.memory_space<hbm>>) target(%dma_start3A_1171 : memref<64x128xf32, #tpu.memory_space<vmem>>) target_semaphore(%arg9 : memref<!tpu.dma_semaphore, #tpu.memory_space<semaphore_mem>>)
        %slice3A_1174 = vector.extract_strided_slice %get3A_926 {offsets = [2], sizes = [1], strides = [1]} : vector<16xi32> to vector<1xi32>
        %squeeze3A_1175 = vector.extract %slice3A_1174[0] : i32 from vector<1xi32>
        %shift_right_arithmetic3A_1176 = arith.constant 7 : i32
        %shift_right_arithmetic3A_1177 = arith.shrsi %squeeze3A_1175, %shift_right_arithmetic3A_1176 : i32
        %shift_left3A_1178 = arith.constant 7 : i32
        %shift_left3A_1179 = arith.shli %shift_right_arithmetic3A_1177, %shift_left3A_1178 : i32
        %multiple_of3A_1180 = tpu.assume_multiple %shift_left3A_1179, 128 : i32
        %dma_start3A_1181 = arith.constant 0 : i32
        %dma_start3A_1182 = arith.constant 256 : i32
        %dma_start3A_1183 = tpu.memref_slice %arg6[%dma_start3A_1181, %dma_start3A_1182] : memref<64x512xf32, #tpu.memory_space<vmem>> -> memref<64x128xf32, #tpu.memory_space<vmem>>
        %dma_start3A_1184 = arith.constant 0 : i32
        %dma_start3A_1185 = tpu.memref_slice %arg3[%dma_start3A_1184, %multiple_of3A_1180] : memref<64x1000000xf32, #tpu.memory_space<hbm>> -> memref<64x128xf32, #tpu.memory_space<hbm>>
        %dma_start3A_1186 = arith.constant 0 : i32
        %dma_start3A_1187 = arith.constant 256 : i32
        %dma_start3A_1188 = tpu.memref_slice %arg6[%dma_start3A_1186, %dma_start3A_1187] : memref<64x512xf32, #tpu.memory_space<vmem>> -> memref<64x128xf32, #tpu.memory_space<vmem>>
        %dma_start3A_1189 = arith.constant 0 : i32
        %dma_start3A_1190 = tpu.memref_slice %arg3[%dma_start3A_1189, %multiple_of3A_1180] : memref<64x1000000xf32, #tpu.memory_space<hbm>> -> memref<64x128xf32, #tpu.memory_space<hbm>>
        tpu.enqueue_dma source(%dma_start3A_1190 : memref<64x128xf32, #tpu.memory_space<hbm>>) target(%dma_start3A_1188 : memref<64x128xf32, #tpu.memory_space<vmem>>) target_semaphore(%arg9 : memref<!tpu.dma_semaphore, #tpu.memory_space<semaphore_mem>>)
        %slice3A_1191 = vector.extract_strided_slice %get3A_926 {offsets = [3], sizes = [1], strides = [1]} : vector<16xi32> to vector<1xi32>
        %squeeze3A_1192 = vector.extract %slice3A_1191[0] : i32 from vector<1xi32>
        %shift_right_arithmetic3A_1193 = arith.constant 7 : i32
        %shift_right_arithmetic3A_1194 = arith.shrsi %squeeze3A_1192, %shift_right_arithmetic3A_1193 : i32
        %shift_left3A_1195 = arith.constant 7 : i32
        %shift_left3A_1196 = arith.shli %shift_right_arithmetic3A_1194, %shift_left3A_1195 : i32
        %multiple_of3A_1197 = tpu.assume_multiple %shift_left3A_1196, 128 : i32
        %dma_start3A_1198 = arith.constant 0 : i32
        %dma_start3A_1199 = arith.constant 384 : i32
        %dma_start3A_1200 = tpu.memref_slice %arg6[%dma_start3A_1198, %dma_start3A_1199] : memref<64x512xf32, #tpu.memory_space<vmem>> -> memref<64x128xf32, #tpu.memory_space<vmem>>
        %dma_start3A_1201 = arith.constant 0 : i32
        %dma_start3A_1202 = tpu.memref_slice %arg3[%dma_start3A_1201, %multiple_of3A_1197] : memref<64x1000000xf32, #tpu.memory_space<hbm>> -> memref<64x128xf32, #tpu.memory_space<hbm>>
        %dma_start3A_1203 = arith.constant 0 : i32
        %dma_start3A_1204 = arith.constant 384 : i32
        %dma_start3A_1205 = tpu.memref_slice %arg6[%dma_start3A_1203, %dma_start3A_1204] : memref<64x512xf32, #tpu.memory_space<vmem>> -> memref<64x128xf32, #tpu.memory_space<vmem>>
        %dma_start3A_1206 = arith.constant 0 : i32
        %dma_start3A_1207 = tpu.memref_slice %arg3[%dma_start3A_1206, %multiple_of3A_1197] : memref<64x1000000xf32, #tpu.memory_space<hbm>> -> memref<64x128xf32, #tpu.memory_space<hbm>>
        tpu.enqueue_dma source(%dma_start3A_1207 : memref<64x128xf32, #tpu.memory_space<hbm>>) target(%dma_start3A_1205 : memref<64x128xf32, #tpu.memory_space<vmem>>) target_semaphore(%arg9 : memref<!tpu.dma_semaphore, #tpu.memory_space<semaphore_mem>>)
      } else {
      }
      %dma_wait3A_933 = arith.constant 0 : i32
      %dma_wait3A_934 = arith.constant 0 : i32
      %dma_wait3A_935 = tpu.memref_slice %arg7[%dma_wait3A_933, %dma_wait3A_934] : memref<64x512xf32, #tpu.memory_space<vmem>> -> memref<64x128xf32, #tpu.memory_space<vmem>>
      %dma_wait3A_936 = arith.constant 0 : i32
      %dma_wait3A_937 = arith.constant 0 : i32
      %dma_wait3A_938 = tpu.memref_slice %arg3[%dma_wait3A_936, %dma_wait3A_937] : memref<64x1000000xf32, #tpu.memory_space<hbm>> -> memref<64x128xf32, #tpu.memory_space<hbm>>
      %dma_wait3A_939 = arith.constant 0 : i32
      %dma_wait3A_940 = arith.constant 0 : i32
      %dma_wait3A_941 = tpu.memref_slice %arg7[%dma_wait3A_939, %dma_wait3A_940] : memref<64x512xf32, #tpu.memory_space<vmem>> -> memref<64x128xf32, #tpu.memory_space<vmem>>
      %dma_wait3A_942 = arith.constant 0 : i32
      %dma_wait3A_943 = arith.constant 0 : i32
      %dma_wait3A_944 = tpu.memref_slice %arg3[%dma_wait3A_942, %dma_wait3A_943] : memref<64x1000000xf32, #tpu.memory_space<hbm>> -> memref<64x128xf32, #tpu.memory_space<hbm>>
      tpu.wait_dma2 semaphore(%arg10 : memref<!tpu.dma_semaphore, #tpu.memory_space<semaphore_mem>>) src(%dma_wait3A_944 : memref<64x128xf32, #tpu.memory_space<hbm>>) dst(%dma_wait3A_941 : memref<64x128xf32, #tpu.memory_space<vmem>>)
      %dma_wait3A_945 = arith.constant 0 : i32
      %dma_wait3A_946 = arith.constant 128 : i32
      %dma_wait3A_947 = tpu.memref_slice %arg7[%dma_wait3A_945, %dma_wait3A_946] : memref<64x512xf32, #tpu.memory_space<vmem>> -> memref<64x128xf32, #tpu.memory_space<vmem>>
      %dma_wait3A_948 = arith.constant 0 : i32
      %dma_wait3A_949 = arith.constant 0 : i32
      %dma_wait3A_950 = tpu.memref_slice %arg3[%dma_wait3A_948, %dma_wait3A_949] : memref<64x1000000xf32, #tpu.memory_space<hbm>> -> memref<64x128xf32, #tpu.memory_space<hbm>>
      %dma_wait3A_951 = arith.constant 0 : i32
      %dma_wait3A_952 = arith.constant 128 : i32
      %dma_wait3A_953 = tpu.memref_slice %arg7[%dma_wait3A_951, %dma_wait3A_952] : memref<64x512xf32, #tpu.memory_space<vmem>> -> memref<64x128xf32, #tpu.memory_space<vmem>>
      %dma_wait3A_954 = arith.constant 0 : i32
      %dma_wait3A_955 = arith.constant 0 : i32
      %dma_wait3A_956 = tpu.memref_slice %arg3[%dma_wait3A_954, %dma_wait3A_955] : memref<64x1000000xf32, #tpu.memory_space<hbm>> -> memref<64x128xf32, #tpu.memory_space<hbm>>
      tpu.wait_dma2 semaphore(%arg10 : memref<!tpu.dma_semaphore, #tpu.memory_space<semaphore_mem>>) src(%dma_wait3A_956 : memref<64x128xf32, #tpu.memory_space<hbm>>) dst(%dma_wait3A_953 : memref<64x128xf32, #tpu.memory_space<vmem>>)
      %dma_wait3A_957 = arith.constant 0 : i32
      %dma_wait3A_958 = arith.constant 256 : i32
      %dma_wait3A_959 = tpu.memref_slice %arg7[%dma_wait3A_957, %dma_wait3A_958] : memref<64x512xf32, #tpu.memory_space<vmem>> -> memref<64x128xf32, #tpu.memory_space<vmem>>
      %dma_wait3A_960 = arith.constant 0 : i32
      %dma_wait3A_961 = arith.constant 0 : i32
      %dma_wait3A_962 = tpu.memref_slice %arg3[%dma_wait3A_960, %dma_wait3A_961] : memref<64x1000000xf32, #tpu.memory_space<hbm>> -> memref<64x128xf32, #tpu.memory_space<hbm>>
      %dma_wait3A_963 = arith.constant 0 : i32
      %dma_wait3A_964 = arith.constant 256 : i32
      %dma_wait3A_965 = tpu.memref_slice %arg7[%dma_wait3A_963, %dma_wait3A_964] : memref<64x512xf32, #tpu.memory_space<vmem>> -> memref<64x128xf32, #tpu.memory_space<vmem>>
      %dma_wait3A_966 = arith.constant 0 : i32
      %dma_wait3A_967 = arith.constant 0 : i32
      %dma_wait3A_968 = tpu.memref_slice %arg3[%dma_wait3A_966, %dma_wait3A_967] : memref<64x1000000xf32, #tpu.memory_space<hbm>> -> memref<64x128xf32, #tpu.memory_space<hbm>>
      tpu.wait_dma2 semaphore(%arg10 : memref<!tpu.dma_semaphore, #tpu.memory_space<semaphore_mem>>) src(%dma_wait3A_968 : memref<64x128xf32, #tpu.memory_space<hbm>>) dst(%dma_wait3A_965 : memref<64x128xf32, #tpu.memory_space<vmem>>)
      %dma_wait3A_969 = arith.constant 0 : i32
      %dma_wait3A_970 = arith.constant 384 : i32
      %dma_wait3A_971 = tpu.memref_slice %arg7[%dma_wait3A_969, %dma_wait3A_970] : memref<64x512xf32, #tpu.memory_space<vmem>> -> memref<64x128xf32, #tpu.memory_space<vmem>>
      %dma_wait3A_972 = arith.constant 0 : i32
      %dma_wait3A_973 = arith.constant 0 : i32
      %dma_wait3A_974 = tpu.memref_slice %arg3[%dma_wait3A_972, %dma_wait3A_973] : memref<64x1000000xf32, #tpu.memory_space<hbm>> -> memref<64x128xf32, #tpu.memory_space<hbm>>
      %dma_wait3A_975 = arith.constant 0 : i32
      %dma_wait3A_976 = arith.constant 384 : i32
      %dma_wait3A_977 = tpu.memref_slice %arg7[%dma_wait3A_975, %dma_wait3A_976] : memref<64x512xf32, #tpu.memory_space<vmem>> -> memref<64x128xf32, #tpu.memory_space<vmem>>
      %dma_wait3A_978 = arith.constant 0 : i32
      %dma_wait3A_979 = arith.constant 0 : i32
      %dma_wait3A_980 = tpu.memref_slice %arg3[%dma_wait3A_978, %dma_wait3A_979] : memref<64x1000000xf32, #tpu.memory_space<hbm>> -> memref<64x128xf32, #tpu.memory_space<hbm>>
      tpu.wait_dma2 semaphore(%arg10 : memref<!tpu.dma_semaphore, #tpu.memory_space<semaphore_mem>>) src(%dma_wait3A_980 : memref<64x128xf32, #tpu.memory_space<hbm>>) dst(%dma_wait3A_977 : memref<64x128xf32, #tpu.memory_space<vmem>>)
      %add3A_981 = arith.constant 12 : i32
      %add3A_982 = arith.addi %mul3A_101, %add3A_981 : i32
      %iota3A_983 = tpu.iota {dimensions = array<i32: 0>} : vector<16xi32>
      %slice3A_984 = vector.extract_strided_slice %while3A_99 {offsets = [12], sizes = [1], strides = [1]} : vector<16xi32> to vector<1xi32>
      %squeeze3A_985 = vector.extract %slice3A_984[0] : i32 from vector<1xi32>
      %and3A_986 = arith.constant 127 : i32
      %and3A_987 = arith.andi %squeeze3A_985, %and3A_986 : i32
      %broadcast_in_dim3A_988 = arith.constant 0 : i32
      %broadcast_in_dim3A_989 = vector.broadcast %broadcast_in_dim3A_988 : i32 to vector<16xi32>
      %add3A_990 = vector.broadcast %and3A_987 : i32 to vector<16xi32>
      %add3A_991 = arith.addi %broadcast_in_dim3A_989, %add3A_990 : vector<16xi32>
      %add3A_992 = arith.constant 0 : i32
      %add3A_993 = arith.addi %add3A_982, %add3A_992 : i32
      %broadcast_in_dim3A_994 = vector.broadcast %add3A_993 : i32 to vector<16xi32>
      %add3A_995 = arith.constant 0 : i32
      %add3A_996 = vector.broadcast %add3A_995 : i32 to vector<16xi32>
      %add3A_997 = arith.addi %iota3A_983, %add3A_996 : vector<16xi32>
      %gather3A_998 = tpu.vector_load_idx %arg7[%add3A_997, %add3A_991] : memref<64x512xf32, #tpu.memory_space<vmem>>[vector<16xi32>, vector<16xi32>], vector<16xf32>,
      %add3A_999 = arith.constant 0 : i32
      %add3A_1000 = vector.broadcast %add3A_999 : i32 to vector<16xi32>
      %add3A_1001 = arith.addi %iota3A_983, %add3A_1000 : vector<16xi32>
      tpu.vector_store_idx %arg8[%add3A_1001, %broadcast_in_dim3A_994], %gather3A_998 : memref<64x384xf32, #tpu.memory_space<vmem>>[vector<16xi32>, vector<16xi32>], vector<16xf32>,
      %add3A_1002 = arith.constant 16 : i32
      %add3A_1003 = vector.broadcast %add3A_1002 : i32 to vector<16xi32>
      %add3A_1004 = arith.addi %iota3A_983, %add3A_1003 : vector<16xi32>
      %gather3A_1005 = tpu.vector_load_idx %arg7[%add3A_1004, %add3A_991] : memref<64x512xf32, #tpu.memory_space<vmem>>[vector<16xi32>, vector<16xi32>], vector<16xf32>,
      %add3A_1006 = arith.constant 16 : i32
      %add3A_1007 = vector.broadcast %add3A_1006 : i32 to vector<16xi32>
      %add3A_1008 = arith.addi %iota3A_983, %add3A_1007 : vector<16xi32>
      tpu.vector_store_idx %arg8[%add3A_1008, %broadcast_in_dim3A_994], %gather3A_1005 : memref<64x384xf32, #tpu.memory_space<vmem>>[vector<16xi32>, vector<16xi32>], vector<16xf32>,
      %add3A_1009 = arith.constant 32 : i32
      %add3A_1010 = vector.broadcast %add3A_1009 : i32 to vector<16xi32>
      %add3A_1011 = arith.addi %iota3A_983, %add3A_1010 : vector<16xi32>
      %gather3A_1012 = tpu.vector_load_idx %arg7[%add3A_1011, %add3A_991] : memref<64x512xf32, #tpu.memory_space<vmem>>[vector<16xi32>, vector<16xi32>], vector<16xf32>,
      %add3A_1013 = arith.constant 32 : i32
      %add3A_1014 = vector.broadcast %add3A_1013 : i32 to vector<16xi32>
      %add3A_1015 = arith.addi %iota3A_983, %add3A_1014 : vector<16xi32>
      tpu.vector_store_idx %arg8[%add3A_1015, %broadcast_in_dim3A_994], %gather3A_1012 : memref<64x384xf32, #tpu.memory_space<vmem>>[vector<16xi32>, vector<16xi32>], vector<16xf32>,
      %add3A_1016 = arith.constant 48 : i32
      %add3A_1017 = vector.broadcast %add3A_1016 : i32 to vector<16xi32>
      %add3A_1018 = arith.addi %iota3A_983, %add3A_1017 : vector<16xi32>
      %gather3A_1019 = tpu.vector_load_idx %arg7[%add3A_1018, %add3A_991] : memref<64x512xf32, #tpu.memory_space<vmem>>[vector<16xi32>, vector<16xi32>], vector<16xf32>,
      %add3A_1020 = arith.constant 48 : i32
      %add3A_1021 = vector.broadcast %add3A_1020 : i32 to vector<16xi32>
      %add3A_1022 = arith.addi %iota3A_983, %add3A_1021 : vector<16xi32>
      tpu.vector_store_idx %arg8[%add3A_1022, %broadcast_in_dim3A_994], %gather3A_1019 : memref<64x384xf32, #tpu.memory_space<vmem>>[vector<16xi32>, vector<16xi32>], vector<16xf32>,
      %slice3A_1023 = vector.extract_strided_slice %while3A_99 {offsets = [13], sizes = [1], strides = [1]} : vector<16xi32> to vector<1xi32>
      %squeeze3A_1024 = vector.extract %slice3A_1023[0] : i32 from vector<1xi32>
      %and3A_1025 = arith.constant 127 : i32
      %and3A_1026 = arith.andi %squeeze3A_1024, %and3A_1025 : i32
      %broadcast_in_dim3A_1027 = arith.constant 128 : i32
      %broadcast_in_dim3A_1028 = vector.broadcast %broadcast_in_dim3A_1027 : i32 to vector<16xi32>
      %add3A_1029 = vector.broadcast %and3A_1026 : i32 to vector<16xi32>
      %add3A_1030 = arith.addi %broadcast_in_dim3A_1028, %add3A_1029 : vector<16xi32>
      %add3A_1031 = arith.constant 1 : i32
      %add3A_1032 = arith.addi %add3A_982, %add3A_1031 : i32
      %broadcast_in_dim3A_1033 = vector.broadcast %add3A_1032 : i32 to vector<16xi32>
      %add3A_1034 = arith.constant 0 : i32
      %add3A_1035 = vector.broadcast %add3A_1034 : i32 to vector<16xi32>
      %add3A_1036 = arith.addi %iota3A_983, %add3A_1035 : vector<16xi32>
      %gather3A_1037 = tpu.vector_load_idx %arg7[%add3A_1036, %add3A_1030] : memref<64x512xf32, #tpu.memory_space<vmem>>[vector<16xi32>, vector<16xi32>], vector<16xf32>,
      %add3A_1038 = arith.constant 0 : i32
      %add3A_1039 = vector.broadcast %add3A_1038 : i32 to vector<16xi32>
      %add3A_1040 = arith.addi %iota3A_983, %add3A_1039 : vector<16xi32>
      tpu.vector_store_idx %arg8[%add3A_1040, %broadcast_in_dim3A_1033], %gather3A_1037 : memref<64x384xf32, #tpu.memory_space<vmem>>[vector<16xi32>, vector<16xi32>], vector<16xf32>,
      %add3A_1041 = arith.constant 16 : i32
      %add3A_1042 = vector.broadcast %add3A_1041 : i32 to vector<16xi32>
      %add3A_1043 = arith.addi %iota3A_983, %add3A_1042 : vector<16xi32>
      %gather3A_1044 = tpu.vector_load_idx %arg7[%add3A_1043, %add3A_1030] : memref<64x512xf32, #tpu.memory_space<vmem>>[vector<16xi32>, vector<16xi32>], vector<16xf32>,
      %add3A_1045 = arith.constant 16 : i32
      %add3A_1046 = vector.broadcast %add3A_1045 : i32 to vector<16xi32>
      %add3A_1047 = arith.addi %iota3A_983, %add3A_1046 : vector<16xi32>
      tpu.vector_store_idx %arg8[%add3A_1047, %broadcast_in_dim3A_1033], %gather3A_1044 : memref<64x384xf32, #tpu.memory_space<vmem>>[vector<16xi32>, vector<16xi32>], vector<16xf32>,
      %add3A_1048 = arith.constant 32 : i32
      %add3A_1049 = vector.broadcast %add3A_1048 : i32 to vector<16xi32>
      %add3A_1050 = arith.addi %iota3A_983, %add3A_1049 : vector<16xi32>
      %gather3A_1051 = tpu.vector_load_idx %arg7[%add3A_1050, %add3A_1030] : memref<64x512xf32, #tpu.memory_space<vmem>>[vector<16xi32>, vector<16xi32>], vector<16xf32>,
      %add3A_1052 = arith.constant 32 : i32
      %add3A_1053 = vector.broadcast %add3A_1052 : i32 to vector<16xi32>
      %add3A_1054 = arith.addi %iota3A_983, %add3A_1053 : vector<16xi32>
      tpu.vector_store_idx %arg8[%add3A_1054, %broadcast_in_dim3A_1033], %gather3A_1051 : memref<64x384xf32, #tpu.memory_space<vmem>>[vector<16xi32>, vector<16xi32>], vector<16xf32>,
      %add3A_1055 = arith.constant 48 : i32
      %add3A_1056 = vector.broadcast %add3A_1055 : i32 to vector<16xi32>
      %add3A_1057 = arith.addi %iota3A_983, %add3A_1056 : vector<16xi32>
      %gather3A_1058 = tpu.vector_load_idx %arg7[%add3A_1057, %add3A_1030] : memref<64x512xf32, #tpu.memory_space<vmem>>[vector<16xi32>, vector<16xi32>], vector<16xf32>,
      %add3A_1059 = arith.constant 48 : i32
      %add3A_1060 = vector.broadcast %add3A_1059 : i32 to vector<16xi32>
      %add3A_1061 = arith.addi %iota3A_983, %add3A_1060 : vector<16xi32>
      tpu.vector_store_idx %arg8[%add3A_1061, %broadcast_in_dim3A_1033], %gather3A_1058 : memref<64x384xf32, #tpu.memory_space<vmem>>[vector<16xi32>, vector<16xi32>], vector<16xf32>,
      %slice3A_1062 = vector.extract_strided_slice %while3A_99 {offsets = [14], sizes = [1], strides = [1]} : vector<16xi32> to vector<1xi32>
      %squeeze3A_1063 = vector.extract %slice3A_1062[0] : i32 from vector<1xi32>
      %and3A_1064 = arith.constant 127 : i32
      %and3A_1065 = arith.andi %squeeze3A_1063, %and3A_1064 : i32
      %broadcast_in_dim3A_1066 = arith.constant 256 : i32
      %broadcast_in_dim3A_1067 = vector.broadcast %broadcast_in_dim3A_1066 : i32 to vector<16xi32>
      %add3A_1068 = vector.broadcast %and3A_1065 : i32 to vector<16xi32>
      %add3A_1069 = arith.addi %broadcast_in_dim3A_1067, %add3A_1068 : vector<16xi32>
      %add3A_1070 = arith.constant 2 : i32
      %add3A_1071 = arith.addi %add3A_982, %add3A_1070 : i32
      %broadcast_in_dim3A_1072 = vector.broadcast %add3A_1071 : i32 to vector<16xi32>
      %add3A_1073 = arith.constant 0 : i32
      %add3A_1074 = vector.broadcast %add3A_1073 : i32 to vector<16xi32>
      %add3A_1075 = arith.addi %iota3A_983, %add3A_1074 : vector<16xi32>
      %gather3A_1076 = tpu.vector_load_idx %arg7[%add3A_1075, %add3A_1069] : memref<64x512xf32, #tpu.memory_space<vmem>>[vector<16xi32>, vector<16xi32>], vector<16xf32>,
      %add3A_1077 = arith.constant 0 : i32
      %add3A_1078 = vector.broadcast %add3A_1077 : i32 to vector<16xi32>
      %add3A_1079 = arith.addi %iota3A_983, %add3A_1078 : vector<16xi32>
      tpu.vector_store_idx %arg8[%add3A_1079, %broadcast_in_dim3A_1072], %gather3A_1076 : memref<64x384xf32, #tpu.memory_space<vmem>>[vector<16xi32>, vector<16xi32>], vector<16xf32>,
      %add3A_1080 = arith.constant 16 : i32
      %add3A_1081 = vector.broadcast %add3A_1080 : i32 to vector<16xi32>
      %add3A_1082 = arith.addi %iota3A_983, %add3A_1081 : vector<16xi32>
      %gather3A_1083 = tpu.vector_load_idx %arg7[%add3A_1082, %add3A_1069] : memref<64x512xf32, #tpu.memory_space<vmem>>[vector<16xi32>, vector<16xi32>], vector<16xf32>,
      %add3A_1084 = arith.constant 16 : i32
      %add3A_1085 = vector.broadcast %add3A_1084 : i32 to vector<16xi32>
      %add3A_1086 = arith.addi %iota3A_983, %add3A_1085 : vector<16xi32>
      tpu.vector_store_idx %arg8[%add3A_1086, %broadcast_in_dim3A_1072], %gather3A_1083 : memref<64x384xf32, #tpu.memory_space<vmem>>[vector<16xi32>, vector<16xi32>], vector<16xf32>,
      %add3A_1087 = arith.constant 32 : i32
      %add3A_1088 = vector.broadcast %add3A_1087 : i32 to vector<16xi32>
      %add3A_1089 = arith.addi %iota3A_983, %add3A_1088 : vector<16xi32>
      %gather3A_1090 = tpu.vector_load_idx %arg7[%add3A_1089, %add3A_1069] : memref<64x512xf32, #tpu.memory_space<vmem>>[vector<16xi32>, vector<16xi32>], vector<16xf32>,
      %add3A_1091 = arith.constant 32 : i32
      %add3A_1092 = vector.broadcast %add3A_1091 : i32 to vector<16xi32>
      %add3A_1093 = arith.addi %iota3A_983, %add3A_1092 : vector<16xi32>
      tpu.vector_store_idx %arg8[%add3A_1093, %broadcast_in_dim3A_1072], %gather3A_1090 : memref<64x384xf32, #tpu.memory_space<vmem>>[vector<16xi32>, vector<16xi32>], vector<16xf32>,
      %add3A_1094 = arith.constant 48 : i32
      %add3A_1095 = vector.broadcast %add3A_1094 : i32 to vector<16xi32>
      %add3A_1096 = arith.addi %iota3A_983, %add3A_1095 : vector<16xi32>
      %gather3A_1097 = tpu.vector_load_idx %arg7[%add3A_1096, %add3A_1069] : memref<64x512xf32, #tpu.memory_space<vmem>>[vector<16xi32>, vector<16xi32>], vector<16xf32>,
      %add3A_1098 = arith.constant 48 : i32
      %add3A_1099 = vector.broadcast %add3A_1098 : i32 to vector<16xi32>
      %add3A_1100 = arith.addi %iota3A_983, %add3A_1099 : vector<16xi32>
      tpu.vector_store_idx %arg8[%add3A_1100, %broadcast_in_dim3A_1072], %gather3A_1097 : memref<64x384xf32, #tpu.memory_space<vmem>>[vector<16xi32>, vector<16xi32>], vector<16xf32>,
      %slice3A_1101 = vector.extract_strided_slice %while3A_99 {offsets = [15], sizes = [1], strides = [1]} : vector<16xi32> to vector<1xi32>
      %squeeze3A_1102 = vector.extract %slice3A_1101[0] : i32 from vector<1xi32>
      %and3A_1103 = arith.constant 127 : i32
      %and3A_1104 = arith.andi %squeeze3A_1102, %and3A_1103 : i32
      %broadcast_in_dim3A_1105 = arith.constant 384 : i32
      %broadcast_in_dim3A_1106 = vector.broadcast %broadcast_in_dim3A_1105 : i32 to vector<16xi32>
      %add3A_1107 = vector.broadcast %and3A_1104 : i32 to vector<16xi32>
      %add3A_1108 = arith.addi %broadcast_in_dim3A_1106, %add3A_1107 : vector<16xi32>
      %add3A_1109 = arith.constant 3 : i32
      %add3A_1110 = arith.addi %add3A_982, %add3A_1109 : i32
      %broadcast_in_dim3A_1111 = vector.broadcast %add3A_1110 : i32 to vector<16xi32>
      %add3A_1112 = arith.constant 0 : i32
      %add3A_1113 = vector.broadcast %add3A_1112 : i32 to vector<16xi32>
      %add3A_1114 = arith.addi %iota3A_983, %add3A_1113 : vector<16xi32>
      %gather3A_1115 = tpu.vector_load_idx %arg7[%add3A_1114, %add3A_1108] : memref<64x512xf32, #tpu.memory_space<vmem>>[vector<16xi32>, vector<16xi32>], vector<16xf32>,
      %add3A_1116 = arith.constant 0 : i32
      %add3A_1117 = vector.broadcast %add3A_1116 : i32 to vector<16xi32>
      %add3A_1118 = arith.addi %iota3A_983, %add3A_1117 : vector<16xi32>
      tpu.vector_store_idx %arg8[%add3A_1118, %broadcast_in_dim3A_1111], %gather3A_1115 : memref<64x384xf32, #tpu.memory_space<vmem>>[vector<16xi32>, vector<16xi32>], vector<16xf32>,
      %add3A_1119 = arith.constant 16 : i32
      %add3A_1120 = vector.broadcast %add3A_1119 : i32 to vector<16xi32>
      %add3A_1121 = arith.addi %iota3A_983, %add3A_1120 : vector<16xi32>
      %gather3A_1122 = tpu.vector_load_idx %arg7[%add3A_1121, %add3A_1108] : memref<64x512xf32, #tpu.memory_space<vmem>>[vector<16xi32>, vector<16xi32>], vector<16xf32>,
      %add3A_1123 = arith.constant 16 : i32
      %add3A_1124 = vector.broadcast %add3A_1123 : i32 to vector<16xi32>
      %add3A_1125 = arith.addi %iota3A_983, %add3A_1124 : vector<16xi32>
      tpu.vector_store_idx %arg8[%add3A_1125, %broadcast_in_dim3A_1111], %gather3A_1122 : memref<64x384xf32, #tpu.memory_space<vmem>>[vector<16xi32>, vector<16xi32>], vector<16xf32>,
      %add3A_1126 = arith.constant 32 : i32
      %add3A_1127 = vector.broadcast %add3A_1126 : i32 to vector<16xi32>
      %add3A_1128 = arith.addi %iota3A_983, %add3A_1127 : vector<16xi32>
      %gather3A_1129 = tpu.vector_load_idx %arg7[%add3A_1128, %add3A_1108] : memref<64x512xf32, #tpu.memory_space<vmem>>[vector<16xi32>, vector<16xi32>], vector<16xf32>,
      %add3A_1130 = arith.constant 32 : i32
      %add3A_1131 = vector.broadcast %add3A_1130 : i32 to vector<16xi32>
      %add3A_1132 = arith.addi %iota3A_983, %add3A_1131 : vector<16xi32>
      tpu.vector_store_idx %arg8[%add3A_1132, %broadcast_in_dim3A_1111], %gather3A_1129 : memref<64x384xf32, #tpu.memory_space<vmem>>[vector<16xi32>, vector<16xi32>], vector<16xf32>,
      %add3A_1133 = arith.constant 48 : i32
      %add3A_1134 = vector.broadcast %add3A_1133 : i32 to vector<16xi32>
      %add3A_1135 = arith.addi %iota3A_983, %add3A_1134 : vector<16xi32>
      %gather3A_1136 = tpu.vector_load_idx %arg7[%add3A_1135, %add3A_1108] : memref<64x512xf32, #tpu.memory_space<vmem>>[vector<16xi32>, vector<16xi32>], vector<16xf32>,
      %add3A_1137 = arith.constant 48 : i32
      %add3A_1138 = vector.broadcast %add3A_1137 : i32 to vector<16xi32>
      %add3A_1139 = arith.addi %iota3A_983, %add3A_1138 : vector<16xi32>
      tpu.vector_store_idx %arg8[%add3A_1139, %broadcast_in_dim3A_1111], %gather3A_1136 : memref<64x384xf32, #tpu.memory_space<vmem>>[vector<16xi32>, vector<16xi32>], vector<16xf32>,
      scf.yield %get3A_926 : vector<16xi32>
    }
    %while3A_84 = arith.constant 1 : i32
    %while3A_85 = scf.for %while3A_98 = %while3A_81 to %while3A_77 step %while3A_84 iter_args(%while3A_99 = %while3A_83) -> (vector<16xi32>)  : i32 {
      %mul3A_100 = arith.constant 16 : i32
      %mul3A_101 = arith.muli %while3A_98, %mul3A_100 : i32
      %slice3A_102 = vector.extract_strided_slice %while3A_99 {offsets = [4], sizes = [1], strides = [1]} : vector<16xi32> to vector<1xi32>
      %squeeze3A_103 = vector.extract %slice3A_102[0] : i32 from vector<1xi32>
      %shift_right_arithmetic3A_104 = arith.constant 7 : i32
      %shift_right_arithmetic3A_105 = arith.shrsi %squeeze3A_103, %shift_right_arithmetic3A_104 : i32
      %shift_left3A_106 = arith.constant 7 : i32
      %shift_left3A_107 = arith.shli %shift_right_arithmetic3A_105, %shift_left3A_106 : i32
      %multiple_of3A_108 = tpu.assume_multiple %shift_left3A_107, 128 : i32
      %dma_start3A_109 = arith.constant 0 : i32
      %dma_start3A_110 = arith.constant 0 : i32
      %dma_start3A_111 = tpu.memref_slice %arg7[%dma_start3A_109, %dma_start3A_110] : memref<64x512xf32, #tpu.memory_space<vmem>> -> memref<64x128xf32, #tpu.memory_space<vmem>>
      %dma_start3A_112 = arith.constant 0 : i32
      %dma_start3A_113 = tpu.memref_slice %arg3[%dma_start3A_112, %multiple_of3A_108] : memref<64x1000000xf32, #tpu.memory_space<hbm>> -> memref<64x128xf32, #tpu.memory_space<hbm>>
      %dma_start3A_114 = arith.constant 0 : i32
      %dma_start3A_115 = arith.constant 0 : i32
      %dma_start3A_116 = tpu.memref_slice %arg7[%dma_start3A_114, %dma_start3A_115] : memref<64x512xf32, #tpu.memory_space<vmem>> -> memref<64x128xf32, #tpu.memory_space<vmem>>
      %dma_start3A_117 = arith.constant 0 : i32
      %dma_start3A_118 = tpu.memref_slice %arg3[%dma_start3A_117, %multiple_of3A_108] : memref<64x1000000xf32, #tpu.memory_space<hbm>> -> memref<64x128xf32, #tpu.memory_space<hbm>>
      tpu.enqueue_dma source(%dma_start3A_118 : memref<64x128xf32, #tpu.memory_space<hbm>>) target(%dma_start3A_116 : memref<64x128xf32, #tpu.memory_space<vmem>>) target_semaphore(%arg10 : memref<!tpu.dma_semaphore, #tpu.memory_space<semaphore_mem>>)
      %slice3A_119 = vector.extract_strided_slice %while3A_99 {offsets = [5], sizes = [1], strides = [1]} : vector<16xi32> to vector<1xi32>
      %squeeze3A_120 = vector.extract %slice3A_119[0] : i32 from vector<1xi32>
      %shift_right_arithmetic3A_121 = arith.constant 7 : i32
      %shift_right_arithmetic3A_122 = arith.shrsi %squeeze3A_120, %shift_right_arithmetic3A_121 : i32
      %shift_left3A_123 = arith.constant 7 : i32
      %shift_left3A_124 = arith.shli %shift_right_arithmetic3A_122, %shift_left3A_123 : i32
      %multiple_of3A_125 = tpu.assume_multiple %shift_left3A_124, 128 : i32
      %dma_start3A_126 = arith.constant 0 : i32
      %dma_start3A_127 = arith.constant 128 : i32
      %dma_start3A_128 = tpu.memref_slice %arg7[%dma_start3A_126, %dma_start3A_127] : memref<64x512xf32, #tpu.memory_space<vmem>> -> memref<64x128xf32, #tpu.memory_space<vmem>>
      %dma_start3A_129 = arith.constant 0 : i32
      %dma_start3A_130 = tpu.memref_slice %arg3[%dma_start3A_129, %multiple_of3A_125] : memref<64x1000000xf32, #tpu.memory_space<hbm>> -> memref<64x128xf32, #tpu.memory_space<hbm>>
      %dma_start3A_131 = arith.constant 0 : i32
      %dma_start3A_132 = arith.constant 128 : i32
      %dma_start3A_133 = tpu.memref_slice %arg7[%dma_start3A_131, %dma_start3A_132] : memref<64x512xf32, #tpu.memory_space<vmem>> -> memref<64x128xf32, #tpu.memory_space<vmem>>
      %dma_start3A_134 = arith.constant 0 : i32
      %dma_start3A_135 = tpu.memref_slice %arg3[%dma_start3A_134, %multiple_of3A_125] : memref<64x1000000xf32, #tpu.memory_space<hbm>> -> memref<64x128xf32, #tpu.memory_space<hbm>>
      tpu.enqueue_dma source(%dma_start3A_135 : memref<64x128xf32, #tpu.memory_space<hbm>>) target(%dma_start3A_133 : memref<64x128xf32, #tpu.memory_space<vmem>>) target_semaphore(%arg10 : memref<!tpu.dma_semaphore, #tpu.memory_space<semaphore_mem>>)
      %slice3A_136 = vector.extract_strided_slice %while3A_99 {offsets = [6], sizes = [1], strides = [1]} : vector<16xi32> to vector<1xi32>
      %squeeze3A_137 = vector.extract %slice3A_136[0] : i32 from vector<1xi32>
      %shift_right_arithmetic3A_138 = arith.constant 7 : i32
      %shift_right_arithmetic3A_139 = arith.shrsi %squeeze3A_137, %shift_right_arithmetic3A_138 : i32
      %shift_left3A_140 = arith.constant 7 : i32
      %shift_left3A_141 = arith.shli %shift_right_arithmetic3A_139, %shift_left3A_140 : i32
      %multiple_of3A_142 = tpu.assume_multiple %shift_left3A_141, 128 : i32
      %dma_start3A_143 = arith.constant 0 : i32
      %dma_start3A_144 = arith.constant 256 : i32
      %dma_start3A_145 = tpu.memref_slice %arg7[%dma_start3A_143, %dma_start3A_144] : memref<64x512xf32, #tpu.memory_space<vmem>> -> memref<64x128xf32, #tpu.memory_space<vmem>>
      %dma_start3A_146 = arith.constant 0 : i32
      %dma_start3A_147 = tpu.memref_slice %arg3[%dma_start3A_146, %multiple_of3A_142] : memref<64x1000000xf32, #tpu.memory_space<hbm>> -> memref<64x128xf32, #tpu.memory_space<hbm>>
      %dma_start3A_148 = arith.constant 0 : i32
      %dma_start3A_149 = arith.constant 256 : i32
      %dma_start3A_150 = tpu.memref_slice %arg7[%dma_start3A_148, %dma_start3A_149] : memref<64x512xf32, #tpu.memory_space<vmem>> -> memref<64x128xf32, #tpu.memory_space<vmem>>
      %dma_start3A_151 = arith.constant 0 : i32
      %dma_start3A_152 = tpu.memref_slice %arg3[%dma_start3A_151, %multiple_of3A_142] : memref<64x1000000xf32, #tpu.memory_space<hbm>> -> memref<64x128xf32, #tpu.memory_space<hbm>>
      tpu.enqueue_dma source(%dma_start3A_152 : memref<64x128xf32, #tpu.memory_space<hbm>>) target(%dma_start3A_150 : memref<64x128xf32, #tpu.memory_space<vmem>>) target_semaphore(%arg10 : memref<!tpu.dma_semaphore, #tpu.memory_space<semaphore_mem>>)
      %slice3A_153 = vector.extract_strided_slice %while3A_99 {offsets = [7], sizes = [1], strides = [1]} : vector<16xi32> to vector<1xi32>
      %squeeze3A_154 = vector.extract %slice3A_153[0] : i32 from vector<1xi32>
      %shift_right_arithmetic3A_155 = arith.constant 7 : i32
      %shift_right_arithmetic3A_156 = arith.shrsi %squeeze3A_154, %shift_right_arithmetic3A_155 : i32
      %shift_left3A_157 = arith.constant 7 : i32
      %shift_left3A_158 = arith.shli %shift_right_arithmetic3A_156, %shift_left3A_157 : i32
      %multiple_of3A_159 = tpu.assume_multiple %shift_left3A_158, 128 : i32
      %dma_start3A_160 = arith.constant 0 : i32
      %dma_start3A_161 = arith.constant 384 : i32
      %dma_start3A_162 = tpu.memref_slice %arg7[%dma_start3A_160, %dma_start3A_161] : memref<64x512xf32, #tpu.memory_space<vmem>> -> memref<64x128xf32, #tpu.memory_space<vmem>>
      %dma_start3A_163 = arith.constant 0 : i32
      %dma_start3A_164 = tpu.memref_slice %arg3[%dma_start3A_163, %multiple_of3A_159] : memref<64x1000000xf32, #tpu.memory_space<hbm>> -> memref<64x128xf32, #tpu.memory_space<hbm>>
      %dma_start3A_165 = arith.constant 0 : i32
      %dma_start3A_166 = arith.constant 384 : i32
      %dma_start3A_167 = tpu.memref_slice %arg7[%dma_start3A_165, %dma_start3A_166] : memref<64x512xf32, #tpu.memory_space<vmem>> -> memref<64x128xf32, #tpu.memory_space<vmem>>
      %dma_start3A_168 = arith.constant 0 : i32
      %dma_start3A_169 = tpu.memref_slice %arg3[%dma_start3A_168, %multiple_of3A_159] : memref<64x1000000xf32, #tpu.memory_space<hbm>> -> memref<64x128xf32, #tpu.memory_space<hbm>>
      tpu.enqueue_dma source(%dma_start3A_169 : memref<64x128xf32, #tpu.memory_space<hbm>>) target(%dma_start3A_167 : memref<64x128xf32, #tpu.memory_space<vmem>>) target_semaphore(%arg10 : memref<!tpu.dma_semaphore, #tpu.memory_space<semaphore_mem>>)
      %dma_wait3A = arith.constant 0 : i32
      %dma_wait3A_170 = arith.constant 0 : i32
      %dma_wait3A_171 = tpu.memref_slice %arg6[%dma_wait3A, %dma_wait3A_170] : memref<64x512xf32, #tpu.memory_space<vmem>> -> memref<64x128xf32, #tpu.memory_space<vmem>>
      %dma_wait3A_172 = arith.constant 0 : i32
      %dma_wait3A_173 = arith.constant 0 : i32
      %dma_wait3A_174 = tpu.memref_slice %arg3[%dma_wait3A_172, %dma_wait3A_173] : memref<64x1000000xf32, #tpu.memory_space<hbm>> -> memref<64x128xf32, #tpu.memory_space<hbm>>
      %dma_wait3A_175 = arith.constant 0 : i32
      %dma_wait3A_176 = arith.constant 0 : i32
      %dma_wait3A_177 = tpu.memref_slice %arg6[%dma_wait3A_175, %dma_wait3A_176] : memref<64x512xf32, #tpu.memory_space<vmem>> -> memref<64x128xf32, #tpu.memory_space<vmem>>
      %dma_wait3A_178 = arith.constant 0 : i32
      %dma_wait3A_179 = arith.constant 0 : i32
      %dma_wait3A_180 = tpu.memref_slice %arg3[%dma_wait3A_178, %dma_wait3A_179] : memref<64x1000000xf32, #tpu.memory_space<hbm>> -> memref<64x128xf32, #tpu.memory_space<hbm>>
      tpu.wait_dma2 semaphore(%arg9 : memref<!tpu.dma_semaphore, #tpu.memory_space<semaphore_mem>>) src(%dma_wait3A_180 : memref<64x128xf32, #tpu.memory_space<hbm>>) dst(%dma_wait3A_177 : memref<64x128xf32, #tpu.memory_space<vmem>>)
      %dma_wait3A_181 = arith.constant 0 : i32
      %dma_wait3A_182 = arith.constant 128 : i32
      %dma_wait3A_183 = tpu.memref_slice %arg6[%dma_wait3A_181, %dma_wait3A_182] : memref<64x512xf32, #tpu.memory_space<vmem>> -> memref<64x128xf32, #tpu.memory_space<vmem>>
      %dma_wait3A_184 = arith.constant 0 : i32
      %dma_wait3A_185 = arith.constant 0 : i32
      %dma_wait3A_186 = tpu.memref_slice %arg3[%dma_wait3A_184, %dma_wait3A_185] : memref<64x1000000xf32, #tpu.memory_space<hbm>> -> memref<64x128xf32, #tpu.memory_space<hbm>>
      %dma_wait3A_187 = arith.constant 0 : i32
      %dma_wait3A_188 = arith.constant 128 : i32
      %dma_wait3A_189 = tpu.memref_slice %arg6[%dma_wait3A_187, %dma_wait3A_188] : memref<64x512xf32, #tpu.memory_space<vmem>> -> memref<64x128xf32, #tpu.memory_space<vmem>>
      %dma_wait3A_190 = arith.constant 0 : i32
      %dma_wait3A_191 = arith.constant 0 : i32
      %dma_wait3A_192 = tpu.memref_slice %arg3[%dma_wait3A_190, %dma_wait3A_191] : memref<64x1000000xf32, #tpu.memory_space<hbm>> -> memref<64x128xf32, #tpu.memory_space<hbm>>
      tpu.wait_dma2 semaphore(%arg9 : memref<!tpu.dma_semaphore, #tpu.memory_space<semaphore_mem>>) src(%dma_wait3A_192 : memref<64x128xf32, #tpu.memory_space<hbm>>) dst(%dma_wait3A_189 : memref<64x128xf32, #tpu.memory_space<vmem>>)
      %dma_wait3A_193 = arith.constant 0 : i32
      %dma_wait3A_194 = arith.constant 256 : i32
      %dma_wait3A_195 = tpu.memref_slice %arg6[%dma_wait3A_193, %dma_wait3A_194] : memref<64x512xf32, #tpu.memory_space<vmem>> -> memref<64x128xf32, #tpu.memory_space<vmem>>
      %dma_wait3A_196 = arith.constant 0 : i32
      %dma_wait3A_197 = arith.constant 0 : i32
      %dma_wait3A_198 = tpu.memref_slice %arg3[%dma_wait3A_196, %dma_wait3A_197] : memref<64x1000000xf32, #tpu.memory_space<hbm>> -> memref<64x128xf32, #tpu.memory_space<hbm>>
      %dma_wait3A_199 = arith.constant 0 : i32
      %dma_wait3A_200 = arith.constant 256 : i32
      %dma_wait3A_201 = tpu.memref_slice %arg6[%dma_wait3A_199, %dma_wait3A_200] : memref<64x512xf32, #tpu.memory_space<vmem>> -> memref<64x128xf32, #tpu.memory_space<vmem>>
      %dma_wait3A_202 = arith.constant 0 : i32
      %dma_wait3A_203 = arith.constant 0 : i32
      %dma_wait3A_204 = tpu.memref_slice %arg3[%dma_wait3A_202, %dma_wait3A_203] : memref<64x1000000xf32, #tpu.memory_space<hbm>> -> memref<64x128xf32, #tpu.memory_space<hbm>>
      tpu.wait_dma2 semaphore(%arg9 : memref<!tpu.dma_semaphore, #tpu.memory_space<semaphore_mem>>) src(%dma_wait3A_204 : memref<64x128xf32, #tpu.memory_space<hbm>>) dst(%dma_wait3A_201 : memref<64x128xf32, #tpu.memory_space<vmem>>)
      %dma_wait3A_205 = arith.constant 0 : i32
      %dma_wait3A_206 = arith.constant 384 : i32
      %dma_wait3A_207 = tpu.memref_slice %arg6[%dma_wait3A_205, %dma_wait3A_206] : memref<64x512xf32, #tpu.memory_space<vmem>> -> memref<64x128xf32, #tpu.memory_space<vmem>>
      %dma_wait3A_208 = arith.constant 0 : i32
      %dma_wait3A_209 = arith.constant 0 : i32
      %dma_wait3A_210 = tpu.memref_slice %arg3[%dma_wait3A_208, %dma_wait3A_209] : memref<64x1000000xf32, #tpu.memory_space<hbm>> -> memref<64x128xf32, #tpu.memory_space<hbm>>
      %dma_wait3A_211 = arith.constant 0 : i32
      %dma_wait3A_212 = arith.constant 384 : i32
      %dma_wait3A_213 = tpu.memref_slice %arg6[%dma_wait3A_211, %dma_wait3A_212] : memref<64x512xf32, #tpu.memory_space<vmem>> -> memref<64x128xf32, #tpu.memory_space<vmem>>
      %dma_wait3A_214 = arith.constant 0 : i32
      %dma_wait3A_215 = arith.constant 0 : i32
      %dma_wait3A_216 = tpu.memref_slice %arg3[%dma_wait3A_214, %dma_wait3A_215] : memref<64x1000000xf32, #tpu.memory_space<hbm>> -> memref<64x128xf32, #tpu.memory_space<hbm>>
      tpu.wait_dma2 semaphore(%arg9 : memref<!tpu.dma_semaphore, #tpu.memory_space<semaphore_mem>>) src(%dma_wait3A_216 : memref<64x128xf32, #tpu.memory_space<hbm>>) dst(%dma_wait3A_213 : memref<64x128xf32, #tpu.memory_space<vmem>>)
      %iota3A = tpu.iota {dimensions = array<i32: 0>} : vector<16xi32>
      %slice3A_217 = vector.extract_strided_slice %while3A_99 {offsets = [0], sizes = [1], strides = [1]} : vector<16xi32> to vector<1xi32>
      %squeeze3A_218 = vector.extract %slice3A_217[0] : i32 from vector<1xi32>
      %and3A = arith.constant 127 : i32
      %and3A_219 = arith.andi %squeeze3A_218, %and3A : i32
      %broadcast_in_dim3A_220 = arith.constant 0 : i32
      %broadcast_in_dim3A_221 = vector.broadcast %broadcast_in_dim3A_220 : i32 to vector<16xi32>
      %add3A_222 = vector.broadcast %and3A_219 : i32 to vector<16xi32>
      %add3A_223 = arith.addi %broadcast_in_dim3A_221, %add3A_222 : vector<16xi32>
      %add3A_224 = arith.constant 0 : i32
      %add3A_225 = arith.addi %mul3A_101, %add3A_224 : i32
      %broadcast_in_dim3A_226 = vector.broadcast %add3A_225 : i32 to vector<16xi32>
      %add3A_227 = arith.constant 0 : i32
      %add3A_228 = vector.broadcast %add3A_227 : i32 to vector<16xi32>
      %add3A_229 = arith.addi %iota3A, %add3A_228 : vector<16xi32>
      %gather3A = tpu.vector_load_idx %arg6[%add3A_229, %add3A_223] : memref<64x512xf32, #tpu.memory_space<vmem>>[vector<16xi32>, vector<16xi32>], vector<16xf32>,
      %add3A_230 = arith.constant 0 : i32
      %add3A_231 = vector.broadcast %add3A_230 : i32 to vector<16xi32>
      %add3A_232 = arith.addi %iota3A, %add3A_231 : vector<16xi32>
      tpu.vector_store_idx %arg8[%add3A_232, %broadcast_in_dim3A_226], %gather3A : memref<64x384xf32, #tpu.memory_space<vmem>>[vector<16xi32>, vector<16xi32>], vector<16xf32>,
      %add3A_233 = arith.constant 16 : i32
      %add3A_234 = vector.broadcast %add3A_233 : i32 to vector<16xi32>
      %add3A_235 = arith.addi %iota3A, %add3A_234 : vector<16xi32>
      %gather3A_236 = tpu.vector_load_idx %arg6[%add3A_235, %add3A_223] : memref<64x512xf32, #tpu.memory_space<vmem>>[vector<16xi32>, vector<16xi32>], vector<16xf32>,
      %add3A_237 = arith.constant 16 : i32
      %add3A_238 = vector.broadcast %add3A_237 : i32 to vector<16xi32>
      %add3A_239 = arith.addi %iota3A, %add3A_238 : vector<16xi32>
      tpu.vector_store_idx %arg8[%add3A_239, %broadcast_in_dim3A_226], %gather3A_236 : memref<64x384xf32, #tpu.memory_space<vmem>>[vector<16xi32>, vector<16xi32>], vector<16xf32>,
      %add3A_240 = arith.constant 32 : i32
      %add3A_241 = vector.broadcast %add3A_240 : i32 to vector<16xi32>
      %add3A_242 = arith.addi %iota3A, %add3A_241 : vector<16xi32>
      %gather3A_243 = tpu.vector_load_idx %arg6[%add3A_242, %add3A_223] : memref<64x512xf32, #tpu.memory_space<vmem>>[vector<16xi32>, vector<16xi32>], vector<16xf32>,
      %add3A_244 = arith.constant 32 : i32
      %add3A_245 = vector.broadcast %add3A_244 : i32 to vector<16xi32>
      %add3A_246 = arith.addi %iota3A, %add3A_245 : vector<16xi32>
      tpu.vector_store_idx %arg8[%add3A_246, %broadcast_in_dim3A_226], %gather3A_243 : memref<64x384xf32, #tpu.memory_space<vmem>>[vector<16xi32>, vector<16xi32>], vector<16xf32>,
      %add3A_247 = arith.constant 48 : i32
      %add3A_248 = vector.broadcast %add3A_247 : i32 to vector<16xi32>
      %add3A_249 = arith.addi %iota3A, %add3A_248 : vector<16xi32>
      %gather3A_250 = tpu.vector_load_idx %arg6[%add3A_249, %add3A_223] : memref<64x512xf32, #tpu.memory_space<vmem>>[vector<16xi32>, vector<16xi32>], vector<16xf32>,
      %add3A_251 = arith.constant 48 : i32
      %add3A_252 = vector.broadcast %add3A_251 : i32 to vector<16xi32>
      %add3A_253 = arith.addi %iota3A, %add3A_252 : vector<16xi32>
      tpu.vector_store_idx %arg8[%add3A_253, %broadcast_in_dim3A_226], %gather3A_250 : memref<64x384xf32, #tpu.memory_space<vmem>>[vector<16xi32>, vector<16xi32>], vector<16xf32>,
      %slice3A_254 = vector.extract_strided_slice %while3A_99 {offsets = [1], sizes = [1], strides = [1]} : vector<16xi32> to vector<1xi32>
      %squeeze3A_255 = vector.extract %slice3A_254[0] : i32 from vector<1xi32>
      %and3A_256 = arith.constant 127 : i32
      %and3A_257 = arith.andi %squeeze3A_255, %and3A_256 : i32
      %broadcast_in_dim3A_258 = arith.constant 128 : i32
      %broadcast_in_dim3A_259 = vector.broadcast %broadcast_in_dim3A_258 : i32 to vector<16xi32>
      %add3A_260 = vector.broadcast %and3A_257 : i32 to vector<16xi32>
      %add3A_261 = arith.addi %broadcast_in_dim3A_259, %add3A_260 : vector<16xi32>
      %add3A_262 = arith.constant 1 : i32
      %add3A_263 = arith.addi %mul3A_101, %add3A_262 : i32
      %broadcast_in_dim3A_264 = vector.broadcast %add3A_263 : i32 to vector<16xi32>
      %add3A_265 = arith.constant 0 : i32
      %add3A_266 = vector.broadcast %add3A_265 : i32 to vector<16xi32>
      %add3A_267 = arith.addi %iota3A, %add3A_266 : vector<16xi32>
      %gather3A_268 = tpu.vector_load_idx %arg6[%add3A_267, %add3A_261] : memref<64x512xf32, #tpu.memory_space<vmem>>[vector<16xi32>, vector<16xi32>], vector<16xf32>,
      %add3A_269 = arith.constant 0 : i32
      %add3A_270 = vector.broadcast %add3A_269 : i32 to vector<16xi32>
      %add3A_271 = arith.addi %iota3A, %add3A_270 : vector<16xi32>
      tpu.vector_store_idx %arg8[%add3A_271, %broadcast_in_dim3A_264], %gather3A_268 : memref<64x384xf32, #tpu.memory_space<vmem>>[vector<16xi32>, vector<16xi32>], vector<16xf32>,
      %add3A_272 = arith.constant 16 : i32
      %add3A_273 = vector.broadcast %add3A_272 : i32 to vector<16xi32>
      %add3A_274 = arith.addi %iota3A, %add3A_273 : vector<16xi32>
      %gather3A_275 = tpu.vector_load_idx %arg6[%add3A_274, %add3A_261] : memref<64x512xf32, #tpu.memory_space<vmem>>[vector<16xi32>, vector<16xi32>], vector<16xf32>,
      %add3A_276 = arith.constant 16 : i32
      %add3A_277 = vector.broadcast %add3A_276 : i32 to vector<16xi32>
      %add3A_278 = arith.addi %iota3A, %add3A_277 : vector<16xi32>
      tpu.vector_store_idx %arg8[%add3A_278, %broadcast_in_dim3A_264], %gather3A_275 : memref<64x384xf32, #tpu.memory_space<vmem>>[vector<16xi32>, vector<16xi32>], vector<16xf32>,
      %add3A_279 = arith.constant 32 : i32
      %add3A_280 = vector.broadcast %add3A_279 : i32 to vector<16xi32>
      %add3A_281 = arith.addi %iota3A, %add3A_280 : vector<16xi32>
      %gather3A_282 = tpu.vector_load_idx %arg6[%add3A_281, %add3A_261] : memref<64x512xf32, #tpu.memory_space<vmem>>[vector<16xi32>, vector<16xi32>], vector<16xf32>,
      %add3A_283 = arith.constant 32 : i32
      %add3A_284 = vector.broadcast %add3A_283 : i32 to vector<16xi32>
      %add3A_285 = arith.addi %iota3A, %add3A_284 : vector<16xi32>
      tpu.vector_store_idx %arg8[%add3A_285, %broadcast_in_dim3A_264], %gather3A_282 : memref<64x384xf32, #tpu.memory_space<vmem>>[vector<16xi32>, vector<16xi32>], vector<16xf32>,
      %add3A_286 = arith.constant 48 : i32
      %add3A_287 = vector.broadcast %add3A_286 : i32 to vector<16xi32>
      %add3A_288 = arith.addi %iota3A, %add3A_287 : vector<16xi32>
      %gather3A_289 = tpu.vector_load_idx %arg6[%add3A_288, %add3A_261] : memref<64x512xf32, #tpu.memory_space<vmem>>[vector<16xi32>, vector<16xi32>], vector<16xf32>,
      %add3A_290 = arith.constant 48 : i32
      %add3A_291 = vector.broadcast %add3A_290 : i32 to vector<16xi32>
      %add3A_292 = arith.addi %iota3A, %add3A_291 : vector<16xi32>
      tpu.vector_store_idx %arg8[%add3A_292, %broadcast_in_dim3A_264], %gather3A_289 : memref<64x384xf32, #tpu.memory_space<vmem>>[vector<16xi32>, vector<16xi32>], vector<16xf32>,
      %slice3A_293 = vector.extract_strided_slice %while3A_99 {offsets = [2], sizes = [1], strides = [1]} : vector<16xi32> to vector<1xi32>
      %squeeze3A_294 = vector.extract %slice3A_293[0] : i32 from vector<1xi32>
      %and3A_295 = arith.constant 127 : i32
      %and3A_296 = arith.andi %squeeze3A_294, %and3A_295 : i32
      %broadcast_in_dim3A_297 = arith.constant 256 : i32
      %broadcast_in_dim3A_298 = vector.broadcast %broadcast_in_dim3A_297 : i32 to vector<16xi32>
      %add3A_299 = vector.broadcast %and3A_296 : i32 to vector<16xi32>
      %add3A_300 = arith.addi %broadcast_in_dim3A_298, %add3A_299 : vector<16xi32>
      %add3A_301 = arith.constant 2 : i32
      %add3A_302 = arith.addi %mul3A_101, %add3A_301 : i32
      %broadcast_in_dim3A_303 = vector.broadcast %add3A_302 : i32 to vector<16xi32>
      %add3A_304 = arith.constant 0 : i32
      %add3A_305 = vector.broadcast %add3A_304 : i32 to vector<16xi32>
      %add3A_306 = arith.addi %iota3A, %add3A_305 : vector<16xi32>
      %gather3A_307 = tpu.vector_load_idx %arg6[%add3A_306, %add3A_300] : memref<64x512xf32, #tpu.memory_space<vmem>>[vector<16xi32>, vector<16xi32>], vector<16xf32>,
      %add3A_308 = arith.constant 0 : i32
      %add3A_309 = vector.broadcast %add3A_308 : i32 to vector<16xi32>
      %add3A_310 = arith.addi %iota3A, %add3A_309 : vector<16xi32>
      tpu.vector_store_idx %arg8[%add3A_310, %broadcast_in_dim3A_303], %gather3A_307 : memref<64x384xf32, #tpu.memory_space<vmem>>[vector<16xi32>, vector<16xi32>], vector<16xf32>,
      %add3A_311 = arith.constant 16 : i32
      %add3A_312 = vector.broadcast %add3A_311 : i32 to vector<16xi32>
      %add3A_313 = arith.addi %iota3A, %add3A_312 : vector<16xi32>
      %gather3A_314 = tpu.vector_load_idx %arg6[%add3A_313, %add3A_300] : memref<64x512xf32, #tpu.memory_space<vmem>>[vector<16xi32>, vector<16xi32>], vector<16xf32>,
      %add3A_315 = arith.constant 16 : i32
      %add3A_316 = vector.broadcast %add3A_315 : i32 to vector<16xi32>
      %add3A_317 = arith.addi %iota3A, %add3A_316 : vector<16xi32>
      tpu.vector_store_idx %arg8[%add3A_317, %broadcast_in_dim3A_303], %gather3A_314 : memref<64x384xf32, #tpu.memory_space<vmem>>[vector<16xi32>, vector<16xi32>], vector<16xf32>,
      %add3A_318 = arith.constant 32 : i32
      %add3A_319 = vector.broadcast %add3A_318 : i32 to vector<16xi32>
      %add3A_320 = arith.addi %iota3A, %add3A_319 : vector<16xi32>
      %gather3A_321 = tpu.vector_load_idx %arg6[%add3A_320, %add3A_300] : memref<64x512xf32, #tpu.memory_space<vmem>>[vector<16xi32>, vector<16xi32>], vector<16xf32>,
      %add3A_322 = arith.constant 32 : i32
      %add3A_323 = vector.broadcast %add3A_322 : i32 to vector<16xi32>
      %add3A_324 = arith.addi %iota3A, %add3A_323 : vector<16xi32>
      tpu.vector_store_idx %arg8[%add3A_324, %broadcast_in_dim3A_303], %gather3A_321 : memref<64x384xf32, #tpu.memory_space<vmem>>[vector<16xi32>, vector<16xi32>], vector<16xf32>,
      %add3A_325 = arith.constant 48 : i32
      %add3A_326 = vector.broadcast %add3A_325 : i32 to vector<16xi32>
      %add3A_327 = arith.addi %iota3A, %add3A_326 : vector<16xi32>
      %gather3A_328 = tpu.vector_load_idx %arg6[%add3A_327, %add3A_300] : memref<64x512xf32, #tpu.memory_space<vmem>>[vector<16xi32>, vector<16xi32>], vector<16xf32>,
      %add3A_329 = arith.constant 48 : i32
      %add3A_330 = vector.broadcast %add3A_329 : i32 to vector<16xi32>
      %add3A_331 = arith.addi %iota3A, %add3A_330 : vector<16xi32>
      tpu.vector_store_idx %arg8[%add3A_331, %broadcast_in_dim3A_303], %gather3A_328 : memref<64x384xf32, #tpu.memory_space<vmem>>[vector<16xi32>, vector<16xi32>], vector<16xf32>,
      %slice3A_332 = vector.extract_strided_slice %while3A_99 {offsets = [3], sizes = [1], strides = [1]} : vector<16xi32> to vector<1xi32>
      %squeeze3A_333 = vector.extract %slice3A_332[0] : i32 from vector<1xi32>
      %and3A_334 = arith.constant 127 : i32
      %and3A_335 = arith.andi %squeeze3A_333, %and3A_334 : i32
      %broadcast_in_dim3A_336 = arith.constant 384 : i32
      %broadcast_in_dim3A_337 = vector.broadcast %broadcast_in_dim3A_336 : i32 to vector<16xi32>
      %add3A_338 = vector.broadcast %and3A_335 : i32 to vector<16xi32>
      %add3A_339 = arith.addi %broadcast_in_dim3A_337, %add3A_338 : vector<16xi32>
      %add3A_340 = arith.constant 3 : i32
      %add3A_341 = arith.addi %mul3A_101, %add3A_340 : i32
      %broadcast_in_dim3A_342 = vector.broadcast %add3A_341 : i32 to vector<16xi32>
      %add3A_343 = arith.constant 0 : i32
      %add3A_344 = vector.broadcast %add3A_343 : i32 to vector<16xi32>
      %add3A_345 = arith.addi %iota3A, %add3A_344 : vector<16xi32>
      %gather3A_346 = tpu.vector_load_idx %arg6[%add3A_345, %add3A_339] : memref<64x512xf32, #tpu.memory_space<vmem>>[vector<16xi32>, vector<16xi32>], vector<16xf32>,
      %add3A_347 = arith.constant 0 : i32
      %add3A_348 = vector.broadcast %add3A_347 : i32 to vector<16xi32>
      %add3A_349 = arith.addi %iota3A, %add3A_348 : vector<16xi32>
      tpu.vector_store_idx %arg8[%add3A_349, %broadcast_in_dim3A_342], %gather3A_346 : memref<64x384xf32, #tpu.memory_space<vmem>>[vector<16xi32>, vector<16xi32>], vector<16xf32>,
      %add3A_350 = arith.constant 16 : i32
      %add3A_351 = vector.broadcast %add3A_350 : i32 to vector<16xi32>
      %add3A_352 = arith.addi %iota3A, %add3A_351 : vector<16xi32>
      %gather3A_353 = tpu.vector_load_idx %arg6[%add3A_352, %add3A_339] : memref<64x512xf32, #tpu.memory_space<vmem>>[vector<16xi32>, vector<16xi32>], vector<16xf32>,
      %add3A_354 = arith.constant 16 : i32
      %add3A_355 = vector.broadcast %add3A_354 : i32 to vector<16xi32>
      %add3A_356 = arith.addi %iota3A, %add3A_355 : vector<16xi32>
      tpu.vector_store_idx %arg8[%add3A_356, %broadcast_in_dim3A_342], %gather3A_353 : memref<64x384xf32, #tpu.memory_space<vmem>>[vector<16xi32>, vector<16xi32>], vector<16xf32>,
      %add3A_357 = arith.constant 32 : i32
      %add3A_358 = vector.broadcast %add3A_357 : i32 to vector<16xi32>
      %add3A_359 = arith.addi %iota3A, %add3A_358 : vector<16xi32>
      %gather3A_360 = tpu.vector_load_idx %arg6[%add3A_359, %add3A_339] : memref<64x512xf32, #tpu.memory_space<vmem>>[vector<16xi32>, vector<16xi32>], vector<16xf32>,
      %add3A_361 = arith.constant 32 : i32
      %add3A_362 = vector.broadcast %add3A_361 : i32 to vector<16xi32>
      %add3A_363 = arith.addi %iota3A, %add3A_362 : vector<16xi32>
      tpu.vector_store_idx %arg8[%add3A_363, %broadcast_in_dim3A_342], %gather3A_360 : memref<64x384xf32, #tpu.memory_space<vmem>>[vector<16xi32>, vector<16xi32>], vector<16xf32>,
      %add3A_364 = arith.constant 48 : i32
      %add3A_365 = vector.broadcast %add3A_364 : i32 to vector<16xi32>
      %add3A_366 = arith.addi %iota3A, %add3A_365 : vector<16xi32>
      %gather3A_367 = tpu.vector_load_idx %arg6[%add3A_366, %add3A_339] : memref<64x512xf32, #tpu.memory_space<vmem>>[vector<16xi32>, vector<16xi32>], vector<16xf32>,
      %add3A_368 = arith.constant 48 : i32
      %add3A_369 = vector.broadcast %add3A_368 : i32 to vector<16xi32>
      %add3A_370 = arith.addi %iota3A, %add3A_369 : vector<16xi32>
      tpu.vector_store_idx %arg8[%add3A_370, %broadcast_in_dim3A_342], %gather3A_367 : memref<64x384xf32, #tpu.memory_space<vmem>>[vector<16xi32>, vector<16xi32>], vector<16xf32>,
      %slice3A_371 = vector.extract_strided_slice %while3A_99 {offsets = [8], sizes = [1], strides = [1]} : vector<16xi32> to vector<1xi32>
      %squeeze3A_372 = vector.extract %slice3A_371[0] : i32 from vector<1xi32>
      %shift_right_arithmetic3A_373 = arith.constant 7 : i32
      %shift_right_arithmetic3A_374 = arith.shrsi %squeeze3A_372, %shift_right_arithmetic3A_373 : i32
      %shift_left3A_375 = arith.constant 7 : i32
      %shift_left3A_376 = arith.shli %shift_right_arithmetic3A_374, %shift_left3A_375 : i32
      %multiple_of3A_377 = tpu.assume_multiple %shift_left3A_376, 128 : i32
      %dma_start3A_378 = arith.constant 0 : i32
      %dma_start3A_379 = arith.constant 0 : i32
      %dma_start3A_380 = tpu.memref_slice %arg6[%dma_start3A_378, %dma_start3A_379] : memref<64x512xf32, #tpu.memory_space<vmem>> -> memref<64x128xf32, #tpu.memory_space<vmem>>
      %dma_start3A_381 = arith.constant 0 : i32
      %dma_start3A_382 = tpu.memref_slice %arg3[%dma_start3A_381, %multiple_of3A_377] : memref<64x1000000xf32, #tpu.memory_space<hbm>> -> memref<64x128xf32, #tpu.memory_space<hbm>>
      %dma_start3A_383 = arith.constant 0 : i32
      %dma_start3A_384 = arith.constant 0 : i32
      %dma_start3A_385 = tpu.memref_slice %arg6[%dma_start3A_383, %dma_start3A_384] : memref<64x512xf32, #tpu.memory_space<vmem>> -> memref<64x128xf32, #tpu.memory_space<vmem>>
      %dma_start3A_386 = arith.constant 0 : i32
      %dma_start3A_387 = tpu.memref_slice %arg3[%dma_start3A_386, %multiple_of3A_377] : memref<64x1000000xf32, #tpu.memory_space<hbm>> -> memref<64x128xf32, #tpu.memory_space<hbm>>
      tpu.enqueue_dma source(%dma_start3A_387 : memref<64x128xf32, #tpu.memory_space<hbm>>) target(%dma_start3A_385 : memref<64x128xf32, #tpu.memory_space<vmem>>) target_semaphore(%arg9 : memref<!tpu.dma_semaphore, #tpu.memory_space<semaphore_mem>>)
      %slice3A_388 = vector.extract_strided_slice %while3A_99 {offsets = [9], sizes = [1], strides = [1]} : vector<16xi32> to vector<1xi32>
      %squeeze3A_389 = vector.extract %slice3A_388[0] : i32 from vector<1xi32>
      %shift_right_arithmetic3A_390 = arith.constant 7 : i32
      %shift_right_arithmetic3A_391 = arith.shrsi %squeeze3A_389, %shift_right_arithmetic3A_390 : i32
      %shift_left3A_392 = arith.constant 7 : i32
      %shift_left3A_393 = arith.shli %shift_right_arithmetic3A_391, %shift_left3A_392 : i32
      %multiple_of3A_394 = tpu.assume_multiple %shift_left3A_393, 128 : i32
      %dma_start3A_395 = arith.constant 0 : i32
      %dma_start3A_396 = arith.constant 128 : i32
      %dma_start3A_397 = tpu.memref_slice %arg6[%dma_start3A_395, %dma_start3A_396] : memref<64x512xf32, #tpu.memory_space<vmem>> -> memref<64x128xf32, #tpu.memory_space<vmem>>
      %dma_start3A_398 = arith.constant 0 : i32
      %dma_start3A_399 = tpu.memref_slice %arg3[%dma_start3A_398, %multiple_of3A_394] : memref<64x1000000xf32, #tpu.memory_space<hbm>> -> memref<64x128xf32, #tpu.memory_space<hbm>>
      %dma_start3A_400 = arith.constant 0 : i32
      %dma_start3A_401 = arith.constant 128 : i32
      %dma_start3A_402 = tpu.memref_slice %arg6[%dma_start3A_400, %dma_start3A_401] : memref<64x512xf32, #tpu.memory_space<vmem>> -> memref<64x128xf32, #tpu.memory_space<vmem>>
      %dma_start3A_403 = arith.constant 0 : i32
      %dma_start3A_404 = tpu.memref_slice %arg3[%dma_start3A_403, %multiple_of3A_394] : memref<64x1000000xf32, #tpu.memory_space<hbm>> -> memref<64x128xf32, #tpu.memory_space<hbm>>
      tpu.enqueue_dma source(%dma_start3A_404 : memref<64x128xf32, #tpu.memory_space<hbm>>) target(%dma_start3A_402 : memref<64x128xf32, #tpu.memory_space<vmem>>) target_semaphore(%arg9 : memref<!tpu.dma_semaphore, #tpu.memory_space<semaphore_mem>>)
      %slice3A_405 = vector.extract_strided_slice %while3A_99 {offsets = [10], sizes = [1], strides = [1]} : vector<16xi32> to vector<1xi32>
      %squeeze3A_406 = vector.extract %slice3A_405[0] : i32 from vector<1xi32>
      %shift_right_arithmetic3A_407 = arith.constant 7 : i32
      %shift_right_arithmetic3A_408 = arith.shrsi %squeeze3A_406, %shift_right_arithmetic3A_407 : i32
      %shift_left3A_409 = arith.constant 7 : i32
      %shift_left3A_410 = arith.shli %shift_right_arithmetic3A_408, %shift_left3A_409 : i32
      %multiple_of3A_411 = tpu.assume_multiple %shift_left3A_410, 128 : i32
      %dma_start3A_412 = arith.constant 0 : i32
      %dma_start3A_413 = arith.constant 256 : i32
      %dma_start3A_414 = tpu.memref_slice %arg6[%dma_start3A_412, %dma_start3A_413] : memref<64x512xf32, #tpu.memory_space<vmem>> -> memref<64x128xf32, #tpu.memory_space<vmem>>
      %dma_start3A_415 = arith.constant 0 : i32
      %dma_start3A_416 = tpu.memref_slice %arg3[%dma_start3A_415, %multiple_of3A_411] : memref<64x1000000xf32, #tpu.memory_space<hbm>> -> memref<64x128xf32, #tpu.memory_space<hbm>>
      %dma_start3A_417 = arith.constant 0 : i32
      %dma_start3A_418 = arith.constant 256 : i32
      %dma_start3A_419 = tpu.memref_slice %arg6[%dma_start3A_417, %dma_start3A_418] : memref<64x512xf32, #tpu.memory_space<vmem>> -> memref<64x128xf32, #tpu.memory_space<vmem>>
      %dma_start3A_420 = arith.constant 0 : i32
      %dma_start3A_421 = tpu.memref_slice %arg3[%dma_start3A_420, %multiple_of3A_411] : memref<64x1000000xf32, #tpu.memory_space<hbm>> -> memref<64x128xf32, #tpu.memory_space<hbm>>
      tpu.enqueue_dma source(%dma_start3A_421 : memref<64x128xf32, #tpu.memory_space<hbm>>) target(%dma_start3A_419 : memref<64x128xf32, #tpu.memory_space<vmem>>) target_semaphore(%arg9 : memref<!tpu.dma_semaphore, #tpu.memory_space<semaphore_mem>>)
      %slice3A_422 = vector.extract_strided_slice %while3A_99 {offsets = [11], sizes = [1], strides = [1]} : vector<16xi32> to vector<1xi32>
      %squeeze3A_423 = vector.extract %slice3A_422[0] : i32 from vector<1xi32>
      %shift_right_arithmetic3A_424 = arith.constant 7 : i32
      %shift_right_arithmetic3A_425 = arith.shrsi %squeeze3A_423, %shift_right_arithmetic3A_424 : i32
      %shift_left3A_426 = arith.constant 7 : i32
      %shift_left3A_427 = arith.shli %shift_right_arithmetic3A_425, %shift_left3A_426 : i32
      %multiple_of3A_428 = tpu.assume_multiple %shift_left3A_427, 128 : i32
      %dma_start3A_429 = arith.constant 0 : i32
      %dma_start3A_430 = arith.constant 384 : i32
      %dma_start3A_431 = tpu.memref_slice %arg6[%dma_start3A_429, %dma_start3A_430] : memref<64x512xf32, #tpu.memory_space<vmem>> -> memref<64x128xf32, #tpu.memory_space<vmem>>
      %dma_start3A_432 = arith.constant 0 : i32
      %dma_start3A_433 = tpu.memref_slice %arg3[%dma_start3A_432, %multiple_of3A_428] : memref<64x1000000xf32, #tpu.memory_space<hbm>> -> memref<64x128xf32, #tpu.memory_space<hbm>>
      %dma_start3A_434 = arith.constant 0 : i32
      %dma_start3A_435 = arith.constant 384 : i32
      %dma_start3A_436 = tpu.memref_slice %arg6[%dma_start3A_434, %dma_start3A_435] : memref<64x512xf32, #tpu.memory_space<vmem>> -> memref<64x128xf32, #tpu.memory_space<vmem>>
      %dma_start3A_437 = arith.constant 0 : i32
      %dma_start3A_438 = tpu.memref_slice %arg3[%dma_start3A_437, %multiple_of3A_428] : memref<64x1000000xf32, #tpu.memory_space<hbm>> -> memref<64x128xf32, #tpu.memory_space<hbm>>
      tpu.enqueue_dma source(%dma_start3A_438 : memref<64x128xf32, #tpu.memory_space<hbm>>) target(%dma_start3A_436 : memref<64x128xf32, #tpu.memory_space<vmem>>) target_semaphore(%arg9 : memref<!tpu.dma_semaphore, #tpu.memory_space<semaphore_mem>>)
      %dma_wait3A_439 = arith.constant 0 : i32
      %dma_wait3A_440 = arith.constant 0 : i32
      %dma_wait3A_441 = tpu.memref_slice %arg7[%dma_wait3A_439, %dma_wait3A_440] : memref<64x512xf32, #tpu.memory_space<vmem>> -> memref<64x128xf32, #tpu.memory_space<vmem>>
      %dma_wait3A_442 = arith.constant 0 : i32
      %dma_wait3A_443 = arith.constant 0 : i32
      %dma_wait3A_444 = tpu.memref_slice %arg3[%dma_wait3A_442, %dma_wait3A_443] : memref<64x1000000xf32, #tpu.memory_space<hbm>> -> memref<64x128xf32, #tpu.memory_space<hbm>>
      %dma_wait3A_445 = arith.constant 0 : i32
      %dma_wait3A_446 = arith.constant 0 : i32
      %dma_wait3A_447 = tpu.memref_slice %arg7[%dma_wait3A_445, %dma_wait3A_446] : memref<64x512xf32, #tpu.memory_space<vmem>> -> memref<64x128xf32, #tpu.memory_space<vmem>>
      %dma_wait3A_448 = arith.constant 0 : i32
      %dma_wait3A_449 = arith.constant 0 : i32
      %dma_wait3A_450 = tpu.memref_slice %arg3[%dma_wait3A_448, %dma_wait3A_449] : memref<64x1000000xf32, #tpu.memory_space<hbm>> -> memref<64x128xf32, #tpu.memory_space<hbm>>
      tpu.wait_dma2 semaphore(%arg10 : memref<!tpu.dma_semaphore, #tpu.memory_space<semaphore_mem>>) src(%dma_wait3A_450 : memref<64x128xf32, #tpu.memory_space<hbm>>) dst(%dma_wait3A_447 : memref<64x128xf32, #tpu.memory_space<vmem>>)
      %dma_wait3A_451 = arith.constant 0 : i32
      %dma_wait3A_452 = arith.constant 128 : i32
      %dma_wait3A_453 = tpu.memref_slice %arg7[%dma_wait3A_451, %dma_wait3A_452] : memref<64x512xf32, #tpu.memory_space<vmem>> -> memref<64x128xf32, #tpu.memory_space<vmem>>
      %dma_wait3A_454 = arith.constant 0 : i32
      %dma_wait3A_455 = arith.constant 0 : i32
      %dma_wait3A_456 = tpu.memref_slice %arg3[%dma_wait3A_454, %dma_wait3A_455] : memref<64x1000000xf32, #tpu.memory_space<hbm>> -> memref<64x128xf32, #tpu.memory_space<hbm>>
      %dma_wait3A_457 = arith.constant 0 : i32
      %dma_wait3A_458 = arith.constant 128 : i32
      %dma_wait3A_459 = tpu.memref_slice %arg7[%dma_wait3A_457, %dma_wait3A_458] : memref<64x512xf32, #tpu.memory_space<vmem>> -> memref<64x128xf32, #tpu.memory_space<vmem>>
      %dma_wait3A_460 = arith.constant 0 : i32
      %dma_wait3A_461 = arith.constant 0 : i32
      %dma_wait3A_462 = tpu.memref_slice %arg3[%dma_wait3A_460, %dma_wait3A_461] : memref<64x1000000xf32, #tpu.memory_space<hbm>> -> memref<64x128xf32, #tpu.memory_space<hbm>>
      tpu.wait_dma2 semaphore(%arg10 : memref<!tpu.dma_semaphore, #tpu.memory_space<semaphore_mem>>) src(%dma_wait3A_462 : memref<64x128xf32, #tpu.memory_space<hbm>>) dst(%dma_wait3A_459 : memref<64x128xf32, #tpu.memory_space<vmem>>)
      %dma_wait3A_463 = arith.constant 0 : i32
      %dma_wait3A_464 = arith.constant 256 : i32
      %dma_wait3A_465 = tpu.memref_slice %arg7[%dma_wait3A_463, %dma_wait3A_464] : memref<64x512xf32, #tpu.memory_space<vmem>> -> memref<64x128xf32, #tpu.memory_space<vmem>>
      %dma_wait3A_466 = arith.constant 0 : i32
      %dma_wait3A_467 = arith.constant 0 : i32
      %dma_wait3A_468 = tpu.memref_slice %arg3[%dma_wait3A_466, %dma_wait3A_467] : memref<64x1000000xf32, #tpu.memory_space<hbm>> -> memref<64x128xf32, #tpu.memory_space<hbm>>
      %dma_wait3A_469 = arith.constant 0 : i32
      %dma_wait3A_470 = arith.constant 256 : i32
      %dma_wait3A_471 = tpu.memref_slice %arg7[%dma_wait3A_469, %dma_wait3A_470] : memref<64x512xf32, #tpu.memory_space<vmem>> -> memref<64x128xf32, #tpu.memory_space<vmem>>
      %dma_wait3A_472 = arith.constant 0 : i32
      %dma_wait3A_473 = arith.constant 0 : i32
      %dma_wait3A_474 = tpu.memref_slice %arg3[%dma_wait3A_472, %dma_wait3A_473] : memref<64x1000000xf32, #tpu.memory_space<hbm>> -> memref<64x128xf32, #tpu.memory_space<hbm>>
      tpu.wait_dma2 semaphore(%arg10 : memref<!tpu.dma_semaphore, #tpu.memory_space<semaphore_mem>>) src(%dma_wait3A_474 : memref<64x128xf32, #tpu.memory_space<hbm>>) dst(%dma_wait3A_471 : memref<64x128xf32, #tpu.memory_space<vmem>>)
      %dma_wait3A_475 = arith.constant 0 : i32
      %dma_wait3A_476 = arith.constant 384 : i32
      %dma_wait3A_477 = tpu.memref_slice %arg7[%dma_wait3A_475, %dma_wait3A_476] : memref<64x512xf32, #tpu.memory_space<vmem>> -> memref<64x128xf32, #tpu.memory_space<vmem>>
      %dma_wait3A_478 = arith.constant 0 : i32
      %dma_wait3A_479 = arith.constant 0 : i32
      %dma_wait3A_480 = tpu.memref_slice %arg3[%dma_wait3A_478, %dma_wait3A_479] : memref<64x1000000xf32, #tpu.memory_space<hbm>> -> memref<64x128xf32, #tpu.memory_space<hbm>>
      %dma_wait3A_481 = arith.constant 0 : i32
      %dma_wait3A_482 = arith.constant 384 : i32
      %dma_wait3A_483 = tpu.memref_slice %arg7[%dma_wait3A_481, %dma_wait3A_482] : memref<64x512xf32, #tpu.memory_space<vmem>> -> memref<64x128xf32, #tpu.memory_space<vmem>>
      %dma_wait3A_484 = arith.constant 0 : i32
      %dma_wait3A_485 = arith.constant 0 : i32
      %dma_wait3A_486 = tpu.memref_slice %arg3[%dma_wait3A_484, %dma_wait3A_485] : memref<64x1000000xf32, #tpu.memory_space<hbm>> -> memref<64x128xf32, #tpu.memory_space<hbm>>
      tpu.wait_dma2 semaphore(%arg10 : memref<!tpu.dma_semaphore, #tpu.memory_space<semaphore_mem>>) src(%dma_wait3A_486 : memref<64x128xf32, #tpu.memory_space<hbm>>) dst(%dma_wait3A_483 : memref<64x128xf32, #tpu.memory_space<vmem>>)
      %add3A_487 = arith.constant 4 : i32
      %add3A_488 = arith.addi %mul3A_101, %add3A_487 : i32
      %iota3A_489 = tpu.iota {dimensions = array<i32: 0>} : vector<16xi32>
      %slice3A_490 = vector.extract_strided_slice %while3A_99 {offsets = [4], sizes = [1], strides = [1]} : vector<16xi32> to vector<1xi32>
      %squeeze3A_491 = vector.extract %slice3A_490[0] : i32 from vector<1xi32>
      %and3A_492 = arith.constant 127 : i32
      %and3A_493 = arith.andi %squeeze3A_491, %and3A_492 : i32
      %broadcast_in_dim3A_494 = arith.constant 0 : i32
      %broadcast_in_dim3A_495 = vector.broadcast %broadcast_in_dim3A_494 : i32 to vector<16xi32>
      %add3A_496 = vector.broadcast %and3A_493 : i32 to vector<16xi32>
      %add3A_497 = arith.addi %broadcast_in_dim3A_495, %add3A_496 : vector<16xi32>
      %add3A_498 = arith.constant 0 : i32
      %add3A_499 = arith.addi %add3A_488, %add3A_498 : i32
      %broadcast_in_dim3A_500 = vector.broadcast %add3A_499 : i32 to vector<16xi32>
      %add3A_501 = arith.constant 0 : i32
      %add3A_502 = vector.broadcast %add3A_501 : i32 to vector<16xi32>
      %add3A_503 = arith.addi %iota3A_489, %add3A_502 : vector<16xi32>
      %gather3A_504 = tpu.vector_load_idx %arg7[%add3A_503, %add3A_497] : memref<64x512xf32, #tpu.memory_space<vmem>>[vector<16xi32>, vector<16xi32>], vector<16xf32>,
      %add3A_505 = arith.constant 0 : i32
      %add3A_506 = vector.broadcast %add3A_505 : i32 to vector<16xi32>
      %add3A_507 = arith.addi %iota3A_489, %add3A_506 : vector<16xi32>
      tpu.vector_store_idx %arg8[%add3A_507, %broadcast_in_dim3A_500], %gather3A_504 : memref<64x384xf32, #tpu.memory_space<vmem>>[vector<16xi32>, vector<16xi32>], vector<16xf32>,
      %add3A_508 = arith.constant 16 : i32
      %add3A_509 = vector.broadcast %add3A_508 : i32 to vector<16xi32>
      %add3A_510 = arith.addi %iota3A_489, %add3A_509 : vector<16xi32>
      %gather3A_511 = tpu.vector_load_idx %arg7[%add3A_510, %add3A_497] : memref<64x512xf32, #tpu.memory_space<vmem>>[vector<16xi32>, vector<16xi32>], vector<16xf32>,
      %add3A_512 = arith.constant 16 : i32
      %add3A_513 = vector.broadcast %add3A_512 : i32 to vector<16xi32>
      %add3A_514 = arith.addi %iota3A_489, %add3A_513 : vector<16xi32>
      tpu.vector_store_idx %arg8[%add3A_514, %broadcast_in_dim3A_500], %gather3A_511 : memref<64x384xf32, #tpu.memory_space<vmem>>[vector<16xi32>, vector<16xi32>], vector<16xf32>,
      %add3A_515 = arith.constant 32 : i32
      %add3A_516 = vector.broadcast %add3A_515 : i32 to vector<16xi32>
      %add3A_517 = arith.addi %iota3A_489, %add3A_516 : vector<16xi32>
      %gather3A_518 = tpu.vector_load_idx %arg7[%add3A_517, %add3A_497] : memref<64x512xf32, #tpu.memory_space<vmem>>[vector<16xi32>, vector<16xi32>], vector<16xf32>,
      %add3A_519 = arith.constant 32 : i32
      %add3A_520 = vector.broadcast %add3A_519 : i32 to vector<16xi32>
      %add3A_521 = arith.addi %iota3A_489, %add3A_520 : vector<16xi32>
      tpu.vector_store_idx %arg8[%add3A_521, %broadcast_in_dim3A_500], %gather3A_518 : memref<64x384xf32, #tpu.memory_space<vmem>>[vector<16xi32>, vector<16xi32>], vector<16xf32>,
      %add3A_522 = arith.constant 48 : i32
      %add3A_523 = vector.broadcast %add3A_522 : i32 to vector<16xi32>
      %add3A_524 = arith.addi %iota3A_489, %add3A_523 : vector<16xi32>
      %gather3A_525 = tpu.vector_load_idx %arg7[%add3A_524, %add3A_497] : memref<64x512xf32, #tpu.memory_space<vmem>>[vector<16xi32>, vector<16xi32>], vector<16xf32>,
      %add3A_526 = arith.constant 48 : i32
      %add3A_527 = vector.broadcast %add3A_526 : i32 to vector<16xi32>
      %add3A_528 = arith.addi %iota3A_489, %add3A_527 : vector<16xi32>
      tpu.vector_store_idx %arg8[%add3A_528, %broadcast_in_dim3A_500], %gather3A_525 : memref<64x384xf32, #tpu.memory_space<vmem>>[vector<16xi32>, vector<16xi32>], vector<16xf32>,
      %slice3A_529 = vector.extract_strided_slice %while3A_99 {offsets = [5], sizes = [1], strides = [1]} : vector<16xi32> to vector<1xi32>
      %squeeze3A_530 = vector.extract %slice3A_529[0] : i32 from vector<1xi32>
      %and3A_531 = arith.constant 127 : i32
      %and3A_532 = arith.andi %squeeze3A_530, %and3A_531 : i32
      %broadcast_in_dim3A_533 = arith.constant 128 : i32
      %broadcast_in_dim3A_534 = vector.broadcast %broadcast_in_dim3A_533 : i32 to vector<16xi32>
      %add3A_535 = vector.broadcast %and3A_532 : i32 to vector<16xi32>
      %add3A_536 = arith.addi %broadcast_in_dim3A_534, %add3A_535 : vector<16xi32>
      %add3A_537 = arith.constant 1 : i32
      %add3A_538 = arith.addi %add3A_488, %add3A_537 : i32
      %broadcast_in_dim3A_539 = vector.broadcast %add3A_538 : i32 to vector<16xi32>
      %add3A_540 = arith.constant 0 : i32
      %add3A_541 = vector.broadcast %add3A_540 : i32 to vector<16xi32>
      %add3A_542 = arith.addi %iota3A_489, %add3A_541 : vector<16xi32>
      %gather3A_543 = tpu.vector_load_idx %arg7[%add3A_542, %add3A_536] : memref<64x512xf32, #tpu.memory_space<vmem>>[vector<16xi32>, vector<16xi32>], vector<16xf32>,
      %add3A_544 = arith.constant 0 : i32
      %add3A_545 = vector.broadcast %add3A_544 : i32 to vector<16xi32>
      %add3A_546 = arith.addi %iota3A_489, %add3A_545 : vector<16xi32>
      tpu.vector_store_idx %arg8[%add3A_546, %broadcast_in_dim3A_539], %gather3A_543 : memref<64x384xf32, #tpu.memory_space<vmem>>[vector<16xi32>, vector<16xi32>], vector<16xf32>,
      %add3A_547 = arith.constant 16 : i32
      %add3A_548 = vector.broadcast %add3A_547 : i32 to vector<16xi32>
      %add3A_549 = arith.addi %iota3A_489, %add3A_548 : vector<16xi32>
      %gather3A_550 = tpu.vector_load_idx %arg7[%add3A_549, %add3A_536] : memref<64x512xf32, #tpu.memory_space<vmem>>[vector<16xi32>, vector<16xi32>], vector<16xf32>,
      %add3A_551 = arith.constant 16 : i32
      %add3A_552 = vector.broadcast %add3A_551 : i32 to vector<16xi32>
      %add3A_553 = arith.addi %iota3A_489, %add3A_552 : vector<16xi32>
      tpu.vector_store_idx %arg8[%add3A_553, %broadcast_in_dim3A_539], %gather3A_550 : memref<64x384xf32, #tpu.memory_space<vmem>>[vector<16xi32>, vector<16xi32>], vector<16xf32>,
      %add3A_554 = arith.constant 32 : i32
      %add3A_555 = vector.broadcast %add3A_554 : i32 to vector<16xi32>
      %add3A_556 = arith.addi %iota3A_489, %add3A_555 : vector<16xi32>
      %gather3A_557 = tpu.vector_load_idx %arg7[%add3A_556, %add3A_536] : memref<64x512xf32, #tpu.memory_space<vmem>>[vector<16xi32>, vector<16xi32>], vector<16xf32>,
      %add3A_558 = arith.constant 32 : i32
      %add3A_559 = vector.broadcast %add3A_558 : i32 to vector<16xi32>
      %add3A_560 = arith.addi %iota3A_489, %add3A_559 : vector<16xi32>
      tpu.vector_store_idx %arg8[%add3A_560, %broadcast_in_dim3A_539], %gather3A_557 : memref<64x384xf32, #tpu.memory_space<vmem>>[vector<16xi32>, vector<16xi32>], vector<16xf32>,
      %add3A_561 = arith.constant 48 : i32
      %add3A_562 = vector.broadcast %add3A_561 : i32 to vector<16xi32>
      %add3A_563 = arith.addi %iota3A_489, %add3A_562 : vector<16xi32>
      %gather3A_564 = tpu.vector_load_idx %arg7[%add3A_563, %add3A_536] : memref<64x512xf32, #tpu.memory_space<vmem>>[vector<16xi32>, vector<16xi32>], vector<16xf32>,
      %add3A_565 = arith.constant 48 : i32
      %add3A_566 = vector.broadcast %add3A_565 : i32 to vector<16xi32>
      %add3A_567 = arith.addi %iota3A_489, %add3A_566 : vector<16xi32>
      tpu.vector_store_idx %arg8[%add3A_567, %broadcast_in_dim3A_539], %gather3A_564 : memref<64x384xf32, #tpu.memory_space<vmem>>[vector<16xi32>, vector<16xi32>], vector<16xf32>,
      %slice3A_568 = vector.extract_strided_slice %while3A_99 {offsets = [6], sizes = [1], strides = [1]} : vector<16xi32> to vector<1xi32>
      %squeeze3A_569 = vector.extract %slice3A_568[0] : i32 from vector<1xi32>
      %and3A_570 = arith.constant 127 : i32
      %and3A_571 = arith.andi %squeeze3A_569, %and3A_570 : i32
      %broadcast_in_dim3A_572 = arith.constant 256 : i32
      %broadcast_in_dim3A_573 = vector.broadcast %broadcast_in_dim3A_572 : i32 to vector<16xi32>
      %add3A_574 = vector.broadcast %and3A_571 : i32 to vector<16xi32>
      %add3A_575 = arith.addi %broadcast_in_dim3A_573, %add3A_574 : vector<16xi32>
      %add3A_576 = arith.constant 2 : i32
      %add3A_577 = arith.addi %add3A_488, %add3A_576 : i32
      %broadcast_in_dim3A_578 = vector.broadcast %add3A_577 : i32 to vector<16xi32>
      %add3A_579 = arith.constant 0 : i32
      %add3A_580 = vector.broadcast %add3A_579 : i32 to vector<16xi32>
      %add3A_581 = arith.addi %iota3A_489, %add3A_580 : vector<16xi32>
      %gather3A_582 = tpu.vector_load_idx %arg7[%add3A_581, %add3A_575] : memref<64x512xf32, #tpu.memory_space<vmem>>[vector<16xi32>, vector<16xi32>], vector<16xf32>,
      %add3A_583 = arith.constant 0 : i32
      %add3A_584 = vector.broadcast %add3A_583 : i32 to vector<16xi32>
      %add3A_585 = arith.addi %iota3A_489, %add3A_584 : vector<16xi32>
      tpu.vector_store_idx %arg8[%add3A_585, %broadcast_in_dim3A_578], %gather3A_582 : memref<64x384xf32, #tpu.memory_space<vmem>>[vector<16xi32>, vector<16xi32>], vector<16xf32>,
      %add3A_586 = arith.constant 16 : i32
      %add3A_587 = vector.broadcast %add3A_586 : i32 to vector<16xi32>
      %add3A_588 = arith.addi %iota3A_489, %add3A_587 : vector<16xi32>
      %gather3A_589 = tpu.vector_load_idx %arg7[%add3A_588, %add3A_575] : memref<64x512xf32, #tpu.memory_space<vmem>>[vector<16xi32>, vector<16xi32>], vector<16xf32>,
      %add3A_590 = arith.constant 16 : i32
      %add3A_591 = vector.broadcast %add3A_590 : i32 to vector<16xi32>
      %add3A_592 = arith.addi %iota3A_489, %add3A_591 : vector<16xi32>
      tpu.vector_store_idx %arg8[%add3A_592, %broadcast_in_dim3A_578], %gather3A_589 : memref<64x384xf32, #tpu.memory_space<vmem>>[vector<16xi32>, vector<16xi32>], vector<16xf32>,
      %add3A_593 = arith.constant 32 : i32
      %add3A_594 = vector.broadcast %add3A_593 : i32 to vector<16xi32>
      %add3A_595 = arith.addi %iota3A_489, %add3A_594 : vector<16xi32>
      %gather3A_596 = tpu.vector_load_idx %arg7[%add3A_595, %add3A_575] : memref<64x512xf32, #tpu.memory_space<vmem>>[vector<16xi32>, vector<16xi32>], vector<16xf32>,
      %add3A_597 = arith.constant 32 : i32
      %add3A_598 = vector.broadcast %add3A_597 : i32 to vector<16xi32>
      %add3A_599 = arith.addi %iota3A_489, %add3A_598 : vector<16xi32>
      tpu.vector_store_idx %arg8[%add3A_599, %broadcast_in_dim3A_578], %gather3A_596 : memref<64x384xf32, #tpu.memory_space<vmem>>[vector<16xi32>, vector<16xi32>], vector<16xf32>,
      %add3A_600 = arith.constant 48 : i32
      %add3A_601 = vector.broadcast %add3A_600 : i32 to vector<16xi32>
      %add3A_602 = arith.addi %iota3A_489, %add3A_601 : vector<16xi32>
      %gather3A_603 = tpu.vector_load_idx %arg7[%add3A_602, %add3A_575] : memref<64x512xf32, #tpu.memory_space<vmem>>[vector<16xi32>, vector<16xi32>], vector<16xf32>,
      %add3A_604 = arith.constant 48 : i32
      %add3A_605 = vector.broadcast %add3A_604 : i32 to vector<16xi32>
      %add3A_606 = arith.addi %iota3A_489, %add3A_605 : vector<16xi32>
      tpu.vector_store_idx %arg8[%add3A_606, %broadcast_in_dim3A_578], %gather3A_603 : memref<64x384xf32, #tpu.memory_space<vmem>>[vector<16xi32>, vector<16xi32>], vector<16xf32>,
      %slice3A_607 = vector.extract_strided_slice %while3A_99 {offsets = [7], sizes = [1], strides = [1]} : vector<16xi32> to vector<1xi32>
      %squeeze3A_608 = vector.extract %slice3A_607[0] : i32 from vector<1xi32>
      %and3A_609 = arith.constant 127 : i32
      %and3A_610 = arith.andi %squeeze3A_608, %and3A_609 : i32
      %broadcast_in_dim3A_611 = arith.constant 384 : i32
      %broadcast_in_dim3A_612 = vector.broadcast %broadcast_in_dim3A_611 : i32 to vector<16xi32>
      %add3A_613 = vector.broadcast %and3A_610 : i32 to vector<16xi32>
      %add3A_614 = arith.addi %broadcast_in_dim3A_612, %add3A_613 : vector<16xi32>
      %add3A_615 = arith.constant 3 : i32
      %add3A_616 = arith.addi %add3A_488, %add3A_615 : i32
      %broadcast_in_dim3A_617 = vector.broadcast %add3A_616 : i32 to vector<16xi32>
      %add3A_618 = arith.constant 0 : i32
      %add3A_619 = vector.broadcast %add3A_618 : i32 to vector<16xi32>
      %add3A_620 = arith.addi %iota3A_489, %add3A_619 : vector<16xi32>
      %gather3A_621 = tpu.vector_load_idx %arg7[%add3A_620, %add3A_614] : memref<64x512xf32, #tpu.memory_space<vmem>>[vector<16xi32>, vector<16xi32>], vector<16xf32>,
      %add3A_622 = arith.constant 0 : i32
      %add3A_623 = vector.broadcast %add3A_622 : i32 to vector<16xi32>
      %add3A_624 = arith.addi %iota3A_489, %add3A_623 : vector<16xi32>
      tpu.vector_store_idx %arg8[%add3A_624, %broadcast_in_dim3A_617], %gather3A_621 : memref<64x384xf32, #tpu.memory_space<vmem>>[vector<16xi32>, vector<16xi32>], vector<16xf32>,
      %add3A_625 = arith.constant 16 : i32
      %add3A_626 = vector.broadcast %add3A_625 : i32 to vector<16xi32>
      %add3A_627 = arith.addi %iota3A_489, %add3A_626 : vector<16xi32>
      %gather3A_628 = tpu.vector_load_idx %arg7[%add3A_627, %add3A_614] : memref<64x512xf32, #tpu.memory_space<vmem>>[vector<16xi32>, vector<16xi32>], vector<16xf32>,
      %add3A_629 = arith.constant 16 : i32
      %add3A_630 = vector.broadcast %add3A_629 : i32 to vector<16xi32>
      %add3A_631 = arith.addi %iota3A_489, %add3A_630 : vector<16xi32>
      tpu.vector_store_idx %arg8[%add3A_631, %broadcast_in_dim3A_617], %gather3A_628 : memref<64x384xf32, #tpu.memory_space<vmem>>[vector<16xi32>, vector<16xi32>], vector<16xf32>,
      %add3A_632 = arith.constant 32 : i32
      %add3A_633 = vector.broadcast %add3A_632 : i32 to vector<16xi32>
      %add3A_634 = arith.addi %iota3A_489, %add3A_633 : vector<16xi32>
      %gather3A_635 = tpu.vector_load_idx %arg7[%add3A_634, %add3A_614] : memref<64x512xf32, #tpu.memory_space<vmem>>[vector<16xi32>, vector<16xi32>], vector<16xf32>,
      %add3A_636 = arith.constant 32 : i32
      %add3A_637 = vector.broadcast %add3A_636 : i32 to vector<16xi32>
      %add3A_638 = arith.addi %iota3A_489, %add3A_637 : vector<16xi32>
      tpu.vector_store_idx %arg8[%add3A_638, %broadcast_in_dim3A_617], %gather3A_635 : memref<64x384xf32, #tpu.memory_space<vmem>>[vector<16xi32>, vector<16xi32>], vector<16xf32>,
      %add3A_639 = arith.constant 48 : i32
      %add3A_640 = vector.broadcast %add3A_639 : i32 to vector<16xi32>
      %add3A_641 = arith.addi %iota3A_489, %add3A_640 : vector<16xi32>
      %gather3A_642 = tpu.vector_load_idx %arg7[%add3A_641, %add3A_614] : memref<64x512xf32, #tpu.memory_space<vmem>>[vector<16xi32>, vector<16xi32>], vector<16xf32>,
      %add3A_643 = arith.constant 48 : i32
      %add3A_644 = vector.broadcast %add3A_643 : i32 to vector<16xi32>
      %add3A_645 = arith.addi %iota3A_489, %add3A_644 : vector<16xi32>
      tpu.vector_store_idx %arg8[%add3A_645, %broadcast_in_dim3A_617], %gather3A_642 : memref<64x384xf32, #tpu.memory_space<vmem>>[vector<16xi32>, vector<16xi32>], vector<16xf32>,
      %slice3A_646 = vector.extract_strided_slice %while3A_99 {offsets = [12], sizes = [1], strides = [1]} : vector<16xi32> to vector<1xi32>
      %squeeze3A_647 = vector.extract %slice3A_646[0] : i32 from vector<1xi32>
      %shift_right_arithmetic3A_648 = arith.constant 7 : i32
      %shift_right_arithmetic3A_649 = arith.shrsi %squeeze3A_647, %shift_right_arithmetic3A_648 : i32
      %shift_left3A_650 = arith.constant 7 : i32
      %shift_left3A_651 = arith.shli %shift_right_arithmetic3A_649, %shift_left3A_650 : i32
      %multiple_of3A_652 = tpu.assume_multiple %shift_left3A_651, 128 : i32
      %dma_start3A_653 = arith.constant 0 : i32
      %dma_start3A_654 = arith.constant 0 : i32
      %dma_start3A_655 = tpu.memref_slice %arg7[%dma_start3A_653, %dma_start3A_654] : memref<64x512xf32, #tpu.memory_space<vmem>> -> memref<64x128xf32, #tpu.memory_space<vmem>>
      %dma_start3A_656 = arith.constant 0 : i32
      %dma_start3A_657 = tpu.memref_slice %arg3[%dma_start3A_656, %multiple_of3A_652] : memref<64x1000000xf32, #tpu.memory_space<hbm>> -> memref<64x128xf32, #tpu.memory_space<hbm>>
      %dma_start3A_658 = arith.constant 0 : i32
      %dma_start3A_659 = arith.constant 0 : i32
      %dma_start3A_660 = tpu.memref_slice %arg7[%dma_start3A_658, %dma_start3A_659] : memref<64x512xf32, #tpu.memory_space<vmem>> -> memref<64x128xf32, #tpu.memory_space<vmem>>
      %dma_start3A_661 = arith.constant 0 : i32
      %dma_start3A_662 = tpu.memref_slice %arg3[%dma_start3A_661, %multiple_of3A_652] : memref<64x1000000xf32, #tpu.memory_space<hbm>> -> memref<64x128xf32, #tpu.memory_space<hbm>>
      tpu.enqueue_dma source(%dma_start3A_662 : memref<64x128xf32, #tpu.memory_space<hbm>>) target(%dma_start3A_660 : memref<64x128xf32, #tpu.memory_space<vmem>>) target_semaphore(%arg10 : memref<!tpu.dma_semaphore, #tpu.memory_space<semaphore_mem>>)
      %slice3A_663 = vector.extract_strided_slice %while3A_99 {offsets = [13], sizes = [1], strides = [1]} : vector<16xi32> to vector<1xi32>
      %squeeze3A_664 = vector.extract %slice3A_663[0] : i32 from vector<1xi32>
      %shift_right_arithmetic3A_665 = arith.constant 7 : i32
      %shift_right_arithmetic3A_666 = arith.shrsi %squeeze3A_664, %shift_right_arithmetic3A_665 : i32
      %shift_left3A_667 = arith.constant 7 : i32
      %shift_left3A_668 = arith.shli %shift_right_arithmetic3A_666, %shift_left3A_667 : i32
      %multiple_of3A_669 = tpu.assume_multiple %shift_left3A_668, 128 : i32
      %dma_start3A_670 = arith.constant 0 : i32
      %dma_start3A_671 = arith.constant 128 : i32
      %dma_start3A_672 = tpu.memref_slice %arg7[%dma_start3A_670, %dma_start3A_671] : memref<64x512xf32, #tpu.memory_space<vmem>> -> memref<64x128xf32, #tpu.memory_space<vmem>>
      %dma_start3A_673 = arith.constant 0 : i32
      %dma_start3A_674 = tpu.memref_slice %arg3[%dma_start3A_673, %multiple_of3A_669] : memref<64x1000000xf32, #tpu.memory_space<hbm>> -> memref<64x128xf32, #tpu.memory_space<hbm>>
      %dma_start3A_675 = arith.constant 0 : i32
      %dma_start3A_676 = arith.constant 128 : i32
      %dma_start3A_677 = tpu.memref_slice %arg7[%dma_start3A_675, %dma_start3A_676] : memref<64x512xf32, #tpu.memory_space<vmem>> -> memref<64x128xf32, #tpu.memory_space<vmem>>
      %dma_start3A_678 = arith.constant 0 : i32
      %dma_start3A_679 = tpu.memref_slice %arg3[%dma_start3A_678, %multiple_of3A_669] : memref<64x1000000xf32, #tpu.memory_space<hbm>> -> memref<64x128xf32, #tpu.memory_space<hbm>>
      tpu.enqueue_dma source(%dma_start3A_679 : memref<64x128xf32, #tpu.memory_space<hbm>>) target(%dma_start3A_677 : memref<64x128xf32, #tpu.memory_space<vmem>>) target_semaphore(%arg10 : memref<!tpu.dma_semaphore, #tpu.memory_space<semaphore_mem>>)
      %slice3A_680 = vector.extract_strided_slice %while3A_99 {offsets = [14], sizes = [1], strides = [1]} : vector<16xi32> to vector<1xi32>
      %squeeze3A_681 = vector.extract %slice3A_680[0] : i32 from vector<1xi32>
      %shift_right_arithmetic3A_682 = arith.constant 7 : i32
      %shift_right_arithmetic3A_683 = arith.shrsi %squeeze3A_681, %shift_right_arithmetic3A_682 : i32
      %shift_left3A_684 = arith.constant 7 : i32
      %shift_left3A_685 = arith.shli %shift_right_arithmetic3A_683, %shift_left3A_684 : i32
      %multiple_of3A_686 = tpu.assume_multiple %shift_left3A_685, 128 : i32
      %dma_start3A_687 = arith.constant 0 : i32
      %dma_start3A_688 = arith.constant 256 : i32
      %dma_start3A_689 = tpu.memref_slice %arg7[%dma_start3A_687, %dma_start3A_688] : memref<64x512xf32, #tpu.memory_space<vmem>> -> memref<64x128xf32, #tpu.memory_space<vmem>>
      %dma_start3A_690 = arith.constant 0 : i32
      %dma_start3A_691 = tpu.memref_slice %arg3[%dma_start3A_690, %multiple_of3A_686] : memref<64x1000000xf32, #tpu.memory_space<hbm>> -> memref<64x128xf32, #tpu.memory_space<hbm>>
      %dma_start3A_692 = arith.constant 0 : i32
      %dma_start3A_693 = arith.constant 256 : i32
      %dma_start3A_694 = tpu.memref_slice %arg7[%dma_start3A_692, %dma_start3A_693] : memref<64x512xf32, #tpu.memory_space<vmem>> -> memref<64x128xf32, #tpu.memory_space<vmem>>
      %dma_start3A_695 = arith.constant 0 : i32
      %dma_start3A_696 = tpu.memref_slice %arg3[%dma_start3A_695, %multiple_of3A_686] : memref<64x1000000xf32, #tpu.memory_space<hbm>> -> memref<64x128xf32, #tpu.memory_space<hbm>>
      tpu.enqueue_dma source(%dma_start3A_696 : memref<64x128xf32, #tpu.memory_space<hbm>>) target(%dma_start3A_694 : memref<64x128xf32, #tpu.memory_space<vmem>>) target_semaphore(%arg10 : memref<!tpu.dma_semaphore, #tpu.memory_space<semaphore_mem>>)
      %slice3A_697 = vector.extract_strided_slice %while3A_99 {offsets = [15], sizes = [1], strides = [1]} : vector<16xi32> to vector<1xi32>
      %squeeze3A_698 = vector.extract %slice3A_697[0] : i32 from vector<1xi32>
      %shift_right_arithmetic3A_699 = arith.constant 7 : i32
      %shift_right_arithmetic3A_700 = arith.shrsi %squeeze3A_698, %shift_right_arithmetic3A_699 : i32
      %shift_left3A_701 = arith.constant 7 : i32
      %shift_left3A_702 = arith.shli %shift_right_arithmetic3A_700, %shift_left3A_701 : i32
      %multiple_of3A_703 = tpu.assume_multiple %shift_left3A_702, 128 : i32
      %dma_start3A_704 = arith.constant 0 : i32
      %dma_start3A_705 = arith.constant 384 : i32
      %dma_start3A_706 = tpu.memref_slice %arg7[%dma_start3A_704, %dma_start3A_705] : memref<64x512xf32, #tpu.memory_space<vmem>> -> memref<64x128xf32, #tpu.memory_space<vmem>>
      %dma_start3A_707 = arith.constant 0 : i32
      %dma_start3A_708 = tpu.memref_slice %arg3[%dma_start3A_707, %multiple_of3A_703] : memref<64x1000000xf32, #tpu.memory_space<hbm>> -> memref<64x128xf32, #tpu.memory_space<hbm>>
      %dma_start3A_709 = arith.constant 0 : i32
      %dma_start3A_710 = arith.constant 384 : i32
      %dma_start3A_711 = tpu.memref_slice %arg7[%dma_start3A_709, %dma_start3A_710] : memref<64x512xf32, #tpu.memory_space<vmem>> -> memref<64x128xf32, #tpu.memory_space<vmem>>
      %dma_start3A_712 = arith.constant 0 : i32
      %dma_start3A_713 = tpu.memref_slice %arg3[%dma_start3A_712, %multiple_of3A_703] : memref<64x1000000xf32, #tpu.memory_space<hbm>> -> memref<64x128xf32, #tpu.memory_space<hbm>>
      tpu.enqueue_dma source(%dma_start3A_713 : memref<64x128xf32, #tpu.memory_space<hbm>>) target(%dma_start3A_711 : memref<64x128xf32, #tpu.memory_space<vmem>>) target_semaphore(%arg10 : memref<!tpu.dma_semaphore, #tpu.memory_space<semaphore_mem>>)
      %dma_wait3A_714 = arith.constant 0 : i32
      %dma_wait3A_715 = arith.constant 0 : i32
      %dma_wait3A_716 = tpu.memref_slice %arg6[%dma_wait3A_714, %dma_wait3A_715] : memref<64x512xf32, #tpu.memory_space<vmem>> -> memref<64x128xf32, #tpu.memory_space<vmem>>
      %dma_wait3A_717 = arith.constant 0 : i32
      %dma_wait3A_718 = arith.constant 0 : i32
      %dma_wait3A_719 = tpu.memref_slice %arg3[%dma_wait3A_717, %dma_wait3A_718] : memref<64x1000000xf32, #tpu.memory_space<hbm>> -> memref<64x128xf32, #tpu.memory_space<hbm>>
      %dma_wait3A_720 = arith.constant 0 : i32
      %dma_wait3A_721 = arith.constant 0 : i32
      %dma_wait3A_722 = tpu.memref_slice %arg6[%dma_wait3A_720, %dma_wait3A_721] : memref<64x512xf32, #tpu.memory_space<vmem>> -> memref<64x128xf32, #tpu.memory_space<vmem>>
      %dma_wait3A_723 = arith.constant 0 : i32
      %dma_wait3A_724 = arith.constant 0 : i32
      %dma_wait3A_725 = tpu.memref_slice %arg3[%dma_wait3A_723, %dma_wait3A_724] : memref<64x1000000xf32, #tpu.memory_space<hbm>> -> memref<64x128xf32, #tpu.memory_space<hbm>>
      tpu.wait_dma2 semaphore(%arg9 : memref<!tpu.dma_semaphore, #tpu.memory_space<semaphore_mem>>) src(%dma_wait3A_725 : memref<64x128xf32, #tpu.memory_space<hbm>>) dst(%dma_wait3A_722 : memref<64x128xf32, #tpu.memory_space<vmem>>)
      %dma_wait3A_726 = arith.constant 0 : i32
      %dma_wait3A_727 = arith.constant 128 : i32
      %dma_wait3A_728 = tpu.memref_slice %arg6[%dma_wait3A_726, %dma_wait3A_727] : memref<64x512xf32, #tpu.memory_space<vmem>> -> memref<64x128xf32, #tpu.memory_space<vmem>>
      %dma_wait3A_729 = arith.constant 0 : i32
      %dma_wait3A_730 = arith.constant 0 : i32
      %dma_wait3A_731 = tpu.memref_slice %arg3[%dma_wait3A_729, %dma_wait3A_730] : memref<64x1000000xf32, #tpu.memory_space<hbm>> -> memref<64x128xf32, #tpu.memory_space<hbm>>
      %dma_wait3A_732 = arith.constant 0 : i32
      %dma_wait3A_733 = arith.constant 128 : i32
      %dma_wait3A_734 = tpu.memref_slice %arg6[%dma_wait3A_732, %dma_wait3A_733] : memref<64x512xf32, #tpu.memory_space<vmem>> -> memref<64x128xf32, #tpu.memory_space<vmem>>
      %dma_wait3A_735 = arith.constant 0 : i32
      %dma_wait3A_736 = arith.constant 0 : i32
      %dma_wait3A_737 = tpu.memref_slice %arg3[%dma_wait3A_735, %dma_wait3A_736] : memref<64x1000000xf32, #tpu.memory_space<hbm>> -> memref<64x128xf32, #tpu.memory_space<hbm>>
      tpu.wait_dma2 semaphore(%arg9 : memref<!tpu.dma_semaphore, #tpu.memory_space<semaphore_mem>>) src(%dma_wait3A_737 : memref<64x128xf32, #tpu.memory_space<hbm>>) dst(%dma_wait3A_734 : memref<64x128xf32, #tpu.memory_space<vmem>>)
      %dma_wait3A_738 = arith.constant 0 : i32
      %dma_wait3A_739 = arith.constant 256 : i32
      %dma_wait3A_740 = tpu.memref_slice %arg6[%dma_wait3A_738, %dma_wait3A_739] : memref<64x512xf32, #tpu.memory_space<vmem>> -> memref<64x128xf32, #tpu.memory_space<vmem>>
      %dma_wait3A_741 = arith.constant 0 : i32
      %dma_wait3A_742 = arith.constant 0 : i32
      %dma_wait3A_743 = tpu.memref_slice %arg3[%dma_wait3A_741, %dma_wait3A_742] : memref<64x1000000xf32, #tpu.memory_space<hbm>> -> memref<64x128xf32, #tpu.memory_space<hbm>>
      %dma_wait3A_744 = arith.constant 0 : i32
      %dma_wait3A_745 = arith.constant 256 : i32
      %dma_wait3A_746 = tpu.memref_slice %arg6[%dma_wait3A_744, %dma_wait3A_745] : memref<64x512xf32, #tpu.memory_space<vmem>> -> memref<64x128xf32, #tpu.memory_space<vmem>>
      %dma_wait3A_747 = arith.constant 0 : i32
      %dma_wait3A_748 = arith.constant 0 : i32
      %dma_wait3A_749 = tpu.memref_slice %arg3[%dma_wait3A_747, %dma_wait3A_748] : memref<64x1000000xf32, #tpu.memory_space<hbm>> -> memref<64x128xf32, #tpu.memory_space<hbm>>
      tpu.wait_dma2 semaphore(%arg9 : memref<!tpu.dma_semaphore, #tpu.memory_space<semaphore_mem>>) src(%dma_wait3A_749 : memref<64x128xf32, #tpu.memory_space<hbm>>) dst(%dma_wait3A_746 : memref<64x128xf32, #tpu.memory_space<vmem>>)
      %dma_wait3A_750 = arith.constant 0 : i32
      %dma_wait3A_751 = arith.constant 384 : i32
      %dma_wait3A_752 = tpu.memref_slice %arg6[%dma_wait3A_750, %dma_wait3A_751] : memref<64x512xf32, #tpu.memory_space<vmem>> -> memref<64x128xf32, #tpu.memory_space<vmem>>
      %dma_wait3A_753 = arith.constant 0 : i32
      %dma_wait3A_754 = arith.constant 0 : i32
      %dma_wait3A_755 = tpu.memref_slice %arg3[%dma_wait3A_753, %dma_wait3A_754] : memref<64x1000000xf32, #tpu.memory_space<hbm>> -> memref<64x128xf32, #tpu.memory_space<hbm>>
      %dma_wait3A_756 = arith.constant 0 : i32
      %dma_wait3A_757 = arith.constant 384 : i32
      %dma_wait3A_758 = tpu.memref_slice %arg6[%dma_wait3A_756, %dma_wait3A_757] : memref<64x512xf32, #tpu.memory_space<vmem>> -> memref<64x128xf32, #tpu.memory_space<vmem>>
      %dma_wait3A_759 = arith.constant 0 : i32
      %dma_wait3A_760 = arith.constant 0 : i32
      %dma_wait3A_761 = tpu.memref_slice %arg3[%dma_wait3A_759, %dma_wait3A_760] : memref<64x1000000xf32, #tpu.memory_space<hbm>> -> memref<64x128xf32, #tpu.memory_space<hbm>>
      tpu.wait_dma2 semaphore(%arg9 : memref<!tpu.dma_semaphore, #tpu.memory_space<semaphore_mem>>) src(%dma_wait3A_761 : memref<64x128xf32, #tpu.memory_space<hbm>>) dst(%dma_wait3A_758 : memref<64x128xf32, #tpu.memory_space<vmem>>)
      %add3A_762 = arith.constant 8 : i32
      %add3A_763 = arith.addi %mul3A_101, %add3A_762 : i32
      %iota3A_764 = tpu.iota {dimensions = array<i32: 0>} : vector<16xi32>
      %slice3A_765 = vector.extract_strided_slice %while3A_99 {offsets = [8], sizes = [1], strides = [1]} : vector<16xi32> to vector<1xi32>
      %squeeze3A_766 = vector.extract %slice3A_765[0] : i32 from vector<1xi32>
      %and3A_767 = arith.constant 127 : i32
      %and3A_768 = arith.andi %squeeze3A_766, %and3A_767 : i32
      %broadcast_in_dim3A_769 = arith.constant 0 : i32
      %broadcast_in_dim3A_770 = vector.broadcast %broadcast_in_dim3A_769 : i32 to vector<16xi32>
      %add3A_771 = vector.broadcast %and3A_768 : i32 to vector<16xi32>
      %add3A_772 = arith.addi %broadcast_in_dim3A_770, %add3A_771 : vector<16xi32>
      %add3A_773 = arith.constant 0 : i32
      %add3A_774 = arith.addi %add3A_763, %add3A_773 : i32
      %broadcast_in_dim3A_775 = vector.broadcast %add3A_774 : i32 to vector<16xi32>
      %add3A_776 = arith.constant 0 : i32
      %add3A_777 = vector.broadcast %add3A_776 : i32 to vector<16xi32>
      %add3A_778 = arith.addi %iota3A_764, %add3A_777 : vector<16xi32>
      %gather3A_779 = tpu.vector_load_idx %arg6[%add3A_778, %add3A_772] : memref<64x512xf32, #tpu.memory_space<vmem>>[vector<16xi32>, vector<16xi32>], vector<16xf32>,
      %add3A_780 = arith.constant 0 : i32
      %add3A_781 = vector.broadcast %add3A_780 : i32 to vector<16xi32>
      %add3A_782 = arith.addi %iota3A_764, %add3A_781 : vector<16xi32>
      tpu.vector_store_idx %arg8[%add3A_782, %broadcast_in_dim3A_775], %gather3A_779 : memref<64x384xf32, #tpu.memory_space<vmem>>[vector<16xi32>, vector<16xi32>], vector<16xf32>,
      %add3A_783 = arith.constant 16 : i32
      %add3A_784 = vector.broadcast %add3A_783 : i32 to vector<16xi32>
      %add3A_785 = arith.addi %iota3A_764, %add3A_784 : vector<16xi32>
      %gather3A_786 = tpu.vector_load_idx %arg6[%add3A_785, %add3A_772] : memref<64x512xf32, #tpu.memory_space<vmem>>[vector<16xi32>, vector<16xi32>], vector<16xf32>,
      %add3A_787 = arith.constant 16 : i32
      %add3A_788 = vector.broadcast %add3A_787 : i32 to vector<16xi32>
      %add3A_789 = arith.addi %iota3A_764, %add3A_788 : vector<16xi32>
      tpu.vector_store_idx %arg8[%add3A_789, %broadcast_in_dim3A_775], %gather3A_786 : memref<64x384xf32, #tpu.memory_space<vmem>>[vector<16xi32>, vector<16xi32>], vector<16xf32>,
      %add3A_790 = arith.constant 32 : i32
      %add3A_791 = vector.broadcast %add3A_790 : i32 to vector<16xi32>
      %add3A_792 = arith.addi %iota3A_764, %add3A_791 : vector<16xi32>
      %gather3A_793 = tpu.vector_load_idx %arg6[%add3A_792, %add3A_772] : memref<64x512xf32, #tpu.memory_space<vmem>>[vector<16xi32>, vector<16xi32>], vector<16xf32>,
      %add3A_794 = arith.constant 32 : i32
      %add3A_795 = vector.broadcast %add3A_794 : i32 to vector<16xi32>
      %add3A_796 = arith.addi %iota3A_764, %add3A_795 : vector<16xi32>
      tpu.vector_store_idx %arg8[%add3A_796, %broadcast_in_dim3A_775], %gather3A_793 : memref<64x384xf32, #tpu.memory_space<vmem>>[vector<16xi32>, vector<16xi32>], vector<16xf32>,
      %add3A_797 = arith.constant 48 : i32
      %add3A_798 = vector.broadcast %add3A_797 : i32 to vector<16xi32>
      %add3A_799 = arith.addi %iota3A_764, %add3A_798 : vector<16xi32>
      %gather3A_800 = tpu.vector_load_idx %arg6[%add3A_799, %add3A_772] : memref<64x512xf32, #tpu.memory_space<vmem>>[vector<16xi32>, vector<16xi32>], vector<16xf32>,
      %add3A_801 = arith.constant 48 : i32
      %add3A_802 = vector.broadcast %add3A_801 : i32 to vector<16xi32>
      %add3A_803 = arith.addi %iota3A_764, %add3A_802 : vector<16xi32>
      tpu.vector_store_idx %arg8[%add3A_803, %broadcast_in_dim3A_775], %gather3A_800 : memref<64x384xf32, #tpu.memory_space<vmem>>[vector<16xi32>, vector<16xi32>], vector<16xf32>,
      %slice3A_804 = vector.extract_strided_slice %while3A_99 {offsets = [9], sizes = [1], strides = [1]} : vector<16xi32> to vector<1xi32>
      %squeeze3A_805 = vector.extract %slice3A_804[0] : i32 from vector<1xi32>
      %and3A_806 = arith.constant 127 : i32
      %and3A_807 = arith.andi %squeeze3A_805, %and3A_806 : i32
      %broadcast_in_dim3A_808 = arith.constant 128 : i32
      %broadcast_in_dim3A_809 = vector.broadcast %broadcast_in_dim3A_808 : i32 to vector<16xi32>
      %add3A_810 = vector.broadcast %and3A_807 : i32 to vector<16xi32>
      %add3A_811 = arith.addi %broadcast_in_dim3A_809, %add3A_810 : vector<16xi32>
      %add3A_812 = arith.constant 1 : i32
      %add3A_813 = arith.addi %add3A_763, %add3A_812 : i32
      %broadcast_in_dim3A_814 = vector.broadcast %add3A_813 : i32 to vector<16xi32>
      %add3A_815 = arith.constant 0 : i32
      %add3A_816 = vector.broadcast %add3A_815 : i32 to vector<16xi32>
      %add3A_817 = arith.addi %iota3A_764, %add3A_816 : vector<16xi32>
      %gather3A_818 = tpu.vector_load_idx %arg6[%add3A_817, %add3A_811] : memref<64x512xf32, #tpu.memory_space<vmem>>[vector<16xi32>, vector<16xi32>], vector<16xf32>,
      %add3A_819 = arith.constant 0 : i32
      %add3A_820 = vector.broadcast %add3A_819 : i32 to vector<16xi32>
      %add3A_821 = arith.addi %iota3A_764, %add3A_820 : vector<16xi32>
      tpu.vector_store_idx %arg8[%add3A_821, %broadcast_in_dim3A_814], %gather3A_818 : memref<64x384xf32, #tpu.memory_space<vmem>>[vector<16xi32>, vector<16xi32>], vector<16xf32>,
      %add3A_822 = arith.constant 16 : i32
      %add3A_823 = vector.broadcast %add3A_822 : i32 to vector<16xi32>
      %add3A_824 = arith.addi %iota3A_764, %add3A_823 : vector<16xi32>
      %gather3A_825 = tpu.vector_load_idx %arg6[%add3A_824, %add3A_811] : memref<64x512xf32, #tpu.memory_space<vmem>>[vector<16xi32>, vector<16xi32>], vector<16xf32>,
      %add3A_826 = arith.constant 16 : i32
      %add3A_827 = vector.broadcast %add3A_826 : i32 to vector<16xi32>
      %add3A_828 = arith.addi %iota3A_764, %add3A_827 : vector<16xi32>
      tpu.vector_store_idx %arg8[%add3A_828, %broadcast_in_dim3A_814], %gather3A_825 : memref<64x384xf32, #tpu.memory_space<vmem>>[vector<16xi32>, vector<16xi32>], vector<16xf32>,
      %add3A_829 = arith.constant 32 : i32
      %add3A_830 = vector.broadcast %add3A_829 : i32 to vector<16xi32>
      %add3A_831 = arith.addi %iota3A_764, %add3A_830 : vector<16xi32>
      %gather3A_832 = tpu.vector_load_idx %arg6[%add3A_831, %add3A_811] : memref<64x512xf32, #tpu.memory_space<vmem>>[vector<16xi32>, vector<16xi32>], vector<16xf32>,
      %add3A_833 = arith.constant 32 : i32
      %add3A_834 = vector.broadcast %add3A_833 : i32 to vector<16xi32>
      %add3A_835 = arith.addi %iota3A_764, %add3A_834 : vector<16xi32>
      tpu.vector_store_idx %arg8[%add3A_835, %broadcast_in_dim3A_814], %gather3A_832 : memref<64x384xf32, #tpu.memory_space<vmem>>[vector<16xi32>, vector<16xi32>], vector<16xf32>,
      %add3A_836 = arith.constant 48 : i32
      %add3A_837 = vector.broadcast %add3A_836 : i32 to vector<16xi32>
      %add3A_838 = arith.addi %iota3A_764, %add3A_837 : vector<16xi32>
      %gather3A_839 = tpu.vector_load_idx %arg6[%add3A_838, %add3A_811] : memref<64x512xf32, #tpu.memory_space<vmem>>[vector<16xi32>, vector<16xi32>], vector<16xf32>,
      %add3A_840 = arith.constant 48 : i32
      %add3A_841 = vector.broadcast %add3A_840 : i32 to vector<16xi32>
      %add3A_842 = arith.addi %iota3A_764, %add3A_841 : vector<16xi32>
      tpu.vector_store_idx %arg8[%add3A_842, %broadcast_in_dim3A_814], %gather3A_839 : memref<64x384xf32, #tpu.memory_space<vmem>>[vector<16xi32>, vector<16xi32>], vector<16xf32>,
      %slice3A_843 = vector.extract_strided_slice %while3A_99 {offsets = [10], sizes = [1], strides = [1]} : vector<16xi32> to vector<1xi32>
      %squeeze3A_844 = vector.extract %slice3A_843[0] : i32 from vector<1xi32>
      %and3A_845 = arith.constant 127 : i32
      %and3A_846 = arith.andi %squeeze3A_844, %and3A_845 : i32
      %broadcast_in_dim3A_847 = arith.constant 256 : i32
      %broadcast_in_dim3A_848 = vector.broadcast %broadcast_in_dim3A_847 : i32 to vector<16xi32>
      %add3A_849 = vector.broadcast %and3A_846 : i32 to vector<16xi32>
      %add3A_850 = arith.addi %broadcast_in_dim3A_848, %add3A_849 : vector<16xi32>
      %add3A_851 = arith.constant 2 : i32
      %add3A_852 = arith.addi %add3A_763, %add3A_851 : i32
      %broadcast_in_dim3A_853 = vector.broadcast %add3A_852 : i32 to vector<16xi32>
      %add3A_854 = arith.constant 0 : i32
      %add3A_855 = vector.broadcast %add3A_854 : i32 to vector<16xi32>
      %add3A_856 = arith.addi %iota3A_764, %add3A_855 : vector<16xi32>
      %gather3A_857 = tpu.vector_load_idx %arg6[%add3A_856, %add3A_850] : memref<64x512xf32, #tpu.memory_space<vmem>>[vector<16xi32>, vector<16xi32>], vector<16xf32>,
      %add3A_858 = arith.constant 0 : i32
      %add3A_859 = vector.broadcast %add3A_858 : i32 to vector<16xi32>
      %add3A_860 = arith.addi %iota3A_764, %add3A_859 : vector<16xi32>
      tpu.vector_store_idx %arg8[%add3A_860, %broadcast_in_dim3A_853], %gather3A_857 : memref<64x384xf32, #tpu.memory_space<vmem>>[vector<16xi32>, vector<16xi32>], vector<16xf32>,
      %add3A_861 = arith.constant 16 : i32
      %add3A_862 = vector.broadcast %add3A_861 : i32 to vector<16xi32>
      %add3A_863 = arith.addi %iota3A_764, %add3A_862 : vector<16xi32>
      %gather3A_864 = tpu.vector_load_idx %arg6[%add3A_863, %add3A_850] : memref<64x512xf32, #tpu.memory_space<vmem>>[vector<16xi32>, vector<16xi32>], vector<16xf32>,
      %add3A_865 = arith.constant 16 : i32
      %add3A_866 = vector.broadcast %add3A_865 : i32 to vector<16xi32>
      %add3A_867 = arith.addi %iota3A_764, %add3A_866 : vector<16xi32>
      tpu.vector_store_idx %arg8[%add3A_867, %broadcast_in_dim3A_853], %gather3A_864 : memref<64x384xf32, #tpu.memory_space<vmem>>[vector<16xi32>, vector<16xi32>], vector<16xf32>,
      %add3A_868 = arith.constant 32 : i32
      %add3A_869 = vector.broadcast %add3A_868 : i32 to vector<16xi32>
      %add3A_870 = arith.addi %iota3A_764, %add3A_869 : vector<16xi32>
      %gather3A_871 = tpu.vector_load_idx %arg6[%add3A_870, %add3A_850] : memref<64x512xf32, #tpu.memory_space<vmem>>[vector<16xi32>, vector<16xi32>], vector<16xf32>,
      %add3A_872 = arith.constant 32 : i32
      %add3A_873 = vector.broadcast %add3A_872 : i32 to vector<16xi32>
      %add3A_874 = arith.addi %iota3A_764, %add3A_873 : vector<16xi32>
      tpu.vector_store_idx %arg8[%add3A_874, %broadcast_in_dim3A_853], %gather3A_871 : memref<64x384xf32, #tpu.memory_space<vmem>>[vector<16xi32>, vector<16xi32>], vector<16xf32>,
      %add3A_875 = arith.constant 48 : i32
      %add3A_876 = vector.broadcast %add3A_875 : i32 to vector<16xi32>
      %add3A_877 = arith.addi %iota3A_764, %add3A_876 : vector<16xi32>
      %gather3A_878 = tpu.vector_load_idx %arg6[%add3A_877, %add3A_850] : memref<64x512xf32, #tpu.memory_space<vmem>>[vector<16xi32>, vector<16xi32>], vector<16xf32>,
      %add3A_879 = arith.constant 48 : i32
      %add3A_880 = vector.broadcast %add3A_879 : i32 to vector<16xi32>
      %add3A_881 = arith.addi %iota3A_764, %add3A_880 : vector<16xi32>
      tpu.vector_store_idx %arg8[%add3A_881, %broadcast_in_dim3A_853], %gather3A_878 : memref<64x384xf32, #tpu.memory_space<vmem>>[vector<16xi32>, vector<16xi32>], vector<16xf32>,
      %slice3A_882 = vector.extract_strided_slice %while3A_99 {offsets = [11], sizes = [1], strides = [1]} : vector<16xi32> to vector<1xi32>
      %squeeze3A_883 = vector.extract %slice3A_882[0] : i32 from vector<1xi32>
      %and3A_884 = arith.constant 127 : i32
      %and3A_885 = arith.andi %squeeze3A_883, %and3A_884 : i32
      %broadcast_in_dim3A_886 = arith.constant 384 : i32
      %broadcast_in_dim3A_887 = vector.broadcast %broadcast_in_dim3A_886 : i32 to vector<16xi32>
      %add3A_888 = vector.broadcast %and3A_885 : i32 to vector<16xi32>
      %add3A_889 = arith.addi %broadcast_in_dim3A_887, %add3A_888 : vector<16xi32>
      %add3A_890 = arith.constant 3 : i32
      %add3A_891 = arith.addi %add3A_763, %add3A_890 : i32
      %broadcast_in_dim3A_892 = vector.broadcast %add3A_891 : i32 to vector<16xi32>
      %add3A_893 = arith.constant 0 : i32
      %add3A_894 = vector.broadcast %add3A_893 : i32 to vector<16xi32>
      %add3A_895 = arith.addi %iota3A_764, %add3A_894 : vector<16xi32>
      %gather3A_896 = tpu.vector_load_idx %arg6[%add3A_895, %add3A_889] : memref<64x512xf32, #tpu.memory_space<vmem>>[vector<16xi32>, vector<16xi32>], vector<16xf32>,
      %add3A_897 = arith.constant 0 : i32
      %add3A_898 = vector.broadcast %add3A_897 : i32 to vector<16xi32>
      %add3A_899 = arith.addi %iota3A_764, %add3A_898 : vector<16xi32>
      tpu.vector_store_idx %arg8[%add3A_899, %broadcast_in_dim3A_892], %gather3A_896 : memref<64x384xf32, #tpu.memory_space<vmem>>[vector<16xi32>, vector<16xi32>], vector<16xf32>,
      %add3A_900 = arith.constant 16 : i32
      %add3A_901 = vector.broadcast %add3A_900 : i32 to vector<16xi32>
      %add3A_902 = arith.addi %iota3A_764, %add3A_901 : vector<16xi32>
      %gather3A_903 = tpu.vector_load_idx %arg6[%add3A_902, %add3A_889] : memref<64x512xf32, #tpu.memory_space<vmem>>[vector<16xi32>, vector<16xi32>], vector<16xf32>,
      %add3A_904 = arith.constant 16 : i32
      %add3A_905 = vector.broadcast %add3A_904 : i32 to vector<16xi32>
      %add3A_906 = arith.addi %iota3A_764, %add3A_905 : vector<16xi32>
      tpu.vector_store_idx %arg8[%add3A_906, %broadcast_in_dim3A_892], %gather3A_903 : memref<64x384xf32, #tpu.memory_space<vmem>>[vector<16xi32>, vector<16xi32>], vector<16xf32>,
      %add3A_907 = arith.constant 32 : i32
      %add3A_908 = vector.broadcast %add3A_907 : i32 to vector<16xi32>
      %add3A_909 = arith.addi %iota3A_764, %add3A_908 : vector<16xi32>
      %gather3A_910 = tpu.vector_load_idx %arg6[%add3A_909, %add3A_889] : memref<64x512xf32, #tpu.memory_space<vmem>>[vector<16xi32>, vector<16xi32>], vector<16xf32>,
      %add3A_911 = arith.constant 32 : i32
      %add3A_912 = vector.broadcast %add3A_911 : i32 to vector<16xi32>
      %add3A_913 = arith.addi %iota3A_764, %add3A_912 : vector<16xi32>
      tpu.vector_store_idx %arg8[%add3A_913, %broadcast_in_dim3A_892], %gather3A_910 : memref<64x384xf32, #tpu.memory_space<vmem>>[vector<16xi32>, vector<16xi32>], vector<16xf32>,
      %add3A_914 = arith.constant 48 : i32
      %add3A_915 = vector.broadcast %add3A_914 : i32 to vector<16xi32>
      %add3A_916 = arith.addi %iota3A_764, %add3A_915 : vector<16xi32>
      %gather3A_917 = tpu.vector_load_idx %arg6[%add3A_916, %add3A_889] : memref<64x512xf32, #tpu.memory_space<vmem>>[vector<16xi32>, vector<16xi32>], vector<16xf32>,
      %add3A_918 = arith.constant 48 : i32
      %add3A_919 = vector.broadcast %add3A_918 : i32 to vector<16xi32>
      %add3A_920 = arith.addi %iota3A_764, %add3A_919 : vector<16xi32>
      tpu.vector_store_idx %arg8[%add3A_920, %broadcast_in_dim3A_892], %gather3A_917 : memref<64x384xf32, #tpu.memory_space<vmem>>[vector<16xi32>, vector<16xi32>], vector<16xf32>,
      %add3A_921 = arith.constant 1 : i32
      %add3A_922 = arith.addi %while3A_98, %add3A_921 : i32
      %mul3A_923 = arith.constant 16 : i32
      %mul3A_924 = arith.muli %add3A_922, %mul3A_923 : i32
      %get3A_925 = arith.index_cast %mul3A_924 : i32 to index
      %get3A_926 = tpu.vector_load %arg5[%get3A_925] {strides = array<i32>} : memref<400xi32, #tpu.memory_space<vmem>>, vector<16xi32>,
      %add3A_927 = arith.constant 1 : i32
      %add3A_928 = arith.addi %while3A_98, %add3A_927 : i32
      %lt3A_929 = arith.cmpi slt, %add3A_928, %mul3A_4 : i32
      %convert_element_type3A_930 = arith.extui %lt3A_929 : i1 to i32
      %cond3A_931 = arith.constant 0 : i32
      %cond3A_932 = arith.cmpi ne, %convert_element_type3A_930, %cond3A_931 : i32
      scf.if %cond3A_932 {
        %slice3A_1140 = vector.extract_strided_slice %get3A_926 {offsets = [0], sizes = [1], strides = [1]} : vector<16xi32> to vector<1xi32>
        %squeeze3A_1141 = vector.extract %slice3A_1140[0] : i32 from vector<1xi32>
        %shift_right_arithmetic3A_1142 = arith.constant 7 : i32
        %shift_right_arithmetic3A_1143 = arith.shrsi %squeeze3A_1141, %shift_right_arithmetic3A_1142 : i32
        %shift_left3A_1144 = arith.constant 7 : i32
        %shift_left3A_1145 = arith.shli %shift_right_arithmetic3A_1143, %shift_left3A_1144 : i32
        %multiple_of3A_1146 = tpu.assume_multiple %shift_left3A_1145, 128 : i32
        %dma_start3A_1147 = arith.constant 0 : i32
        %dma_start3A_1148 = arith.constant 0 : i32
        %dma_start3A_1149 = tpu.memref_slice %arg6[%dma_start3A_1147, %dma_start3A_1148] : memref<64x512xf32, #tpu.memory_space<vmem>> -> memref<64x128xf32, #tpu.memory_space<vmem>>
        %dma_start3A_1150 = arith.constant 0 : i32
        %dma_start3A_1151 = tpu.memref_slice %arg3[%dma_start3A_1150, %multiple_of3A_1146] : memref<64x1000000xf32, #tpu.memory_space<hbm>> -> memref<64x128xf32, #tpu.memory_space<hbm>>
        %dma_start3A_1152 = arith.constant 0 : i32
        %dma_start3A_1153 = arith.constant 0 : i32
        %dma_start3A_1154 = tpu.memref_slice %arg6[%dma_start3A_1152, %dma_start3A_1153] : memref<64x512xf32, #tpu.memory_space<vmem>> -> memref<64x128xf32, #tpu.memory_space<vmem>>
        %dma_start3A_1155 = arith.constant 0 : i32
        %dma_start3A_1156 = tpu.memref_slice %arg3[%dma_start3A_1155, %multiple_of3A_1146] : memref<64x1000000xf32, #tpu.memory_space<hbm>> -> memref<64x128xf32, #tpu.memory_space<hbm>>
        tpu.enqueue_dma source(%dma_start3A_1156 : memref<64x128xf32, #tpu.memory_space<hbm>>) target(%dma_start3A_1154 : memref<64x128xf32, #tpu.memory_space<vmem>>) target_semaphore(%arg9 : memref<!tpu.dma_semaphore, #tpu.memory_space<semaphore_mem>>)
        %slice3A_1157 = vector.extract_strided_slice %get3A_926 {offsets = [1], sizes = [1], strides = [1]} : vector<16xi32> to vector<1xi32>
        %squeeze3A_1158 = vector.extract %slice3A_1157[0] : i32 from vector<1xi32>
        %shift_right_arithmetic3A_1159 = arith.constant 7 : i32
        %shift_right_arithmetic3A_1160 = arith.shrsi %squeeze3A_1158, %shift_right_arithmetic3A_1159 : i32
        %shift_left3A_1161 = arith.constant 7 : i32
        %shift_left3A_1162 = arith.shli %shift_right_arithmetic3A_1160, %shift_left3A_1161 : i32
        %multiple_of3A_1163 = tpu.assume_multiple %shift_left3A_1162, 128 : i32
        %dma_start3A_1164 = arith.constant 0 : i32
        %dma_start3A_1165 = arith.constant 128 : i32
        %dma_start3A_1166 = tpu.memref_slice %arg6[%dma_start3A_1164, %dma_start3A_1165] : memref<64x512xf32, #tpu.memory_space<vmem>> -> memref<64x128xf32, #tpu.memory_space<vmem>>
        %dma_start3A_1167 = arith.constant 0 : i32
        %dma_start3A_1168 = tpu.memref_slice %arg3[%dma_start3A_1167, %multiple_of3A_1163] : memref<64x1000000xf32, #tpu.memory_space<hbm>> -> memref<64x128xf32, #tpu.memory_space<hbm>>
        %dma_start3A_1169 = arith.constant 0 : i32
        %dma_start3A_1170 = arith.constant 128 : i32
        %dma_start3A_1171 = tpu.memref_slice %arg6[%dma_start3A_1169, %dma_start3A_1170] : memref<64x512xf32, #tpu.memory_space<vmem>> -> memref<64x128xf32, #tpu.memory_space<vmem>>
        %dma_start3A_1172 = arith.constant 0 : i32
        %dma_start3A_1173 = tpu.memref_slice %arg3[%dma_start3A_1172, %multiple_of3A_1163] : memref<64x1000000xf32, #tpu.memory_space<hbm>> -> memref<64x128xf32, #tpu.memory_space<hbm>>
        tpu.enqueue_dma source(%dma_start3A_1173 : memref<64x128xf32, #tpu.memory_space<hbm>>) target(%dma_start3A_1171 : memref<64x128xf32, #tpu.memory_space<vmem>>) target_semaphore(%arg9 : memref<!tpu.dma_semaphore, #tpu.memory_space<semaphore_mem>>)
        %slice3A_1174 = vector.extract_strided_slice %get3A_926 {offsets = [2], sizes = [1], strides = [1]} : vector<16xi32> to vector<1xi32>
        %squeeze3A_1175 = vector.extract %slice3A_1174[0] : i32 from vector<1xi32>
        %shift_right_arithmetic3A_1176 = arith.constant 7 : i32
        %shift_right_arithmetic3A_1177 = arith.shrsi %squeeze3A_1175, %shift_right_arithmetic3A_1176 : i32
        %shift_left3A_1178 = arith.constant 7 : i32
        %shift_left3A_1179 = arith.shli %shift_right_arithmetic3A_1177, %shift_left3A_1178 : i32
        %multiple_of3A_1180 = tpu.assume_multiple %shift_left3A_1179, 128 : i32
        %dma_start3A_1181 = arith.constant 0 : i32
        %dma_start3A_1182 = arith.constant 256 : i32
        %dma_start3A_1183 = tpu.memref_slice %arg6[%dma_start3A_1181, %dma_start3A_1182] : memref<64x512xf32, #tpu.memory_space<vmem>> -> memref<64x128xf32, #tpu.memory_space<vmem>>
        %dma_start3A_1184 = arith.constant 0 : i32
        %dma_start3A_1185 = tpu.memref_slice %arg3[%dma_start3A_1184, %multiple_of3A_1180] : memref<64x1000000xf32, #tpu.memory_space<hbm>> -> memref<64x128xf32, #tpu.memory_space<hbm>>
        %dma_start3A_1186 = arith.constant 0 : i32
        %dma_start3A_1187 = arith.constant 256 : i32
        %dma_start3A_1188 = tpu.memref_slice %arg6[%dma_start3A_1186, %dma_start3A_1187] : memref<64x512xf32, #tpu.memory_space<vmem>> -> memref<64x128xf32, #tpu.memory_space<vmem>>
        %dma_start3A_1189 = arith.constant 0 : i32
        %dma_start3A_1190 = tpu.memref_slice %arg3[%dma_start3A_1189, %multiple_of3A_1180] : memref<64x1000000xf32, #tpu.memory_space<hbm>> -> memref<64x128xf32, #tpu.memory_space<hbm>>
        tpu.enqueue_dma source(%dma_start3A_1190 : memref<64x128xf32, #tpu.memory_space<hbm>>) target(%dma_start3A_1188 : memref<64x128xf32, #tpu.memory_space<vmem>>) target_semaphore(%arg9 : memref<!tpu.dma_semaphore, #tpu.memory_space<semaphore_mem>>)
        %slice3A_1191 = vector.extract_strided_slice %get3A_926 {offsets = [3], sizes = [1], strides = [1]} : vector<16xi32> to vector<1xi32>
        %squeeze3A_1192 = vector.extract %slice3A_1191[0] : i32 from vector<1xi32>
        %shift_right_arithmetic3A_1193 = arith.constant 7 : i32
        %shift_right_arithmetic3A_1194 = arith.shrsi %squeeze3A_1192, %shift_right_arithmetic3A_1193 : i32
        %shift_left3A_1195 = arith.constant 7 : i32
        %shift_left3A_1196 = arith.shli %shift_right_arithmetic3A_1194, %shift_left3A_1195 : i32
        %multiple_of3A_1197 = tpu.assume_multiple %shift_left3A_1196, 128 : i32
        %dma_start3A_1198 = arith.constant 0 : i32
        %dma_start3A_1199 = arith.constant 384 : i32
        %dma_start3A_1200 = tpu.memref_slice %arg6[%dma_start3A_1198, %dma_start3A_1199] : memref<64x512xf32, #tpu.memory_space<vmem>> -> memref<64x128xf32, #tpu.memory_space<vmem>>
        %dma_start3A_1201 = arith.constant 0 : i32
        %dma_start3A_1202 = tpu.memref_slice %arg3[%dma_start3A_1201, %multiple_of3A_1197] : memref<64x1000000xf32, #tpu.memory_space<hbm>> -> memref<64x128xf32, #tpu.memory_space<hbm>>
        %dma_start3A_1203 = arith.constant 0 : i32
        %dma_start3A_1204 = arith.constant 384 : i32
        %dma_start3A_1205 = tpu.memref_slice %arg6[%dma_start3A_1203, %dma_start3A_1204] : memref<64x512xf32, #tpu.memory_space<vmem>> -> memref<64x128xf32, #tpu.memory_space<vmem>>
        %dma_start3A_1206 = arith.constant 0 : i32
        %dma_start3A_1207 = tpu.memref_slice %arg3[%dma_start3A_1206, %multiple_of3A_1197] : memref<64x1000000xf32, #tpu.memory_space<hbm>> -> memref<64x128xf32, #tpu.memory_space<hbm>>
        tpu.enqueue_dma source(%dma_start3A_1207 : memref<64x128xf32, #tpu.memory_space<hbm>>) target(%dma_start3A_1205 : memref<64x128xf32, #tpu.memory_space<vmem>>) target_semaphore(%arg9 : memref<!tpu.dma_semaphore, #tpu.memory_space<semaphore_mem>>)
      } else {
      }
      %dma_wait3A_933 = arith.constant 0 : i32
      %dma_wait3A_934 = arith.constant 0 : i32
      %dma_wait3A_935 = tpu.memref_slice %arg7[%dma_wait3A_933, %dma_wait3A_934] : memref<64x512xf32, #tpu.memory_space<vmem>> -> memref<64x128xf32, #tpu.memory_space<vmem>>
      %dma_wait3A_936 = arith.constant 0 : i32
      %dma_wait3A_937 = arith.constant 0 : i32
      %dma_wait3A_938 = tpu.memref_slice %arg3[%dma_wait3A_936, %dma_wait3A_937] : memref<64x1000000xf32, #tpu.memory_space<hbm>> -> memref<64x128xf32, #tpu.memory_space<hbm>>
      %dma_wait3A_939 = arith.constant 0 : i32
      %dma_wait3A_940 = arith.constant 0 : i32
      %dma_wait3A_941 = tpu.memref_slice %arg7[%dma_wait3A_939, %dma_wait3A_940] : memref<64x512xf32, #tpu.memory_space<vmem>> -> memref<64x128xf32, #tpu.memory_space<vmem>>
      %dma_wait3A_942 = arith.constant 0 : i32
      %dma_wait3A_943 = arith.constant 0 : i32
      %dma_wait3A_944 = tpu.memref_slice %arg3[%dma_wait3A_942, %dma_wait3A_943] : memref<64x1000000xf32, #tpu.memory_space<hbm>> -> memref<64x128xf32, #tpu.memory_space<hbm>>
      tpu.wait_dma2 semaphore(%arg10 : memref<!tpu.dma_semaphore, #tpu.memory_space<semaphore_mem>>) src(%dma_wait3A_944 : memref<64x128xf32, #tpu.memory_space<hbm>>) dst(%dma_wait3A_941 : memref<64x128xf32, #tpu.memory_space<vmem>>)
      %dma_wait3A_945 = arith.constant 0 : i32
      %dma_wait3A_946 = arith.constant 128 : i32
      %dma_wait3A_947 = tpu.memref_slice %arg7[%dma_wait3A_945, %dma_wait3A_946] : memref<64x512xf32, #tpu.memory_space<vmem>> -> memref<64x128xf32, #tpu.memory_space<vmem>>
      %dma_wait3A_948 = arith.constant 0 : i32
      %dma_wait3A_949 = arith.constant 0 : i32
      %dma_wait3A_950 = tpu.memref_slice %arg3[%dma_wait3A_948, %dma_wait3A_949] : memref<64x1000000xf32, #tpu.memory_space<hbm>> -> memref<64x128xf32, #tpu.memory_space<hbm>>
      %dma_wait3A_951 = arith.constant 0 : i32
      %dma_wait3A_952 = arith.constant 128 : i32
      %dma_wait3A_953 = tpu.memref_slice %arg7[%dma_wait3A_951, %dma_wait3A_952] : memref<64x512xf32, #tpu.memory_space<vmem>> -> memref<64x128xf32, #tpu.memory_space<vmem>>
      %dma_wait3A_954 = arith.constant 0 : i32
      %dma_wait3A_955 = arith.constant 0 : i32
      %dma_wait3A_956 = tpu.memref_slice %arg3[%dma_wait3A_954, %dma_wait3A_955] : memref<64x1000000xf32, #tpu.memory_space<hbm>> -> memref<64x128xf32, #tpu.memory_space<hbm>>
      tpu.wait_dma2 semaphore(%arg10 : memref<!tpu.dma_semaphore, #tpu.memory_space<semaphore_mem>>) src(%dma_wait3A_956 : memref<64x128xf32, #tpu.memory_space<hbm>>) dst(%dma_wait3A_953 : memref<64x128xf32, #tpu.memory_space<vmem>>)
      %dma_wait3A_957 = arith.constant 0 : i32
      %dma_wait3A_958 = arith.constant 256 : i32
      %dma_wait3A_959 = tpu.memref_slice %arg7[%dma_wait3A_957, %dma_wait3A_958] : memref<64x512xf32, #tpu.memory_space<vmem>> -> memref<64x128xf32, #tpu.memory_space<vmem>>
      %dma_wait3A_960 = arith.constant 0 : i32
      %dma_wait3A_961 = arith.constant 0 : i32
      %dma_wait3A_962 = tpu.memref_slice %arg3[%dma_wait3A_960, %dma_wait3A_961] : memref<64x1000000xf32, #tpu.memory_space<hbm>> -> memref<64x128xf32, #tpu.memory_space<hbm>>
      %dma_wait3A_963 = arith.constant 0 : i32
      %dma_wait3A_964 = arith.constant 256 : i32
      %dma_wait3A_965 = tpu.memref_slice %arg7[%dma_wait3A_963, %dma_wait3A_964] : memref<64x512xf32, #tpu.memory_space<vmem>> -> memref<64x128xf32, #tpu.memory_space<vmem>>
      %dma_wait3A_966 = arith.constant 0 : i32
      %dma_wait3A_967 = arith.constant 0 : i32
      %dma_wait3A_968 = tpu.memref_slice %arg3[%dma_wait3A_966, %dma_wait3A_967] : memref<64x1000000xf32, #tpu.memory_space<hbm>> -> memref<64x128xf32, #tpu.memory_space<hbm>>
      tpu.wait_dma2 semaphore(%arg10 : memref<!tpu.dma_semaphore, #tpu.memory_space<semaphore_mem>>) src(%dma_wait3A_968 : memref<64x128xf32, #tpu.memory_space<hbm>>) dst(%dma_wait3A_965 : memref<64x128xf32, #tpu.memory_space<vmem>>)
      %dma_wait3A_969 = arith.constant 0 : i32
      %dma_wait3A_970 = arith.constant 384 : i32
      %dma_wait3A_971 = tpu.memref_slice %arg7[%dma_wait3A_969, %dma_wait3A_970] : memref<64x512xf32, #tpu.memory_space<vmem>> -> memref<64x128xf32, #tpu.memory_space<vmem>>
      %dma_wait3A_972 = arith.constant 0 : i32
      %dma_wait3A_973 = arith.constant 0 : i32
      %dma_wait3A_974 = tpu.memref_slice %arg3[%dma_wait3A_972, %dma_wait3A_973] : memref<64x1000000xf32, #tpu.memory_space<hbm>> -> memref<64x128xf32, #tpu.memory_space<hbm>>
      %dma_wait3A_975 = arith.constant 0 : i32
      %dma_wait3A_976 = arith.constant 384 : i32
      %dma_wait3A_977 = tpu.memref_slice %arg7[%dma_wait3A_975, %dma_wait3A_976] : memref<64x512xf32, #tpu.memory_space<vmem>> -> memref<64x128xf32, #tpu.memory_space<vmem>>
      %dma_wait3A_978 = arith.constant 0 : i32
      %dma_wait3A_979 = arith.constant 0 : i32
      %dma_wait3A_980 = tpu.memref_slice %arg3[%dma_wait3A_978, %dma_wait3A_979] : memref<64x1000000xf32, #tpu.memory_space<hbm>> -> memref<64x128xf32, #tpu.memory_space<hbm>>
      tpu.wait_dma2 semaphore(%arg10 : memref<!tpu.dma_semaphore, #tpu.memory_space<semaphore_mem>>) src(%dma_wait3A_980 : memref<64x128xf32, #tpu.memory_space<hbm>>) dst(%dma_wait3A_977 : memref<64x128xf32, #tpu.memory_space<vmem>>)
      %add3A_981 = arith.constant 12 : i32
      %add3A_982 = arith.addi %mul3A_101, %add3A_981 : i32
      %iota3A_983 = tpu.iota {dimensions = array<i32: 0>} : vector<16xi32>
      %slice3A_984 = vector.extract_strided_slice %while3A_99 {offsets = [12], sizes = [1], strides = [1]} : vector<16xi32> to vector<1xi32>
      %squeeze3A_985 = vector.extract %slice3A_984[0] : i32 from vector<1xi32>
      %and3A_986 = arith.constant 127 : i32
      %and3A_987 = arith.andi %squeeze3A_985, %and3A_986 : i32
      %broadcast_in_dim3A_988 = arith.constant 0 : i32
      %broadcast_in_dim3A_989 = vector.broadcast %broadcast_in_dim3A_988 : i32 to vector<16xi32>
      %add3A_990 = vector.broadcast %and3A_987 : i32 to vector<16xi32>
      %add3A_991 = arith.addi %broadcast_in_dim3A_989, %add3A_990 : vector<16xi32>
      %add3A_992 = arith.constant 0 : i32
      %add3A_993 = arith.addi %add3A_982, %add3A_992 : i32
      %broadcast_in_dim3A_994 = vector.broadcast %add3A_993 : i32 to vector<16xi32>
      %add3A_995 = arith.constant 0 : i32
      %add3A_996 = vector.broadcast %add3A_995 : i32 to vector<16xi32>
      %add3A_997 = arith.addi %iota3A_983, %add3A_996 : vector<16xi32>
      %gather3A_998 = tpu.vector_load_idx %arg7[%add3A_997, %add3A_991] : memref<64x512xf32, #tpu.memory_space<vmem>>[vector<16xi32>, vector<16xi32>], vector<16xf32>,
      %add3A_999 = arith.constant 0 : i32
      %add3A_1000 = vector.broadcast %add3A_999 : i32 to vector<16xi32>
      %add3A_1001 = arith.addi %iota3A_983, %add3A_1000 : vector<16xi32>
      tpu.vector_store_idx %arg8[%add3A_1001, %broadcast_in_dim3A_994], %gather3A_998 : memref<64x384xf32, #tpu.memory_space<vmem>>[vector<16xi32>, vector<16xi32>], vector<16xf32>,
      %add3A_1002 = arith.constant 16 : i32
      %add3A_1003 = vector.broadcast %add3A_1002 : i32 to vector<16xi32>
      %add3A_1004 = arith.addi %iota3A_983, %add3A_1003 : vector<16xi32>
      %gather3A_1005 = tpu.vector_load_idx %arg7[%add3A_1004, %add3A_991] : memref<64x512xf32, #tpu.memory_space<vmem>>[vector<16xi32>, vector<16xi32>], vector<16xf32>,
      %add3A_1006 = arith.constant 16 : i32
      %add3A_1007 = vector.broadcast %add3A_1006 : i32 to vector<16xi32>
      %add3A_1008 = arith.addi %iota3A_983, %add3A_1007 : vector<16xi32>
      tpu.vector_store_idx %arg8[%add3A_1008, %broadcast_in_dim3A_994], %gather3A_1005 : memref<64x384xf32, #tpu.memory_space<vmem>>[vector<16xi32>, vector<16xi32>], vector<16xf32>,
      %add3A_1009 = arith.constant 32 : i32
      %add3A_1010 = vector.broadcast %add3A_1009 : i32 to vector<16xi32>
      %add3A_1011 = arith.addi %iota3A_983, %add3A_1010 : vector<16xi32>
      %gather3A_1012 = tpu.vector_load_idx %arg7[%add3A_1011, %add3A_991] : memref<64x512xf32, #tpu.memory_space<vmem>>[vector<16xi32>, vector<16xi32>], vector<16xf32>,
      %add3A_1013 = arith.constant 32 : i32
      %add3A_1014 = vector.broadcast %add3A_1013 : i32 to vector<16xi32>
      %add3A_1015 = arith.addi %iota3A_983, %add3A_1014 : vector<16xi32>
      tpu.vector_store_idx %arg8[%add3A_1015, %broadcast_in_dim3A_994], %gather3A_1012 : memref<64x384xf32, #tpu.memory_space<vmem>>[vector<16xi32>, vector<16xi32>], vector<16xf32>,
      %add3A_1016 = arith.constant 48 : i32
      %add3A_1017 = vector.broadcast %add3A_1016 : i32 to vector<16xi32>
      %add3A_1018 = arith.addi %iota3A_983, %add3A_1017 : vector<16xi32>
      %gather3A_1019 = tpu.vector_load_idx %arg7[%add3A_1018, %add3A_991] : memref<64x512xf32, #tpu.memory_space<vmem>>[vector<16xi32>, vector<16xi32>], vector<16xf32>,
      %add3A_1020 = arith.constant 48 : i32
      %add3A_1021 = vector.broadcast %add3A_1020 : i32 to vector<16xi32>
      %add3A_1022 = arith.addi %iota3A_983, %add3A_1021 : vector<16xi32>
      tpu.vector_store_idx %arg8[%add3A_1022, %broadcast_in_dim3A_994], %gather3A_1019 : memref<64x384xf32, #tpu.memory_space<vmem>>[vector<16xi32>, vector<16xi32>], vector<16xf32>,
      %slice3A_1023 = vector.extract_strided_slice %while3A_99 {offsets = [13], sizes = [1], strides = [1]} : vector<16xi32> to vector<1xi32>
      %squeeze3A_1024 = vector.extract %slice3A_1023[0] : i32 from vector<1xi32>
      %and3A_1025 = arith.constant 127 : i32
      %and3A_1026 = arith.andi %squeeze3A_1024, %and3A_1025 : i32
      %broadcast_in_dim3A_1027 = arith.constant 128 : i32
      %broadcast_in_dim3A_1028 = vector.broadcast %broadcast_in_dim3A_1027 : i32 to vector<16xi32>
      %add3A_1029 = vector.broadcast %and3A_1026 : i32 to vector<16xi32>
      %add3A_1030 = arith.addi %broadcast_in_dim3A_1028, %add3A_1029 : vector<16xi32>
      %add3A_1031 = arith.constant 1 : i32
      %add3A_1032 = arith.addi %add3A_982, %add3A_1031 : i32
      %broadcast_in_dim3A_1033 = vector.broadcast %add3A_1032 : i32 to vector<16xi32>
      %add3A_1034 = arith.constant 0 : i32
      %add3A_1035 = vector.broadcast %add3A_1034 : i32 to vector<16xi32>
      %add3A_1036 = arith.addi %iota3A_983, %add3A_1035 : vector<16xi32>
      %gather3A_1037 = tpu.vector_load_idx %arg7[%add3A_1036, %add3A_1030] : memref<64x512xf32, #tpu.memory_space<vmem>>[vector<16xi32>, vector<16xi32>], vector<16xf32>,
      %add3A_1038 = arith.constant 0 : i32
      %add3A_1039 = vector.broadcast %add3A_1038 : i32 to vector<16xi32>
      %add3A_1040 = arith.addi %iota3A_983, %add3A_1039 : vector<16xi32>
      tpu.vector_store_idx %arg8[%add3A_1040, %broadcast_in_dim3A_1033], %gather3A_1037 : memref<64x384xf32, #tpu.memory_space<vmem>>[vector<16xi32>, vector<16xi32>], vector<16xf32>,
      %add3A_1041 = arith.constant 16 : i32
      %add3A_1042 = vector.broadcast %add3A_1041 : i32 to vector<16xi32>
      %add3A_1043 = arith.addi %iota3A_983, %add3A_1042 : vector<16xi32>
      %gather3A_1044 = tpu.vector_load_idx %arg7[%add3A_1043, %add3A_1030] : memref<64x512xf32, #tpu.memory_space<vmem>>[vector<16xi32>, vector<16xi32>], vector<16xf32>,
      %add3A_1045 = arith.constant 16 : i32
      %add3A_1046 = vector.broadcast %add3A_1045 : i32 to vector<16xi32>
      %add3A_1047 = arith.addi %iota3A_983, %add3A_1046 : vector<16xi32>
      tpu.vector_store_idx %arg8[%add3A_1047, %broadcast_in_dim3A_1033], %gather3A_1044 : memref<64x384xf32, #tpu.memory_space<vmem>>[vector<16xi32>, vector<16xi32>], vector<16xf32>,
      %add3A_1048 = arith.constant 32 : i32
      %add3A_1049 = vector.broadcast %add3A_1048 : i32 to vector<16xi32>
      %add3A_1050 = arith.addi %iota3A_983, %add3A_1049 : vector<16xi32>
      %gather3A_1051 = tpu.vector_load_idx %arg7[%add3A_1050, %add3A_1030] : memref<64x512xf32, #tpu.memory_space<vmem>>[vector<16xi32>, vector<16xi32>], vector<16xf32>,
      %add3A_1052 = arith.constant 32 : i32
      %add3A_1053 = vector.broadcast %add3A_1052 : i32 to vector<16xi32>
      %add3A_1054 = arith.addi %iota3A_983, %add3A_1053 : vector<16xi32>
      tpu.vector_store_idx %arg8[%add3A_1054, %broadcast_in_dim3A_1033], %gather3A_1051 : memref<64x384xf32, #tpu.memory_space<vmem>>[vector<16xi32>, vector<16xi32>], vector<16xf32>,
      %add3A_1055 = arith.constant 48 : i32
      %add3A_1056 = vector.broadcast %add3A_1055 : i32 to vector<16xi32>
      %add3A_1057 = arith.addi %iota3A_983, %add3A_1056 : vector<16xi32>
      %gather3A_1058 = tpu.vector_load_idx %arg7[%add3A_1057, %add3A_1030] : memref<64x512xf32, #tpu.memory_space<vmem>>[vector<16xi32>, vector<16xi32>], vector<16xf32>,
      %add3A_1059 = arith.constant 48 : i32
      %add3A_1060 = vector.broadcast %add3A_1059 : i32 to vector<16xi32>
      %add3A_1061 = arith.addi %iota3A_983, %add3A_1060 : vector<16xi32>
      tpu.vector_store_idx %arg8[%add3A_1061, %broadcast_in_dim3A_1033], %gather3A_1058 : memref<64x384xf32, #tpu.memory_space<vmem>>[vector<16xi32>, vector<16xi32>], vector<16xf32>,
      %slice3A_1062 = vector.extract_strided_slice %while3A_99 {offsets = [14], sizes = [1], strides = [1]} : vector<16xi32> to vector<1xi32>
      %squeeze3A_1063 = vector.extract %slice3A_1062[0] : i32 from vector<1xi32>
      %and3A_1064 = arith.constant 127 : i32
      %and3A_1065 = arith.andi %squeeze3A_1063, %and3A_1064 : i32
      %broadcast_in_dim3A_1066 = arith.constant 256 : i32
      %broadcast_in_dim3A_1067 = vector.broadcast %broadcast_in_dim3A_1066 : i32 to vector<16xi32>
      %add3A_1068 = vector.broadcast %and3A_1065 : i32 to vector<16xi32>
      %add3A_1069 = arith.addi %broadcast_in_dim3A_1067, %add3A_1068 : vector<16xi32>
      %add3A_1070 = arith.constant 2 : i32
      %add3A_1071 = arith.addi %add3A_982, %add3A_1070 : i32
      %broadcast_in_dim3A_1072 = vector.broadcast %add3A_1071 : i32 to vector<16xi32>
      %add3A_1073 = arith.constant 0 : i32
      %add3A_1074 = vector.broadcast %add3A_1073 : i32 to vector<16xi32>
      %add3A_1075 = arith.addi %iota3A_983, %add3A_1074 : vector<16xi32>
      %gather3A_1076 = tpu.vector_load_idx %arg7[%add3A_1075, %add3A_1069] : memref<64x512xf32, #tpu.memory_space<vmem>>[vector<16xi32>, vector<16xi32>], vector<16xf32>,
      %add3A_1077 = arith.constant 0 : i32
      %add3A_1078 = vector.broadcast %add3A_1077 : i32 to vector<16xi32>
      %add3A_1079 = arith.addi %iota3A_983, %add3A_1078 : vector<16xi32>
      tpu.vector_store_idx %arg8[%add3A_1079, %broadcast_in_dim3A_1072], %gather3A_1076 : memref<64x384xf32, #tpu.memory_space<vmem>>[vector<16xi32>, vector<16xi32>], vector<16xf32>,
      %add3A_1080 = arith.constant 16 : i32
      %add3A_1081 = vector.broadcast %add3A_1080 : i32 to vector<16xi32>
      %add3A_1082 = arith.addi %iota3A_983, %add3A_1081 : vector<16xi32>
      %gather3A_1083 = tpu.vector_load_idx %arg7[%add3A_1082, %add3A_1069] : memref<64x512xf32, #tpu.memory_space<vmem>>[vector<16xi32>, vector<16xi32>], vector<16xf32>,
      %add3A_1084 = arith.constant 16 : i32
      %add3A_1085 = vector.broadcast %add3A_1084 : i32 to vector<16xi32>
      %add3A_1086 = arith.addi %iota3A_983, %add3A_1085 : vector<16xi32>
      tpu.vector_store_idx %arg8[%add3A_1086, %broadcast_in_dim3A_1072], %gather3A_1083 : memref<64x384xf32, #tpu.memory_space<vmem>>[vector<16xi32>, vector<16xi32>], vector<16xf32>,
      %add3A_1087 = arith.constant 32 : i32
      %add3A_1088 = vector.broadcast %add3A_1087 : i32 to vector<16xi32>
      %add3A_1089 = arith.addi %iota3A_983, %add3A_1088 : vector<16xi32>
      %gather3A_1090 = tpu.vector_load_idx %arg7[%add3A_1089, %add3A_1069] : memref<64x512xf32, #tpu.memory_space<vmem>>[vector<16xi32>, vector<16xi32>], vector<16xf32>,
      %add3A_1091 = arith.constant 32 : i32
      %add3A_1092 = vector.broadcast %add3A_1091 : i32 to vector<16xi32>
      %add3A_1093 = arith.addi %iota3A_983, %add3A_1092 : vector<16xi32>
      tpu.vector_store_idx %arg8[%add3A_1093, %broadcast_in_dim3A_1072], %gather3A_1090 : memref<64x384xf32, #tpu.memory_space<vmem>>[vector<16xi32>, vector<16xi32>], vector<16xf32>,
      %add3A_1094 = arith.constant 48 : i32
      %add3A_1095 = vector.broadcast %add3A_1094 : i32 to vector<16xi32>
      %add3A_1096 = arith.addi %iota3A_983, %add3A_1095 : vector<16xi32>
      %gather3A_1097 = tpu.vector_load_idx %arg7[%add3A_1096, %add3A_1069] : memref<64x512xf32, #tpu.memory_space<vmem>>[vector<16xi32>, vector<16xi32>], vector<16xf32>,
      %add3A_1098 = arith.constant 48 : i32
      %add3A_1099 = vector.broadcast %add3A_1098 : i32 to vector<16xi32>
      %add3A_1100 = arith.addi %iota3A_983, %add3A_1099 : vector<16xi32>
      tpu.vector_store_idx %arg8[%add3A_1100, %broadcast_in_dim3A_1072], %gather3A_1097 : memref<64x384xf32, #tpu.memory_space<vmem>>[vector<16xi32>, vector<16xi32>], vector<16xf32>,
      %slice3A_1101 = vector.extract_strided_slice %while3A_99 {offsets = [15], sizes = [1], strides = [1]} : vector<16xi32> to vector<1xi32>
      %squeeze3A_1102 = vector.extract %slice3A_1101[0] : i32 from vector<1xi32>
      %and3A_1103 = arith.constant 127 : i32
      %and3A_1104 = arith.andi %squeeze3A_1102, %and3A_1103 : i32
      %broadcast_in_dim3A_1105 = arith.constant 384 : i32
      %broadcast_in_dim3A_1106 = vector.broadcast %broadcast_in_dim3A_1105 : i32 to vector<16xi32>
      %add3A_1107 = vector.broadcast %and3A_1104 : i32 to vector<16xi32>
      %add3A_1108 = arith.addi %broadcast_in_dim3A_1106, %add3A_1107 : vector<16xi32>
      %add3A_1109 = arith.constant 3 : i32
      %add3A_1110 = arith.addi %add3A_982, %add3A_1109 : i32
      %broadcast_in_dim3A_1111 = vector.broadcast %add3A_1110 : i32 to vector<16xi32>
      %add3A_1112 = arith.constant 0 : i32
      %add3A_1113 = vector.broadcast %add3A_1112 : i32 to vector<16xi32>
      %add3A_1114 = arith.addi %iota3A_983, %add3A_1113 : vector<16xi32>
      %gather3A_1115 = tpu.vector_load_idx %arg7[%add3A_1114, %add3A_1108] : memref<64x512xf32, #tpu.memory_space<vmem>>[vector<16xi32>, vector<16xi32>], vector<16xf32>,
      %add3A_1116 = arith.constant 0 : i32
      %add3A_1117 = vector.broadcast %add3A_1116 : i32 to vector<16xi32>
      %add3A_1118 = arith.addi %iota3A_983, %add3A_1117 : vector<16xi32>
      tpu.vector_store_idx %arg8[%add3A_1118, %broadcast_in_dim3A_1111], %gather3A_1115 : memref<64x384xf32, #tpu.memory_space<vmem>>[vector<16xi32>, vector<16xi32>], vector<16xf32>,
      %add3A_1119 = arith.constant 16 : i32
      %add3A_1120 = vector.broadcast %add3A_1119 : i32 to vector<16xi32>
      %add3A_1121 = arith.addi %iota3A_983, %add3A_1120 : vector<16xi32>
      %gather3A_1122 = tpu.vector_load_idx %arg7[%add3A_1121, %add3A_1108] : memref<64x512xf32, #tpu.memory_space<vmem>>[vector<16xi32>, vector<16xi32>], vector<16xf32>,
      %add3A_1123 = arith.constant 16 : i32
      %add3A_1124 = vector.broadcast %add3A_1123 : i32 to vector<16xi32>
      %add3A_1125 = arith.addi %iota3A_983, %add3A_1124 : vector<16xi32>
      tpu.vector_store_idx %arg8[%add3A_1125, %broadcast_in_dim3A_1111], %gather3A_1122 : memref<64x384xf32, #tpu.memory_space<vmem>>[vector<16xi32>, vector<16xi32>], vector<16xf32>,
      %add3A_1126 = arith.constant 32 : i32
      %add3A_1127 = vector.broadcast %add3A_1126 : i32 to vector<16xi32>
      %add3A_1128 = arith.addi %iota3A_983, %add3A_1127 : vector<16xi32>
      %gather3A_1129 = tpu.vector_load_idx %arg7[%add3A_1128, %add3A_1108] : memref<64x512xf32, #tpu.memory_space<vmem>>[vector<16xi32>, vector<16xi32>], vector<16xf32>,
      %add3A_1130 = arith.constant 32 : i32
      %add3A_1131 = vector.broadcast %add3A_1130 : i32 to vector<16xi32>
      %add3A_1132 = arith.addi %iota3A_983, %add3A_1131 : vector<16xi32>
      tpu.vector_store_idx %arg8[%add3A_1132, %broadcast_in_dim3A_1111], %gather3A_1129 : memref<64x384xf32, #tpu.memory_space<vmem>>[vector<16xi32>, vector<16xi32>], vector<16xf32>,
      %add3A_1133 = arith.constant 48 : i32
      %add3A_1134 = vector.broadcast %add3A_1133 : i32 to vector<16xi32>
      %add3A_1135 = arith.addi %iota3A_983, %add3A_1134 : vector<16xi32>
      %gather3A_1136 = tpu.vector_load_idx %arg7[%add3A_1135, %add3A_1108] : memref<64x512xf32, #tpu.memory_space<vmem>>[vector<16xi32>, vector<16xi32>], vector<16xf32>,
      %add3A_1137 = arith.constant 48 : i32
      %add3A_1138 = vector.broadcast %add3A_1137 : i32 to vector<16xi32>
      %add3A_1139 = arith.addi %iota3A_983, %add3A_1138 : vector<16xi32>
      tpu.vector_store_idx %arg8[%add3A_1139, %broadcast_in_dim3A_1111], %gather3A_1136 : memref<64x384xf32, #tpu.memory_space<vmem>>[vector<16xi32>, vector<16xi32>], vector<16xf32>,
      scf.yield %get3A_926 : vector<16xi32>
    }
    %gt3A = arith.constant 0 : i32
    %gt3A_86 = arith.cmpi sgt, %select_n3A, %gt3A : i32
    %convert_element_type3A = arith.extui %gt3A_86 : i1 to i32
    %cond3A = arith.constant 0 : i32
    %cond3A_87 = arith.cmpi ne, %convert_element_type3A, %cond3A : i32
    scf.if %cond3A_87 {
      %add3A_98 = arith.constant 0 : i32
      %add3A_99 = arith.addi %mul3A_10, %add3A_98 : i32
      %multiple_of3A_100 = tpu.assume_multiple %add3A_99, 128 : i32
      "tpu.region"() ({
        %run_scoped3A = tpu.sem_alloc : memref<!tpu.dma_semaphore, #tpu.memory_space<semaphore_mem>>
        %dma_start3A_101 = arith.constant 0 : i32
        %dma_start3A_102 = arith.constant 0 : i32
        %dma_start3A_103 = tpu.memref_slice %arg8[%dma_start3A_101, %dma_start3A_102] : memref<64x384xf32, #tpu.memory_space<vmem>> -> memref<64x128xf32, #tpu.memory_space<vmem>>
        %dma_start3A_104 = arith.constant 0 : i32
        %dma_start3A_105 = tpu.memref_slice %arg4[%dma_start3A_104, %multiple_of3A_100] : memref<64x9984xf32, #tpu.memory_space<hbm>> -> memref<64x128xf32, #tpu.memory_space<hbm>>
        %dma_start3A_106 = arith.constant 0 : i32
        %dma_start3A_107 = tpu.memref_slice %arg4[%dma_start3A_106, %multiple_of3A_100] : memref<64x9984xf32, #tpu.memory_space<hbm>> -> memref<64x128xf32, #tpu.memory_space<hbm>>
        %dma_start3A_108 = arith.constant 0 : i32
        %dma_start3A_109 = arith.constant 0 : i32
        %dma_start3A_110 = tpu.memref_slice %arg8[%dma_start3A_108, %dma_start3A_109] : memref<64x384xf32, #tpu.memory_space<vmem>> -> memref<64x128xf32, #tpu.memory_space<vmem>>
        tpu.enqueue_dma source(%dma_start3A_110 : memref<64x128xf32, #tpu.memory_space<vmem>>) target(%dma_start3A_107 : memref<64x128xf32, #tpu.memory_space<hbm>>) target_semaphore(%run_scoped3A : memref<!tpu.dma_semaphore, #tpu.memory_space<semaphore_mem>>)
        %dma_wait3A = arith.constant 0 : i32
        %dma_wait3A_111 = arith.constant 0 : i32
        %dma_wait3A_112 = tpu.memref_slice %arg8[%dma_wait3A, %dma_wait3A_111] : memref<64x384xf32, #tpu.memory_space<vmem>> -> memref<64x128xf32, #tpu.memory_space<vmem>>
        %dma_wait3A_113 = arith.constant 0 : i32
        %dma_wait3A_114 = tpu.memref_slice %arg4[%dma_wait3A_113, %multiple_of3A_100] : memref<64x9984xf32, #tpu.memory_space<hbm>> -> memref<64x128xf32, #tpu.memory_space<hbm>>
        %dma_wait3A_115 = arith.constant 0 : i32
        %dma_wait3A_116 = tpu.memref_slice %arg4[%dma_wait3A_115, %multiple_of3A_100] : memref<64x9984xf32, #tpu.memory_space<hbm>> -> memref<64x128xf32, #tpu.memory_space<hbm>>
        %dma_wait3A_117 = arith.constant 0 : i32
        %dma_wait3A_118 = arith.constant 0 : i32
        %dma_wait3A_119 = tpu.memref_slice %arg8[%dma_wait3A_117, %dma_wait3A_118] : memref<64x384xf32, #tpu.memory_space<vmem>> -> memref<64x128xf32, #tpu.memory_space<vmem>>
        tpu.wait_dma2 semaphore(%run_scoped3A : memref<!tpu.dma_semaphore, #tpu.memory_space<semaphore_mem>>) src(%dma_wait3A_119 : memref<64x128xf32, #tpu.memory_space<vmem>>) dst(%dma_wait3A_116 : memref<64x128xf32, #tpu.memory_space<hbm>>)
        tpu.yield
      }) : () -> ()
    } else {
    }
    %gt3A_88 = arith.constant 1 : i32
    %gt3A_89 = arith.cmpi sgt, %select_n3A, %gt3A_88 : i32
    %convert_element_type3A_90 = arith.extui %gt3A_89 : i1 to i32
    %cond3A_91 = arith.constant 0 : i32
    %cond3A_92 = arith.cmpi ne, %convert_element_type3A_90, %cond3A_91 : i32
    scf.if %cond3A_92 {
      %add3A_98 = arith.constant 128 : i32
      %add3A_99 = arith.addi %mul3A_10, %add3A_98 : i32
      %multiple_of3A_100 = tpu.assume_multiple %add3A_99, 128 : i32
      "tpu.region"() ({
        %run_scoped3A = tpu.sem_alloc : memref<!tpu.dma_semaphore, #tpu.memory_space<semaphore_mem>>
        %dma_start3A_101 = arith.constant 0 : i32
        %dma_start3A_102 = arith.constant 128 : i32
        %dma_start3A_103 = tpu.memref_slice %arg8[%dma_start3A_101, %dma_start3A_102] : memref<64x384xf32, #tpu.memory_space<vmem>> -> memref<64x128xf32, #tpu.memory_space<vmem>>
        %dma_start3A_104 = arith.constant 0 : i32
        %dma_start3A_105 = tpu.memref_slice %arg4[%dma_start3A_104, %multiple_of3A_100] : memref<64x9984xf32, #tpu.memory_space<hbm>> -> memref<64x128xf32, #tpu.memory_space<hbm>>
        %dma_start3A_106 = arith.constant 0 : i32
        %dma_start3A_107 = tpu.memref_slice %arg4[%dma_start3A_106, %multiple_of3A_100] : memref<64x9984xf32, #tpu.memory_space<hbm>> -> memref<64x128xf32, #tpu.memory_space<hbm>>
        %dma_start3A_108 = arith.constant 0 : i32
        %dma_start3A_109 = arith.constant 128 : i32
        %dma_start3A_110 = tpu.memref_slice %arg8[%dma_start3A_108, %dma_start3A_109] : memref<64x384xf32, #tpu.memory_space<vmem>> -> memref<64x128xf32, #tpu.memory_space<vmem>>
        tpu.enqueue_dma source(%dma_start3A_110 : memref<64x128xf32, #tpu.memory_space<vmem>>) target(%dma_start3A_107 : memref<64x128xf32, #tpu.memory_space<hbm>>) target_semaphore(%run_scoped3A : memref<!tpu.dma_semaphore, #tpu.memory_space<semaphore_mem>>)
        %dma_wait3A = arith.constant 0 : i32
        %dma_wait3A_111 = arith.constant 128 : i32
        %dma_wait3A_112 = tpu.memref_slice %arg8[%dma_wait3A, %dma_wait3A_111] : memref<64x384xf32, #tpu.memory_space<vmem>> -> memref<64x128xf32, #tpu.memory_space<vmem>>
        %dma_wait3A_113 = arith.constant 0 : i32
        %dma_wait3A_114 = tpu.memref_slice %arg4[%dma_wait3A_113, %multiple_of3A_100] : memref<64x9984xf32, #tpu.memory_space<hbm>> -> memref<64x128xf32, #tpu.memory_space<hbm>>
        %dma_wait3A_115 = arith.constant 0 : i32
        %dma_wait3A_116 = tpu.memref_slice %arg4[%dma_wait3A_115, %multiple_of3A_100] : memref<64x9984xf32, #tpu.memory_space<hbm>> -> memref<64x128xf32, #tpu.memory_space<hbm>>
        %dma_wait3A_117 = arith.constant 0 : i32
        %dma_wait3A_118 = arith.constant 128 : i32
        %dma_wait3A_119 = tpu.memref_slice %arg8[%dma_wait3A_117, %dma_wait3A_118] : memref<64x384xf32, #tpu.memory_space<vmem>> -> memref<64x128xf32, #tpu.memory_space<vmem>>
        tpu.wait_dma2 semaphore(%run_scoped3A : memref<!tpu.dma_semaphore, #tpu.memory_space<semaphore_mem>>) src(%dma_wait3A_119 : memref<64x128xf32, #tpu.memory_space<vmem>>) dst(%dma_wait3A_116 : memref<64x128xf32, #tpu.memory_space<hbm>>)
        tpu.yield
      }) : () -> ()
    } else {
    }
    %gt3A_93 = arith.constant 2 : i32
    %gt3A_94 = arith.cmpi sgt, %select_n3A, %gt3A_93 : i32
    %convert_element_type3A_95 = arith.extui %gt3A_94 : i1 to i32
    %cond3A_96 = arith.constant 0 : i32
    %cond3A_97 = arith.cmpi ne, %convert_element_type3A_95, %cond3A_96 : i32
    scf.if %cond3A_97 {
      %add3A_98 = arith.constant 256 : i32
      %add3A_99 = arith.addi %mul3A_10, %add3A_98 : i32
      %multiple_of3A_100 = tpu.assume_multiple %add3A_99, 128 : i32
      "tpu.region"() ({
        %run_scoped3A = tpu.sem_alloc : memref<!tpu.dma_semaphore, #tpu.memory_space<semaphore_mem>>
        %dma_start3A_101 = arith.constant 0 : i32
        %dma_start3A_102 = arith.constant 256 : i32
        %dma_start3A_103 = tpu.memref_slice %arg8[%dma_start3A_101, %dma_start3A_102] : memref<64x384xf32, #tpu.memory_space<vmem>> -> memref<64x128xf32, #tpu.memory_space<vmem>>
        %dma_start3A_104 = arith.constant 0 : i32
        %dma_start3A_105 = tpu.memref_slice %arg4[%dma_start3A_104, %multiple_of3A_100] : memref<64x9984xf32, #tpu.memory_space<hbm>> -> memref<64x128xf32, #tpu.memory_space<hbm>>
        %dma_start3A_106 = arith.constant 0 : i32
        %dma_start3A_107 = tpu.memref_slice %arg4[%dma_start3A_106, %multiple_of3A_100] : memref<64x9984xf32, #tpu.memory_space<hbm>> -> memref<64x128xf32, #tpu.memory_space<hbm>>
        %dma_start3A_108 = arith.constant 0 : i32
        %dma_start3A_109 = arith.constant 256 : i32
        %dma_start3A_110 = tpu.memref_slice %arg8[%dma_start3A_108, %dma_start3A_109] : memref<64x384xf32, #tpu.memory_space<vmem>> -> memref<64x128xf32, #tpu.memory_space<vmem>>
        tpu.enqueue_dma source(%dma_start3A_110 : memref<64x128xf32, #tpu.memory_space<vmem>>) target(%dma_start3A_107 : memref<64x128xf32, #tpu.memory_space<hbm>>) target_semaphore(%run_scoped3A : memref<!tpu.dma_semaphore, #tpu.memory_space<semaphore_mem>>)
        %dma_wait3A = arith.constant 0 : i32
        %dma_wait3A_111 = arith.constant 256 : i32
        %dma_wait3A_112 = tpu.memref_slice %arg8[%dma_wait3A, %dma_wait3A_111] : memref<64x384xf32, #tpu.memory_space<vmem>> -> memref<64x128xf32, #tpu.memory_space<vmem>>
        %dma_wait3A_113 = arith.constant 0 : i32
        %dma_wait3A_114 = tpu.memref_slice %arg4[%dma_wait3A_113, %multiple_of3A_100] : memref<64x9984xf32, #tpu.memory_space<hbm>> -> memref<64x128xf32, #tpu.memory_space<hbm>>
        %dma_wait3A_115 = arith.constant 0 : i32
        %dma_wait3A_116 = tpu.memref_slice %arg4[%dma_wait3A_115, %multiple_of3A_100] : memref<64x9984xf32, #tpu.memory_space<hbm>> -> memref<64x128xf32, #tpu.memory_space<hbm>>
        %dma_wait3A_117 = arith.constant 0 : i32
        %dma_wait3A_118 = arith.constant 256 : i32
        %dma_wait3A_119 = tpu.memref_slice %arg8[%dma_wait3A_117, %dma_wait3A_118] : memref<64x384xf32, #tpu.memory_space<vmem>> -> memref<64x128xf32, #tpu.memory_space<vmem>>
        tpu.wait_dma2 semaphore(%run_scoped3A : memref<!tpu.dma_semaphore, #tpu.memory_space<semaphore_mem>>) src(%dma_wait3A_119 : memref<64x128xf32, #tpu.memory_space<vmem>>) dst(%dma_wait3A_116 : memref<64x128xf32, #tpu.memory_space<hbm>>)
        tpu.yield
      }) : () -> ()
    } else {
    }
    return
  }
}

</mosaic_0001>

<sc_bundles>
// kernel: _gather.3.cloned.1.call-start
scs
__scs_entry_jumppad:
0x0: {  	(pc) =	sbr.rel $0x88, $3  }
0x1: {  	(tag) =	ssettag $0x0;
	lr =	simm.s32 $0x1  }
0x2: {  	[smem:$0x3F9F] =	sst lr;
	_ =	strace $0xD0000000  }
0x3: {  	_ = 	snop  }
0x4: {  	_ = 	snop  }
0x5: {  	_ = 	snop  }
0x6: {  	_ = 	snop  }
0x7: {  	_ = 	snop  }
__scs_overlays_trampoline_lowered:
0x8: {  	[smem:$0x3FAE] =	sst s0  }
0x9: {  	[smem:$0x3FAF] =	sst s1  }
0xa: {  	[smem:$0x3FB0] =	sst s2  }
0xb: {  	[smem:$0x3FB1] =	sst s3  }
0xc: {  	[smem:$0x3FB2] =	sst s4  }
0xd: {  	[smem:$0x3FB3] =	sst s5  }
0xe: {  	[smem:$0x3FB4] =	sst s6  }
0xf: {  	[smem:$0x3FB5] =	sst s7  }
0x10: {  	[smem:$0x3FB6] =	sst s8  }
0x11: {  	[smem:$0x3FB7] =	sst s9;
	s0 =	simm.s32 @!p0 $0x0  }
0x12: {  	s1 =	sld [smem:$0x3F9D];
	s0 =	simm.s32 @p0 $0x1  }
0x13: {  	[smem:$0x3FB8] =	sst s0;
	s0 =	simm.s32 @!p1 $0x0  }
0x14: {  	s2 =	sld [smem:$0x3F9C];
	s0 =	simm.s32 @p1 $0x1  }
0x15: {  	[smem:$0x3FB9] =	sst s0;
	s0 =	simm.s32 @!p2 $0x0  }
0x16: {  	s3 =	sld [smem:$0x3FDB];
	s0 =	simm.s32 @p2 $0x1  }
0x17: {  	s4 =	simm.s32 $0x1BF5;
	[smem:$0x3FBB] =	sst s0  }
0x18: {  	s0 =	sld [smem:$0x3F9E];
	_ =	swait.ge [sflag:s4], $0x0  }
0x19: {  	s7 =	sld [smem:$0x3F9F]  }
0x1a: {  	s8 =	sadd.s32 $0xFFFFE003, lr  }
0x1b: {  	s9 =	sadd.s32 $0xFFFFFEF7, lr;
	s5 =	simm.s32 $0xFFFFFFFF;
	p2 =	slt.u32 s8, $0xFFFFF086  }
0x1c: {  	p1 =	slt.u32 s9, $0xF7A;
	s5 =	simm.s32 @!p2 $0x0  }
0x1d: {  	s5 =	simm.s32 @p1 $0x1;
	p0 =	seq.s32 s7, s2  }
0x1e: {  	s7 =	smul.u32 @!p0 $0xF7A, s2;
	p2 =	seq.s32 @!p0 s5, $0x0  }
0x1f: {  	s9 =	smul.u32 $0xF7A, s1;
	s8 =	simm.s32 @!p0 $0x1BF5;
	p2 =	por !p2, p0  }
0x20: {  	[sflag:s8] =	ssyncset.s32 @!p0 $0xFFFFF086;
	s6 =	sadd.s32 @!p0 s3, s7;
	s7 =	simm.s32 @!p0 $0x108  }
0x21: {  	s3 =	sadd.s32 s3, s9;
	s6 =	sadd.s32 @!p0 $0x88, s6;
	s7 =	simm.s32 @p2 $0x1082  }
0x22: {  	[simem:s7], [sflag:s8] =	dma.local @!p0 [hbm:s6], $0xF7A  }
0x23: {  	s9 =	sor.u32 $0xD0000000, s2;
	s6 =	simm.s32 $0x108;
	_ =	swait.ge @!p0 [sflag:s8], $0x0  }
0x24: {  	s3 =	sadd.s32 $0x88, s3;
	s6 =	simm.s32 @!p1 $0x1082;
	[sflag:s4] =	ssyncset.s32 $0xFFFFF086  }
0x25: {  	[simem:s6], [sflag:s4] =	dma.local [hbm:s3], $0xF7A  }
0x26: {  	[smem:$0x3F9F] =	sst s1;
	(tag) =	ssettag s2;
	_ =	strace s9  }
0x27: {  	s1 =	sld [smem:$0x3FAF]  }
0x28: {  	s2 =	sld [smem:$0x3FB0]  }
0x29: {  	s4 =	sld [smem:$0x3FB2]  }
0x2a: {  	p0 =	seq.s32 s5, $0x0;
	s5 =	sld [smem:$0x3FB3]  }
0x2b: {  	s6 =	sld [smem:$0x3FB4]  }
0x2c: {  	s7 =	sld [smem:$0x3FB5]  }
0x2d: {  	s3 =	simm.s32 $0x108;
	s8 =	sld [smem:$0x3FB6]  }
0x2e: {  	s3 =	simm.s32 @!p0 $0x1082;
	s9 =	sld [smem:$0x3FB7]  }
0x2f: {  	lr =	sadd.s32 s0, s3;
	s0 =	sld [smem:$0x3FAE]  }
0x30: {  	s3 =	sld [smem:$0x3FB1]  }
0x31: {  	[smem:$0x3FBA] =	sst s10  }
0x32: {  	s10 =	sld [smem:$0x3FB8];
	_ =	sdelay $0x3  }
0x33: {  	p0 =	seq.s32 s10, $0x1;
	s10 =	sld [smem:$0x3FBA];
	_ =	sdelay $0x3  }
0x34: {  	[smem:$0x3FBA] =	sst s10  }
0x35: {  	s10 =	sld [smem:$0x3FB9];
	_ =	sdelay $0x3  }
0x36: {  	p1 =	seq.s32 s10, $0x1;
	s10 =	sld [smem:$0x3FBA];
	_ =	sdelay $0x3  }
0x37: {  	[smem:$0x3FBA] =	sst s10  }
0x38: {  	s10 =	sld [smem:$0x3FBB]  }
0x39: {  	_ = 	snop;
	(pc) =	sbr.ind lr, $3  }
0x3a: {  	_ = 	snop  }
0x3b: {  	_ = 	snop  }
0x3c: {  	p2 =	seq.s32 s10, $0x1;
	s10 =	sld [smem:$0x3FBA]  }
0x3d: {  	_ =	shalt  }
0x3e: {  	_ =	shalt  }
0x3f: {  	_ =	shalt  }
0x40: {  	_ =	shalt  }
0x41: {  	_ =	shalt  }
0x42: {  	_ =	shalt  }
0x43: {  	_ =	shalt  }
0x44: {  	_ =	shalt  }
0x45: {  	_ =	shalt  }
0x46: {  	_ =	shalt  }
0x47: {  	_ =	shalt  }
0x48: {  	_ =	shalt  }
0x49: {  	_ =	shalt  }
0x4a: {  	_ =	shalt  }
0x4b: {  	_ =	shalt  }
0x4c: {  	_ =	shalt  }
0x4d: {  	_ =	shalt  }
0x4e: {  	_ =	shalt  }
0x4f: {  	_ =	shalt  }
0x50: {  	_ =	shalt  }
0x51: {  	_ =	shalt  }
0x52: {  	_ =	shalt  }
0x53: {  	_ =	shalt  }
0x54: {  	_ =	shalt  }
0x55: {  	_ =	shalt  }
0x56: {  	_ =	shalt  }
0x57: {  	_ =	shalt  }
0x58: {  	_ =	shalt  }
0x59: {  	_ =	shalt  }
0x5a: {  	_ =	shalt  }
0x5b: {  	_ =	shalt  }
0x5c: {  	_ =	shalt  }
0x5d: {  	_ =	shalt  }
0x5e: {  	_ =	shalt  }
0x5f: {  	_ =	shalt  }
0x60: {  	_ =	shalt  }
0x61: {  	_ =	shalt  }
0x62: {  	_ =	shalt  }
0x63: {  	_ =	shalt  }
0x64: {  	_ =	shalt  }
0x65: {  	_ =	shalt  }
0x66: {  	_ =	shalt  }
0x67: {  	_ =	shalt  }
0x68: {  	_ =	shalt  }
0x69: {  	_ =	shalt  }
0x6a: {  	_ =	shalt  }
0x6b: {  	_ =	shalt  }
0x6c: {  	_ =	shalt  }
0x6d: {  	_ =	shalt  }
0x6e: {  	_ =	shalt  }
0x6f: {  	_ =	shalt  }
0x70: {  	_ =	shalt  }
0x71: {  	_ =	shalt  }
0x72: {  	_ =	shalt  }
0x73: {  	_ =	shalt  }
0x74: {  	_ =	shalt  }
0x75: {  	_ =	shalt  }
0x76: {  	_ =	shalt  }
0x77: {  	_ =	shalt  }
0x78: {  	_ =	shalt  }
0x79: {  	_ =	shalt  }
0x7a: {  	_ =	shalt  }
0x7b: {  	_ =	shalt  }
0x7c: {  	_ =	shalt  }
0x7d: {  	_ =	shalt  }
0x7e: {  	_ =	shalt  }
0x7f: {  	_ =	shalt  }
0x80: {  	_ =	shalt  }
0x81: {  	_ =	shalt  }
0x82: {  	_ =	shalt  }
0x83: {  	_ =	shalt  }
0x84: {  	_ =	shalt  }
0x85: {  	_ =	shalt  }
0x86: {  	_ =	shalt  }
0x87: {  	_ =	shalt  }
.Lfunc_end0:
.L_simem_size_0:
called_computation_lowered:
.L_overlay_start_0:
0x88: {  	s2 =	sld [smem:$0x3FD9]  }
0x89: {  	s3 =	sld [smem:$0x3FFE];
	_ =	sdelay $0x1  }
0x8a: {  	s1 =	srdreg.scid  }
0x8b: {  	s0 =	sand.u32 $0x1, s1  }
0x8c: {  	s18 =	sshll.u32 s0, $0xA;
	s2 =	sadd.s32 s3, s2  }
0x8d: {  	s2 =	sadd.s32 s2, s18  }
0x8e: {  	[smem:$0x3FC6] =	sst s2  }
0x8f: {  	_ = 	snop  }
0x90: {  	s2 =	sld [smem:$0x3FC9]  }
0x91: {  	s19 =	sld [smem:$0x3FC8]  }
0x92: {  	s4 =	sld [smem:$0x3FD0];
	(tm) =	ssettm $0x1  }
0x93: {  	s5 =	sld [smem:$0x3FFB];
	_ =	sdelay $0x3  }
0x94: {  	_ =	strace s5  }
0x95: {  	s5 =	sld [smem:$0x3FFC];
	_ =	sdelay $0x3  }
0x96: {  	_ =	strace s5  }
0x97: {  	s5 =	sld [smem:$0x3FFD];
	_ =	sdelay $0x3  }
0x98: {  	_ =	strace s5  }
0x99: {  	_ =	strace $0x8FFFFFFF  }
0x9a: {  	s20 =	sld [smem:$0x3FDB];
	_ =	sdelay $0x1  }
0x9b: {  	s6 =	simm.s32 $_scs_section_size  }
0x9c: {  	s7 =	simm.s32 $_size__tile_overlayer_lowered;
	s8 =	simm.s32 $_tile_overlayer_lowered  }
0x9d: {  	s23 =	simm.s32 $0x1BFF;
	s22 =	sshll.u32 s8, $0x1;
	s5 =	sadd.s32 s6, s20  }
0x9e: {  	s9 =	simm.s32 $0x0;
	s21 =	sshll.u32 s7, $0x1;
	s7 =	sadd.s32 s22, s5  }
0x9f: {  	[timem:s9], [sflag:s23] =	dma.local [hbm:s7], s21  }
0xa0: {  	_ =	swait.ge [sflag:s23], s21  }
0xa1: {  	s6 =	ssub.s32 $0x0, s21;
	[sflag:s23] =	ssyncset.done $0x0  }
0xa2: {  	[sflag:s23] =	ssyncadd.s32 s6;
	_ =	sdelay $0x1  }
0xa3: {  	s24 =	simm.s32 $0x1B8B  }
0xa4: {  	_ =	swait.ge [sflag:s24], $0x1  }
0xa5: {  	[sflag:s24] =	ssyncset.done $0x0  }
0xa6: {  	s25 =	simm.s32 $0x1B8E;
	[sflag:s24] =	ssyncadd.s32 $0xFFFFFFFF  }
0xa7: {  	s26 =	simm.s32 $execute0_lowered;
	[smem:$0x3FD2] =	sst s25  }
0xa8: {  	s6 =	sshll.u32 s26, $0x1;
	_ =	strace $0x80000046;
	[dreg:$0x1] =	wrdreg $0xFFFFFFFF  }
0xa9: {  	s28 =	simm.s32 $_size_execute0_lowered;
	s5 =	sadd.s32 s5, s6;
	[dreg:$0x0] =	wrdreg $0x0  }
0xaa: {  	s6 =	sshll.u32 s28, $0x1;
	[dreg:$0x2] =	wrdreg s5  }
0xab: {  	[dreg:$0x3] =	wrdreg s6  }
0xac: {  	[dreg:$0x4] =	wrdreg $0xC0  }
0xad: {  	_ =	task [dreg:s9], $0x5FFFF  }
0xae: {  	[dreg:$0x1] =	wrdreg $0xFFFFFFFF  }
0xaf: {  	[dreg:$0x0] =	wrdreg $0x60  }
0xb0: {  	[dreg:$0x2] =	wrdreg s2  }
0xb1: {  	[dreg:$0x3] =	wrdreg s19  }
0xb2: {  	[dreg:$0x4] =	wrdreg s4  }
0xb3: {  	[dreg:$0x5] =	wrdreg $0x9  }
0xb4: {  	_ =	task.clear_ibuf [dreg:s9], $0x6FFFF;
	_ =	strace $0x90000046  }
0xb5: {  	s29 =	simm.s32 $0x9;
	_ =	strace $0x80000048  }
0xb6: {  	_ =	swait.ge [sflag:s29], $0x1  }
0xb7: {  	[sflag:s29] =	ssyncadd.s32 $0xFFFFFFFF  }
0xb8: {  	_ =	strace $0x90000048  }
0xb9: {  	_ =	sfence  }
0xba: {  	s30 =	sld [smem:$0x0];
	_ =	sdelay $0x2  }
0xbb: {  	s31 =	sshll.u32 s1, $0xD;
	s1 =	sshrl.u32 s1, $0x2  }
0xbc: {  	s3 =	sand.u32 $0x4000, s31;
	s1 =	sadd.s32 s1, s30  }
0xbd: {  	s0 =	sor.u32 s3, s0;
	s1 =	sshll.u32 s1, $0x11  }
0xbe: {  	s0 =	sor.u32 s1, s0  }
0xbf: {  	s0 =	sadd.s32 $0x8F2B, s0  }
0xc0: {  	[sflag:s0] =	ssyncadd.remote.s32 $0x1  }
0xc1: {  	_ =	sfence.sel $0xFFFF  }
0xc2: {  	[dreg:$0x0] =	wrdreg $0xFFFFFFFF;
	(pc) =	sbr.abs _section_cstart, $3  }
0xc3: {  	[dreg:$0x1] =	wrdreg $0xFFFFFFFF  }
0xc4: {  	_ =	task.clear_ibuf [dreg:s9], $0x2FFFF;
	_ =	strace $0x9FFFFFFF  }
0xc5: {  	(tm) =	ssettm $0x7FFFFFFF  }
tec
execute0_lowered:
.L_overlay_start_1:
0x0: {  	(tag) =	ssettag $0x1  }
0x1: {  	v0 =	vimm.s32 $0x1380  }
0x2: {  	vm14 =	vcmask $0x300;
	vm13 =	vcmask $0x704;
	vm12 =	vcmask $0xB08  }
0x3: {  	v1 =	vimm.s32 $0xF80;
	vm11 =	vcmask $0xF0C;
	vm10 =	vcmask $0x1310  }
0x4: {  	vm9 =	vcmask $0x1714;
	vm8 =	vcmask $0x1B18;
	vm7 =	vcmask $0x1F1C  }
0x5: {  	vm6 =	vcmask $0x2320;
	vm5 =	vcmask $0x2724;
	vm4 =	vcmask $0x2B28  }
0x6: {  	vm3 =	vcmask $0x2F2C;
	vm2 =	vcmask $0x3330;
	vm1 =	vcmask $0x3734  }
0x7: {  	vm0 =	vcmask $0x3B38;
	v4 =	vimm.s32 $0x2780;
	v5 =	vimm.s32 $0x5380  }
0x8: {  	v18 =	vimm.s32 $0x3F80;
	v6 =	vimm.s32 $0x7380;
	v9 =	vimm.s32 $0x5780  }
0x9: {  	v11 =	vimm.s32 $0x3780;
	v13 =	vimm.s32 $0x1B80;
	v14 =	vimm.s32 $0x3B80  }
0xa: {  	v15 =	vimm.s32 $0x5B80;
	v16 =	vimm.s32 $0x7B80;
	v17 =	vimm.s32 $0x1F80  }
0xb: {  	v19 =	vimm.s32 $0x5F80;
	v20 =	vimm.s32 $0x7F80;
	v0 =	vsel vm14, $0x0, v0  }
0xc: {  	v1 =	vsel vm14, $0x0, v1;
	v4 =	vsel vm14, $0x1800, v4;
	v5 =	vsel vm14, $0x4000, v5  }
0xd: {  	v7 =	vsel vm14, $0x3000, v18;
	v6 =	vsel vm14, $0x6000, v6;
	v8 =	vsel vm14, $0x4800, v9  }
0xe: {  	v11 =	vsel vm14, $0x2400, v11;
	v9 =	vsel vm14, $0x4400, v9;
	v13 =	vsel vm14, $0x800, v13  }
0xf: {  	v14 =	vsel vm14, $0x2800, v14;
	v15 =	vsel vm14, $0x4800, v15;
	v16 =	vsel vm14, $0x6800, v16  }
0x10: {  	v17 =	vsel vm14, $0xC00, v17;
	v18 =	vsel vm14, $0x2C00, v18;
	v19 =	vsel vm14, $0x4C00, v19  }
0x11: {  	v20 =	vsel vm14, $0x6C00, v20;
	v0 =	vsel vm13, $0x80, v0;
	v1 =	vsel vm13, $0x80, v1  }
0x12: {  	v4 =	vsel vm13, $0x1880, v4;
	v5 =	vsel vm13, $0x4080, v5;
	v7 =	vsel vm13, $0x3080, v7  }
0x13: {  	v6 =	vsel vm13, $0x6080, v6;
	v8 =	vsel vm13, $0x4880, v8;
	v11 =	vsel vm13, $0x2480, v11  }
0x14: {  	v9 =	vsel vm13, $0x4480, v9;
	v13 =	vsel vm13, $0x880, v13;
	v14 =	vsel vm13, $0x2880, v14  }
0x15: {  	v15 =	vsel vm13, $0x4880, v15;
	v16 =	vsel vm13, $0x6880, v16;
	v17 =	vsel vm13, $0xC80, v17  }
0x16: {  	v18 =	vsel vm13, $0x2C80, v18;
	v19 =	vsel vm13, $0x4C80, v19;
	v20 =	vsel vm13, $0x6C80, v20  }
0x17: {  	v0 =	vsel vm12, $0x100, v0;
	v1 =	vsel vm12, $0x100, v1;
	v4 =	vsel vm12, $0x1900, v4  }
0x18: {  	v5 =	vsel vm12, $0x4100, v5;
	v7 =	vsel vm12, $0x3100, v7;
	v6 =	vsel vm12, $0x6100, v6  }
0x19: {  	v8 =	vsel vm12, $0x4900, v8;
	v11 =	vsel vm12, $0x2500, v11;
	v9 =	vsel vm12, $0x4500, v9  }
0x1a: {  	v13 =	vsel vm12, $0x900, v13;
	v14 =	vsel vm12, $0x2900, v14;
	v15 =	vsel vm12, $0x4900, v15  }
0x1b: {  	v16 =	vsel vm12, $0x6900, v16;
	v17 =	vsel vm12, $0xD00, v17;
	v18 =	vsel vm12, $0x2D00, v18  }
0x1c: {  	v19 =	vsel vm12, $0x4D00, v19;
	v20 =	vsel vm12, $0x6D00, v20;
	v0 =	vsel vm11, $0x180, v0  }
0x1d: {  	v1 =	vsel vm11, $0x180, v1;
	v4 =	vsel vm11, $0x1980, v4;
	v5 =	vsel vm11, $0x4180, v5  }
0x1e: {  	v7 =	vsel vm11, $0x3180, v7;
	v6 =	vsel vm11, $0x6180, v6;
	v8 =	vsel vm11, $0x4980, v8  }
0x1f: {  	v11 =	vsel vm11, $0x2580, v11;
	v9 =	vsel vm11, $0x4580, v9;
	v13 =	vsel vm11, $0x980, v13  }
0x20: {  	v14 =	vsel vm11, $0x2980, v14;
	v15 =	vsel vm11, $0x4980, v15;
	v16 =	vsel vm11, $0x6980, v16  }
0x21: {  	v17 =	vsel vm11, $0xD80, v17;
	v18 =	vsel vm11, $0x2D80, v18;
	v19 =	vsel vm11, $0x4D80, v19  }
0x22: {  	v20 =	vsel vm11, $0x6D80, v20;
	v0 =	vsel vm10, $0x200, v0;
	v1 =	vsel vm10, $0x200, v1  }
0x23: {  	v4 =	vsel vm10, $0x1A00, v4;
	v5 =	vsel vm10, $0x4200, v5;
	v7 =	vsel vm10, $0x3200, v7  }
0x24: {  	v6 =	vsel vm10, $0x6200, v6;
	v8 =	vsel vm10, $0x4A00, v8;
	v11 =	vsel vm10, $0x2600, v11  }
0x25: {  	v9 =	vsel vm10, $0x4600, v9;
	v13 =	vsel vm10, $0xA00, v13;
	v14 =	vsel vm10, $0x2A00, v14  }
0x26: {  	v15 =	vsel vm10, $0x4A00, v15;
	v16 =	vsel vm10, $0x6A00, v16;
	v17 =	vsel vm10, $0xE00, v17  }
0x27: {  	v18 =	vsel vm10, $0x2E00, v18;
	v19 =	vsel vm10, $0x4E00, v19;
	v20 =	vsel vm10, $0x6E00, v20  }
0x28: {  	v0 =	vsel vm9, $0x280, v0;
	v1 =	vsel vm9, $0x280, v1;
	v4 =	vsel vm9, $0x1A80, v4  }
0x29: {  	v5 =	vsel vm9, $0x4280, v5;
	v7 =	vsel vm9, $0x3280, v7;
	v6 =	vsel vm9, $0x6280, v6  }
0x2a: {  	v8 =	vsel vm9, $0x4A80, v8;
	v11 =	vsel vm9, $0x2680, v11;
	v9 =	vsel vm9, $0x4680, v9  }
0x2b: {  	v13 =	vsel vm9, $0xA80, v13;
	v14 =	vsel vm9, $0x2A80, v14;
	v15 =	vsel vm9, $0x4A80, v15  }
0x2c: {  	v16 =	vsel vm9, $0x6A80, v16;
	v17 =	vsel vm9, $0xE80, v17;
	v18 =	vsel vm9, $0x2E80, v18  }
0x2d: {  	v19 =	vsel vm9, $0x4E80, v19;
	v20 =	vsel vm9, $0x6E80, v20;
	v0 =	vsel vm8, $0x300, v0  }
0x2e: {  	v1 =	vsel vm8, $0x300, v1;
	v4 =	vsel vm8, $0x1B00, v4;
	v5 =	vsel vm8, $0x4300, v5  }
0x2f: {  	v7 =	vsel vm8, $0x3300, v7;
	v6 =	vsel vm8, $0x6300, v6;
	v8 =	vsel vm8, $0x4B00, v8  }
0x30: {  	v11 =	vsel vm8, $0x2700, v11;
	v9 =	vsel vm8, $0x4700, v9;
	v13 =	vsel vm8, $0xB00, v13  }
0x31: {  	v14 =	vsel vm8, $0x2B00, v14;
	v15 =	vsel vm8, $0x4B00, v15;
	v16 =	vsel vm8, $0x6B00, v16  }
0x32: {  	v17 =	vsel vm8, $0xF00, v17;
	v18 =	vsel vm8, $0x2F00, v18;
	v19 =	vsel vm8, $0x4F00, v19  }
0x33: {  	v20 =	vsel vm8, $0x6F00, v20;
	v0 =	vsel vm7, $0x380, v0;
	v1 =	vsel vm7, $0x380, v1  }
0x34: {  	v4 =	vsel vm7, $0x1B80, v4;
	v5 =	vsel vm7, $0x4380, v5;
	v7 =	vsel vm7, $0x3380, v7  }
0x35: {  	v6 =	vsel vm7, $0x6380, v6;
	v8 =	vsel vm7, $0x4B80, v8;
	v11 =	vsel vm7, $0x2780, v11  }
0x36: {  	v9 =	vsel vm7, $0x4780, v9;
	v13 =	vsel vm7, $0xB80, v13;
	v14 =	vsel vm7, $0x2B80, v14  }
0x37: {  	v15 =	vsel vm7, $0x4B80, v15;
	v16 =	vsel vm7, $0x6B80, v16;
	v17 =	vsel vm7, $0xF80, v17  }
0x38: {  	v18 =	vsel vm7, $0x2F80, v18;
	v19 =	vsel vm7, $0x4F80, v19;
	v20 =	vsel vm7, $0x6F80, v20  }
0x39: {  	v0 =	vsel vm6, $0x1000, v0;
	v1 =	vsel vm6, $0xC00, v1;
	v4 =	vsel vm6, $0x2400, v4  }
0x3a: {  	v5 =	vsel vm6, $0x5000, v5;
	v7 =	vsel vm6, $0x3C00, v7;
	v6 =	vsel vm6, $0x7000, v6  }
0x3b: {  	v8 =	vsel vm6, $0x5400, v8;
	v11 =	vsel vm6, $0x3400, v11;
	v9 =	vsel vm6, $0x5400, v9  }
0x3c: {  	v13 =	vsel vm6, $0x1800, v13;
	v14 =	vsel vm6, $0x3800, v14;
	v15 =	vsel vm6, $0x5800, v15  }
0x3d: {  	v16 =	vsel vm6, $0x7800, v16;
	v17 =	vsel vm6, $0x1C00, v17;
	v18 =	vsel vm6, $0x3C00, v18  }
0x3e: {  	v19 =	vsel vm6, $0x5C00, v19;
	v20 =	vsel vm6, $0x7C00, v20;
	v0 =	vsel vm5, $0x1080, v0  }
0x3f: {  	v1 =	vsel vm5, $0xC80, v1;
	v4 =	vsel vm5, $0x2480, v4;
	v5 =	vsel vm5, $0x5080, v5  }
0x40: {  	v7 =	vsel vm5, $0x3C80, v7;
	v6 =	vsel vm5, $0x7080, v6;
	v8 =	vsel vm5, $0x5480, v8  }
0x41: {  	v11 =	vsel vm5, $0x3480, v11;
	v9 =	vsel vm5, $0x5480, v9;
	v13 =	vsel vm5, $0x1880, v13  }
0x42: {  	v14 =	vsel vm5, $0x3880, v14;
	v15 =	vsel vm5, $0x5880, v15;
	v16 =	vsel vm5, $0x7880, v16  }
0x43: {  	v17 =	vsel vm5, $0x1C80, v17;
	v18 =	vsel vm5, $0x3C80, v18;
	v19 =	vsel vm5, $0x5C80, v19  }
0x44: {  	v20 =	vsel vm5, $0x7C80, v20;
	v0 =	vsel vm4, $0x1100, v0;
	v1 =	vsel vm4, $0xD00, v1  }
0x45: {  	v4 =	vsel vm4, $0x2500, v4;
	v5 =	vsel vm4, $0x5100, v5;
	v7 =	vsel vm4, $0x3D00, v7  }
0x46: {  	v6 =	vsel vm4, $0x7100, v6;
	v8 =	vsel vm4, $0x5500, v8;
	v11 =	vsel vm4, $0x3500, v11  }
0x47: {  	v9 =	vsel vm4, $0x5500, v9;
	v13 =	vsel vm4, $0x1900, v13;
	v14 =	vsel vm4, $0x3900, v14  }
0x48: {  	v15 =	vsel vm4, $0x5900, v15;
	v16 =	vsel vm4, $0x7900, v16;
	v17 =	vsel vm4, $0x1D00, v17  }
0x49: {  	v18 =	vsel vm4, $0x3D00, v18;
	v19 =	vsel vm4, $0x5D00, v19;
	v20 =	vsel vm4, $0x7D00, v20  }
0x4a: {  	v0 =	vsel vm3, $0x1180, v0;
	v3 =	vsel vm3, $0xD80, v1;
	v4 =	vsel vm3, $0x2580, v4  }
0x4b: {  	v5 =	vsel vm3, $0x5180, v5;
	v7 =	vsel vm3, $0x3D80, v7;
	v6 =	vsel vm3, $0x7180, v6  }
0x4c: {  	v8 =	vsel vm3, $0x5580, v8;
	v11 =	vsel vm3, $0x3580, v11;
	v9 =	vsel vm3, $0x5580, v9  }
0x4d: {  	v13 =	vsel vm3, $0x1980, v13;
	v14 =	vsel vm3, $0x3980, v14;
	v15 =	vsel vm3, $0x5980, v15  }
0x4e: {  	v16 =	vsel vm3, $0x7980, v16;
	v17 =	vsel vm3, $0x1D80, v17;
	v18 =	vsel vm3, $0x3D80, v18  }
0x4f: {  	v19 =	vsel vm3, $0x5D80, v19;
	v7 =	vsel vm2, $0x3E00, v7;
	v6 =	vsel vm2, $0x7200, v6  }
0x50: {  	v20 =	vsel vm3, $0x7D80, v20;
	v7 =	vsel vm1, $0x3E80, v7;
	v10 =	vsel vm1, $0x7280, v6  }
0x51: {  	v6 =	vsel vm0, $0x3F00, v7;
	v7 =	vsel vm0, $0x7300, v10;
	v10 =	vimm.s32 $0x1780  }
0x52: {  	v0 =	vsel vm2, $0x1200, v0;
	v4 =	vsel vm2, $0x2600, v4;
	v10 =	vsel vm14, $0x400, v10  }
0x53: {  	v5 =	vsel vm2, $0x5200, v5;
	v8 =	vsel vm2, $0x5600, v8;
	v10 =	vsel vm13, $0x480, v10  }
0x54: {  	v11 =	vsel vm2, $0x3600, v11;
	v12 =	vsel vm2, $0x5600, v9;
	v10 =	vsel vm12, $0x500, v10  }
0x55: {  	v13 =	vsel vm2, $0x1A00, v13;
	v14 =	vsel vm2, $0x3A00, v14;
	v10 =	vsel vm11, $0x580, v10  }
0x56: {  	v15 =	vsel vm2, $0x5A00, v15;
	v16 =	vsel vm2, $0x7A00, v16;
	v10 =	vsel vm10, $0x600, v10  }
0x57: {  	v17 =	vsel vm2, $0x1E00, v17;
	v18 =	vsel vm2, $0x3E00, v18;
	v10 =	vsel vm9, $0x680, v10  }
0x58: {  	v19 =	vsel vm2, $0x5E00, v19;
	v20 =	vsel vm2, $0x7E00, v20;
	v10 =	vsel vm8, $0x700, v10  }
0x59: {  	v2 =	vsel vm1, $0x1280, v0;
	v0 =	vimm.s32 $0x0;
	v10 =	vsel vm7, $0x780, v10  }
0x5a: {  	v4 =	vsel vm1, $0x2680, v4;
	v5 =	vsel vm1, $0x5280, v5;
	v10 =	vsel vm6, $0x1400, v10  }
0x5b: {  	s1 =	rddreg [dreg:$0x0];
	v8 =	vsel vm1, $0x5680, v8;
	v11 =	vsel vm1, $0x3680, v11;
	v10 =	vsel vm5, $0x1480, v10  }
0x5c: {  	s0 =	rddreg [dreg:$0x1];
	v13 =	vsel vm1, $0x1A80, v13;
	v14 =	vsel vm1, $0x3A80, v14;
	v10 =	vsel vm4, $0x1500, v10  }
0x5d: {  	s2 =	rddreg [dreg:$0x2];
	v15 =	vsel vm1, $0x5A80, v15;
	v16 =	vsel vm1, $0x7A80, v16;
	v10 =	vsel vm3, $0x1580, v10  }
0x5e: {  	s4 =	srdreg.scid;
	s8 =	stileid.u32;
	v17 =	vsel vm1, $0x1E80, v17;
	v18 =	vsel vm1, $0x3E80, v18;
	v10 =	vsel vm2, $0x1600, v10  }
0x5f: {  	s3 =	simm.s32 $0x0;
	s29 =	simm.s32 $0x3;
	s12 =	simm.s32 $0x200;
	v19 =	vsel vm1, $0x5E80, v19;
	v1 =	vsel vm0, $0x1300, v2;
	v10 =	vsel vm1, $0x1680, v10  }
0x60: {  	s18 =	simm.s32 $0x8200;
	s23 =	simm.s32 $0x1;
	s9 =	simm.s32 $0x9200;
	v2 =	vsel vm2, $0xE00, v3;
	v3 =	vimm.s32 $0x3380;
	v9 =	vsel vm0, $0x1700, v10  }
0x61: {  	s11 =	simm.s32 $0xA200;
	s13 =	simm.s32 $0xE200;
	s14 =	simm.s32 $0xF200;
	v10 =	vsel vm0, $0x3700, v11;
	v11 =	vsel vm1, $0x5680, v12;
	v12 =	vimm.s32 $0x7780  }
0x62: {  	s15 =	simm.s32 $0x8600;
	s16 =	simm.s32 $0x9600;
	s17 =	simm.s32 $0xA600;
	v20 =	vsel vm1, $0x7E80, v20;
	v3 =	vsel vm14, $0x2000, v3;
	v12 =	vsel vm14, $0x6400, v12  }
0x63: {  	s10 =	simm.s32 $0xC600;
	s19 =	simm.s32 $0xD600;
	s20 =	simm.s32 $0xE600;
	v4 =	vsel vm0, $0x2700, v4;
	v3 =	vsel vm13, $0x2080, v3;
	v12 =	vsel vm13, $0x6480, v12  }
0x64: {  	s21 =	simm.s32 $0xF600;
	s22 =	simm.s32 $0x8A00;
	s4 =	sand.u32 $0x1, s4;
	v5 =	vsel vm0, $0x5300, v5;
	v3 =	vsel vm12, $0x2100, v3;
	v12 =	vsel vm12, $0x6500, v12  }
0x65: {  	s5 =	sshll.u32 s8, $0x1;
	[smem:$0x7FF] =	sst s3;
	p0 =	slt.u32 s8, $0x7;
	v8 =	vsel vm0, $0x5700, v8;
	v3 =	vsel vm11, $0x2180, v3;
	v12 =	vsel vm11, $0x6580, v12  }
0x66: {  	s6 =	ssub.s32 $0x2, s4;
	s4 =	sor.u32 s4, s5;
	_ =	strace $0x80000047;
	v13 =	vsel vm0, $0x1B00, v13;
	v3 =	vsel vm10, $0x2200, v3;
	v12 =	vsel vm10, $0x6600, v12  }
0x67: {  	s24 =	sshrl.u32 s6, $0x1;
	s7 =	smin.u32 s4, $0xE;
	s4 =	sshll.u32 s4, $0x8;
	v14 =	vsel vm0, $0x3B00, v14;
	v3 =	vsel vm9, $0x2280, v3;
	v12 =	vsel vm9, $0x6680, v12  }
0x68: {  	s5 =	ssub.s32 s6, s24;
	s25 =	sshll.u32 s7, $0x7;
	s7 =	simm.s32 $0x18;
	v15 =	vsel vm0, $0x5B00, v15;
	v3 =	vsel vm8, $0x2300, v3;
	v12 =	vsel vm8, $0x6700, v12  }
0x69: {  	s24 =	simm.s32 $0x10200;
	s4 =	sadd.s32 s4, s25;
	s30 =	smax.u32 s5, $0x1;
	v16 =	vsel vm0, $0x7B00, v16;
	v3 =	vsel vm7, $0x2380, v3;
	v12 =	vsel vm7, $0x6780, v12  }
0x6a: {  	s7 =	simm.s32 @!p0 $0x10;
	p0 =	sgt.u32 s8, $0x6;
	[dreg:$0x9] =	wrdreg s30;
	v17 =	vsel vm0, $0x1F00, v17;
	v3 =	vsel vm6, $0x3000, v3;
	v12 =	vsel vm6, $0x7400, v12  }
0x6b: {  	s6 =	sshrl.u32 s4, $0x3;
	s2 =	sadd.s32 s2, s4;
	[dreg:$0x4] =	wrdreg s7;
	v18 =	vsel vm0, $0x3F00, v18;
	v3 =	vsel vm5, $0x3080, v3;
	v12 =	vsel vm5, $0x7480, v12  }
.Ltmp0:
0x6c: {  	s31 =	sshll.u32 s7, $0x4;
	[dreg:$0x5] =	wrdreg s2;
	v19 =	vsel vm0, $0x5F00, v19;
	v3 =	vsel vm4, $0x3100, v3;
	v12 =	vsel vm4, $0x7500, v12;
	(pc) =	sbr.rel .LBB2_1-.Ltmp0, $4  }
0x6d: {  	s25 =	simm.s32 $0x2;
	s1 =	sadd.s32 s1, s6;
	[dreg:$0xa] =	wrdreg s31;
	v20 =	vsel vm0, $0x7F00, v20;
	v3 =	vsel vm3, $0x3180, v3;
	v12 =	vsel vm3, $0x7580, v12  }
0x6e: {  	s8 =	simm.s32 $0xC200;
	s26 =	sadd.s32 $0x80, s2;
	[dreg:$0x6] =	wrdreg s1;
	v2 =	vsel vm1, $0xE80, v2;
	v3 =	vsel vm2, $0x3200, v3;
	v12 =	vsel vm2, $0x7600, v12  }
0x6f: {  	s5 =	simm.s32 $0xD200;
	s28 =	sadd.s32 $0x100, s2;
	[dreg:$0x7] =	wrdreg s26;
	v2 =	vsel vm0, $0xF00, v2;
	v3 =	vsel vm1, $0x3280, v3;
	v12 =	vsel vm1, $0x7680, v12  }
0x70: {  	s4 =	simm.s32 $0x0;
	s7 =	simm.s32 $0xB200;
	[dreg:$0x8] =	wrdreg s28;
	v3 =	vsel vm0, $0x3300, v3;
	v11 =	vsel vm0, $0x5700, v11;
	v12 =	vsel vm0, $0x7700, v12  }
.LBB2_5:
0x71: {  	s2 =	rddreg [dreg:$0x5]  }
0x72: {  	[hbm4b:s2+s3] =	stream.linear.scatter [tilespmem:s24], [sflag:$0x3], $0x400, $0x38;
	[tilespmem:$0x16200] =	vst v63  }
0x73: {  	s4 =	simm.s32 $0x10E00;
	s1 =	sadd.s32 $0x2700, s2  }
0x74: {  	[hbm4b:s1+s3] =	stream.linear.scatter [tilespmem:s4], [sflag:$0x3], $0x400, $0x38;
	[tilespmem:$0x16200] =	vst v63  }
0x75: {  	s28 =	simm.s32 $0x11A00;
	s26 =	sadd.s32 $0x4E00, s2  }
0x76: {  	[hbm4b:s26+s3] =	stream.linear.scatter [tilespmem:s28], [sflag:$0x3], $0x400, $0x38;
	[tilespmem:$0x16200] =	vst v63  }
0x77: {  	s31 =	simm.s32 $0x12600;
	s30 =	sadd.s32 $0x7500, s2  }
0x78: {  	[hbm4b:s30+s3] =	stream.linear.scatter [tilespmem:s31], [sflag:$0x3], $0x400, $0x38;
	[tilespmem:$0x16200] =	vst v63  }
0x79: {  	s6 =	simm.s32 $0x13200;
	s4 =	sadd.s32 $0x9C00, s2  }
0x7a: {  	[hbm4b:s4+s3] =	stream.linear.scatter [tilespmem:s6], [sflag:$0x3], $0x400, $0x38;
	[tilespmem:$0x16200] =	vst v63  }
0x7b: {  	s26 =	sadd.s32 $0xC300, s2;
	s28 =	simm.s32 $0x13E00  }
0x7c: {  	[hbm4b:s26+s3] =	stream.linear.scatter [tilespmem:s28], [sflag:$0x3], $0x400, $0x38;
	[tilespmem:$0x16200] =	vst v63  }
0x7d: {  	s30 =	sadd.s32 $0xEA00, s2;
	s31 =	simm.s32 $0x14A00  }
0x7e: {  	[hbm4b:s30+s3] =	stream.linear.scatter [tilespmem:s31], [sflag:$0x3], $0x400, $0x38;
	[tilespmem:$0x16200] =	vst v63  }
0x7f: {  	s29 =	simm.s32 $0x3;
	s2 =	sadd.s32 $0x11100, s2;
	s4 =	simm.s32 $0x15600  }
0x80: {  	[hbm4b:s2+s3] =	stream.linear.scatter [tilespmem:s4], [sflag:$0x3], $0x400, $0x38;
	[tilespmem:$0x16200] =	vst v63  }
0x81: {  	_ =	swait.ge [sflag:s29], $0x2000  }
0x82: {  	[sflag:s29] =	ssyncset.done $0x0  }
0x83: {  	s6 =	simm.s32 $0x10600;
	s2 =	rddreg [dreg:$0x7];
	[sflag:s29] =	ssyncadd.s32 $0xFFFFE000  }
0x84: {  	[hbm4b:s2+s3] =	stream.linear.scatter [tilespmem:s6], [sflag:$0x3], $0x400, $0x38;
	[tilespmem:$0x16200] =	vst v63  }
0x85: {  	s28 =	simm.s32 $0x11200;
	s26 =	sadd.s32 $0x2700, s2  }
0x86: {  	[hbm4b:s26+s3] =	stream.linear.scatter [tilespmem:s28], [sflag:$0x3], $0x400, $0x38;
	[tilespmem:$0x16200] =	vst v63  }
0x87: {  	s31 =	simm.s32 $0x11E00;
	s30 =	sadd.s32 $0x4E00, s2  }
0x88: {  	[hbm4b:s30+s3] =	stream.linear.scatter [tilespmem:s31], [sflag:$0x3], $0x400, $0x38;
	[tilespmem:$0x16200] =	vst v63  }
0x89: {  	s4 =	sadd.s32 $0x7500, s2;
	s6 =	simm.s32 $0x12A00  }
0x8a: {  	[hbm4b:s4+s3] =	stream.linear.scatter [tilespmem:s6], [sflag:$0x3], $0x400, $0x38;
	[tilespmem:$0x16200] =	vst v63  }
0x8b: {  	s26 =	sadd.s32 $0x9C00, s2;
	s28 =	simm.s32 $0x13600  }
0x8c: {  	[hbm4b:s26+s3] =	stream.linear.scatter [tilespmem:s28], [sflag:$0x3], $0x400, $0x38;
	[tilespmem:$0x16200] =	vst v63  }
0x8d: {  	s30 =	sadd.s32 $0xC300, s2;
	s31 =	simm.s32 $0x14200  }
0x8e: {  	[hbm4b:s30+s3] =	stream.linear.scatter [tilespmem:s31], [sflag:$0x3], $0x400, $0x38;
	[tilespmem:$0x16200] =	vst v63  }
0x8f: {  	s4 =	sadd.s32 $0xEA00, s2;
	s6 =	simm.s32 $0x14E00  }
0x90: {  	[hbm4b:s4+s3] =	stream.linear.scatter [tilespmem:s6], [sflag:$0x3], $0x400, $0x38;
	[tilespmem:$0x16200] =	vst v63  }
0x91: {  	s26 =	sadd.s32 $0x11100, s2;
	s28 =	simm.s32 $0x15A00  }
0x92: {  	[hbm4b:s26+s3] =	stream.linear.scatter [tilespmem:s28], [sflag:$0x3], $0x400, $0x38;
	[tilespmem:$0x16200] =	vst v63  }
0x93: {  	_ =	swait.ge [sflag:s29], $0x2000  }
0x94: {  	s1 =	simm.s32 @!p0 $0x0;
	[sflag:s29] =	ssyncset.done $0x0  }
0x95: {  	s2 =	simm.s32 @!p0 $0x10A00;
	s28 =	rddreg [dreg:$0x8];
	[sflag:s29] =	ssyncadd.s32 $0xFFFFE000  }
0x96: {  	[hbm4b:s28+s1] =	stream.linear.scatter @!p0 [tilespmem:s2], [sflag:$0x3], $0x400, $0x38;
	[tilespmem:$0x16200] =	vst v63  }
0x97: {  	s26 =	simm.s32 @!p0 $0x11600;
	s2 =	sadd.s32 @!p0 $0x2700, s28  }
0x98: {  	[hbm4b:s2+s1] =	stream.linear.scatter @!p0 [tilespmem:s26], [sflag:$0x3], $0x400, $0x38;
	[tilespmem:$0x16200] =	vst v63  }
0x99: {  	s2 =	sadd.s32 @!p0 $0x4E00, s28;
	s26 =	simm.s32 @!p0 $0x12200  }
0x9a: {  	[hbm4b:s2+s1] =	stream.linear.scatter @!p0 [tilespmem:s26], [sflag:$0x3], $0x400, $0x38;
	[tilespmem:$0x16200] =	vst v63  }
0x9b: {  	s2 =	sadd.s32 @!p0 $0x7500, s28;
	s26 =	simm.s32 @!p0 $0x12E00  }
0x9c: {  	[hbm4b:s2+s1] =	stream.linear.scatter @!p0 [tilespmem:s26], [sflag:$0x3], $0x400, $0x38;
	[tilespmem:$0x16200] =	vst v63  }
0x9d: {  	s2 =	sadd.s32 @!p0 $0x9C00, s28;
	s26 =	simm.s32 @!p0 $0x13A00  }
0x9e: {  	[hbm4b:s2+s1] =	stream.linear.scatter @!p0 [tilespmem:s26], [sflag:$0x3], $0x400, $0x38;
	[tilespmem:$0x16200] =	vst v63  }
0x9f: {  	s2 =	sadd.s32 @!p0 $0xC300, s28;
	s26 =	simm.s32 @!p0 $0x14600  }
0xa0: {  	[hbm4b:s2+s1] =	stream.linear.scatter @!p0 [tilespmem:s26], [sflag:$0x3], $0x400, $0x38;
	[tilespmem:$0x16200] =	vst v63  }
0xa1: {  	s2 =	sadd.s32 @!p0 $0xEA00, s28;
	s26 =	simm.s32 @!p0 $0x15200  }
0xa2: {  	[hbm4b:s2+s1] =	stream.linear.scatter @!p0 [tilespmem:s26], [sflag:$0x3], $0x400, $0x38;
	[tilespmem:$0x16200] =	vst v63  }
0xa3: {  	s2 =	sadd.s32 @!p0 $0x11100, s28;
	s26 =	simm.s32 @!p0 $0x15E00  }
0xa4: {  	[hbm4b:s2+s1] =	stream.linear.scatter @!p0 [tilespmem:s26], [sflag:$0x3], $0x400, $0x38;
	[tilespmem:$0x16200] =	vst v63  }
0xa5: {  	s1 =	simm.s32 @!p0 $0x3  }
0xa6: {  	_ =	swait.ge @!p0 [sflag:s1], $0x2000  }
0xa7: {  	s30 =	rddreg [dreg:$0xb]  }
0xa8: {  	s31 =	rddreg [dreg:$0x9];
	s4 =	sadd.s32 $0x1, s30  }
0xa9: {  	p1 =	sne.s32 s4, s31  }
.Ltmp1:
0xaa: {  	_ = 	snop;
	(pc) =	sbr.rel @!p1 .LBB2_6-.Ltmp1, $3  }
0xab: {  	_ =	sdelay $0x1  }
0xac: {  	[sflag:s1] =	ssyncset.done @!p0 $0x0  }
0xad: {  	[sflag:s1] =	ssyncadd.s32 @!p0 $0xFFFFE000  }
.LBB2_1:
0xae: {  	[dreg:$0xb] =	wrdreg s4  }
0xaf: {  	s1 =	rddreg [dreg:$0x6]  }
0xb0: {  	[tilespmem:s3], [sflag:$0x3] =	stream.linear.gather [hbm4b:s1+s3], $0x180, $0x38;
	[tilespmem:$0x16200] =	vst v63  }
0xb1: {  	_ =	swait.ge [sflag:s29], $0x180  }
0xb2: {  	[sflag:s29] =	ssyncset.done $0x0  }
0xb3: {  	[sflag:s29] =	ssyncadd.s32 $0xFFFFFE80  }
0xb4: {  	v21 =	vld [tilespmem:$0x0];
	_ =	sdelay $0x4  }
0xb5: {  	(v2sf) =	vpush v21, $0x0;
	_ =	sdelay $0xe  }
0xb6: {  	s26 =	spop (v2sf)  }
0xb7: {  	(v2sf) =	vpush v21, $0x1;
	s26 =	sand.u32 $0xFFFFF80, s26  }
0xb8: {  	[tilespmem:$0x180] =	vst v0;
	s26 =	sadd.s32 s0, s26  }
0xb9: {  	[tilespmem:s12], [sflag:$0x1] =	stream.linear.gather [hbm4b:s26+s3], $0x400, $0x38;
	[tilespmem:$0x16200] =	vst v63  }
0xba: {  	s4 =	simm.s32 $0x1200;
	s28 =	sadd.s32 $0xF4280, s26  }
0xbb: {  	[tilespmem:s4], [sflag:$0x1] =	stream.linear.gather [hbm4b:s28+s3], $0x400, $0x38;
	[tilespmem:$0x16200] =	vst v63  }
0xbc: {  	s6 =	simm.s32 $0x2200;
	s28 =	sadd.s32 $0x1E8500, s26  }
0xbd: {  	[tilespmem:s6], [sflag:$0x1] =	stream.linear.gather [hbm4b:s28+s3], $0x400, $0x38;
	[tilespmem:$0x16200] =	vst v63  }
0xbe: {  	s30 =	simm.s32 $0x3200;
	s28 =	sadd.s32 $0x2DC780, s26  }
0xbf: {  	[tilespmem:s30], [sflag:$0x1] =	stream.linear.gather [hbm4b:s28+s3], $0x400, $0x38;
	[tilespmem:$0x16200] =	vst v63  }
0xc0: {  	s31 =	simm.s32 $0x4200;
	s28 =	sadd.s32 $0x3D0A00, s26  }
0xc1: {  	[tilespmem:s31], [sflag:$0x1] =	stream.linear.gather [hbm4b:s28+s3], $0x400, $0x38;
	[tilespmem:$0x16200] =	vst v63  }
0xc2: {  	s2 =	simm.s32 $0x5200;
	s28 =	sadd.s32 $0x4C4C80, s26  }
0xc3: {  	[tilespmem:s2], [sflag:$0x1] =	stream.linear.gather [hbm4b:s28+s3], $0x400, $0x38;
	[tilespmem:$0x16200] =	vst v63  }
0xc4: {  	s4 =	simm.s32 $0x6200;
	s28 =	sadd.s32 $0x5B8F00, s26  }
0xc5: {  	[tilespmem:s4], [sflag:$0x1] =	stream.linear.gather [hbm4b:s28+s3], $0x400, $0x38;
	[tilespmem:$0x16200] =	vst v63  }
0xc6: {  	s6 =	simm.s32 $0x7200;
	s26 =	sadd.s32 $0x6AD180, s26;
	s30 =	spop (v2sf)  }
0xc7: {  	[tilespmem:s6], [sflag:$0x1] =	stream.linear.gather [hbm4b:s26+s3], $0x400, $0x38;
	[tilespmem:$0x16200] =	vst v63  }
0xc8: {  	(v2sf) =	vpush v21, $0x2;
	s26 =	sand.u32 $0xFFFFF80, s30  }
0xc9: {  	s31 =	simm.s32 $0x600;
	s26 =	sadd.s32 s0, s26  }
0xca: {  	[tilespmem:s31], [sflag:$0x1] =	stream.linear.gather [hbm4b:s26+s3], $0x400, $0x38;
	[tilespmem:$0x16200] =	vst v63  }
0xcb: {  	s2 =	simm.s32 $0x1600;
	s28 =	sadd.s32 $0xF4280, s26  }
0xcc: {  	[tilespmem:s2], [sflag:$0x1] =	stream.linear.gather [hbm4b:s28+s3], $0x400, $0x38;
	[tilespmem:$0x16200] =	vst v63  }
0xcd: {  	s4 =	simm.s32 $0x2600;
	s28 =	sadd.s32 $0x1E8500, s26  }
0xce: {  	[tilespmem:s4], [sflag:$0x1] =	stream.linear.gather [hbm4b:s28+s3], $0x400, $0x38;
	[tilespmem:$0x16200] =	vst v63  }
0xcf: {  	s6 =	simm.s32 $0x3600;
	s28 =	sadd.s32 $0x2DC780, s26  }
0xd0: {  	[tilespmem:s6], [sflag:$0x1] =	stream.linear.gather [hbm4b:s28+s3], $0x400, $0x38;
	[tilespmem:$0x16200] =	vst v63  }
0xd1: {  	s30 =	simm.s32 $0x4600;
	s28 =	sadd.s32 $0x3D0A00, s26  }
0xd2: {  	[tilespmem:s30], [sflag:$0x1] =	stream.linear.gather [hbm4b:s28+s3], $0x400, $0x38;
	[tilespmem:$0x16200] =	vst v63  }
0xd3: {  	s31 =	simm.s32 $0x5600;
	s28 =	sadd.s32 $0x4C4C80, s26  }
0xd4: {  	[tilespmem:s31], [sflag:$0x1] =	stream.linear.gather [hbm4b:s28+s3], $0x400, $0x38;
	[tilespmem:$0x16200] =	vst v63  }
0xd5: {  	s2 =	simm.s32 $0x6600;
	s28 =	sadd.s32 $0x5B8F00, s26  }
0xd6: {  	[tilespmem:s2], [sflag:$0x1] =	stream.linear.gather [hbm4b:s28+s3], $0x400, $0x38;
	[tilespmem:$0x16200] =	vst v63  }
0xd7: {  	s4 =	simm.s32 $0x7600;
	s26 =	sadd.s32 $0x6AD180, s26;
	s6 =	spop (v2sf)  }
0xd8: {  	[tilespmem:s4], [sflag:$0x1] =	stream.linear.gather [hbm4b:s26+s3], $0x400, $0x38;
	[tilespmem:$0x16200] =	vst v63  }
0xd9: {  	(v2sf) =	vpush v21, $0x3;
	s26 =	sand.u32 $0xFFFFF80, s6  }
0xda: {  	s30 =	simm.s32 $0xA00;
	s26 =	sadd.s32 s0, s26  }
0xdb: {  	[tilespmem:s30], [sflag:$0x1] =	stream.linear.gather [hbm4b:s26+s3], $0x400, $0x38;
	[tilespmem:$0x16200] =	vst v63  }
0xdc: {  	s31 =	simm.s32 $0x1A00;
	s28 =	sadd.s32 $0xF4280, s26  }
0xdd: {  	[tilespmem:s31], [sflag:$0x1] =	stream.linear.gather [hbm4b:s28+s3], $0x400, $0x38;
	[tilespmem:$0x16200] =	vst v63  }
0xde: {  	s2 =	simm.s32 $0x2A00;
	s28 =	sadd.s32 $0x1E8500, s26  }
0xdf: {  	[tilespmem:s2], [sflag:$0x1] =	stream.linear.gather [hbm4b:s28+s3], $0x400, $0x38;
	[tilespmem:$0x16200] =	vst v63  }
0xe0: {  	s4 =	simm.s32 $0x3A00;
	s28 =	sadd.s32 $0x2DC780, s26  }
0xe1: {  	[tilespmem:s4], [sflag:$0x1] =	stream.linear.gather [hbm4b:s28+s3], $0x400, $0x38;
	[tilespmem:$0x16200] =	vst v63  }
0xe2: {  	s6 =	simm.s32 $0x4A00;
	s28 =	sadd.s32 $0x3D0A00, s26  }
0xe3: {  	[tilespmem:s6], [sflag:$0x1] =	stream.linear.gather [hbm4b:s28+s3], $0x400, $0x38;
	[tilespmem:$0x16200] =	vst v63  }
0xe4: {  	s30 =	simm.s32 $0x5A00;
	s28 =	sadd.s32 $0x4C4C80, s26  }
0xe5: {  	[tilespmem:s30], [sflag:$0x1] =	stream.linear.gather [hbm4b:s28+s3], $0x400, $0x38;
	[tilespmem:$0x16200] =	vst v63  }
0xe6: {  	s31 =	simm.s32 $0x6A00;
	s28 =	sadd.s32 $0x5B8F00, s26  }
0xe7: {  	[tilespmem:s31], [sflag:$0x1] =	stream.linear.gather [hbm4b:s28+s3], $0x400, $0x38;
	[tilespmem:$0x16200] =	vst v63  }
0xe8: {  	s2 =	simm.s32 $0x7A00;
	s26 =	sadd.s32 $0x6AD180, s26;
	s4 =	spop (v2sf)  }
0xe9: {  	[tilespmem:s2], [sflag:$0x1] =	stream.linear.gather [hbm4b:s26+s3], $0x400, $0x38;
	[tilespmem:$0x16200] =	vst v63  }
0xea: {  	s26 =	sand.u32 $0xFFFFF80, s4  }
0xeb: {  	s6 =	simm.s32 $0xE00;
	s26 =	sadd.s32 s0, s26  }
0xec: {  	[tilespmem:s6], [sflag:$0x1] =	stream.linear.gather [hbm4b:s26+s3], $0x400, $0x38;
	[tilespmem:$0x16200] =	vst v63  }
0xed: {  	s30 =	simm.s32 $0x1E00;
	s28 =	sadd.s32 $0xF4280, s26  }
0xee: {  	[tilespmem:s30], [sflag:$0x1] =	stream.linear.gather [hbm4b:s28+s3], $0x400, $0x38;
	[tilespmem:$0x16200] =	vst v63  }
0xef: {  	s31 =	simm.s32 $0x2E00;
	s28 =	sadd.s32 $0x1E8500, s26  }
0xf0: {  	[tilespmem:s31], [sflag:$0x1] =	stream.linear.gather [hbm4b:s28+s3], $0x400, $0x38;
	[tilespmem:$0x16200] =	vst v63  }
0xf1: {  	s2 =	simm.s32 $0x3E00;
	s28 =	sadd.s32 $0x2DC780, s26  }
0xf2: {  	[tilespmem:s2], [sflag:$0x1] =	stream.linear.gather [hbm4b:s28+s3], $0x400, $0x38;
	[tilespmem:$0x16200] =	vst v63  }
0xf3: {  	s4 =	simm.s32 $0x4E00;
	s28 =	sadd.s32 $0x3D0A00, s26  }
0xf4: {  	[tilespmem:s4], [sflag:$0x1] =	stream.linear.gather [hbm4b:s28+s3], $0x400, $0x38;
	[tilespmem:$0x16200] =	vst v63  }
0xf5: {  	s6 =	simm.s32 $0x5E00;
	s28 =	sadd.s32 $0x4C4C80, s26  }
0xf6: {  	[tilespmem:s6], [sflag:$0x1] =	stream.linear.gather [hbm4b:s28+s3], $0x400, $0x38;
	[tilespmem:$0x16200] =	vst v63  }
.Ltmp2:
0xf7: {  	s30 =	simm.s32 $0x6E00;
	s28 =	sadd.s32 $0x5B8F00, s26;
	(pc) =	sbr.rel .LBB2_2-.Ltmp2, $4  }
0xf8: {  	[tilespmem:s30], [sflag:$0x1] =	stream.linear.gather [hbm4b:s28+s3], $0x400, $0x38;
	[tilespmem:$0x16200] =	vst v63  }
0xf9: {  	s31 =	simm.s32 $0x7E00;
	s26 =	sadd.s32 $0x6AD180, s26  }
0xfa: {  	[tilespmem:s31], [sflag:$0x1] =	stream.linear.gather [hbm4b:s26+s3], $0x400, $0x38;
	[tilespmem:$0x16200] =	vst v63  }
0xfb: {  	s29 =	simm.s32 $0x0;
	s28 =	simm.s32 $0x1;
	s26 =	simm.s32 $0x10  }
.LBB2_4:
0xfc: {  	_ =	swait.ge [sflag:s25], $0x2000  }
0xfd: {  	[sflag:s25] =	ssyncset.done $0x0  }
0xfe: {  	[sflag:s25] =	ssyncadd.s32 $0xFFFFE000  }
0xff: {  	_ =	swait.ge [sflag:s25], $0x2000  }
0x100: {  	[sflag:s25] =	ssyncset.done $0x0  }
0x101: {  	[sflag:s25] =	ssyncadd.s32 $0xFFFFE000  }
0x102: {  	s1 =	sand.u32 $0x7F, s30;
	_ =	swait.ge [sflag:s25], $0x2000  }
0x103: {  	s2 =	sadd.s32 $0xC, s29;
	v23 =	vor.u32 s1, v1;
	[sflag:s25] =	ssyncset.done $0x0  }
0x104: {  	v24 =	vmov s2;
	[sflag:s25] =	ssyncadd.s32 $0xFFFFE000  }
0x105: {  	v25 =	vshll.u32 v24, $0x3;
	_ =	swait.ge [sflag:s25], $0x2000  }
0x106: {  	v24 =	vand.u32 $0x7C, v24;
	v25 =	vand.u32 $0xFFFFFC00, v25;
	[sflag:s25] =	ssyncset.done $0x0  }
0x107: {  	v24 =	vor.u32 v24, v25;
	[sflag:s25] =	ssyncadd.s32 $0xFFFFE000  }
0x108: {  	v25 =	vadd.s32 v2, v24;
	v23 =	vld.idx.msk [tilespmem:v23+s18+$0x0], $0xffff  }
0x109: {  	v26 =	vor.u32 s1, v3;
	_ =	sdelay $0x3  }
0x10a: {  	[tilespmem:v25+s24+$0x0] =	vst.idx.msk $0xffff, v23  }
0x10b: {  	v36 =	vadd.s32 v4, v24;
	v23 =	vld.idx.msk [tilespmem:v26+s18+$0x0], $0xffff  }
0x10c: {  	v37 =	vor.u32 s1, v5;
	_ =	sdelay $0x3  }
0x10d: {  	[tilespmem:v36+s24+$0x0] =	vst.idx.msk $0xffff, v23  }
0x10e: {  	v38 =	vadd.s32 v6, v24;
	v23 =	vld.idx.msk [tilespmem:v37+s18+$0x0], $0xffff  }
0x10f: {  	v39 =	vor.u32 s1, v7;
	_ =	sdelay $0x3  }
0x110: {  	[tilespmem:v38+s24+$0x0] =	vst.idx.msk $0xffff, v23;
	v23 =	vbroadcast v22, $0xD  }
0x111: {  	v24 =	vadd.s32 v8, v24;
	v25 =	vld.idx.msk [tilespmem:v39+s18+$0x0], $0xffff  }
0x112: {  	s4 =	sadd.s32 $0xD, s29;
	v40 =	vor.u32 v9, v23  }
0x113: {  	v27 =	vmov s4  }
0x114: {  	v28 =	vshll.u32 v27, $0x3  }
0x115: {  	v27 =	vand.u32 $0x7D, v27;
	v28 =	vand.u32 $0xFFFFFC00, v28  }
0x116: {  	v41 =	vor.u32 v27, v28;
	[tilespmem:v24+s24+$0x0] =	vst.idx.msk $0xffff, v25  }
0x117: {  	v42 =	vadd.s32 v2, v41;
	v25 =	vld.idx.msk [tilespmem:v40+s18+$0x0], $0xffff  }
0x118: {  	v43 =	vor.u32 v10, v23;
	_ =	sdelay $0x3  }
0x119: {  	[tilespmem:v42+s24+$0x0] =	vst.idx.msk $0xffff, v25  }
0x11a: {  	v44 =	vadd.s32 v4, v41;
	v25 =	vld.idx.msk [tilespmem:v43+s18+$0x0], $0xffff  }
0x11b: {  	v45 =	vor.u32 v11, v23;
	_ =	sdelay $0x3  }
0x11c: {  	[tilespmem:v44+s24+$0x0] =	vst.idx.msk $0xffff, v25  }
0x11d: {  	v46 =	vadd.s32 v6, v41;
	v25 =	vld.idx.msk [tilespmem:v45+s18+$0x0], $0xffff  }
0x11e: {  	v23 =	vor.u32 v12, v23;
	_ =	sdelay $0x3  }
0x11f: {  	v47 =	vbroadcast v22, $0xE;
	[tilespmem:v46+s24+$0x0] =	vst.idx.msk $0xffff, v25  }
0x120: {  	v24 =	vadd.s32 v8, v41;
	v23 =	vld.idx.msk [tilespmem:v23+s18+$0x0], $0xffff  }
0x121: {  	s6 =	sadd.s32 $0xE, s29;
	v48 =	vor.u32 v13, v47  }
0x122: {  	v49 =	vmov s6  }
0x123: {  	v50 =	vshll.u32 v49, $0x3  }
0x124: {  	v27 =	vand.u32 $0x7E, v49;
	v28 =	vand.u32 $0xFFFFFC00, v50  }
0x125: {  	[tilespmem:v24+s24+$0x0] =	vst.idx.msk $0xffff, v23;
	v23 =	vor.u32 v27, v28  }
0x126: {  	v24 =	vld.idx.msk [tilespmem:v48+s18+$0x0], $0xffff;
	v51 =	vadd.s32 v2, v23  }
0x127: {  	v52 =	vor.u32 v14, v47;
	_ =	sdelay $0x3  }
0x128: {  	[tilespmem:v51+s24+$0x0] =	vst.idx.msk $0xffff, v24  }
0x129: {  	v53 =	vadd.s32 v4, v23;
	v24 =	vld.idx.msk [tilespmem:v52+s18+$0x0], $0xffff  }
0x12a: {  	v54 =	vor.u32 v15, v47;
	_ =	sdelay $0x3  }
0x12b: {  	[tilespmem:v53+s24+$0x0] =	vst.idx.msk $0xffff, v24  }
0x12c: {  	v55 =	vadd.s32 v6, v23;
	v24 =	vld.idx.msk [tilespmem:v54+s18+$0x0], $0xffff  }
0x12d: {  	v25 =	vor.u32 v16, v47;
	_ =	sdelay $0x3  }
0x12e: {  	v22 =	vbroadcast v22, $0xF;
	[tilespmem:v55+s24+$0x0] =	vst.idx.msk $0xffff, v24  }
0x12f: {  	v23 =	vadd.s32 v8, v23;
	v24 =	vld.idx.msk [tilespmem:v25+s18+$0x0], $0xffff  }
0x130: {  	s30 =	sadd.s32 $0xF, s29;
	v56 =	vor.u32 v17, v22  }
0x131: {  	v57 =	vmov s30  }
0x132: {  	v58 =	vshll.u32 v57, $0x3  }
0x133: {  	v26 =	vand.u32 $0x7F, v57;
	v27 =	vand.u32 $0xFFFFFC00, v58  }
0x134: {  	[tilespmem:v23+s24+$0x0] =	vst.idx.msk $0xffff, v24;
	v23 =	vor.u32 v26, v27  }
0x135: {  	v24 =	vld.idx.msk [tilespmem:v56+s18+$0x0], $0xffff;
	v59 =	vadd.s32 v2, v23  }
0x136: {  	v60 =	vor.u32 v18, v22;
	_ =	sdelay $0x3  }
0x137: {  	[tilespmem:v59+s24+$0x0] =	vst.idx.msk $0xffff, v24  }
0x138: {  	v61 =	vadd.s32 v4, v23;
	v24 =	vld.idx.msk [tilespmem:v60+s18+$0x0], $0xffff  }
0x139: {  	v62 =	vor.u32 v19, v22;
	_ =	sdelay $0x3  }
0x13a: {  	[tilespmem:v61+s24+$0x0] =	vst.idx.msk $0xffff, v24  }
0x13b: {  	v63 =	vadd.s32 v6, v23;
	v24 =	vld.idx.msk [tilespmem:v62+s18+$0x0], $0xffff  }
0x13c: {  	v22 =	vor.u32 v20, v22;
	_ =	sdelay $0x3  }
0x13d: {  	s29 =	sadd.s32 $0x10, s29;
	s31 =	rddreg [dreg:$0xa];
	[tilespmem:v63+s24+$0x0] =	vst.idx.msk $0xffff, v24  }
0x13e: {  	p1 =	sne.s32 s31, s29;
	v23 =	vadd.s32 v8, v23;
	v22 =	vld.idx.msk [tilespmem:v22+s18+$0x0], $0xffff  }
.Ltmp3:
0x13f: {  	_ = 	snop;
	(pc) =	sbr.rel @!p1 .LBB2_5-.Ltmp3, $2  }
0x140: {  	_ =	sdelay $0x2  }
0x141: {  	s26 =	sadd.s32 $0x10, s26;
	s28 =	sadd.s32 $0x1, s28;
	[tilespmem:v23+s24+$0x0] =	vst.idx.msk $0xffff, v22  }
.LBB2_2:
0x142: {  	_ =	sdelay $0x3  }
0x143: {  	(v2sf) =	vpush v21, $0x4;
	_ =	sdelay $0xe  }
0x144: {  	s30 =	spop (v2sf)  }
0x145: {  	(v2sf) =	vpush v21, $0x5;
	s31 =	sand.u32 $0xFFFFF80, s30  }
0x146: {  	s31 =	sadd.s32 s0, s31  }
0x147: {  	[tilespmem:s18], [sflag:$0x2] =	stream.linear.gather [hbm4b:s31+s3], $0x400, $0x38;
	[tilespmem:$0x16200] =	vst v63  }
0x148: {  	s1 =	sadd.s32 $0xF4280, s31  }
0x149: {  	[tilespmem:s9], [sflag:$0x2] =	stream.linear.gather [hbm4b:s1+s3], $0x400, $0x38;
	[tilespmem:$0x16200] =	vst v63  }
0x14a: {  	s4 =	sadd.s32 $0x1E8500, s31  }
0x14b: {  	[tilespmem:s11], [sflag:$0x2] =	stream.linear.gather [hbm4b:s4+s3], $0x400, $0x38;
	[tilespmem:$0x16200] =	vst v63  }
0x14c: {  	s6 =	sadd.s32 $0x2DC780, s31  }
0x14d: {  	[tilespmem:s7], [sflag:$0x2] =	stream.linear.gather [hbm4b:s6+s3], $0x400, $0x38;
	[tilespmem:$0x16200] =	vst v63  }
0x14e: {  	s2 =	sadd.s32 $0x3D0A00, s31  }
0x14f: {  	[tilespmem:s8], [sflag:$0x2] =	stream.linear.gather [hbm4b:s2+s3], $0x400, $0x38;
	[tilespmem:$0x16200] =	vst v63  }
0x150: {  	s4 =	sadd.s32 $0x4C4C80, s31  }
0x151: {  	[tilespmem:s5], [sflag:$0x2] =	stream.linear.gather [hbm4b:s4+s3], $0x400, $0x38;
	[tilespmem:$0x16200] =	vst v63  }
0x152: {  	s6 =	sadd.s32 $0x5B8F00, s31  }
0x153: {  	[tilespmem:s13], [sflag:$0x2] =	stream.linear.gather [hbm4b:s6+s3], $0x400, $0x38;
	[tilespmem:$0x16200] =	vst v63  }
0x154: {  	s2 =	spop (v2sf)  }
0x155: {  	s31 =	sadd.s32 $0x6AD180, s31;
	s1 =	sand.u32 $0xFFFFF80, s2  }
0x156: {  	(v2sf) =	vpush v21, $0x6;
	[tilespmem:s14], [sflag:$0x2] =	stream.linear.gather [hbm4b:s31+s3], $0x400, $0x38;
	[tilespmem:$0x16200] =	vst v63  }
0x157: {  	s1 =	sadd.s32 s0, s1  }
0x158: {  	[tilespmem:s15], [sflag:$0x2] =	stream.linear.gather [hbm4b:s1+s3], $0x400, $0x38;
	[tilespmem:$0x16200] =	vst v63  }
0x159: {  	s4 =	sadd.s32 $0xF4280, s1  }
0x15a: {  	[tilespmem:s16], [sflag:$0x2] =	stream.linear.gather [hbm4b:s4+s3], $0x400, $0x38;
	[tilespmem:$0x16200] =	vst v63  }
0x15b: {  	s6 =	sadd.s32 $0x1E8500, s1  }
0x15c: {  	[tilespmem:s17], [sflag:$0x2] =	stream.linear.gather [hbm4b:s6+s3], $0x400, $0x38;
	[tilespmem:$0x16200] =	vst v63  }
0x15d: {  	s2 =	sadd.s32 $0x2DC780, s1;
	s4 =	simm.s32 $0xB600  }
0x15e: {  	[tilespmem:s4], [sflag:$0x2] =	stream.linear.gather [hbm4b:s2+s3], $0x400, $0x38;
	[tilespmem:$0x16200] =	vst v63  }
0x15f: {  	s6 =	sadd.s32 $0x3D0A00, s1  }
0x160: {  	[tilespmem:s10], [sflag:$0x2] =	stream.linear.gather [hbm4b:s6+s3], $0x400, $0x38;
	[tilespmem:$0x16200] =	vst v63  }
0x161: {  	s2 =	sadd.s32 $0x4C4C80, s1  }
0x162: {  	[tilespmem:s19], [sflag:$0x2] =	stream.linear.gather [hbm4b:s2+s3], $0x400, $0x38;
	[tilespmem:$0x16200] =	vst v63  }
0x163: {  	s6 =	sadd.s32 $0x5B8F00, s1  }
0x164: {  	[tilespmem:s20], [sflag:$0x2] =	stream.linear.gather [hbm4b:s6+s3], $0x400, $0x38;
	[tilespmem:$0x16200] =	vst v63  }
0x165: {  	s1 =	sadd.s32 $0x6AD180, s1;
	s2 =	spop (v2sf)  }
0x166: {  	[tilespmem:s21], [sflag:$0x2] =	stream.linear.gather [hbm4b:s1+s3], $0x400, $0x38;
	[tilespmem:$0x16200] =	vst v63  }
0x167: {  	(v2sf) =	vpush v21, $0x7;
	s1 =	sand.u32 $0xFFFFF80, s2  }
0x168: {  	s1 =	sadd.s32 s0, s1  }
0x169: {  	[tilespmem:s22], [sflag:$0x2] =	stream.linear.gather [hbm4b:s1+s3], $0x400, $0x38;
	[tilespmem:$0x16200] =	vst v63  }
0x16a: {  	s2 =	simm.s32 $0x9A00;
	s6 =	sadd.s32 $0xF4280, s1  }
0x16b: {  	[tilespmem:s2], [sflag:$0x2] =	stream.linear.gather [hbm4b:s6+s3], $0x400, $0x38;
	[tilespmem:$0x16200] =	vst v63  }
0x16c: {  	s2 =	sadd.s32 $0x1E8500, s1;
	s6 =	simm.s32 $0xAA00  }
0x16d: {  	[tilespmem:s6], [sflag:$0x2] =	stream.linear.gather [hbm4b:s2+s3], $0x400, $0x38;
	[tilespmem:$0x16200] =	vst v63  }
0x16e: {  	s2 =	sadd.s32 $0x2DC780, s1;
	s6 =	simm.s32 $0xBA00  }
0x16f: {  	[tilespmem:s6], [sflag:$0x2] =	stream.linear.gather [hbm4b:s2+s3], $0x400, $0x38;
	[tilespmem:$0x16200] =	vst v63  }
0x170: {  	s2 =	sadd.s32 $0x3D0A00, s1;
	s6 =	simm.s32 $0xCA00  }
0x171: {  	[tilespmem:s6], [sflag:$0x2] =	stream.linear.gather [hbm4b:s2+s3], $0x400, $0x38;
	[tilespmem:$0x16200] =	vst v63  }
0x172: {  	s2 =	sadd.s32 $0x4C4C80, s1;
	s6 =	simm.s32 $0xDA00  }
0x173: {  	[tilespmem:s6], [sflag:$0x2] =	stream.linear.gather [hbm4b:s2+s3], $0x400, $0x38;
	[tilespmem:$0x16200] =	vst v63  }
0x174: {  	s2 =	sadd.s32 $0x5B8F00, s1;
	s6 =	simm.s32 $0xEA00  }
0x175: {  	[tilespmem:s6], [sflag:$0x2] =	stream.linear.gather [hbm4b:s2+s3], $0x400, $0x38;
	[tilespmem:$0x16200] =	vst v63  }
0x176: {  	s31 =	simm.s32 $0xFA00;
	s1 =	sadd.s32 $0x6AD180, s1;
	s6 =	spop (v2sf)  }
0x177: {  	[tilespmem:s31], [sflag:$0x2] =	stream.linear.gather [hbm4b:s1+s3], $0x400, $0x38;
	[tilespmem:$0x16200] =	vst v63  }
0x178: {  	s1 =	sand.u32 $0xFFFFF80, s6  }
0x179: {  	s31 =	simm.s32 $0x8E00;
	s1 =	sadd.s32 s0, s1  }
0x17a: {  	[tilespmem:s31], [sflag:$0x2] =	stream.linear.gather [hbm4b:s1+s3], $0x400, $0x38;
	[tilespmem:$0x16200] =	vst v63  }
0x17b: {  	s6 =	simm.s32 $0x9E00;
	s2 =	sadd.s32 $0xF4280, s1  }
0x17c: {  	[tilespmem:s6], [sflag:$0x2] =	stream.linear.gather [hbm4b:s2+s3], $0x400, $0x38;
	[tilespmem:$0x16200] =	vst v63  }
0x17d: {  	s2 =	sadd.s32 $0x1E8500, s1;
	s6 =	simm.s32 $0xAE00  }
0x17e: {  	[tilespmem:s6], [sflag:$0x2] =	stream.linear.gather [hbm4b:s2+s3], $0x400, $0x38;
	[tilespmem:$0x16200] =	vst v63  }
0x17f: {  	s2 =	sadd.s32 $0x2DC780, s1;
	s6 =	simm.s32 $0xBE00  }
0x180: {  	[tilespmem:s6], [sflag:$0x2] =	stream.linear.gather [hbm4b:s2+s3], $0x400, $0x38;
	[tilespmem:$0x16200] =	vst v63  }
0x181: {  	s2 =	sadd.s32 $0x3D0A00, s1;
	s6 =	simm.s32 $0xCE00  }
0x182: {  	[tilespmem:s6], [sflag:$0x2] =	stream.linear.gather [hbm4b:s2+s3], $0x400, $0x38;
	[tilespmem:$0x16200] =	vst v63  }
0x183: {  	s2 =	sadd.s32 $0x4C4C80, s1;
	s6 =	simm.s32 $0xDE00  }
0x184: {  	[tilespmem:s6], [sflag:$0x2] =	stream.linear.gather [hbm4b:s2+s3], $0x400, $0x38;
	[tilespmem:$0x16200] =	vst v63  }
0x185: {  	s2 =	sadd.s32 $0x5B8F00, s1;
	s6 =	simm.s32 $0xEE00  }
0x186: {  	[tilespmem:s6], [sflag:$0x2] =	stream.linear.gather [hbm4b:s2+s3], $0x400, $0x38;
	[tilespmem:$0x16200] =	vst v63  }
0x187: {  	s1 =	sadd.s32 $0x6AD180, s1;
	s6 =	simm.s32 $0xFE00  }
0x188: {  	[tilespmem:s6], [sflag:$0x2] =	stream.linear.gather [hbm4b:s1+s3], $0x400, $0x38;
	[tilespmem:$0x16200] =	vst v63  }
0x189: {  	_ =	swait.ge [sflag:s23], $0x2000  }
0x18a: {  	[sflag:s23] =	ssyncset.done $0x0  }
0x18b: {  	[sflag:s23] =	ssyncadd.s32 $0xFFFFE000  }
0x18c: {  	_ =	swait.ge [sflag:s23], $0x2000  }
0x18d: {  	[sflag:s23] =	ssyncset.done $0x0  }
0x18e: {  	[sflag:s23] =	ssyncadd.s32 $0xFFFFE000  }
0x18f: {  	_ =	swait.ge [sflag:s23], $0x2000  }
0x190: {  	[sflag:s23] =	ssyncset.done $0x0  }
0x191: {  	[sflag:s23] =	ssyncadd.s32 $0xFFFFE000  }
0x192: {  	_ =	swait.ge [sflag:s23], $0x2000  }
0x193: {  	(v2sf) =	vpush v21, $0x0;
	_ =	sdelay $0xe  }
0x194: {  	s31 =	spop (v2sf)  }
0x195: {  	s1 =	sand.u32 $0x7F, s31  }
0x196: {  	v22 =	vor.u32 s1, v1  }
0x197: {  	v23 =	vmov s29  }
0x198: {  	v24 =	vshll.u32 v23, $0x3  }
0x199: {  	v23 =	vand.u32 $0x70, v23;
	v24 =	vand.u32 $0xFFFFFC00, v24;
	[sflag:s23] =	ssyncset.done $0x0  }
0x19a: {  	v23 =	vor.u32 v23, v24;
	[sflag:s23] =	ssyncadd.s32 $0xFFFFE000  }
0x19b: {  	v24 =	vadd.s32 v2, v23;
	v22 =	vld.idx.msk [tilespmem:v22+s12+$0x0], $0xffff  }
0x19c: {  	v25 =	vor.u32 s1, v3;
	_ =	sdelay $0x3  }
0x19d: {  	[tilespmem:v24+s24+$0x0] =	vst.idx.msk $0xffff, v22  }
0x19e: {  	v39 =	vadd.s32 v4, v23;
	v22 =	vld.idx.msk [tilespmem:v25+s12+$0x0], $0xffff  }
0x19f: {  	v40 =	vor.u32 s1, v5;
	_ =	sdelay $0x3  }
0x1a0: {  	[tilespmem:v39+s24+$0x0] =	vst.idx.msk $0xffff, v22  }
0x1a1: {  	v41 =	vadd.s32 v6, v23;
	v24 =	vld.idx.msk [tilespmem:v40+s12+$0x0], $0xffff  }
0x1a2: {  	v26 =	vor.u32 s1, v7;
	_ =	sdelay $0x2  }
0x1a3: {  	v22 =	vand.u32 $0x7F, v21  }
0x1a4: {  	v42 =	vbroadcast v22, $0x1;
	[tilespmem:v41+s24+$0x0] =	vst.idx.msk $0xffff, v24  }
0x1a5: {  	v23 =	vadd.s32 v8, v23;
	v25 =	vld.idx.msk [tilespmem:v26+s12+$0x0], $0xffff  }
0x1a6: {  	s2 =	sadd.s32 $0x1, s29;
	v43 =	vor.u32 v9, v42  }
0x1a7: {  	v27 =	vmov s2  }
0x1a8: {  	v28 =	vshll.u32 v27, $0x3  }
0x1a9: {  	v27 =	vand.u32 $0x71, v27;
	v28 =	vand.u32 $0xFFFFFC00, v28  }
0x1aa: {  	[tilespmem:v23+s24+$0x0] =	vst.idx.msk $0xffff, v25;
	v23 =	vor.u32 v27, v28  }
0x1ab: {  	v25 =	vld.idx.msk [tilespmem:v43+s12+$0x0], $0xffff;
	v44 =	vadd.s32 v2, v23  }
0x1ac: {  	v45 =	vor.u32 v10, v42;
	_ =	sdelay $0x3  }
0x1ad: {  	[tilespmem:v44+s24+$0x0] =	vst.idx.msk $0xffff, v25  }
0x1ae: {  	v46 =	vadd.s32 v4, v23;
	v25 =	vld.idx.msk [tilespmem:v45+s12+$0x0], $0xffff  }
0x1af: {  	v47 =	vor.u32 v11, v42;
	_ =	sdelay $0x3  }
0x1b0: {  	[tilespmem:v46+s24+$0x0] =	vst.idx.msk $0xffff, v25  }
0x1b1: {  	v48 =	vadd.s32 v6, v23;
	v25 =	vld.idx.msk [tilespmem:v47+s12+$0x0], $0xffff  }
0x1b2: {  	v24 =	vor.u32 v12, v42;
	_ =	sdelay $0x3  }
0x1b3: {  	v49 =	vbroadcast v22, $0x2;
	[tilespmem:v48+s24+$0x0] =	vst.idx.msk $0xffff, v25  }
0x1b4: {  	v23 =	vadd.s32 v8, v23;
	v24 =	vld.idx.msk [tilespmem:v24+s12+$0x0], $0xffff  }
0x1b5: {  	s6 =	sadd.s32 $0x2, s29;
	v50 =	vor.u32 v13, v49  }
0x1b6: {  	v51 =	vmov s6  }
0x1b7: {  	v52 =	vshll.u32 v51, $0x3  }
0x1b8: {  	v27 =	vand.u32 $0x72, v51;
	v28 =	vand.u32 $0xFFFFFC00, v52  }
0x1b9: {  	[tilespmem:v23+s24+$0x0] =	vst.idx.msk $0xffff, v24;
	v23 =	vor.u32 v27, v28  }
0x1ba: {  	v24 =	vld.idx.msk [tilespmem:v50+s12+$0x0], $0xffff;
	v53 =	vadd.s32 v2, v23  }
0x1bb: {  	v54 =	vor.u32 v14, v49;
	_ =	sdelay $0x3  }
0x1bc: {  	[tilespmem:v53+s24+$0x0] =	vst.idx.msk $0xffff, v24  }
0x1bd: {  	v55 =	vadd.s32 v4, v23;
	v24 =	vld.idx.msk [tilespmem:v54+s12+$0x0], $0xffff  }
0x1be: {  	v56 =	vor.u32 v15, v49;
	_ =	sdelay $0x3  }
0x1bf: {  	[tilespmem:v55+s24+$0x0] =	vst.idx.msk $0xffff, v24  }
0x1c0: {  	v57 =	vadd.s32 v6, v23;
	v24 =	vld.idx.msk [tilespmem:v56+s12+$0x0], $0xffff  }
0x1c1: {  	v25 =	vor.u32 v16, v49;
	_ =	sdelay $0x3  }
0x1c2: {  	v58 =	vbroadcast v22, $0x3;
	[tilespmem:v57+s24+$0x0] =	vst.idx.msk $0xffff, v24  }
0x1c3: {  	v23 =	vadd.s32 v8, v23;
	v25 =	vld.idx.msk [tilespmem:v25+s12+$0x0], $0xffff  }
0x1c4: {  	s31 =	sadd.s32 $0x3, s29;
	v59 =	vor.u32 v17, v58  }
0x1c5: {  	v60 =	vmov s31  }
0x1c6: {  	v61 =	vshll.u32 v60, $0x3  }
0x1c7: {  	v27 =	vand.u32 $0x73, v60;
	v28 =	vand.u32 $0xFFFFFC00, v61  }
0x1c8: {  	[tilespmem:v23+s24+$0x0] =	vst.idx.msk $0xffff, v25;
	v23 =	vor.u32 v27, v28  }
0x1c9: {  	v25 =	vld.idx.msk [tilespmem:v59+s12+$0x0], $0xffff;
	v62 =	vadd.s32 v2, v23  }
0x1ca: {  	v63 =	vor.u32 v18, v58;
	_ =	sdelay $0x3  }
0x1cb: {  	[tilespmem:v62+s24+$0x0] =	vst.idx.msk $0xffff, v25  }
0x1cc: {  	(v2sf) =	vpush v21, $0x8;
	v30 =	vadd.s32 v4, v23;
	v25 =	vld.idx.msk [tilespmem:v63+s12+$0x0], $0xffff  }
0x1cd: {  	v31 =	vor.u32 v19, v58;
	_ =	sdelay $0x3  }
0x1ce: {  	[tilespmem:v30+s24+$0x0] =	vst.idx.msk $0xffff, v25  }
0x1cf: {  	v32 =	vadd.s32 v6, v23;
	v25 =	vld.idx.msk [tilespmem:v31+s12+$0x0], $0xffff  }
0x1d0: {  	v24 =	vor.u32 v20, v58;
	_ =	sdelay $0x3  }
0x1d1: {  	[tilespmem:v32+s24+$0x0] =	vst.idx.msk $0xffff, v25  }
0x1d2: {  	v23 =	vadd.s32 v8, v23;
	v24 =	vld.idx.msk [tilespmem:v24+s12+$0x0], $0xffff;
	_ =	sdelay $0x2  }
0x1d3: {  	s31 =	spop (v2sf)  }
0x1d4: {  	(v2sf) =	vpush v21, $0x9;
	s2 =	sand.u32 $0xFFFFF80, s31  }
0x1d5: {  	s1 =	sadd.s32 s0, s2;
	[tilespmem:v23+s24+$0x0] =	vst.idx.msk $0xffff, v24  }
0x1d6: {  	[tilespmem:s12], [sflag:$0x1] =	stream.linear.gather [hbm4b:s1+s3], $0x400, $0x38;
	[tilespmem:$0x16200] =	vst v63  }
0x1d7: {  	s6 =	simm.s32 $0x1200;
	s2 =	sadd.s32 $0xF4280, s1  }
0x1d8: {  	[tilespmem:s6], [sflag:$0x1] =	stream.linear.gather [hbm4b:s2+s3], $0x400, $0x38;
	[tilespmem:$0x16200] =	vst v63  }
0x1d9: {  	s2 =	sadd.s32 $0x1E8500, s1;
	s6 =	simm.s32 $0x2200  }
0x1da: {  	[tilespmem:s6], [sflag:$0x1] =	stream.linear.gather [hbm4b:s2+s3], $0x400, $0x38;
	[tilespmem:$0x16200] =	vst v63  }
0x1db: {  	s2 =	sadd.s32 $0x2DC780, s1;
	s6 =	simm.s32 $0x3200  }
0x1dc: {  	[tilespmem:s6], [sflag:$0x1] =	stream.linear.gather [hbm4b:s2+s3], $0x400, $0x38;
	[tilespmem:$0x16200] =	vst v63  }
0x1dd: {  	s2 =	sadd.s32 $0x3D0A00, s1;
	s6 =	simm.s32 $0x4200  }
0x1de: {  	[tilespmem:s6], [sflag:$0x1] =	stream.linear.gather [hbm4b:s2+s3], $0x400, $0x38;
	[tilespmem:$0x16200] =	vst v63  }
0x1df: {  	s2 =	sadd.s32 $0x4C4C80, s1;
	s6 =	simm.s32 $0x5200  }
0x1e0: {  	[tilespmem:s6], [sflag:$0x1] =	stream.linear.gather [hbm4b:s2+s3], $0x400, $0x38;
	[tilespmem:$0x16200] =	vst v63  }
0x1e1: {  	s2 =	sadd.s32 $0x5B8F00, s1;
	s6 =	simm.s32 $0x6200  }
0x1e2: {  	[tilespmem:s6], [sflag:$0x1] =	stream.linear.gather [hbm4b:s2+s3], $0x400, $0x38;
	[tilespmem:$0x16200] =	vst v63  }
0x1e3: {  	s1 =	sadd.s32 $0x6AD180, s1;
	s6 =	simm.s32 $0x7200;
	s2 =	spop (v2sf)  }
0x1e4: {  	[tilespmem:s6], [sflag:$0x1] =	stream.linear.gather [hbm4b:s1+s3], $0x400, $0x38;
	[tilespmem:$0x16200] =	vst v63  }
0x1e5: {  	(v2sf) =	vpush v21, $0xA;
	s1 =	sand.u32 $0xFFFFF80, s2  }
0x1e6: {  	s6 =	simm.s32 $0x600;
	s1 =	sadd.s32 s0, s1  }
0x1e7: {  	[tilespmem:s6], [sflag:$0x1] =	stream.linear.gather [hbm4b:s1+s3], $0x400, $0x38;
	[tilespmem:$0x16200] =	vst v63  }
0x1e8: {  	s2 =	sadd.s32 $0xF4280, s1;
	s6 =	simm.s32 $0x1600  }
0x1e9: {  	[tilespmem:s6], [sflag:$0x1] =	stream.linear.gather [hbm4b:s2+s3], $0x400, $0x38;
	[tilespmem:$0x16200] =	vst v63  }
0x1ea: {  	s2 =	sadd.s32 $0x1E8500, s1;
	s6 =	simm.s32 $0x2600  }
0x1eb: {  	[tilespmem:s6], [sflag:$0x1] =	stream.linear.gather [hbm4b:s2+s3], $0x400, $0x38;
	[tilespmem:$0x16200] =	vst v63  }
0x1ec: {  	s2 =	sadd.s32 $0x2DC780, s1;
	s6 =	simm.s32 $0x3600  }
0x1ed: {  	[tilespmem:s6], [sflag:$0x1] =	stream.linear.gather [hbm4b:s2+s3], $0x400, $0x38;
	[tilespmem:$0x16200] =	vst v63  }
0x1ee: {  	s2 =	sadd.s32 $0x3D0A00, s1;
	s6 =	simm.s32 $0x4600  }
0x1ef: {  	[tilespmem:s6], [sflag:$0x1] =	stream.linear.gather [hbm4b:s2+s3], $0x400, $0x38;
	[tilespmem:$0x16200] =	vst v63  }
0x1f0: {  	s2 =	sadd.s32 $0x4C4C80, s1;
	s6 =	simm.s32 $0x5600  }
0x1f1: {  	[tilespmem:s6], [sflag:$0x1] =	stream.linear.gather [hbm4b:s2+s3], $0x400, $0x38;
	[tilespmem:$0x16200] =	vst v63  }
0x1f2: {  	s2 =	sadd.s32 $0x5B8F00, s1;
	s6 =	simm.s32 $0x6600  }
0x1f3: {  	[tilespmem:s6], [sflag:$0x1] =	stream.linear.gather [hbm4b:s2+s3], $0x400, $0x38;
	[tilespmem:$0x16200] =	vst v63  }
0x1f4: {  	s1 =	sadd.s32 $0x6AD180, s1;
	s6 =	simm.s32 $0x7600;
	s2 =	spop (v2sf)  }
0x1f5: {  	[tilespmem:s6], [sflag:$0x1] =	stream.linear.gather [hbm4b:s1+s3], $0x400, $0x38;
	[tilespmem:$0x16200] =	vst v63  }
0x1f6: {  	(v2sf) =	vpush v21, $0xB;
	s1 =	sand.u32 $0xFFFFF80, s2  }
0x1f7: {  	s6 =	simm.s32 $0xA00;
	s1 =	sadd.s32 s0, s1  }
0x1f8: {  	[tilespmem:s6], [sflag:$0x1] =	stream.linear.gather [hbm4b:s1+s3], $0x400, $0x38;
	[tilespmem:$0x16200] =	vst v63  }
0x1f9: {  	s2 =	sadd.s32 $0xF4280, s1;
	s6 =	simm.s32 $0x1A00  }
0x1fa: {  	[tilespmem:s6], [sflag:$0x1] =	stream.linear.gather [hbm4b:s2+s3], $0x400, $0x38;
	[tilespmem:$0x16200] =	vst v63  }
0x1fb: {  	s2 =	sadd.s32 $0x1E8500, s1;
	s6 =	simm.s32 $0x2A00  }
0x1fc: {  	[tilespmem:s6], [sflag:$0x1] =	stream.linear.gather [hbm4b:s2+s3], $0x400, $0x38;
	[tilespmem:$0x16200] =	vst v63  }
0x1fd: {  	s2 =	sadd.s32 $0x2DC780, s1;
	s6 =	simm.s32 $0x3A00  }
0x1fe: {  	[tilespmem:s6], [sflag:$0x1] =	stream.linear.gather [hbm4b:s2+s3], $0x400, $0x38;
	[tilespmem:$0x16200] =	vst v63  }
0x1ff: {  	s2 =	sadd.s32 $0x3D0A00, s1;
	s6 =	simm.s32 $0x4A00  }
0x200: {  	[tilespmem:s6], [sflag:$0x1] =	stream.linear.gather [hbm4b:s2+s3], $0x400, $0x38;
	[tilespmem:$0x16200] =	vst v63  }
0x201: {  	s2 =	sadd.s32 $0x4C4C80, s1;
	s6 =	simm.s32 $0x5A00  }
0x202: {  	[tilespmem:s6], [sflag:$0x1] =	stream.linear.gather [hbm4b:s2+s3], $0x400, $0x38;
	[tilespmem:$0x16200] =	vst v63  }
0x203: {  	s2 =	sadd.s32 $0x5B8F00, s1;
	s6 =	simm.s32 $0x6A00  }
0x204: {  	[tilespmem:s6], [sflag:$0x1] =	stream.linear.gather [hbm4b:s2+s3], $0x400, $0x38;
	[tilespmem:$0x16200] =	vst v63  }
0x205: {  	s1 =	sadd.s32 $0x6AD180, s1;
	s6 =	simm.s32 $0x7A00;
	s2 =	spop (v2sf)  }
0x206: {  	[tilespmem:s6], [sflag:$0x1] =	stream.linear.gather [hbm4b:s1+s3], $0x400, $0x38;
	[tilespmem:$0x16200] =	vst v63  }
0x207: {  	s1 =	sand.u32 $0xFFFFF80, s2  }
0x208: {  	s6 =	simm.s32 $0xE00;
	s1 =	sadd.s32 s0, s1  }
0x209: {  	[tilespmem:s6], [sflag:$0x1] =	stream.linear.gather [hbm4b:s1+s3], $0x400, $0x38;
	[tilespmem:$0x16200] =	vst v63  }
0x20a: {  	s2 =	sadd.s32 $0xF4280, s1;
	s6 =	simm.s32 $0x1E00  }
0x20b: {  	[tilespmem:s6], [sflag:$0x1] =	stream.linear.gather [hbm4b:s2+s3], $0x400, $0x38;
	[tilespmem:$0x16200] =	vst v63  }
0x20c: {  	s2 =	sadd.s32 $0x1E8500, s1;
	s6 =	simm.s32 $0x2E00  }
0x20d: {  	[tilespmem:s6], [sflag:$0x1] =	stream.linear.gather [hbm4b:s2+s3], $0x400, $0x38;
	[tilespmem:$0x16200] =	vst v63  }
0x20e: {  	s2 =	sadd.s32 $0x2DC780, s1;
	s6 =	simm.s32 $0x3E00  }
0x20f: {  	[tilespmem:s6], [sflag:$0x1] =	stream.linear.gather [hbm4b:s2+s3], $0x400, $0x38;
	[tilespmem:$0x16200] =	vst v63  }
0x210: {  	s2 =	sadd.s32 $0x3D0A00, s1;
	s6 =	simm.s32 $0x4E00  }
0x211: {  	[tilespmem:s6], [sflag:$0x1] =	stream.linear.gather [hbm4b:s2+s3], $0x400, $0x38;
	[tilespmem:$0x16200] =	vst v63  }
0x212: {  	s2 =	sadd.s32 $0x4C4C80, s1;
	s6 =	simm.s32 $0x5E00  }
0x213: {  	[tilespmem:s6], [sflag:$0x1] =	stream.linear.gather [hbm4b:s2+s3], $0x400, $0x38;
	[tilespmem:$0x16200] =	vst v63  }
0x214: {  	s2 =	sadd.s32 $0x5B8F00, s1;
	s6 =	simm.s32 $0x6E00  }
0x215: {  	[tilespmem:s6], [sflag:$0x1] =	stream.linear.gather [hbm4b:s2+s3], $0x400, $0x38;
	[tilespmem:$0x16200] =	vst v63  }
0x216: {  	s1 =	sadd.s32 $0x6AD180, s1;
	s6 =	simm.s32 $0x7E00  }
0x217: {  	[tilespmem:s6], [sflag:$0x1] =	stream.linear.gather [hbm4b:s1+s3], $0x400, $0x38;
	[tilespmem:$0x16200] =	vst v63  }
0x218: {  	_ =	swait.ge [sflag:s25], $0x2000  }
0x219: {  	[sflag:s25] =	ssyncset.done $0x0  }
0x21a: {  	[sflag:s25] =	ssyncadd.s32 $0xFFFFE000  }
0x21b: {  	_ =	swait.ge [sflag:s25], $0x2000  }
0x21c: {  	[sflag:s25] =	ssyncset.done $0x0  }
0x21d: {  	[sflag:s25] =	ssyncadd.s32 $0xFFFFE000  }
0x21e: {  	s1 =	sand.u32 $0x7F, s30;
	_ =	swait.ge [sflag:s25], $0x2000  }
0x21f: {  	s6 =	sadd.s32 $0x4, s29;
	v23 =	vor.u32 s1, v1;
	[sflag:s25] =	ssyncset.done $0x0  }
0x220: {  	v33 =	vmov s6;
	[sflag:s25] =	ssyncadd.s32 $0xFFFFE000  }
0x221: {  	v34 =	vshll.u32 v33, $0x3;
	_ =	swait.ge [sflag:s25], $0x2000  }
0x222: {  	v24 =	vand.u32 $0x74, v33;
	v25 =	vand.u32 $0xFFFFFC00, v34;
	[sflag:s25] =	ssyncset.done $0x0  }
0x223: {  	v24 =	vor.u32 v24, v25;
	[sflag:s25] =	ssyncadd.s32 $0xFFFFE000  }
0x224: {  	v25 =	vadd.s32 v2, v24;
	v23 =	vld.idx.msk [tilespmem:v23+s18+$0x0], $0xffff  }
0x225: {  	v35 =	vor.u32 s1, v3;
	_ =	sdelay $0x3  }
0x226: {  	[tilespmem:v25+s24+$0x0] =	vst.idx.msk $0xffff, v23  }
0x227: {  	v36 =	vadd.s32 v4, v24;
	v23 =	vld.idx.msk [tilespmem:v35+s18+$0x0], $0xffff  }
0x228: {  	v37 =	vor.u32 s1, v5;
	_ =	sdelay $0x3  }
0x229: {  	[tilespmem:v36+s24+$0x0] =	vst.idx.msk $0xffff, v23  }
0x22a: {  	v38 =	vadd.s32 v6, v24;
	v23 =	vld.idx.msk [tilespmem:v37+s18+$0x0], $0xffff  }
0x22b: {  	v39 =	vor.u32 s1, v7;
	_ =	sdelay $0x3  }
0x22c: {  	[tilespmem:v38+s24+$0x0] =	vst.idx.msk $0xffff, v23;
	v23 =	vbroadcast v22, $0x5  }
0x22d: {  	v24 =	vadd.s32 v8, v24;
	v25 =	vld.idx.msk [tilespmem:v39+s18+$0x0], $0xffff  }
0x22e: {  	s6 =	sadd.s32 $0x5, s29;
	v40 =	vor.u32 v9, v23  }
0x22f: {  	v41 =	vmov s6  }
0x230: {  	v42 =	vshll.u32 v41, $0x3  }
0x231: {  	v27 =	vand.u32 $0x75, v41;
	v28 =	vand.u32 $0xFFFFFC00, v42  }
0x232: {  	v43 =	vor.u32 v27, v28;
	[tilespmem:v24+s24+$0x0] =	vst.idx.msk $0xffff, v25  }
0x233: {  	v44 =	vadd.s32 v2, v43;
	v25 =	vld.idx.msk [tilespmem:v40+s18+$0x0], $0xffff  }
0x234: {  	v45 =	vor.u32 v10, v23;
	_ =	sdelay $0x3  }
0x235: {  	[tilespmem:v44+s24+$0x0] =	vst.idx.msk $0xffff, v25  }
0x236: {  	v46 =	vadd.s32 v4, v43;
	v25 =	vld.idx.msk [tilespmem:v45+s18+$0x0], $0xffff  }
0x237: {  	v47 =	vor.u32 v11, v23;
	_ =	sdelay $0x3  }
0x238: {  	[tilespmem:v46+s24+$0x0] =	vst.idx.msk $0xffff, v25  }
0x239: {  	v48 =	vadd.s32 v6, v43;
	v25 =	vld.idx.msk [tilespmem:v47+s18+$0x0], $0xffff  }
0x23a: {  	v23 =	vor.u32 v12, v23;
	_ =	sdelay $0x3  }
0x23b: {  	v49 =	vbroadcast v22, $0x6;
	[tilespmem:v48+s24+$0x0] =	vst.idx.msk $0xffff, v25  }
0x23c: {  	v24 =	vadd.s32 v8, v43;
	v23 =	vld.idx.msk [tilespmem:v23+s18+$0x0], $0xffff  }
0x23d: {  	v50 =	vor.u32 v13, v49;
	s2 =	sadd.s32 $0x6, s29  }
0x23e: {  	v51 =	vmov s2  }
0x23f: {  	v52 =	vshll.u32 v51, $0x3  }
0x240: {  	v27 =	vand.u32 $0x76, v51;
	v28 =	vand.u32 $0xFFFFFC00, v52  }
0x241: {  	[tilespmem:v24+s24+$0x0] =	vst.idx.msk $0xffff, v23;
	v23 =	vor.u32 v27, v28  }
0x242: {  	v24 =	vld.idx.msk [tilespmem:v50+s18+$0x0], $0xffff;
	v53 =	vadd.s32 v2, v23  }
0x243: {  	v54 =	vor.u32 v14, v49;
	_ =	sdelay $0x3  }
0x244: {  	[tilespmem:v53+s24+$0x0] =	vst.idx.msk $0xffff, v24  }
0x245: {  	v55 =	vadd.s32 v4, v23;
	v24 =	vld.idx.msk [tilespmem:v54+s18+$0x0], $0xffff  }
0x246: {  	v56 =	vor.u32 v15, v49;
	_ =	sdelay $0x3  }
0x247: {  	[tilespmem:v55+s24+$0x0] =	vst.idx.msk $0xffff, v24  }
0x248: {  	v57 =	vadd.s32 v6, v23;
	v24 =	vld.idx.msk [tilespmem:v56+s18+$0x0], $0xffff  }
0x249: {  	v25 =	vor.u32 v16, v49;
	_ =	sdelay $0x3  }
0x24a: {  	v58 =	vbroadcast v22, $0x7;
	[tilespmem:v57+s24+$0x0] =	vst.idx.msk $0xffff, v24  }
0x24b: {  	v23 =	vadd.s32 v8, v23;
	v25 =	vld.idx.msk [tilespmem:v25+s18+$0x0], $0xffff  }
0x24c: {  	v59 =	vor.u32 v17, v58;
	s6 =	sadd.s32 $0x7, s29  }
0x24d: {  	v60 =	vmov s6  }
0x24e: {  	v61 =	vshll.u32 v60, $0x3  }
0x24f: {  	v27 =	vand.u32 $0x77, v60;
	v28 =	vand.u32 $0xFFFFFC00, v61  }
0x250: {  	[tilespmem:v23+s24+$0x0] =	vst.idx.msk $0xffff, v25;
	v23 =	vor.u32 v27, v28  }
0x251: {  	v25 =	vld.idx.msk [tilespmem:v59+s18+$0x0], $0xffff;
	v62 =	vadd.s32 v2, v23  }
0x252: {  	v63 =	vor.u32 v18, v58;
	_ =	sdelay $0x3  }
0x253: {  	[tilespmem:v62+s24+$0x0] =	vst.idx.msk $0xffff, v25  }
0x254: {  	(v2sf) =	vpush v21, $0xC;
	v30 =	vadd.s32 v4, v23;
	v25 =	vld.idx.msk [tilespmem:v63+s18+$0x0], $0xffff  }
0x255: {  	v31 =	vor.u32 v19, v58;
	_ =	sdelay $0x3  }
0x256: {  	[tilespmem:v30+s24+$0x0] =	vst.idx.msk $0xffff, v25  }
0x257: {  	v32 =	vadd.s32 v6, v23;
	v25 =	vld.idx.msk [tilespmem:v31+s18+$0x0], $0xffff  }
0x258: {  	v24 =	vor.u32 v20, v58;
	_ =	sdelay $0x3  }
0x259: {  	[tilespmem:v32+s24+$0x0] =	vst.idx.msk $0xffff, v25  }
0x25a: {  	v23 =	vadd.s32 v8, v23;
	v24 =	vld.idx.msk [tilespmem:v24+s18+$0x0], $0xffff;
	_ =	sdelay $0x2  }
0x25b: {  	s30 =	spop (v2sf)  }
0x25c: {  	(v2sf) =	vpush v21, $0xD;
	s2 =	sand.u32 $0xFFFFF80, s30  }
0x25d: {  	s1 =	sadd.s32 s0, s2;
	[tilespmem:v23+s24+$0x0] =	vst.idx.msk $0xffff, v24  }
0x25e: {  	[tilespmem:s18], [sflag:$0x2] =	stream.linear.gather [hbm4b:s1+s3], $0x400, $0x38;
	[tilespmem:$0x16200] =	vst v63  }
0x25f: {  	s6 =	sadd.s32 $0xF4280, s1  }
0x260: {  	[tilespmem:s9], [sflag:$0x2] =	stream.linear.gather [hbm4b:s6+s3], $0x400, $0x38;
	[tilespmem:$0x16200] =	vst v63  }
0x261: {  	s6 =	sadd.s32 $0x1E8500, s1  }
0x262: {  	[tilespmem:s11], [sflag:$0x2] =	stream.linear.gather [hbm4b:s6+s3], $0x400, $0x38;
	[tilespmem:$0x16200] =	vst v63  }
0x263: {  	s6 =	sadd.s32 $0x2DC780, s1  }
0x264: {  	[tilespmem:s7], [sflag:$0x2] =	stream.linear.gather [hbm4b:s6+s3], $0x400, $0x38;
	[tilespmem:$0x16200] =	vst v63  }
0x265: {  	s6 =	sadd.s32 $0x3D0A00, s1  }
0x266: {  	[tilespmem:s8], [sflag:$0x2] =	stream.linear.gather [hbm4b:s6+s3], $0x400, $0x38;
	[tilespmem:$0x16200] =	vst v63  }
0x267: {  	s6 =	sadd.s32 $0x4C4C80, s1  }
0x268: {  	[tilespmem:s5], [sflag:$0x2] =	stream.linear.gather [hbm4b:s6+s3], $0x400, $0x38;
	[tilespmem:$0x16200] =	vst v63  }
0x269: {  	s6 =	sadd.s32 $0x5B8F00, s1  }
0x26a: {  	[tilespmem:s13], [sflag:$0x2] =	stream.linear.gather [hbm4b:s6+s3], $0x400, $0x38;
	[tilespmem:$0x16200] =	vst v63  }
0x26b: {  	s2 =	spop (v2sf);
	s1 =	sadd.s32 $0x6AD180, s1  }
0x26c: {  	[tilespmem:s14], [sflag:$0x2] =	stream.linear.gather [hbm4b:s1+s3], $0x400, $0x38;
	[tilespmem:$0x16200] =	vst v63  }
0x26d: {  	(v2sf) =	vpush v21, $0xE;
	s1 =	sand.u32 $0xFFFFF80, s2  }
0x26e: {  	s1 =	sadd.s32 s0, s1  }
0x26f: {  	[tilespmem:s15], [sflag:$0x2] =	stream.linear.gather [hbm4b:s1+s3], $0x400, $0x38;
	[tilespmem:$0x16200] =	vst v63  }
0x270: {  	s6 =	sadd.s32 $0xF4280, s1  }
0x271: {  	[tilespmem:s16], [sflag:$0x2] =	stream.linear.gather [hbm4b:s6+s3], $0x400, $0x38;
	[tilespmem:$0x16200] =	vst v63  }
0x272: {  	s6 =	sadd.s32 $0x1E8500, s1  }
0x273: {  	[tilespmem:s17], [sflag:$0x2] =	stream.linear.gather [hbm4b:s6+s3], $0x400, $0x38;
	[tilespmem:$0x16200] =	vst v63  }
0x274: {  	s6 =	sadd.s32 $0x2DC780, s1  }
0x275: {  	[tilespmem:s4], [sflag:$0x2] =	stream.linear.gather [hbm4b:s6+s3], $0x400, $0x38;
	[tilespmem:$0x16200] =	vst v63  }
0x276: {  	s6 =	sadd.s32 $0x3D0A00, s1  }
0x277: {  	[tilespmem:s10], [sflag:$0x2] =	stream.linear.gather [hbm4b:s6+s3], $0x400, $0x38;
	[tilespmem:$0x16200] =	vst v63  }
0x278: {  	s4 =	sadd.s32 $0x4C4C80, s1  }
0x279: {  	[tilespmem:s19], [sflag:$0x2] =	stream.linear.gather [hbm4b:s4+s3], $0x400, $0x38;
	[tilespmem:$0x16200] =	vst v63  }
0x27a: {  	s6 =	sadd.s32 $0x5B8F00, s1  }
0x27b: {  	[tilespmem:s20], [sflag:$0x2] =	stream.linear.gather [hbm4b:s6+s3], $0x400, $0x38;
	[tilespmem:$0x16200] =	vst v63  }
0x27c: {  	s2 =	spop (v2sf);
	s1 =	sadd.s32 $0x6AD180, s1  }
0x27d: {  	[tilespmem:s21], [sflag:$0x2] =	stream.linear.gather [hbm4b:s1+s3], $0x400, $0x38;
	[tilespmem:$0x16200] =	vst v63  }
0x27e: {  	(v2sf) =	vpush v21, $0xF;
	s1 =	sand.u32 $0xFFFFF80, s2  }
0x27f: {  	s1 =	sadd.s32 s0, s1  }
0x280: {  	[tilespmem:s22], [sflag:$0x2] =	stream.linear.gather [hbm4b:s1+s3], $0x400, $0x38;
	[tilespmem:$0x16200] =	vst v63  }
0x281: {  	s6 =	simm.s32 $0x9A00;
	s4 =	sadd.s32 $0xF4280, s1  }
0x282: {  	[tilespmem:s6], [sflag:$0x2] =	stream.linear.gather [hbm4b:s4+s3], $0x400, $0x38;
	[tilespmem:$0x16200] =	vst v63  }
0x283: {  	s4 =	sadd.s32 $0x1E8500, s1;
	s6 =	simm.s32 $0xAA00  }
0x284: {  	[tilespmem:s6], [sflag:$0x2] =	stream.linear.gather [hbm4b:s4+s3], $0x400, $0x38;
	[tilespmem:$0x16200] =	vst v63  }
0x285: {  	s4 =	sadd.s32 $0x2DC780, s1;
	s6 =	simm.s32 $0xBA00  }
0x286: {  	[tilespmem:s6], [sflag:$0x2] =	stream.linear.gather [hbm4b:s4+s3], $0x400, $0x38;
	[tilespmem:$0x16200] =	vst v63  }
0x287: {  	s4 =	sadd.s32 $0x3D0A00, s1;
	s6 =	simm.s32 $0xCA00  }
0x288: {  	[tilespmem:s6], [sflag:$0x2] =	stream.linear.gather [hbm4b:s4+s3], $0x400, $0x38;
	[tilespmem:$0x16200] =	vst v63  }
0x289: {  	s4 =	sadd.s32 $0x4C4C80, s1;
	s6 =	simm.s32 $0xDA00  }
0x28a: {  	[tilespmem:s6], [sflag:$0x2] =	stream.linear.gather [hbm4b:s4+s3], $0x400, $0x38;
	[tilespmem:$0x16200] =	vst v63  }
0x28b: {  	s4 =	sadd.s32 $0x5B8F00, s1;
	s6 =	simm.s32 $0xEA00  }
0x28c: {  	[tilespmem:s6], [sflag:$0x2] =	stream.linear.gather [hbm4b:s4+s3], $0x400, $0x38;
	[tilespmem:$0x16200] =	vst v63  }
0x28d: {  	s1 =	sadd.s32 $0x6AD180, s1;
	s6 =	simm.s32 $0xFA00;
	s4 =	spop (v2sf)  }
0x28e: {  	[tilespmem:s6], [sflag:$0x2] =	stream.linear.gather [hbm4b:s1+s3], $0x400, $0x38;
	[tilespmem:$0x16200] =	vst v63  }
0x28f: {  	s1 =	sand.u32 $0xFFFFF80, s4  }
0x290: {  	s6 =	simm.s32 $0x8E00;
	s1 =	sadd.s32 s0, s1  }
0x291: {  	[tilespmem:s6], [sflag:$0x2] =	stream.linear.gather [hbm4b:s1+s3], $0x400, $0x38;
	[tilespmem:$0x16200] =	vst v63  }
0x292: {  	s4 =	sadd.s32 $0xF4280, s1;
	s6 =	simm.s32 $0x9E00  }
0x293: {  	[tilespmem:s6], [sflag:$0x2] =	stream.linear.gather [hbm4b:s4+s3], $0x400, $0x38;
	[tilespmem:$0x16200] =	vst v63  }
0x294: {  	s4 =	sadd.s32 $0x1E8500, s1;
	s6 =	simm.s32 $0xAE00  }
0x295: {  	[tilespmem:s6], [sflag:$0x2] =	stream.linear.gather [hbm4b:s4+s3], $0x400, $0x38;
	[tilespmem:$0x16200] =	vst v63  }
0x296: {  	s4 =	sadd.s32 $0x2DC780, s1;
	s6 =	simm.s32 $0xBE00  }
0x297: {  	[tilespmem:s6], [sflag:$0x2] =	stream.linear.gather [hbm4b:s4+s3], $0x400, $0x38;
	[tilespmem:$0x16200] =	vst v63  }
0x298: {  	s4 =	sadd.s32 $0x3D0A00, s1;
	s6 =	simm.s32 $0xCE00  }
0x299: {  	[tilespmem:s6], [sflag:$0x2] =	stream.linear.gather [hbm4b:s4+s3], $0x400, $0x38;
	[tilespmem:$0x16200] =	vst v63  }
0x29a: {  	s4 =	sadd.s32 $0x4C4C80, s1;
	s6 =	simm.s32 $0xDE00  }
0x29b: {  	[tilespmem:s6], [sflag:$0x2] =	stream.linear.gather [hbm4b:s4+s3], $0x400, $0x38;
	[tilespmem:$0x16200] =	vst v63  }
0x29c: {  	s4 =	sadd.s32 $0x5B8F00, s1;
	s6 =	simm.s32 $0xEE00  }
0x29d: {  	[tilespmem:s6], [sflag:$0x2] =	stream.linear.gather [hbm4b:s4+s3], $0x400, $0x38;
	[tilespmem:$0x16200] =	vst v63  }
0x29e: {  	s1 =	sadd.s32 $0x6AD180, s1;
	s4 =	simm.s32 $0xFE00  }
0x29f: {  	[tilespmem:s4], [sflag:$0x2] =	stream.linear.gather [hbm4b:s1+s3], $0x400, $0x38;
	[tilespmem:$0x16200] =	vst v63  }
0x2a0: {  	_ =	swait.ge [sflag:s23], $0x2000  }
0x2a1: {  	[sflag:s23] =	ssyncset.done $0x0  }
0x2a2: {  	[sflag:s23] =	ssyncadd.s32 $0xFFFFE000  }
0x2a3: {  	_ =	swait.ge [sflag:s23], $0x2000  }
0x2a4: {  	[sflag:s23] =	ssyncset.done $0x0  }
0x2a5: {  	[sflag:s23] =	ssyncadd.s32 $0xFFFFE000  }
0x2a6: {  	s6 =	sand.u32 $0x7F, s31;
	_ =	swait.ge [sflag:s23], $0x2000  }
0x2a7: {  	s31 =	sadd.s32 $0x8, s29;
	v21 =	vor.u32 s6, v1;
	[sflag:s23] =	ssyncset.done $0x0  }
0x2a8: {  	v23 =	vmov s31;
	[sflag:s23] =	ssyncadd.s32 $0xFFFFE000  }
0x2a9: {  	v33 =	vshll.u32 v23, $0x3;
	_ =	swait.ge [sflag:s23], $0x2000  }
0x2aa: {  	v23 =	vand.u32 $0x78, v23;
	v24 =	vand.u32 $0xFFFFFC00, v33;
	[sflag:s23] =	ssyncset.done $0x0  }
0x2ab: {  	v23 =	vor.u32 v23, v24;
	[sflag:s23] =	ssyncadd.s32 $0xFFFFE000  }
0x2ac: {  	v24 =	vadd.s32 v2, v23;
	v21 =	vld.idx.msk [tilespmem:v21+s12+$0x0], $0xffff  }
0x2ad: {  	v34 =	vor.u32 s6, v3;
	_ =	sdelay $0x3  }
0x2ae: {  	[tilespmem:v24+s24+$0x0] =	vst.idx.msk $0xffff, v21  }
0x2af: {  	v35 =	vadd.s32 v4, v23;
	v21 =	vld.idx.msk [tilespmem:v34+s12+$0x0], $0xffff  }
0x2b0: {  	v36 =	vor.u32 s6, v5;
	_ =	sdelay $0x3  }
0x2b1: {  	[tilespmem:v35+s24+$0x0] =	vst.idx.msk $0xffff, v21  }
0x2b2: {  	v37 =	vadd.s32 v6, v23;
	v21 =	vld.idx.msk [tilespmem:v36+s12+$0x0], $0xffff  }
0x2b3: {  	v38 =	vor.u32 s6, v7;
	_ =	sdelay $0x3  }
0x2b4: {  	[tilespmem:v37+s24+$0x0] =	vst.idx.msk $0xffff, v21;
	v21 =	vbroadcast v22, $0x9  }
0x2b5: {  	v23 =	vadd.s32 v8, v23;
	v24 =	vld.idx.msk [tilespmem:v38+s12+$0x0], $0xffff  }
0x2b6: {  	s2 =	sadd.s32 $0x9, s29;
	v39 =	vor.u32 v9, v21  }
0x2b7: {  	v40 =	vmov s2  }
0x2b8: {  	v41 =	vshll.u32 v40, $0x3  }
0x2b9: {  	v26 =	vand.u32 $0x79, v40;
	v27 =	vand.u32 $0xFFFFFC00, v41  }
0x2ba: {  	[tilespmem:v23+s24+$0x0] =	vst.idx.msk $0xffff, v24;
	v23 =	vor.u32 v26, v27  }
0x2bb: {  	v24 =	vld.idx.msk [tilespmem:v39+s12+$0x0], $0xffff;
	v42 =	vadd.s32 v2, v23  }
0x2bc: {  	v43 =	vor.u32 v10, v21;
	_ =	sdelay $0x3  }
0x2bd: {  	[tilespmem:v42+s24+$0x0] =	vst.idx.msk $0xffff, v24  }
0x2be: {  	v44 =	vadd.s32 v4, v23;
	v24 =	vld.idx.msk [tilespmem:v43+s12+$0x0], $0xffff  }
0x2bf: {  	v45 =	vor.u32 v11, v21;
	_ =	sdelay $0x3  }
0x2c0: {  	[tilespmem:v44+s24+$0x0] =	vst.idx.msk $0xffff, v24  }
0x2c1: {  	v46 =	vadd.s32 v6, v23;
	v24 =	vld.idx.msk [tilespmem:v45+s12+$0x0], $0xffff  }
0x2c2: {  	v21 =	vor.u32 v12, v21;
	_ =	sdelay $0x3  }
0x2c3: {  	v47 =	vbroadcast v22, $0xA;
	[tilespmem:v46+s24+$0x0] =	vst.idx.msk $0xffff, v24  }
0x2c4: {  	v23 =	vadd.s32 v8, v23;
	v21 =	vld.idx.msk [tilespmem:v21+s12+$0x0], $0xffff  }
0x2c5: {  	v48 =	vor.u32 v13, v47;
	s4 =	sadd.s32 $0xA, s29  }
0x2c6: {  	v49 =	vmov s4  }
0x2c7: {  	v50 =	vshll.u32 v49, $0x3  }
0x2c8: {  	v26 =	vand.u32 $0x7A, v49;
	v27 =	vand.u32 $0xFFFFFC00, v50  }
0x2c9: {  	[tilespmem:v23+s24+$0x0] =	vst.idx.msk $0xffff, v21;
	v21 =	vor.u32 v26, v27  }
0x2ca: {  	v23 =	vld.idx.msk [tilespmem:v48+s12+$0x0], $0xffff;
	v51 =	vadd.s32 v2, v21  }
0x2cb: {  	v52 =	vor.u32 v14, v47;
	_ =	sdelay $0x3  }
0x2cc: {  	[tilespmem:v51+s24+$0x0] =	vst.idx.msk $0xffff, v23  }
0x2cd: {  	v53 =	vadd.s32 v4, v21;
	v23 =	vld.idx.msk [tilespmem:v52+s12+$0x0], $0xffff  }
0x2ce: {  	v54 =	vor.u32 v15, v47;
	_ =	sdelay $0x3  }
0x2cf: {  	[tilespmem:v53+s24+$0x0] =	vst.idx.msk $0xffff, v23  }
0x2d0: {  	v55 =	vadd.s32 v6, v21;
	v23 =	vld.idx.msk [tilespmem:v54+s12+$0x0], $0xffff  }
0x2d1: {  	v24 =	vor.u32 v16, v47;
	_ =	sdelay $0x3  }
0x2d2: {  	[tilespmem:v55+s24+$0x0] =	vst.idx.msk $0xffff, v23;
	v23 =	vbroadcast v22, $0xB  }
0x2d3: {  	v21 =	vadd.s32 v8, v21;
	v24 =	vld.idx.msk [tilespmem:v24+s12+$0x0], $0xffff  }
0x2d4: {  	s6 =	sadd.s32 $0xB, s29;
	v56 =	vor.u32 v17, v23  }
0x2d5: {  	v57 =	vmov s6  }
0x2d6: {  	v58 =	vshll.u32 v57, $0x3  }
0x2d7: {  	v26 =	vand.u32 $0x7B, v57;
	v27 =	vand.u32 $0xFFFFFC00, v58  }
0x2d8: {  	[tilespmem:v21+s24+$0x0] =	vst.idx.msk $0xffff, v24;
	v21 =	vor.u32 v26, v27  }
0x2d9: {  	v24 =	vld.idx.msk [tilespmem:v56+s12+$0x0], $0xffff;
	v59 =	vadd.s32 v2, v21  }
0x2da: {  	v60 =	vor.u32 v18, v23;
	_ =	sdelay $0x3  }
0x2db: {  	[tilespmem:v59+s24+$0x0] =	vst.idx.msk $0xffff, v24  }
0x2dc: {  	v61 =	vadd.s32 v4, v21;
	v24 =	vld.idx.msk [tilespmem:v60+s12+$0x0], $0xffff  }
0x2dd: {  	v62 =	vor.u32 v19, v23;
	_ =	sdelay $0x3  }
0x2de: {  	[tilespmem:v61+s24+$0x0] =	vst.idx.msk $0xffff, v24  }
0x2df: {  	v63 =	vadd.s32 v6, v21;
	v24 =	vld.idx.msk [tilespmem:v62+s12+$0x0], $0xffff  }
0x2e0: {  	v23 =	vor.u32 v20, v23;
	_ =	sdelay $0x3  }
0x2e1: {  	[tilespmem:v63+s24+$0x0] =	vst.idx.msk $0xffff, v24  }
0x2e2: {  	s31 =	rddreg [dreg:$0x4];
	v21 =	vadd.s32 v8, v21;
	v23 =	vld.idx.msk [tilespmem:v23+s12+$0x0], $0xffff  }
0x2e3: {  	p1 =	sge.u32 s28, s31  }
.Ltmp4:
0x2e4: {  	_ = 	snop;
	(pc) =	sbr.rel @p1 .LBB2_4-.Ltmp4, $3  }
0x2e5: {  	_ =	sdelay $0x1  }
0x2e6: {  	[tilespmem:v21+s24+$0x0] =	vst.idx.msk $0xffff, v23  }
0x2e7: {  	v21 =	vld [tilespmem:s26+$0x0]  }
0x2e8: {  	_ =	sdelay $0x3  }
0x2e9: {  	(v2sf) =	vpush v21, $0x0;
	_ =	sdelay $0xe  }
0x2ea: {  	s1 =	spop (v2sf)  }
0x2eb: {  	(v2sf) =	vpush v21, $0x1;
	s1 =	sand.u32 $0xFFFFF80, s1  }
0x2ec: {  	s1 =	sadd.s32 s0, s1  }
0x2ed: {  	[tilespmem:s12], [sflag:$0x1] =	stream.linear.gather [hbm4b:s1+s3], $0x400, $0x38;
	[tilespmem:$0x16200] =	vst v63  }
0x2ee: {  	s6 =	simm.s32 $0x1200;
	s2 =	sadd.s32 $0xF4280, s1  }
0x2ef: {  	[tilespmem:s6], [sflag:$0x1] =	stream.linear.gather [hbm4b:s2+s3], $0x400, $0x38;
	[tilespmem:$0x16200] =	vst v63  }
0x2f0: {  	s4 =	simm.s32 $0x2200;
	s31 =	sadd.s32 $0x1E8500, s1  }
0x2f1: {  	[tilespmem:s4], [sflag:$0x1] =	stream.linear.gather [hbm4b:s31+s3], $0x400, $0x38;
	[tilespmem:$0x16200] =	vst v63  }
0x2f2: {  	s31 =	sadd.s32 $0x2DC780, s1;
	s4 =	simm.s32 $0x3200  }
0x2f3: {  	[tilespmem:s4], [sflag:$0x1] =	stream.linear.gather [hbm4b:s31+s3], $0x400, $0x38;
	[tilespmem:$0x16200] =	vst v63  }
0x2f4: {  	s31 =	sadd.s32 $0x3D0A00, s1;
	s4 =	simm.s32 $0x4200  }
0x2f5: {  	[tilespmem:s4], [sflag:$0x1] =	stream.linear.gather [hbm4b:s31+s3], $0x400, $0x38;
	[tilespmem:$0x16200] =	vst v63  }
0x2f6: {  	s31 =	sadd.s32 $0x4C4C80, s1;
	s4 =	simm.s32 $0x5200  }
0x2f7: {  	[tilespmem:s4], [sflag:$0x1] =	stream.linear.gather [hbm4b:s31+s3], $0x400, $0x38;
	[tilespmem:$0x16200] =	vst v63  }
0x2f8: {  	s31 =	sadd.s32 $0x5B8F00, s1;
	s4 =	simm.s32 $0x6200  }
0x2f9: {  	[tilespmem:s4], [sflag:$0x1] =	stream.linear.gather [hbm4b:s31+s3], $0x400, $0x38;
	[tilespmem:$0x16200] =	vst v63  }
0x2fa: {  	s1 =	sadd.s32 $0x6AD180, s1;
	s31 =	simm.s32 $0x7200;
	s4 =	spop (v2sf)  }
0x2fb: {  	[tilespmem:s31], [sflag:$0x1] =	stream.linear.gather [hbm4b:s1+s3], $0x400, $0x38;
	[tilespmem:$0x16200] =	vst v63  }
0x2fc: {  	(v2sf) =	vpush v21, $0x2;
	s1 =	sand.u32 $0xFFFFF80, s4  }
0x2fd: {  	s6 =	simm.s32 $0x600;
	s1 =	sadd.s32 s0, s1  }
0x2fe: {  	[tilespmem:s6], [sflag:$0x1] =	stream.linear.gather [hbm4b:s1+s3], $0x400, $0x38;
	[tilespmem:$0x16200] =	vst v63  }
0x2ff: {  	s4 =	simm.s32 $0x1600;
	s31 =	sadd.s32 $0xF4280, s1  }
0x300: {  	[tilespmem:s4], [sflag:$0x1] =	stream.linear.gather [hbm4b:s31+s3], $0x400, $0x38;
	[tilespmem:$0x16200] =	vst v63  }
0x301: {  	s31 =	sadd.s32 $0x1E8500, s1;
	s4 =	simm.s32 $0x2600  }
0x302: {  	[tilespmem:s4], [sflag:$0x1] =	stream.linear.gather [hbm4b:s31+s3], $0x400, $0x38;
	[tilespmem:$0x16200] =	vst v63  }
0x303: {  	s31 =	sadd.s32 $0x2DC780, s1;
	s4 =	simm.s32 $0x3600  }
0x304: {  	[tilespmem:s4], [sflag:$0x1] =	stream.linear.gather [hbm4b:s31+s3], $0x400, $0x38;
	[tilespmem:$0x16200] =	vst v63  }
0x305: {  	s31 =	sadd.s32 $0x3D0A00, s1;
	s4 =	simm.s32 $0x4600  }
0x306: {  	[tilespmem:s4], [sflag:$0x1] =	stream.linear.gather [hbm4b:s31+s3], $0x400, $0x38;
	[tilespmem:$0x16200] =	vst v63  }
0x307: {  	s31 =	sadd.s32 $0x4C4C80, s1;
	s4 =	simm.s32 $0x5600  }
0x308: {  	[tilespmem:s4], [sflag:$0x1] =	stream.linear.gather [hbm4b:s31+s3], $0x400, $0x38;
	[tilespmem:$0x16200] =	vst v63  }
0x309: {  	s31 =	sadd.s32 $0x5B8F00, s1;
	s4 =	simm.s32 $0x6600  }
0x30a: {  	[tilespmem:s4], [sflag:$0x1] =	stream.linear.gather [hbm4b:s31+s3], $0x400, $0x38;
	[tilespmem:$0x16200] =	vst v63  }
0x30b: {  	s1 =	sadd.s32 $0x6AD180, s1;
	s31 =	simm.s32 $0x7600;
	s4 =	spop (v2sf)  }
0x30c: {  	[tilespmem:s31], [sflag:$0x1] =	stream.linear.gather [hbm4b:s1+s3], $0x400, $0x38;
	[tilespmem:$0x16200] =	vst v63  }
0x30d: {  	(v2sf) =	vpush v21, $0x3;
	s1 =	sand.u32 $0xFFFFF80, s4  }
0x30e: {  	s6 =	simm.s32 $0xA00;
	s1 =	sadd.s32 s0, s1  }
0x30f: {  	[tilespmem:s6], [sflag:$0x1] =	stream.linear.gather [hbm4b:s1+s3], $0x400, $0x38;
	[tilespmem:$0x16200] =	vst v63  }
0x310: {  	s4 =	simm.s32 $0x1A00;
	s31 =	sadd.s32 $0xF4280, s1  }
0x311: {  	[tilespmem:s4], [sflag:$0x1] =	stream.linear.gather [hbm4b:s31+s3], $0x400, $0x38;
	[tilespmem:$0x16200] =	vst v63  }
0x312: {  	s31 =	sadd.s32 $0x1E8500, s1;
	s4 =	simm.s32 $0x2A00  }
0x313: {  	[tilespmem:s4], [sflag:$0x1] =	stream.linear.gather [hbm4b:s31+s3], $0x400, $0x38;
	[tilespmem:$0x16200] =	vst v63  }
0x314: {  	s31 =	sadd.s32 $0x2DC780, s1;
	s4 =	simm.s32 $0x3A00  }
0x315: {  	[tilespmem:s4], [sflag:$0x1] =	stream.linear.gather [hbm4b:s31+s3], $0x400, $0x38;
	[tilespmem:$0x16200] =	vst v63  }
0x316: {  	s31 =	sadd.s32 $0x3D0A00, s1;
	s4 =	simm.s32 $0x4A00  }
0x317: {  	[tilespmem:s4], [sflag:$0x1] =	stream.linear.gather [hbm4b:s31+s3], $0x400, $0x38;
	[tilespmem:$0x16200] =	vst v63  }
0x318: {  	s31 =	sadd.s32 $0x4C4C80, s1;
	s4 =	simm.s32 $0x5A00  }
0x319: {  	[tilespmem:s4], [sflag:$0x1] =	stream.linear.gather [hbm4b:s31+s3], $0x400, $0x38;
	[tilespmem:$0x16200] =	vst v63  }
0x31a: {  	s31 =	sadd.s32 $0x5B8F00, s1;
	s4 =	simm.s32 $0x6A00  }
0x31b: {  	[tilespmem:s4], [sflag:$0x1] =	stream.linear.gather [hbm4b:s31+s3], $0x400, $0x38;
	[tilespmem:$0x16200] =	vst v63  }
0x31c: {  	s1 =	sadd.s32 $0x6AD180, s1;
	s31 =	simm.s32 $0x7A00;
	s4 =	spop (v2sf)  }
0x31d: {  	[tilespmem:s31], [sflag:$0x1] =	stream.linear.gather [hbm4b:s1+s3], $0x400, $0x38;
	[tilespmem:$0x16200] =	vst v63  }
0x31e: {  	s1 =	sand.u32 $0xFFFFF80, s4  }
0x31f: {  	s6 =	simm.s32 $0xE00;
	s1 =	sadd.s32 s0, s1  }
0x320: {  	[tilespmem:s6], [sflag:$0x1] =	stream.linear.gather [hbm4b:s1+s3], $0x400, $0x38;
	[tilespmem:$0x16200] =	vst v63  }
0x321: {  	s4 =	simm.s32 $0x1E00;
	s31 =	sadd.s32 $0xF4280, s1  }
0x322: {  	[tilespmem:s4], [sflag:$0x1] =	stream.linear.gather [hbm4b:s31+s3], $0x400, $0x38;
	[tilespmem:$0x16200] =	vst v63  }
0x323: {  	s31 =	sadd.s32 $0x1E8500, s1;
	s4 =	simm.s32 $0x2E00  }
0x324: {  	[tilespmem:s4], [sflag:$0x1] =	stream.linear.gather [hbm4b:s31+s3], $0x400, $0x38;
	[tilespmem:$0x16200] =	vst v63  }
0x325: {  	s31 =	sadd.s32 $0x2DC780, s1;
	s4 =	simm.s32 $0x3E00  }
0x326: {  	[tilespmem:s4], [sflag:$0x1] =	stream.linear.gather [hbm4b:s31+s3], $0x400, $0x38;
	[tilespmem:$0x16200] =	vst v63  }
0x327: {  	s31 =	sadd.s32 $0x3D0A00, s1;
	s4 =	simm.s32 $0x4E00  }
0x328: {  	[tilespmem:s4], [sflag:$0x1] =	stream.linear.gather [hbm4b:s31+s3], $0x400, $0x38;
	[tilespmem:$0x16200] =	vst v63  }
0x329: {  	s31 =	sadd.s32 $0x4C4C80, s1;
	s4 =	simm.s32 $0x5E00  }
0x32a: {  	[tilespmem:s4], [sflag:$0x1] =	stream.linear.gather [hbm4b:s31+s3], $0x400, $0x38;
	[tilespmem:$0x16200] =	vst v63  }
.Ltmp5:
0x32b: {  	_ = 	snop;
	(pc) =	sbr.rel .LBB2_4-.Ltmp5, $4  }
0x32c: {  	s31 =	sadd.s32 $0x5B8F00, s1;
	s4 =	simm.s32 $0x6E00  }
0x32d: {  	[tilespmem:s4], [sflag:$0x1] =	stream.linear.gather [hbm4b:s31+s3], $0x400, $0x38;
	[tilespmem:$0x16200] =	vst v63  }
0x32e: {  	s1 =	sadd.s32 $0x6AD180, s1;
	s31 =	simm.s32 $0x7E00  }
0x32f: {  	[tilespmem:s31], [sflag:$0x1] =	stream.linear.gather [hbm4b:s1+s3], $0x400, $0x38;
	[tilespmem:$0x16200] =	vst v63  }
.LBB2_6:
0x330: {  	_ =	sfence.sel $0x180000  }
0x331: {  	[bflag:$0x0] =	sbarrier.arrive $0xFFFF  }
0x332: {  	_ =	strace $0x90000047  }
0x333: {  	s0 =	stileid.u32;
	[bflag:$0x2] =	sbarrier.arrive $0xFFFF  }
0x334: {  	p0 =	sne.s32 s0, $0x0;
	s0 =	rddreg [dreg:$0x3]  }
0x335: {  	s0 =	sadd.s32 @!p0 $0x100000, s0  }
0x336: {  	[sflag:s0] =	ssyncadd.tile.s32 @!p0 $0x1;
	_ =	shalt  }
.Lfunc_end2:
_tile_overlayer_lowered:
.L_overlay_start_2:
0x337: {  	(tag) =	ssettag $0x2  }
0x338: {  	s0 =	rddreg [dreg:$0x0];
	s2 =	stileid.u32  }
0x339: {  	s1 =	rddreg [dreg:$0x1];
	p0 =	sne.s32 s2, $0x0  }
0x33a: {  	s3 =	rddreg [dreg:$0x2];
	[bflag:$0x3] =	sbarrier.arrive $0xFFFF;
	s2 =	simm.s32 @!p0 $0x1C03  }
0x33b: {  	[timem:s3], [sflag:s2] =	dma.local @!p0 [hbm:s0], s1  }
0x33c: {  	s0 =	simm.s32 @!p0 $0x3  }
0x33d: {  	_ =	swait.ge @!p0 [sflag:s0], s1  }
0x33e: {  	s1 =	ssub.s32 @!p0 $0x0, s1;
	[sflag:s0] =	ssyncset.done @!p0 $0x0  }
0x33f: {  	[sflag:s0] =	ssyncadd.s32 @!p0 s1  }
0x340: {  	[bflag:$0x3] =	sbarrier.arrive $0xFFFF  }
0x341: {  	_ =	shalt  }

</sc_bundles>
